<compile_context>
chip_gen: v7x
topology: tpu7x:2x2x1
jax: 0.10.2.dev20260603
libtpu: 0.0.44.dev20260713+nightly
codegen_flags: <defaults>
</compile_context>

<pallas_src>
import functools

import jax
import jax.numpy as jnp
from jax import lax
from jax.experimental import pallas as pl
from jax.experimental.pallas import tpu as pltpu
from jax.experimental.pallas import tpu_sc as plsc

N = 100000
D = 128
G = 512

NC = 2
NS = 16
NW = NC * NS

CH = 128
NFULL = N // CH
TAIL = N - NFULL * CH
NCH = (NFULL + NW) // NW


def _sc_partials(x, batch):
    mesh = plsc.VectorSubcoreMesh(core_axis_name="c", subcore_axis_name="s")

    @functools.partial(
        pl.kernel,
        mesh=mesh,
        out_type=[
            jax.ShapeDtypeStruct((NC * G, D), jnp.float32),
            jax.ShapeDtypeStruct((NC * G, D), jnp.float32),
        ],
        scratch_types=[
            pltpu.VMEM((CH,), jnp.int32),
            pltpu.VMEM((CH,), jnp.int32),
            pltpu.VMEM((TAIL,), jnp.int32),
            pltpu.VMEM((CH, D), jnp.float32),
            pltpu.VMEM((CH, D), jnp.float32),
            pltpu.VMEM((CH, D), jnp.float32),
            pltpu.VMEM_SHARED((G, D), jnp.float32),
            pltpu.VMEM_SHARED((G, D), jnp.float32),
            pltpu.SemaphoreType.DMA,
            pltpu.SemaphoreType.DMA,
            pltpu.SemaphoreType.DMA,
        ],
    )
    def k(x_hbm, b_hbm, sums_out, counts_out,
          idx0, idx1, idx_tail, rows0, rows1, ones_v, sums_sh, counts_sh,
          sem_ld0, sem_ld1, sem_sc):
        c = lax.axis_index("c")
        s = lax.axis_index("s")
        wid = s * NC + c

        idx_b = (idx0, idx1)
        rows_b = (rows0, rows1)
        sem_b = (sem_ld0, sem_ld1)

        zero = jnp.zeros((16,), jnp.float32)
        one = jnp.full((16,), 1.0, jnp.float32)

        rpt = G // NS
        for i in range(rpt):
            for j in range(D // 16):
                rows0[i, pl.ds(j * 16, 16)] = zero
        pltpu.sync_copy(rows0.at[pl.ds(0, rpt)], sums_sh.at[pl.ds(s * rpt, rpt)])
        pltpu.sync_copy(rows0.at[pl.ds(0, rpt)], counts_sh.at[pl.ds(s * rpt, rpt)])
        for i in range(CH):
            ones_v[i, pl.ds(0, 16)] = one
        plsc.subcore_barrier()

        def loads_issue(t, b):
            cid = wid * NCH + t

            @pl.when(cid < NFULL)
            def _():
                base = cid * CH
                pltpu.async_copy(b_hbm.at[pl.ds(base, CH)], idx_b[b], sem_b[b])
                pltpu.async_copy(x_hbm.at[pl.ds(base, CH)], rows_b[b], sem_b[b])

        def loads_wait(t, b):
            cid = wid * NCH + t

            @pl.when(cid < NFULL)
            def _():
                base = cid * CH
                pltpu.make_async_copy(b_hbm.at[pl.ds(base, CH)], idx_b[b],
                                      sem_b[b]).wait()
                pltpu.make_async_copy(x_hbm.at[pl.ds(base, CH)], rows_b[b],
                                      sem_b[b]).wait()

        def scatters(t, b):
            cid = wid * NCH + t

            @pl.when(cid < NFULL)
            def _():
                h1 = pltpu.async_copy(rows_b[b], sums_sh.at[idx_b[b]], sem_sc,
                                      add=True)
                h2 = pltpu.async_copy(ones_v, counts_sh.at[idx_b[b]], sem_sc,
                                      add=True)
                h1.wait()
                h2.wait()

        loads_issue(0, 0)

        def body(kk, carry):
            t = kk * 2
            loads_wait(t, 0)
            loads_issue(t + 1, 1)
            scatters(t, 0)
            loads_wait(t + 1, 1)
            loads_issue(t + 2, 0)
            scatters(t + 1, 1)
            return carry

        lax.fori_loop(0, (NCH - 1) // 2, body, 0)

        loads_wait(NCH - 1, 0)
        scatters(NCH - 1, 0)

        @pl.when(wid == NW - 1)
        def _tail():
            base = NFULL * CH
            pltpu.sync_copy(b_hbm.at[pl.ds(base, TAIL)], idx_tail)
            pltpu.sync_copy(x_hbm.at[pl.ds(base, TAIL)], rows0.at[pl.ds(0, TAIL)])
            pltpu.sync_copy(rows0.at[pl.ds(0, TAIL)], sums_sh.at[idx_tail], add=True)
            pltpu.sync_copy(ones_v.at[pl.ds(0, TAIL)], counts_sh.at[idx_tail], add=True)

        plsc.subcore_barrier()

        rs = s * rpt
        pltpu.sync_copy(sums_sh.at[pl.ds(rs, rpt)],
                        sums_out.at[pl.ds(c * G + rs, rpt)])
        pltpu.sync_copy(counts_sh.at[pl.ds(rs, rpt)],
                        counts_out.at[pl.ds(c * G + rs, rpt)])

    return k(x, batch)


def _combine(sums_ref, counts_ref, o_ref):
    s = sums_ref[0:G, :] + sums_ref[G:2 * G, :]
    c = counts_ref[0:G, 0:1] + counts_ref[G:2 * G, 0:1]
    o_ref[...] = s / jnp.maximum(c, 1.0)


def kernel(x, batch):
    sums, counts = _sc_partials(x, batch)
    return pl.pallas_call(
        _combine,
        out_shape=jax.ShapeDtypeStruct((G, D), jnp.float32),
    )(sums, counts)

# --- scband reference (transcript-rebuilt; emitter-appended) ---
"""Pipeline reference for scband-pooling-layer-86234353369685 (READ-ONLY COPY).

The authoritative reference and input builder live on the scoring server;
editing this copy changes nothing except your own understanding.
"""

import jax, jax.numpy as jnp
import numpy as np

N = 100000
D = 128
G = 512  # number of graphs in the batch


def setup_inputs(seed: int = 0) -> dict:
    key = jax.random.key(seed)
    k1, k2 = jax.random.split(key)
    x = jax.random.normal(k1, (N, D), dtype=jnp.float32)
    batch = jnp.sort(jax.random.randint(k2, (N,), 0, G, dtype=jnp.int32))
    return {"x": x, "batch": batch}


def reference(x, batch):
    # PoolingLayer with params['pooling'] == 'mean' -> global_mean_pool(x, batch)
    # = per-graph mean of node features, i.e. segment mean over sorted segment ids.
    sums = jax.ops.segment_sum(x, batch, num_segments=G)
    counts = jax.ops.segment_sum(jnp.ones((N,), dtype=x.dtype), batch, num_segments=G)
    counts = jnp.maximum(counts, 1.0)
    return sums / counts[:, None]

if __name__ == "__main__":
    import jax
    _d = setup_inputs()
    print(jax.jit(kernel)(*tuple(_d.values())))

</pallas_src>

<mosaic_0001>
#map = affine_map<(d0, d1) -> (0, 0)>
#map1 = affine_map<(d0, d1) -> (0)>
module attributes {stable_mosaic.version = 14 : i64} {
  func.func @k(%arg0: i32, %arg1: i32, %arg2: memref<100000x128xf32, #tpu.memory_space<hbm>>, %arg3: memref<100000xi32, #tpu.memory_space<hbm>>, %arg4: memref<1024x128xf32, #tpu.memory_space<hbm>>, %arg5: memref<1024x128xf32, #tpu.memory_space<hbm>>, %arg6: memref<128xi32, #tpu.memory_space<vmem>>, %arg7: memref<128xi32, #tpu.memory_space<vmem>>, %arg8: memref<32xi32, #tpu.memory_space<vmem>>, %arg9: memref<128x128xf32, #tpu.memory_space<vmem>>, %arg10: memref<128x128xf32, #tpu.memory_space<vmem>>, %arg11: memref<128x128xf32, #tpu.memory_space<vmem>>, %arg12: memref<512x128xf32, #tpu.memory_space<vmem_shared>>, %arg13: memref<512x128xf32, #tpu.memory_space<vmem_shared>>, %arg14: memref<!tpu.dma_semaphore, #tpu.memory_space<semaphore_mem>>, %arg15: memref<!tpu.dma_semaphore, #tpu.memory_space<semaphore_mem>>, %arg16: memref<!tpu.dma_semaphore, #tpu.memory_space<semaphore_mem>>) attributes {dimension_semantics = [#tpu.dimension_semantics<core_parallel>, #tpu.dimension_semantics<subcore_parallel>], iteration_bounds = array<i64: 2, 16>, scalar_prefetch = 0 : i64, scratch_operands = 11 : i64, tpu.core_type = #tpu.core_type<sc_vector_subcore>, window_params = [{transform_indices = #map}, {transform_indices = #map1}, {transform_indices = #map}, {transform_indices = #map}]} {
    %mul3A = arith.constant 2 : i32
    %mul3A_0 = arith.muli %arg1, %mul3A : i32
    %add3A = arith.addi %mul3A_0, %arg0 : i32
    %broadcast_in_dim3A = arith.constant 0.000000e+00 : f32
    %broadcast_in_dim3A_1 = vector.broadcast %broadcast_in_dim3A : f32 to vector<16xf32>
    %broadcast_in_dim3A_2 = arith.constant 1.000000e+00 : f32
    %broadcast_in_dim3A_3 = vector.broadcast %broadcast_in_dim3A_2 : f32 to vector<16xf32>
    %swap3A = arith.constant 0 : i32
    %swap3A_4 = arith.index_cast %swap3A : i32 to index
    %swap3A_5 = arith.constant 0 : index
    %swap3A_6 = tpu.vector_load %arg9[%swap3A_4, %swap3A_5] {strides = array<i32>} : memref<128x128xf32, #tpu.memory_space<vmem>>, vector<1x16xf32>,
    %swap3A_7 = vector.shape_cast %swap3A_6 : vector<1x16xf32> to vector<16xf32>
    %swap3A_8 = vector.shape_cast %broadcast_in_dim3A_1 : vector<16xf32> to vector<1x16xf32>
    tpu.vector_store %arg9[%swap3A_4, %swap3A_5], %swap3A_8 {strides = array<i32>} : memref<128x128xf32, #tpu.memory_space<vmem>>, vector<1x16xf32>,
    %swap3A_9 = arith.constant 0 : i32
    %swap3A_10 = arith.index_cast %swap3A_9 : i32 to index
    %swap3A_11 = arith.constant 16 : index
    %swap3A_12 = tpu.vector_load %arg9[%swap3A_10, %swap3A_11] {strides = array<i32>} : memref<128x128xf32, #tpu.memory_space<vmem>>, vector<1x16xf32>,
    %swap3A_13 = vector.shape_cast %swap3A_12 : vector<1x16xf32> to vector<16xf32>
    %swap3A_14 = vector.shape_cast %broadcast_in_dim3A_1 : vector<16xf32> to vector<1x16xf32>
    tpu.vector_store %arg9[%swap3A_10, %swap3A_11], %swap3A_14 {strides = array<i32>} : memref<128x128xf32, #tpu.memory_space<vmem>>, vector<1x16xf32>,
    %swap3A_15 = arith.constant 0 : i32
    %swap3A_16 = arith.index_cast %swap3A_15 : i32 to index
    %swap3A_17 = arith.constant 32 : index
    %swap3A_18 = tpu.vector_load %arg9[%swap3A_16, %swap3A_17] {strides = array<i32>} : memref<128x128xf32, #tpu.memory_space<vmem>>, vector<1x16xf32>,
    %swap3A_19 = vector.shape_cast %swap3A_18 : vector<1x16xf32> to vector<16xf32>
    %swap3A_20 = vector.shape_cast %broadcast_in_dim3A_1 : vector<16xf32> to vector<1x16xf32>
    tpu.vector_store %arg9[%swap3A_16, %swap3A_17], %swap3A_20 {strides = array<i32>} : memref<128x128xf32, #tpu.memory_space<vmem>>, vector<1x16xf32>,
    %swap3A_21 = arith.constant 0 : i32
    %swap3A_22 = arith.index_cast %swap3A_21 : i32 to index
    %swap3A_23 = arith.constant 48 : index
    %swap3A_24 = tpu.vector_load %arg9[%swap3A_22, %swap3A_23] {strides = array<i32>} : memref<128x128xf32, #tpu.memory_space<vmem>>, vector<1x16xf32>,
    %swap3A_25 = vector.shape_cast %swap3A_24 : vector<1x16xf32> to vector<16xf32>
    %swap3A_26 = vector.shape_cast %broadcast_in_dim3A_1 : vector<16xf32> to vector<1x16xf32>
    tpu.vector_store %arg9[%swap3A_22, %swap3A_23], %swap3A_26 {strides = array<i32>} : memref<128x128xf32, #tpu.memory_space<vmem>>, vector<1x16xf32>,
    %swap3A_27 = arith.constant 0 : i32
    %swap3A_28 = arith.index_cast %swap3A_27 : i32 to index
    %swap3A_29 = arith.constant 64 : index
    %swap3A_30 = tpu.vector_load %arg9[%swap3A_28, %swap3A_29] {strides = array<i32>} : memref<128x128xf32, #tpu.memory_space<vmem>>, vector<1x16xf32>,
    %swap3A_31 = vector.shape_cast %swap3A_30 : vector<1x16xf32> to vector<16xf32>
    %swap3A_32 = vector.shape_cast %broadcast_in_dim3A_1 : vector<16xf32> to vector<1x16xf32>
    tpu.vector_store %arg9[%swap3A_28, %swap3A_29], %swap3A_32 {strides = array<i32>} : memref<128x128xf32, #tpu.memory_space<vmem>>, vector<1x16xf32>,
    %swap3A_33 = arith.constant 0 : i32
    %swap3A_34 = arith.index_cast %swap3A_33 : i32 to index
    %swap3A_35 = arith.constant 80 : index
    %swap3A_36 = tpu.vector_load %arg9[%swap3A_34, %swap3A_35] {strides = array<i32>} : memref<128x128xf32, #tpu.memory_space<vmem>>, vector<1x16xf32>,
    %swap3A_37 = vector.shape_cast %swap3A_36 : vector<1x16xf32> to vector<16xf32>
    %swap3A_38 = vector.shape_cast %broadcast_in_dim3A_1 : vector<16xf32> to vector<1x16xf32>
    tpu.vector_store %arg9[%swap3A_34, %swap3A_35], %swap3A_38 {strides = array<i32>} : memref<128x128xf32, #tpu.memory_space<vmem>>, vector<1x16xf32>,
    %swap3A_39 = arith.constant 0 : i32
    %swap3A_40 = arith.index_cast %swap3A_39 : i32 to index
    %swap3A_41 = arith.constant 96 : index
    %swap3A_42 = tpu.vector_load %arg9[%swap3A_40, %swap3A_41] {strides = array<i32>} : memref<128x128xf32, #tpu.memory_space<vmem>>, vector<1x16xf32>,
    %swap3A_43 = vector.shape_cast %swap3A_42 : vector<1x16xf32> to vector<16xf32>
    %swap3A_44 = vector.shape_cast %broadcast_in_dim3A_1 : vector<16xf32> to vector<1x16xf32>
    tpu.vector_store %arg9[%swap3A_40, %swap3A_41], %swap3A_44 {strides = array<i32>} : memref<128x128xf32, #tpu.memory_space<vmem>>, vector<1x16xf32>,
    %swap3A_45 = arith.constant 0 : i32
    %swap3A_46 = arith.index_cast %swap3A_45 : i32 to index
    %swap3A_47 = arith.constant 112 : index
    %swap3A_48 = tpu.vector_load %arg9[%swap3A_46, %swap3A_47] {strides = array<i32>} : memref<128x128xf32, #tpu.memory_space<vmem>>, vector<1x16xf32>,
    %swap3A_49 = vector.shape_cast %swap3A_48 : vector<1x16xf32> to vector<16xf32>
    %swap3A_50 = vector.shape_cast %broadcast_in_dim3A_1 : vector<16xf32> to vector<1x16xf32>
    tpu.vector_store %arg9[%swap3A_46, %swap3A_47], %swap3A_50 {strides = array<i32>} : memref<128x128xf32, #tpu.memory_space<vmem>>, vector<1x16xf32>,
    %swap3A_51 = arith.constant 1 : i32
    %swap3A_52 = arith.index_cast %swap3A_51 : i32 to index
    %swap3A_53 = arith.constant 0 : index
    %swap3A_54 = tpu.vector_load %arg9[%swap3A_52, %swap3A_53] {strides = array<i32>} : memref<128x128xf32, #tpu.memory_space<vmem>>, vector<1x16xf32>,
    %swap3A_55 = vector.shape_cast %swap3A_54 : vector<1x16xf32> to vector<16xf32>
    %swap3A_56 = vector.shape_cast %broadcast_in_dim3A_1 : vector<16xf32> to vector<1x16xf32>
    tpu.vector_store %arg9[%swap3A_52, %swap3A_53], %swap3A_56 {strides = array<i32>} : memref<128x128xf32, #tpu.memory_space<vmem>>, vector<1x16xf32>,
    %swap3A_57 = arith.constant 1 : i32
    %swap3A_58 = arith.index_cast %swap3A_57 : i32 to index
    %swap3A_59 = arith.constant 16 : index
    %swap3A_60 = tpu.vector_load %arg9[%swap3A_58, %swap3A_59] {strides = array<i32>} : memref<128x128xf32, #tpu.memory_space<vmem>>, vector<1x16xf32>,
    %swap3A_61 = vector.shape_cast %swap3A_60 : vector<1x16xf32> to vector<16xf32>
    %swap3A_62 = vector.shape_cast %broadcast_in_dim3A_1 : vector<16xf32> to vector<1x16xf32>
    tpu.vector_store %arg9[%swap3A_58, %swap3A_59], %swap3A_62 {strides = array<i32>} : memref<128x128xf32, #tpu.memory_space<vmem>>, vector<1x16xf32>,
    %swap3A_63 = arith.constant 1 : i32
    %swap3A_64 = arith.index_cast %swap3A_63 : i32 to index
    %swap3A_65 = arith.constant 32 : index
    %swap3A_66 = tpu.vector_load %arg9[%swap3A_64, %swap3A_65] {strides = array<i32>} : memref<128x128xf32, #tpu.memory_space<vmem>>, vector<1x16xf32>,
    %swap3A_67 = vector.shape_cast %swap3A_66 : vector<1x16xf32> to vector<16xf32>
    %swap3A_68 = vector.shape_cast %broadcast_in_dim3A_1 : vector<16xf32> to vector<1x16xf32>
    tpu.vector_store %arg9[%swap3A_64, %swap3A_65], %swap3A_68 {strides = array<i32>} : memref<128x128xf32, #tpu.memory_space<vmem>>, vector<1x16xf32>,
    %swap3A_69 = arith.constant 1 : i32
    %swap3A_70 = arith.index_cast %swap3A_69 : i32 to index
    %swap3A_71 = arith.constant 48 : index
    %swap3A_72 = tpu.vector_load %arg9[%swap3A_70, %swap3A_71] {strides = array<i32>} : memref<128x128xf32, #tpu.memory_space<vmem>>, vector<1x16xf32>,
    %swap3A_73 = vector.shape_cast %swap3A_72 : vector<1x16xf32> to vector<16xf32>
    %swap3A_74 = vector.shape_cast %broadcast_in_dim3A_1 : vector<16xf32> to vector<1x16xf32>
    tpu.vector_store %arg9[%swap3A_70, %swap3A_71], %swap3A_74 {strides = array<i32>} : memref<128x128xf32, #tpu.memory_space<vmem>>, vector<1x16xf32>,
    %swap3A_75 = arith.constant 1 : i32
    %swap3A_76 = arith.index_cast %swap3A_75 : i32 to index
    %swap3A_77 = arith.constant 64 : index
    %swap3A_78 = tpu.vector_load %arg9[%swap3A_76, %swap3A_77] {strides = array<i32>} : memref<128x128xf32, #tpu.memory_space<vmem>>, vector<1x16xf32>,
    %swap3A_79 = vector.shape_cast %swap3A_78 : vector<1x16xf32> to vector<16xf32>
    %swap3A_80 = vector.shape_cast %broadcast_in_dim3A_1 : vector<16xf32> to vector<1x16xf32>
    tpu.vector_store %arg9[%swap3A_76, %swap3A_77], %swap3A_80 {strides = array<i32>} : memref<128x128xf32, #tpu.memory_space<vmem>>, vector<1x16xf32>,
    %swap3A_81 = arith.constant 1 : i32
    %swap3A_82 = arith.index_cast %swap3A_81 : i32 to index
    %swap3A_83 = arith.constant 80 : index
    %swap3A_84 = tpu.vector_load %arg9[%swap3A_82, %swap3A_83] {strides = array<i32>} : memref<128x128xf32, #tpu.memory_space<vmem>>, vector<1x16xf32>,
    %swap3A_85 = vector.shape_cast %swap3A_84 : vector<1x16xf32> to vector<16xf32>
    %swap3A_86 = vector.shape_cast %broadcast_in_dim3A_1 : vector<16xf32> to vector<1x16xf32>
    tpu.vector_store %arg9[%swap3A_82, %swap3A_83], %swap3A_86 {strides = array<i32>} : memref<128x128xf32, #tpu.memory_space<vmem>>, vector<1x16xf32>,
    %swap3A_87 = arith.constant 1 : i32
    %swap3A_88 = arith.index_cast %swap3A_87 : i32 to index
    %swap3A_89 = arith.constant 96 : index
    %swap3A_90 = tpu.vector_load %arg9[%swap3A_88, %swap3A_89] {strides = array<i32>} : memref<128x128xf32, #tpu.memory_space<vmem>>, vector<1x16xf32>,
    %swap3A_91 = vector.shape_cast %swap3A_90 : vector<1x16xf32> to vector<16xf32>
    %swap3A_92 = vector.shape_cast %broadcast_in_dim3A_1 : vector<16xf32> to vector<1x16xf32>
    tpu.vector_store %arg9[%swap3A_88, %swap3A_89], %swap3A_92 {strides = array<i32>} : memref<128x128xf32, #tpu.memory_space<vmem>>, vector<1x16xf32>,
    %swap3A_93 = arith.constant 1 : i32
    %swap3A_94 = arith.index_cast %swap3A_93 : i32 to index
    %swap3A_95 = arith.constant 112 : index
    %swap3A_96 = tpu.vector_load %arg9[%swap3A_94, %swap3A_95] {strides = array<i32>} : memref<128x128xf32, #tpu.memory_space<vmem>>, vector<1x16xf32>,
    %swap3A_97 = vector.shape_cast %swap3A_96 : vector<1x16xf32> to vector<16xf32>
    %swap3A_98 = vector.shape_cast %broadcast_in_dim3A_1 : vector<16xf32> to vector<1x16xf32>
    tpu.vector_store %arg9[%swap3A_94, %swap3A_95], %swap3A_98 {strides = array<i32>} : memref<128x128xf32, #tpu.memory_space<vmem>>, vector<1x16xf32>,
    %swap3A_99 = arith.constant 2 : i32
    %swap3A_100 = arith.index_cast %swap3A_99 : i32 to index
    %swap3A_101 = arith.constant 0 : index
    %swap3A_102 = tpu.vector_load %arg9[%swap3A_100, %swap3A_101] {strides = array<i32>} : memref<128x128xf32, #tpu.memory_space<vmem>>, vector<1x16xf32>,
    %swap3A_103 = vector.shape_cast %swap3A_102 : vector<1x16xf32> to vector<16xf32>
    %swap3A_104 = vector.shape_cast %broadcast_in_dim3A_1 : vector<16xf32> to vector<1x16xf32>
    tpu.vector_store %arg9[%swap3A_100, %swap3A_101], %swap3A_104 {strides = array<i32>} : memref<128x128xf32, #tpu.memory_space<vmem>>, vector<1x16xf32>,
    %swap3A_105 = arith.constant 2 : i32
    %swap3A_106 = arith.index_cast %swap3A_105 : i32 to index
    %swap3A_107 = arith.constant 16 : index
    %swap3A_108 = tpu.vector_load %arg9[%swap3A_106, %swap3A_107] {strides = array<i32>} : memref<128x128xf32, #tpu.memory_space<vmem>>, vector<1x16xf32>,
    %swap3A_109 = vector.shape_cast %swap3A_108 : vector<1x16xf32> to vector<16xf32>
    %swap3A_110 = vector.shape_cast %broadcast_in_dim3A_1 : vector<16xf32> to vector<1x16xf32>
    tpu.vector_store %arg9[%swap3A_106, %swap3A_107], %swap3A_110 {strides = array<i32>} : memref<128x128xf32, #tpu.memory_space<vmem>>, vector<1x16xf32>,
    %swap3A_111 = arith.constant 2 : i32
    %swap3A_112 = arith.index_cast %swap3A_111 : i32 to index
    %swap3A_113 = arith.constant 32 : index
    %swap3A_114 = tpu.vector_load %arg9[%swap3A_112, %swap3A_113] {strides = array<i32>} : memref<128x128xf32, #tpu.memory_space<vmem>>, vector<1x16xf32>,
    %swap3A_115 = vector.shape_cast %swap3A_114 : vector<1x16xf32> to vector<16xf32>
    %swap3A_116 = vector.shape_cast %broadcast_in_dim3A_1 : vector<16xf32> to vector<1x16xf32>
    tpu.vector_store %arg9[%swap3A_112, %swap3A_113], %swap3A_116 {strides = array<i32>} : memref<128x128xf32, #tpu.memory_space<vmem>>, vector<1x16xf32>,
    %swap3A_117 = arith.constant 2 : i32
    %swap3A_118 = arith.index_cast %swap3A_117 : i32 to index
    %swap3A_119 = arith.constant 48 : index
    %swap3A_120 = tpu.vector_load %arg9[%swap3A_118, %swap3A_119] {strides = array<i32>} : memref<128x128xf32, #tpu.memory_space<vmem>>, vector<1x16xf32>,
    %swap3A_121 = vector.shape_cast %swap3A_120 : vector<1x16xf32> to vector<16xf32>
    %swap3A_122 = vector.shape_cast %broadcast_in_dim3A_1 : vector<16xf32> to vector<1x16xf32>
    tpu.vector_store %arg9[%swap3A_118, %swap3A_119], %swap3A_122 {strides = array<i32>} : memref<128x128xf32, #tpu.memory_space<vmem>>, vector<1x16xf32>,
    %swap3A_123 = arith.constant 2 : i32
    %swap3A_124 = arith.index_cast %swap3A_123 : i32 to index
    %swap3A_125 = arith.constant 64 : index
    %swap3A_126 = tpu.vector_load %arg9[%swap3A_124, %swap3A_125] {strides = array<i32>} : memref<128x128xf32, #tpu.memory_space<vmem>>, vector<1x16xf32>,
    %swap3A_127 = vector.shape_cast %swap3A_126 : vector<1x16xf32> to vector<16xf32>
    %swap3A_128 = vector.shape_cast %broadcast_in_dim3A_1 : vector<16xf32> to vector<1x16xf32>
    tpu.vector_store %arg9[%swap3A_124, %swap3A_125], %swap3A_128 {strides = array<i32>} : memref<128x128xf32, #tpu.memory_space<vmem>>, vector<1x16xf32>,
    %swap3A_129 = arith.constant 2 : i32
    %swap3A_130 = arith.index_cast %swap3A_129 : i32 to index
    %swap3A_131 = arith.constant 80 : index
    %swap3A_132 = tpu.vector_load %arg9[%swap3A_130, %swap3A_131] {strides = array<i32>} : memref<128x128xf32, #tpu.memory_space<vmem>>, vector<1x16xf32>,
    %swap3A_133 = vector.shape_cast %swap3A_132 : vector<1x16xf32> to vector<16xf32>
    %swap3A_134 = vector.shape_cast %broadcast_in_dim3A_1 : vector<16xf32> to vector<1x16xf32>
    tpu.vector_store %arg9[%swap3A_130, %swap3A_131], %swap3A_134 {strides = array<i32>} : memref<128x128xf32, #tpu.memory_space<vmem>>, vector<1x16xf32>,
    %swap3A_135 = arith.constant 2 : i32
    %swap3A_136 = arith.index_cast %swap3A_135 : i32 to index
    %swap3A_137 = arith.constant 96 : index
    %swap3A_138 = tpu.vector_load %arg9[%swap3A_136, %swap3A_137] {strides = array<i32>} : memref<128x128xf32, #tpu.memory_space<vmem>>, vector<1x16xf32>,
    %swap3A_139 = vector.shape_cast %swap3A_138 : vector<1x16xf32> to vector<16xf32>
    %swap3A_140 = vector.shape_cast %broadcast_in_dim3A_1 : vector<16xf32> to vector<1x16xf32>
    tpu.vector_store %arg9[%swap3A_136, %swap3A_137], %swap3A_140 {strides = array<i32>} : memref<128x128xf32, #tpu.memory_space<vmem>>, vector<1x16xf32>,
    %swap3A_141 = arith.constant 2 : i32
    %swap3A_142 = arith.index_cast %swap3A_141 : i32 to index
    %swap3A_143 = arith.constant 112 : index
    %swap3A_144 = tpu.vector_load %arg9[%swap3A_142, %swap3A_143] {strides = array<i32>} : memref<128x128xf32, #tpu.memory_space<vmem>>, vector<1x16xf32>,
    %swap3A_145 = vector.shape_cast %swap3A_144 : vector<1x16xf32> to vector<16xf32>
    %swap3A_146 = vector.shape_cast %broadcast_in_dim3A_1 : vector<16xf32> to vector<1x16xf32>
    tpu.vector_store %arg9[%swap3A_142, %swap3A_143], %swap3A_146 {strides = array<i32>} : memref<128x128xf32, #tpu.memory_space<vmem>>, vector<1x16xf32>,
    %swap3A_147 = arith.constant 3 : i32
    %swap3A_148 = arith.index_cast %swap3A_147 : i32 to index
    %swap3A_149 = arith.constant 0 : index
    %swap3A_150 = tpu.vector_load %arg9[%swap3A_148, %swap3A_149] {strides = array<i32>} : memref<128x128xf32, #tpu.memory_space<vmem>>, vector<1x16xf32>,
    %swap3A_151 = vector.shape_cast %swap3A_150 : vector<1x16xf32> to vector<16xf32>
    %swap3A_152 = vector.shape_cast %broadcast_in_dim3A_1 : vector<16xf32> to vector<1x16xf32>
    tpu.vector_store %arg9[%swap3A_148, %swap3A_149], %swap3A_152 {strides = array<i32>} : memref<128x128xf32, #tpu.memory_space<vmem>>, vector<1x16xf32>,
    %swap3A_153 = arith.constant 3 : i32
    %swap3A_154 = arith.index_cast %swap3A_153 : i32 to index
    %swap3A_155 = arith.constant 16 : index
    %swap3A_156 = tpu.vector_load %arg9[%swap3A_154, %swap3A_155] {strides = array<i32>} : memref<128x128xf32, #tpu.memory_space<vmem>>, vector<1x16xf32>,
    %swap3A_157 = vector.shape_cast %swap3A_156 : vector<1x16xf32> to vector<16xf32>
    %swap3A_158 = vector.shape_cast %broadcast_in_dim3A_1 : vector<16xf32> to vector<1x16xf32>
    tpu.vector_store %arg9[%swap3A_154, %swap3A_155], %swap3A_158 {strides = array<i32>} : memref<128x128xf32, #tpu.memory_space<vmem>>, vector<1x16xf32>,
    %swap3A_159 = arith.constant 3 : i32
    %swap3A_160 = arith.index_cast %swap3A_159 : i32 to index
    %swap3A_161 = arith.constant 32 : index
    %swap3A_162 = tpu.vector_load %arg9[%swap3A_160, %swap3A_161] {strides = array<i32>} : memref<128x128xf32, #tpu.memory_space<vmem>>, vector<1x16xf32>,
    %swap3A_163 = vector.shape_cast %swap3A_162 : vector<1x16xf32> to vector<16xf32>
    %swap3A_164 = vector.shape_cast %broadcast_in_dim3A_1 : vector<16xf32> to vector<1x16xf32>
    tpu.vector_store %arg9[%swap3A_160, %swap3A_161], %swap3A_164 {strides = array<i32>} : memref<128x128xf32, #tpu.memory_space<vmem>>, vector<1x16xf32>,
    %swap3A_165 = arith.constant 3 : i32
    %swap3A_166 = arith.index_cast %swap3A_165 : i32 to index
    %swap3A_167 = arith.constant 48 : index
    %swap3A_168 = tpu.vector_load %arg9[%swap3A_166, %swap3A_167] {strides = array<i32>} : memref<128x128xf32, #tpu.memory_space<vmem>>, vector<1x16xf32>,
    %swap3A_169 = vector.shape_cast %swap3A_168 : vector<1x16xf32> to vector<16xf32>
    %swap3A_170 = vector.shape_cast %broadcast_in_dim3A_1 : vector<16xf32> to vector<1x16xf32>
    tpu.vector_store %arg9[%swap3A_166, %swap3A_167], %swap3A_170 {strides = array<i32>} : memref<128x128xf32, #tpu.memory_space<vmem>>, vector<1x16xf32>,
    %swap3A_171 = arith.constant 3 : i32
    %swap3A_172 = arith.index_cast %swap3A_171 : i32 to index
    %swap3A_173 = arith.constant 64 : index
    %swap3A_174 = tpu.vector_load %arg9[%swap3A_172, %swap3A_173] {strides = array<i32>} : memref<128x128xf32, #tpu.memory_space<vmem>>, vector<1x16xf32>,
    %swap3A_175 = vector.shape_cast %swap3A_174 : vector<1x16xf32> to vector<16xf32>
    %swap3A_176 = vector.shape_cast %broadcast_in_dim3A_1 : vector<16xf32> to vector<1x16xf32>
    tpu.vector_store %arg9[%swap3A_172, %swap3A_173], %swap3A_176 {strides = array<i32>} : memref<128x128xf32, #tpu.memory_space<vmem>>, vector<1x16xf32>,
    %swap3A_177 = arith.constant 3 : i32
    %swap3A_178 = arith.index_cast %swap3A_177 : i32 to index
    %swap3A_179 = arith.constant 80 : index
    %swap3A_180 = tpu.vector_load %arg9[%swap3A_178, %swap3A_179] {strides = array<i32>} : memref<128x128xf32, #tpu.memory_space<vmem>>, vector<1x16xf32>,
    %swap3A_181 = vector.shape_cast %swap3A_180 : vector<1x16xf32> to vector<16xf32>
    %swap3A_182 = vector.shape_cast %broadcast_in_dim3A_1 : vector<16xf32> to vector<1x16xf32>
    tpu.vector_store %arg9[%swap3A_178, %swap3A_179], %swap3A_182 {strides = array<i32>} : memref<128x128xf32, #tpu.memory_space<vmem>>, vector<1x16xf32>,
    %swap3A_183 = arith.constant 3 : i32
    %swap3A_184 = arith.index_cast %swap3A_183 : i32 to index
    %swap3A_185 = arith.constant 96 : index
    %swap3A_186 = tpu.vector_load %arg9[%swap3A_184, %swap3A_185] {strides = array<i32>} : memref<128x128xf32, #tpu.memory_space<vmem>>, vector<1x16xf32>,
    %swap3A_187 = vector.shape_cast %swap3A_186 : vector<1x16xf32> to vector<16xf32>
    %swap3A_188 = vector.shape_cast %broadcast_in_dim3A_1 : vector<16xf32> to vector<1x16xf32>
    tpu.vector_store %arg9[%swap3A_184, %swap3A_185], %swap3A_188 {strides = array<i32>} : memref<128x128xf32, #tpu.memory_space<vmem>>, vector<1x16xf32>,
    %swap3A_189 = arith.constant 3 : i32
    %swap3A_190 = arith.index_cast %swap3A_189 : i32 to index
    %swap3A_191 = arith.constant 112 : index
    %swap3A_192 = tpu.vector_load %arg9[%swap3A_190, %swap3A_191] {strides = array<i32>} : memref<128x128xf32, #tpu.memory_space<vmem>>, vector<1x16xf32>,
    %swap3A_193 = vector.shape_cast %swap3A_192 : vector<1x16xf32> to vector<16xf32>
    %swap3A_194 = vector.shape_cast %broadcast_in_dim3A_1 : vector<16xf32> to vector<1x16xf32>
    tpu.vector_store %arg9[%swap3A_190, %swap3A_191], %swap3A_194 {strides = array<i32>} : memref<128x128xf32, #tpu.memory_space<vmem>>, vector<1x16xf32>,
    %swap3A_195 = arith.constant 4 : i32
    %swap3A_196 = arith.index_cast %swap3A_195 : i32 to index
    %swap3A_197 = arith.constant 0 : index
    %swap3A_198 = tpu.vector_load %arg9[%swap3A_196, %swap3A_197] {strides = array<i32>} : memref<128x128xf32, #tpu.memory_space<vmem>>, vector<1x16xf32>,
    %swap3A_199 = vector.shape_cast %swap3A_198 : vector<1x16xf32> to vector<16xf32>
    %swap3A_200 = vector.shape_cast %broadcast_in_dim3A_1 : vector<16xf32> to vector<1x16xf32>
    tpu.vector_store %arg9[%swap3A_196, %swap3A_197], %swap3A_200 {strides = array<i32>} : memref<128x128xf32, #tpu.memory_space<vmem>>, vector<1x16xf32>,
    %swap3A_201 = arith.constant 4 : i32
    %swap3A_202 = arith.index_cast %swap3A_201 : i32 to index
    %swap3A_203 = arith.constant 16 : index
    %swap3A_204 = tpu.vector_load %arg9[%swap3A_202, %swap3A_203] {strides = array<i32>} : memref<128x128xf32, #tpu.memory_space<vmem>>, vector<1x16xf32>,
    %swap3A_205 = vector.shape_cast %swap3A_204 : vector<1x16xf32> to vector<16xf32>
    %swap3A_206 = vector.shape_cast %broadcast_in_dim3A_1 : vector<16xf32> to vector<1x16xf32>
    tpu.vector_store %arg9[%swap3A_202, %swap3A_203], %swap3A_206 {strides = array<i32>} : memref<128x128xf32, #tpu.memory_space<vmem>>, vector<1x16xf32>,
    %swap3A_207 = arith.constant 4 : i32
    %swap3A_208 = arith.index_cast %swap3A_207 : i32 to index
    %swap3A_209 = arith.constant 32 : index
    %swap3A_210 = tpu.vector_load %arg9[%swap3A_208, %swap3A_209] {strides = array<i32>} : memref<128x128xf32, #tpu.memory_space<vmem>>, vector<1x16xf32>,
    %swap3A_211 = vector.shape_cast %swap3A_210 : vector<1x16xf32> to vector<16xf32>
    %swap3A_212 = vector.shape_cast %broadcast_in_dim3A_1 : vector<16xf32> to vector<1x16xf32>
    tpu.vector_store %arg9[%swap3A_208, %swap3A_209], %swap3A_212 {strides = array<i32>} : memref<128x128xf32, #tpu.memory_space<vmem>>, vector<1x16xf32>,
    %swap3A_213 = arith.constant 4 : i32
    %swap3A_214 = arith.index_cast %swap3A_213 : i32 to index
    %swap3A_215 = arith.constant 48 : index
    %swap3A_216 = tpu.vector_load %arg9[%swap3A_214, %swap3A_215] {strides = array<i32>} : memref<128x128xf32, #tpu.memory_space<vmem>>, vector<1x16xf32>,
    %swap3A_217 = vector.shape_cast %swap3A_216 : vector<1x16xf32> to vector<16xf32>
    %swap3A_218 = vector.shape_cast %broadcast_in_dim3A_1 : vector<16xf32> to vector<1x16xf32>
    tpu.vector_store %arg9[%swap3A_214, %swap3A_215], %swap3A_218 {strides = array<i32>} : memref<128x128xf32, #tpu.memory_space<vmem>>, vector<1x16xf32>,
    %swap3A_219 = arith.constant 4 : i32
    %swap3A_220 = arith.index_cast %swap3A_219 : i32 to index
    %swap3A_221 = arith.constant 64 : index
    %swap3A_222 = tpu.vector_load %arg9[%swap3A_220, %swap3A_221] {strides = array<i32>} : memref<128x128xf32, #tpu.memory_space<vmem>>, vector<1x16xf32>,
    %swap3A_223 = vector.shape_cast %swap3A_222 : vector<1x16xf32> to vector<16xf32>
    %swap3A_224 = vector.shape_cast %broadcast_in_dim3A_1 : vector<16xf32> to vector<1x16xf32>
    tpu.vector_store %arg9[%swap3A_220, %swap3A_221], %swap3A_224 {strides = array<i32>} : memref<128x128xf32, #tpu.memory_space<vmem>>, vector<1x16xf32>,
    %swap3A_225 = arith.constant 4 : i32
    %swap3A_226 = arith.index_cast %swap3A_225 : i32 to index
    %swap3A_227 = arith.constant 80 : index
    %swap3A_228 = tpu.vector_load %arg9[%swap3A_226, %swap3A_227] {strides = array<i32>} : memref<128x128xf32, #tpu.memory_space<vmem>>, vector<1x16xf32>,
    %swap3A_229 = vector.shape_cast %swap3A_228 : vector<1x16xf32> to vector<16xf32>
    %swap3A_230 = vector.shape_cast %broadcast_in_dim3A_1 : vector<16xf32> to vector<1x16xf32>
    tpu.vector_store %arg9[%swap3A_226, %swap3A_227], %swap3A_230 {strides = array<i32>} : memref<128x128xf32, #tpu.memory_space<vmem>>, vector<1x16xf32>,
    %swap3A_231 = arith.constant 4 : i32
    %swap3A_232 = arith.index_cast %swap3A_231 : i32 to index
    %swap3A_233 = arith.constant 96 : index
    %swap3A_234 = tpu.vector_load %arg9[%swap3A_232, %swap3A_233] {strides = array<i32>} : memref<128x128xf32, #tpu.memory_space<vmem>>, vector<1x16xf32>,
    %swap3A_235 = vector.shape_cast %swap3A_234 : vector<1x16xf32> to vector<16xf32>
    %swap3A_236 = vector.shape_cast %broadcast_in_dim3A_1 : vector<16xf32> to vector<1x16xf32>
    tpu.vector_store %arg9[%swap3A_232, %swap3A_233], %swap3A_236 {strides = array<i32>} : memref<128x128xf32, #tpu.memory_space<vmem>>, vector<1x16xf32>,
    %swap3A_237 = arith.constant 4 : i32
    %swap3A_238 = arith.index_cast %swap3A_237 : i32 to index
    %swap3A_239 = arith.constant 112 : index
    %swap3A_240 = tpu.vector_load %arg9[%swap3A_238, %swap3A_239] {strides = array<i32>} : memref<128x128xf32, #tpu.memory_space<vmem>>, vector<1x16xf32>,
    %swap3A_241 = vector.shape_cast %swap3A_240 : vector<1x16xf32> to vector<16xf32>
    %swap3A_242 = vector.shape_cast %broadcast_in_dim3A_1 : vector<16xf32> to vector<1x16xf32>
    tpu.vector_store %arg9[%swap3A_238, %swap3A_239], %swap3A_242 {strides = array<i32>} : memref<128x128xf32, #tpu.memory_space<vmem>>, vector<1x16xf32>,
    %swap3A_243 = arith.constant 5 : i32
    %swap3A_244 = arith.index_cast %swap3A_243 : i32 to index
    %swap3A_245 = arith.constant 0 : index
    %swap3A_246 = tpu.vector_load %arg9[%swap3A_244, %swap3A_245] {strides = array<i32>} : memref<128x128xf32, #tpu.memory_space<vmem>>, vector<1x16xf32>,
    %swap3A_247 = vector.shape_cast %swap3A_246 : vector<1x16xf32> to vector<16xf32>
    %swap3A_248 = vector.shape_cast %broadcast_in_dim3A_1 : vector<16xf32> to vector<1x16xf32>
    tpu.vector_store %arg9[%swap3A_244, %swap3A_245], %swap3A_248 {strides = array<i32>} : memref<128x128xf32, #tpu.memory_space<vmem>>, vector<1x16xf32>,
    %swap3A_249 = arith.constant 5 : i32
    %swap3A_250 = arith.index_cast %swap3A_249 : i32 to index
    %swap3A_251 = arith.constant 16 : index
    %swap3A_252 = tpu.vector_load %arg9[%swap3A_250, %swap3A_251] {strides = array<i32>} : memref<128x128xf32, #tpu.memory_space<vmem>>, vector<1x16xf32>,
    %swap3A_253 = vector.shape_cast %swap3A_252 : vector<1x16xf32> to vector<16xf32>
    %swap3A_254 = vector.shape_cast %broadcast_in_dim3A_1 : vector<16xf32> to vector<1x16xf32>
    tpu.vector_store %arg9[%swap3A_250, %swap3A_251], %swap3A_254 {strides = array<i32>} : memref<128x128xf32, #tpu.memory_space<vmem>>, vector<1x16xf32>,
    %swap3A_255 = arith.constant 5 : i32
    %swap3A_256 = arith.index_cast %swap3A_255 : i32 to index
    %swap3A_257 = arith.constant 32 : index
    %swap3A_258 = tpu.vector_load %arg9[%swap3A_256, %swap3A_257] {strides = array<i32>} : memref<128x128xf32, #tpu.memory_space<vmem>>, vector<1x16xf32>,
    %swap3A_259 = vector.shape_cast %swap3A_258 : vector<1x16xf32> to vector<16xf32>
    %swap3A_260 = vector.shape_cast %broadcast_in_dim3A_1 : vector<16xf32> to vector<1x16xf32>
    tpu.vector_store %arg9[%swap3A_256, %swap3A_257], %swap3A_260 {strides = array<i32>} : memref<128x128xf32, #tpu.memory_space<vmem>>, vector<1x16xf32>,
    %swap3A_261 = arith.constant 5 : i32
    %swap3A_262 = arith.index_cast %swap3A_261 : i32 to index
    %swap3A_263 = arith.constant 48 : index
    %swap3A_264 = tpu.vector_load %arg9[%swap3A_262, %swap3A_263] {strides = array<i32>} : memref<128x128xf32, #tpu.memory_space<vmem>>, vector<1x16xf32>,
    %swap3A_265 = vector.shape_cast %swap3A_264 : vector<1x16xf32> to vector<16xf32>
    %swap3A_266 = vector.shape_cast %broadcast_in_dim3A_1 : vector<16xf32> to vector<1x16xf32>
    tpu.vector_store %arg9[%swap3A_262, %swap3A_263], %swap3A_266 {strides = array<i32>} : memref<128x128xf32, #tpu.memory_space<vmem>>, vector<1x16xf32>,
    %swap3A_267 = arith.constant 5 : i32
    %swap3A_268 = arith.index_cast %swap3A_267 : i32 to index
    %swap3A_269 = arith.constant 64 : index
    %swap3A_270 = tpu.vector_load %arg9[%swap3A_268, %swap3A_269] {strides = array<i32>} : memref<128x128xf32, #tpu.memory_space<vmem>>, vector<1x16xf32>,
    %swap3A_271 = vector.shape_cast %swap3A_270 : vector<1x16xf32> to vector<16xf32>
    %swap3A_272 = vector.shape_cast %broadcast_in_dim3A_1 : vector<16xf32> to vector<1x16xf32>
    tpu.vector_store %arg9[%swap3A_268, %swap3A_269], %swap3A_272 {strides = array<i32>} : memref<128x128xf32, #tpu.memory_space<vmem>>, vector<1x16xf32>,
    %swap3A_273 = arith.constant 5 : i32
    %swap3A_274 = arith.index_cast %swap3A_273 : i32 to index
    %swap3A_275 = arith.constant 80 : index
    %swap3A_276 = tpu.vector_load %arg9[%swap3A_274, %swap3A_275] {strides = array<i32>} : memref<128x128xf32, #tpu.memory_space<vmem>>, vector<1x16xf32>,
    %swap3A_277 = vector.shape_cast %swap3A_276 : vector<1x16xf32> to vector<16xf32>
    %swap3A_278 = vector.shape_cast %broadcast_in_dim3A_1 : vector<16xf32> to vector<1x16xf32>
    tpu.vector_store %arg9[%swap3A_274, %swap3A_275], %swap3A_278 {strides = array<i32>} : memref<128x128xf32, #tpu.memory_space<vmem>>, vector<1x16xf32>,
    %swap3A_279 = arith.constant 5 : i32
    %swap3A_280 = arith.index_cast %swap3A_279 : i32 to index
    %swap3A_281 = arith.constant 96 : index
    %swap3A_282 = tpu.vector_load %arg9[%swap3A_280, %swap3A_281] {strides = array<i32>} : memref<128x128xf32, #tpu.memory_space<vmem>>, vector<1x16xf32>,
    %swap3A_283 = vector.shape_cast %swap3A_282 : vector<1x16xf32> to vector<16xf32>
    %swap3A_284 = vector.shape_cast %broadcast_in_dim3A_1 : vector<16xf32> to vector<1x16xf32>
    tpu.vector_store %arg9[%swap3A_280, %swap3A_281], %swap3A_284 {strides = array<i32>} : memref<128x128xf32, #tpu.memory_space<vmem>>, vector<1x16xf32>,
    %swap3A_285 = arith.constant 5 : i32
    %swap3A_286 = arith.index_cast %swap3A_285 : i32 to index
    %swap3A_287 = arith.constant 112 : index
    %swap3A_288 = tpu.vector_load %arg9[%swap3A_286, %swap3A_287] {strides = array<i32>} : memref<128x128xf32, #tpu.memory_space<vmem>>, vector<1x16xf32>,
    %swap3A_289 = vector.shape_cast %swap3A_288 : vector<1x16xf32> to vector<16xf32>
    %swap3A_290 = vector.shape_cast %broadcast_in_dim3A_1 : vector<16xf32> to vector<1x16xf32>
    tpu.vector_store %arg9[%swap3A_286, %swap3A_287], %swap3A_290 {strides = array<i32>} : memref<128x128xf32, #tpu.memory_space<vmem>>, vector<1x16xf32>,
    %swap3A_291 = arith.constant 6 : i32
    %swap3A_292 = arith.index_cast %swap3A_291 : i32 to index
    %swap3A_293 = arith.constant 0 : index
    %swap3A_294 = tpu.vector_load %arg9[%swap3A_292, %swap3A_293] {strides = array<i32>} : memref<128x128xf32, #tpu.memory_space<vmem>>, vector<1x16xf32>,
    %swap3A_295 = vector.shape_cast %swap3A_294 : vector<1x16xf32> to vector<16xf32>
    %swap3A_296 = vector.shape_cast %broadcast_in_dim3A_1 : vector<16xf32> to vector<1x16xf32>
    tpu.vector_store %arg9[%swap3A_292, %swap3A_293], %swap3A_296 {strides = array<i32>} : memref<128x128xf32, #tpu.memory_space<vmem>>, vector<1x16xf32>,
    %swap3A_297 = arith.constant 6 : i32
    %swap3A_298 = arith.index_cast %swap3A_297 : i32 to index
    %swap3A_299 = arith.constant 16 : index
    %swap3A_300 = tpu.vector_load %arg9[%swap3A_298, %swap3A_299] {strides = array<i32>} : memref<128x128xf32, #tpu.memory_space<vmem>>, vector<1x16xf32>,
    %swap3A_301 = vector.shape_cast %swap3A_300 : vector<1x16xf32> to vector<16xf32>
    %swap3A_302 = vector.shape_cast %broadcast_in_dim3A_1 : vector<16xf32> to vector<1x16xf32>
    tpu.vector_store %arg9[%swap3A_298, %swap3A_299], %swap3A_302 {strides = array<i32>} : memref<128x128xf32, #tpu.memory_space<vmem>>, vector<1x16xf32>,
    %swap3A_303 = arith.constant 6 : i32
    %swap3A_304 = arith.index_cast %swap3A_303 : i32 to index
    %swap3A_305 = arith.constant 32 : index
    %swap3A_306 = tpu.vector_load %arg9[%swap3A_304, %swap3A_305] {strides = array<i32>} : memref<128x128xf32, #tpu.memory_space<vmem>>, vector<1x16xf32>,
    %swap3A_307 = vector.shape_cast %swap3A_306 : vector<1x16xf32> to vector<16xf32>
    %swap3A_308 = vector.shape_cast %broadcast_in_dim3A_1 : vector<16xf32> to vector<1x16xf32>
    tpu.vector_store %arg9[%swap3A_304, %swap3A_305], %swap3A_308 {strides = array<i32>} : memref<128x128xf32, #tpu.memory_space<vmem>>, vector<1x16xf32>,
    %swap3A_309 = arith.constant 6 : i32
    %swap3A_310 = arith.index_cast %swap3A_309 : i32 to index
    %swap3A_311 = arith.constant 48 : index
    %swap3A_312 = tpu.vector_load %arg9[%swap3A_310, %swap3A_311] {strides = array<i32>} : memref<128x128xf32, #tpu.memory_space<vmem>>, vector<1x16xf32>,
    %swap3A_313 = vector.shape_cast %swap3A_312 : vector<1x16xf32> to vector<16xf32>
    %swap3A_314 = vector.shape_cast %broadcast_in_dim3A_1 : vector<16xf32> to vector<1x16xf32>
    tpu.vector_store %arg9[%swap3A_310, %swap3A_311], %swap3A_314 {strides = array<i32>} : memref<128x128xf32, #tpu.memory_space<vmem>>, vector<1x16xf32>,
    %swap3A_315 = arith.constant 6 : i32
    %swap3A_316 = arith.index_cast %swap3A_315 : i32 to index
    %swap3A_317 = arith.constant 64 : index
    %swap3A_318 = tpu.vector_load %arg9[%swap3A_316, %swap3A_317] {strides = array<i32>} : memref<128x128xf32, #tpu.memory_space<vmem>>, vector<1x16xf32>,
    %swap3A_319 = vector.shape_cast %swap3A_318 : vector<1x16xf32> to vector<16xf32>
    %swap3A_320 = vector.shape_cast %broadcast_in_dim3A_1 : vector<16xf32> to vector<1x16xf32>
    tpu.vector_store %arg9[%swap3A_316, %swap3A_317], %swap3A_320 {strides = array<i32>} : memref<128x128xf32, #tpu.memory_space<vmem>>, vector<1x16xf32>,
    %swap3A_321 = arith.constant 6 : i32
    %swap3A_322 = arith.index_cast %swap3A_321 : i32 to index
    %swap3A_323 = arith.constant 80 : index
    %swap3A_324 = tpu.vector_load %arg9[%swap3A_322, %swap3A_323] {strides = array<i32>} : memref<128x128xf32, #tpu.memory_space<vmem>>, vector<1x16xf32>,
    %swap3A_325 = vector.shape_cast %swap3A_324 : vector<1x16xf32> to vector<16xf32>
    %swap3A_326 = vector.shape_cast %broadcast_in_dim3A_1 : vector<16xf32> to vector<1x16xf32>
    tpu.vector_store %arg9[%swap3A_322, %swap3A_323], %swap3A_326 {strides = array<i32>} : memref<128x128xf32, #tpu.memory_space<vmem>>, vector<1x16xf32>,
    %swap3A_327 = arith.constant 6 : i32
    %swap3A_328 = arith.index_cast %swap3A_327 : i32 to index
    %swap3A_329 = arith.constant 96 : index
    %swap3A_330 = tpu.vector_load %arg9[%swap3A_328, %swap3A_329] {strides = array<i32>} : memref<128x128xf32, #tpu.memory_space<vmem>>, vector<1x16xf32>,
    %swap3A_331 = vector.shape_cast %swap3A_330 : vector<1x16xf32> to vector<16xf32>
    %swap3A_332 = vector.shape_cast %broadcast_in_dim3A_1 : vector<16xf32> to vector<1x16xf32>
    tpu.vector_store %arg9[%swap3A_328, %swap3A_329], %swap3A_332 {strides = array<i32>} : memref<128x128xf32, #tpu.memory_space<vmem>>, vector<1x16xf32>,
    %swap3A_333 = arith.constant 6 : i32
    %swap3A_334 = arith.index_cast %swap3A_333 : i32 to index
    %swap3A_335 = arith.constant 112 : index
    %swap3A_336 = tpu.vector_load %arg9[%swap3A_334, %swap3A_335] {strides = array<i32>} : memref<128x128xf32, #tpu.memory_space<vmem>>, vector<1x16xf32>,
    %swap3A_337 = vector.shape_cast %swap3A_336 : vector<1x16xf32> to vector<16xf32>
    %swap3A_338 = vector.shape_cast %broadcast_in_dim3A_1 : vector<16xf32> to vector<1x16xf32>
    tpu.vector_store %arg9[%swap3A_334, %swap3A_335], %swap3A_338 {strides = array<i32>} : memref<128x128xf32, #tpu.memory_space<vmem>>, vector<1x16xf32>,
    %swap3A_339 = arith.constant 7 : i32
    %swap3A_340 = arith.index_cast %swap3A_339 : i32 to index
    %swap3A_341 = arith.constant 0 : index
    %swap3A_342 = tpu.vector_load %arg9[%swap3A_340, %swap3A_341] {strides = array<i32>} : memref<128x128xf32, #tpu.memory_space<vmem>>, vector<1x16xf32>,
    %swap3A_343 = vector.shape_cast %swap3A_342 : vector<1x16xf32> to vector<16xf32>
    %swap3A_344 = vector.shape_cast %broadcast_in_dim3A_1 : vector<16xf32> to vector<1x16xf32>
    tpu.vector_store %arg9[%swap3A_340, %swap3A_341], %swap3A_344 {strides = array<i32>} : memref<128x128xf32, #tpu.memory_space<vmem>>, vector<1x16xf32>,
    %swap3A_345 = arith.constant 7 : i32
    %swap3A_346 = arith.index_cast %swap3A_345 : i32 to index
    %swap3A_347 = arith.constant 16 : index
    %swap3A_348 = tpu.vector_load %arg9[%swap3A_346, %swap3A_347] {strides = array<i32>} : memref<128x128xf32, #tpu.memory_space<vmem>>, vector<1x16xf32>,
    %swap3A_349 = vector.shape_cast %swap3A_348 : vector<1x16xf32> to vector<16xf32>
    %swap3A_350 = vector.shape_cast %broadcast_in_dim3A_1 : vector<16xf32> to vector<1x16xf32>
    tpu.vector_store %arg9[%swap3A_346, %swap3A_347], %swap3A_350 {strides = array<i32>} : memref<128x128xf32, #tpu.memory_space<vmem>>, vector<1x16xf32>,
    %swap3A_351 = arith.constant 7 : i32
    %swap3A_352 = arith.index_cast %swap3A_351 : i32 to index
    %swap3A_353 = arith.constant 32 : index
    %swap3A_354 = tpu.vector_load %arg9[%swap3A_352, %swap3A_353] {strides = array<i32>} : memref<128x128xf32, #tpu.memory_space<vmem>>, vector<1x16xf32>,
    %swap3A_355 = vector.shape_cast %swap3A_354 : vector<1x16xf32> to vector<16xf32>
    %swap3A_356 = vector.shape_cast %broadcast_in_dim3A_1 : vector<16xf32> to vector<1x16xf32>
    tpu.vector_store %arg9[%swap3A_352, %swap3A_353], %swap3A_356 {strides = array<i32>} : memref<128x128xf32, #tpu.memory_space<vmem>>, vector<1x16xf32>,
    %swap3A_357 = arith.constant 7 : i32
    %swap3A_358 = arith.index_cast %swap3A_357 : i32 to index
    %swap3A_359 = arith.constant 48 : index
    %swap3A_360 = tpu.vector_load %arg9[%swap3A_358, %swap3A_359] {strides = array<i32>} : memref<128x128xf32, #tpu.memory_space<vmem>>, vector<1x16xf32>,
    %swap3A_361 = vector.shape_cast %swap3A_360 : vector<1x16xf32> to vector<16xf32>
    %swap3A_362 = vector.shape_cast %broadcast_in_dim3A_1 : vector<16xf32> to vector<1x16xf32>
    tpu.vector_store %arg9[%swap3A_358, %swap3A_359], %swap3A_362 {strides = array<i32>} : memref<128x128xf32, #tpu.memory_space<vmem>>, vector<1x16xf32>,
    %swap3A_363 = arith.constant 7 : i32
    %swap3A_364 = arith.index_cast %swap3A_363 : i32 to index
    %swap3A_365 = arith.constant 64 : index
    %swap3A_366 = tpu.vector_load %arg9[%swap3A_364, %swap3A_365] {strides = array<i32>} : memref<128x128xf32, #tpu.memory_space<vmem>>, vector<1x16xf32>,
    %swap3A_367 = vector.shape_cast %swap3A_366 : vector<1x16xf32> to vector<16xf32>
    %swap3A_368 = vector.shape_cast %broadcast_in_dim3A_1 : vector<16xf32> to vector<1x16xf32>
    tpu.vector_store %arg9[%swap3A_364, %swap3A_365], %swap3A_368 {strides = array<i32>} : memref<128x128xf32, #tpu.memory_space<vmem>>, vector<1x16xf32>,
    %swap3A_369 = arith.constant 7 : i32
    %swap3A_370 = arith.index_cast %swap3A_369 : i32 to index
    %swap3A_371 = arith.constant 80 : index
    %swap3A_372 = tpu.vector_load %arg9[%swap3A_370, %swap3A_371] {strides = array<i32>} : memref<128x128xf32, #tpu.memory_space<vmem>>, vector<1x16xf32>,
    %swap3A_373 = vector.shape_cast %swap3A_372 : vector<1x16xf32> to vector<16xf32>
    %swap3A_374 = vector.shape_cast %broadcast_in_dim3A_1 : vector<16xf32> to vector<1x16xf32>
    tpu.vector_store %arg9[%swap3A_370, %swap3A_371], %swap3A_374 {strides = array<i32>} : memref<128x128xf32, #tpu.memory_space<vmem>>, vector<1x16xf32>,
    %swap3A_375 = arith.constant 7 : i32
    %swap3A_376 = arith.index_cast %swap3A_375 : i32 to index
    %swap3A_377 = arith.constant 96 : index
    %swap3A_378 = tpu.vector_load %arg9[%swap3A_376, %swap3A_377] {strides = array<i32>} : memref<128x128xf32, #tpu.memory_space<vmem>>, vector<1x16xf32>,
    %swap3A_379 = vector.shape_cast %swap3A_378 : vector<1x16xf32> to vector<16xf32>
    %swap3A_380 = vector.shape_cast %broadcast_in_dim3A_1 : vector<16xf32> to vector<1x16xf32>
    tpu.vector_store %arg9[%swap3A_376, %swap3A_377], %swap3A_380 {strides = array<i32>} : memref<128x128xf32, #tpu.memory_space<vmem>>, vector<1x16xf32>,
    %swap3A_381 = arith.constant 7 : i32
    %swap3A_382 = arith.index_cast %swap3A_381 : i32 to index
    %swap3A_383 = arith.constant 112 : index
    %swap3A_384 = tpu.vector_load %arg9[%swap3A_382, %swap3A_383] {strides = array<i32>} : memref<128x128xf32, #tpu.memory_space<vmem>>, vector<1x16xf32>,
    %swap3A_385 = vector.shape_cast %swap3A_384 : vector<1x16xf32> to vector<16xf32>
    %swap3A_386 = vector.shape_cast %broadcast_in_dim3A_1 : vector<16xf32> to vector<1x16xf32>
    tpu.vector_store %arg9[%swap3A_382, %swap3A_383], %swap3A_386 {strides = array<i32>} : memref<128x128xf32, #tpu.memory_space<vmem>>, vector<1x16xf32>,
    %swap3A_387 = arith.constant 8 : i32
    %swap3A_388 = arith.index_cast %swap3A_387 : i32 to index
    %swap3A_389 = arith.constant 0 : index
    %swap3A_390 = tpu.vector_load %arg9[%swap3A_388, %swap3A_389] {strides = array<i32>} : memref<128x128xf32, #tpu.memory_space<vmem>>, vector<1x16xf32>,
    %swap3A_391 = vector.shape_cast %swap3A_390 : vector<1x16xf32> to vector<16xf32>
    %swap3A_392 = vector.shape_cast %broadcast_in_dim3A_1 : vector<16xf32> to vector<1x16xf32>
    tpu.vector_store %arg9[%swap3A_388, %swap3A_389], %swap3A_392 {strides = array<i32>} : memref<128x128xf32, #tpu.memory_space<vmem>>, vector<1x16xf32>,
    %swap3A_393 = arith.constant 8 : i32
    %swap3A_394 = arith.index_cast %swap3A_393 : i32 to index
    %swap3A_395 = arith.constant 16 : index
    %swap3A_396 = tpu.vector_load %arg9[%swap3A_394, %swap3A_395] {strides = array<i32>} : memref<128x128xf32, #tpu.memory_space<vmem>>, vector<1x16xf32>,
    %swap3A_397 = vector.shape_cast %swap3A_396 : vector<1x16xf32> to vector<16xf32>
    %swap3A_398 = vector.shape_cast %broadcast_in_dim3A_1 : vector<16xf32> to vector<1x16xf32>
    tpu.vector_store %arg9[%swap3A_394, %swap3A_395], %swap3A_398 {strides = array<i32>} : memref<128x128xf32, #tpu.memory_space<vmem>>, vector<1x16xf32>,
    %swap3A_399 = arith.constant 8 : i32
    %swap3A_400 = arith.index_cast %swap3A_399 : i32 to index
    %swap3A_401 = arith.constant 32 : index
    %swap3A_402 = tpu.vector_load %arg9[%swap3A_400, %swap3A_401] {strides = array<i32>} : memref<128x128xf32, #tpu.memory_space<vmem>>, vector<1x16xf32>,
    %swap3A_403 = vector.shape_cast %swap3A_402 : vector<1x16xf32> to vector<16xf32>
    %swap3A_404 = vector.shape_cast %broadcast_in_dim3A_1 : vector<16xf32> to vector<1x16xf32>
    tpu.vector_store %arg9[%swap3A_400, %swap3A_401], %swap3A_404 {strides = array<i32>} : memref<128x128xf32, #tpu.memory_space<vmem>>, vector<1x16xf32>,
    %swap3A_405 = arith.constant 8 : i32
    %swap3A_406 = arith.index_cast %swap3A_405 : i32 to index
    %swap3A_407 = arith.constant 48 : index
    %swap3A_408 = tpu.vector_load %arg9[%swap3A_406, %swap3A_407] {strides = array<i32>} : memref<128x128xf32, #tpu.memory_space<vmem>>, vector<1x16xf32>,
    %swap3A_409 = vector.shape_cast %swap3A_408 : vector<1x16xf32> to vector<16xf32>
    %swap3A_410 = vector.shape_cast %broadcast_in_dim3A_1 : vector<16xf32> to vector<1x16xf32>
    tpu.vector_store %arg9[%swap3A_406, %swap3A_407], %swap3A_410 {strides = array<i32>} : memref<128x128xf32, #tpu.memory_space<vmem>>, vector<1x16xf32>,
    %swap3A_411 = arith.constant 8 : i32
    %swap3A_412 = arith.index_cast %swap3A_411 : i32 to index
    %swap3A_413 = arith.constant 64 : index
    %swap3A_414 = tpu.vector_load %arg9[%swap3A_412, %swap3A_413] {strides = array<i32>} : memref<128x128xf32, #tpu.memory_space<vmem>>, vector<1x16xf32>,
    %swap3A_415 = vector.shape_cast %swap3A_414 : vector<1x16xf32> to vector<16xf32>
    %swap3A_416 = vector.shape_cast %broadcast_in_dim3A_1 : vector<16xf32> to vector<1x16xf32>
    tpu.vector_store %arg9[%swap3A_412, %swap3A_413], %swap3A_416 {strides = array<i32>} : memref<128x128xf32, #tpu.memory_space<vmem>>, vector<1x16xf32>,
    %swap3A_417 = arith.constant 8 : i32
    %swap3A_418 = arith.index_cast %swap3A_417 : i32 to index
    %swap3A_419 = arith.constant 80 : index
    %swap3A_420 = tpu.vector_load %arg9[%swap3A_418, %swap3A_419] {strides = array<i32>} : memref<128x128xf32, #tpu.memory_space<vmem>>, vector<1x16xf32>,
    %swap3A_421 = vector.shape_cast %swap3A_420 : vector<1x16xf32> to vector<16xf32>
    %swap3A_422 = vector.shape_cast %broadcast_in_dim3A_1 : vector<16xf32> to vector<1x16xf32>
    tpu.vector_store %arg9[%swap3A_418, %swap3A_419], %swap3A_422 {strides = array<i32>} : memref<128x128xf32, #tpu.memory_space<vmem>>, vector<1x16xf32>,
    %swap3A_423 = arith.constant 8 : i32
    %swap3A_424 = arith.index_cast %swap3A_423 : i32 to index
    %swap3A_425 = arith.constant 96 : index
    %swap3A_426 = tpu.vector_load %arg9[%swap3A_424, %swap3A_425] {strides = array<i32>} : memref<128x128xf32, #tpu.memory_space<vmem>>, vector<1x16xf32>,
    %swap3A_427 = vector.shape_cast %swap3A_426 : vector<1x16xf32> to vector<16xf32>
    %swap3A_428 = vector.shape_cast %broadcast_in_dim3A_1 : vector<16xf32> to vector<1x16xf32>
    tpu.vector_store %arg9[%swap3A_424, %swap3A_425], %swap3A_428 {strides = array<i32>} : memref<128x128xf32, #tpu.memory_space<vmem>>, vector<1x16xf32>,
    %swap3A_429 = arith.constant 8 : i32
    %swap3A_430 = arith.index_cast %swap3A_429 : i32 to index
    %swap3A_431 = arith.constant 112 : index
    %swap3A_432 = tpu.vector_load %arg9[%swap3A_430, %swap3A_431] {strides = array<i32>} : memref<128x128xf32, #tpu.memory_space<vmem>>, vector<1x16xf32>,
    %swap3A_433 = vector.shape_cast %swap3A_432 : vector<1x16xf32> to vector<16xf32>
    %swap3A_434 = vector.shape_cast %broadcast_in_dim3A_1 : vector<16xf32> to vector<1x16xf32>
    tpu.vector_store %arg9[%swap3A_430, %swap3A_431], %swap3A_434 {strides = array<i32>} : memref<128x128xf32, #tpu.memory_space<vmem>>, vector<1x16xf32>,
    %swap3A_435 = arith.constant 9 : i32
    %swap3A_436 = arith.index_cast %swap3A_435 : i32 to index
    %swap3A_437 = arith.constant 0 : index
    %swap3A_438 = tpu.vector_load %arg9[%swap3A_436, %swap3A_437] {strides = array<i32>} : memref<128x128xf32, #tpu.memory_space<vmem>>, vector<1x16xf32>,
    %swap3A_439 = vector.shape_cast %swap3A_438 : vector<1x16xf32> to vector<16xf32>
    %swap3A_440 = vector.shape_cast %broadcast_in_dim3A_1 : vector<16xf32> to vector<1x16xf32>
    tpu.vector_store %arg9[%swap3A_436, %swap3A_437], %swap3A_440 {strides = array<i32>} : memref<128x128xf32, #tpu.memory_space<vmem>>, vector<1x16xf32>,
    %swap3A_441 = arith.constant 9 : i32
    %swap3A_442 = arith.index_cast %swap3A_441 : i32 to index
    %swap3A_443 = arith.constant 16 : index
    %swap3A_444 = tpu.vector_load %arg9[%swap3A_442, %swap3A_443] {strides = array<i32>} : memref<128x128xf32, #tpu.memory_space<vmem>>, vector<1x16xf32>,
    %swap3A_445 = vector.shape_cast %swap3A_444 : vector<1x16xf32> to vector<16xf32>
    %swap3A_446 = vector.shape_cast %broadcast_in_dim3A_1 : vector<16xf32> to vector<1x16xf32>
    tpu.vector_store %arg9[%swap3A_442, %swap3A_443], %swap3A_446 {strides = array<i32>} : memref<128x128xf32, #tpu.memory_space<vmem>>, vector<1x16xf32>,
    %swap3A_447 = arith.constant 9 : i32
    %swap3A_448 = arith.index_cast %swap3A_447 : i32 to index
    %swap3A_449 = arith.constant 32 : index
    %swap3A_450 = tpu.vector_load %arg9[%swap3A_448, %swap3A_449] {strides = array<i32>} : memref<128x128xf32, #tpu.memory_space<vmem>>, vector<1x16xf32>,
    %swap3A_451 = vector.shape_cast %swap3A_450 : vector<1x16xf32> to vector<16xf32>
    %swap3A_452 = vector.shape_cast %broadcast_in_dim3A_1 : vector<16xf32> to vector<1x16xf32>
    tpu.vector_store %arg9[%swap3A_448, %swap3A_449], %swap3A_452 {strides = array<i32>} : memref<128x128xf32, #tpu.memory_space<vmem>>, vector<1x16xf32>,
    %swap3A_453 = arith.constant 9 : i32
    %swap3A_454 = arith.index_cast %swap3A_453 : i32 to index
    %swap3A_455 = arith.constant 48 : index
    %swap3A_456 = tpu.vector_load %arg9[%swap3A_454, %swap3A_455] {strides = array<i32>} : memref<128x128xf32, #tpu.memory_space<vmem>>, vector<1x16xf32>,
    %swap3A_457 = vector.shape_cast %swap3A_456 : vector<1x16xf32> to vector<16xf32>
    %swap3A_458 = vector.shape_cast %broadcast_in_dim3A_1 : vector<16xf32> to vector<1x16xf32>
    tpu.vector_store %arg9[%swap3A_454, %swap3A_455], %swap3A_458 {strides = array<i32>} : memref<128x128xf32, #tpu.memory_space<vmem>>, vector<1x16xf32>,
    %swap3A_459 = arith.constant 9 : i32
    %swap3A_460 = arith.index_cast %swap3A_459 : i32 to index
    %swap3A_461 = arith.constant 64 : index
    %swap3A_462 = tpu.vector_load %arg9[%swap3A_460, %swap3A_461] {strides = array<i32>} : memref<128x128xf32, #tpu.memory_space<vmem>>, vector<1x16xf32>,
    %swap3A_463 = vector.shape_cast %swap3A_462 : vector<1x16xf32> to vector<16xf32>
    %swap3A_464 = vector.shape_cast %broadcast_in_dim3A_1 : vector<16xf32> to vector<1x16xf32>
    tpu.vector_store %arg9[%swap3A_460, %swap3A_461], %swap3A_464 {strides = array<i32>} : memref<128x128xf32, #tpu.memory_space<vmem>>, vector<1x16xf32>,
    %swap3A_465 = arith.constant 9 : i32
    %swap3A_466 = arith.index_cast %swap3A_465 : i32 to index
    %swap3A_467 = arith.constant 80 : index
    %swap3A_468 = tpu.vector_load %arg9[%swap3A_466, %swap3A_467] {strides = array<i32>} : memref<128x128xf32, #tpu.memory_space<vmem>>, vector<1x16xf32>,
    %swap3A_469 = vector.shape_cast %swap3A_468 : vector<1x16xf32> to vector<16xf32>
    %swap3A_470 = vector.shape_cast %broadcast_in_dim3A_1 : vector<16xf32> to vector<1x16xf32>
    tpu.vector_store %arg9[%swap3A_466, %swap3A_467], %swap3A_470 {strides = array<i32>} : memref<128x128xf32, #tpu.memory_space<vmem>>, vector<1x16xf32>,
    %swap3A_471 = arith.constant 9 : i32
    %swap3A_472 = arith.index_cast %swap3A_471 : i32 to index
    %swap3A_473 = arith.constant 96 : index
    %swap3A_474 = tpu.vector_load %arg9[%swap3A_472, %swap3A_473] {strides = array<i32>} : memref<128x128xf32, #tpu.memory_space<vmem>>, vector<1x16xf32>,
    %swap3A_475 = vector.shape_cast %swap3A_474 : vector<1x16xf32> to vector<16xf32>
    %swap3A_476 = vector.shape_cast %broadcast_in_dim3A_1 : vector<16xf32> to vector<1x16xf32>
    tpu.vector_store %arg9[%swap3A_472, %swap3A_473], %swap3A_476 {strides = array<i32>} : memref<128x128xf32, #tpu.memory_space<vmem>>, vector<1x16xf32>,
    %swap3A_477 = arith.constant 9 : i32
    %swap3A_478 = arith.index_cast %swap3A_477 : i32 to index
    %swap3A_479 = arith.constant 112 : index
    %swap3A_480 = tpu.vector_load %arg9[%swap3A_478, %swap3A_479] {strides = array<i32>} : memref<128x128xf32, #tpu.memory_space<vmem>>, vector<1x16xf32>,
    %swap3A_481 = vector.shape_cast %swap3A_480 : vector<1x16xf32> to vector<16xf32>
    %swap3A_482 = vector.shape_cast %broadcast_in_dim3A_1 : vector<16xf32> to vector<1x16xf32>
    tpu.vector_store %arg9[%swap3A_478, %swap3A_479], %swap3A_482 {strides = array<i32>} : memref<128x128xf32, #tpu.memory_space<vmem>>, vector<1x16xf32>,
    %swap3A_483 = arith.constant 10 : i32
    %swap3A_484 = arith.index_cast %swap3A_483 : i32 to index
    %swap3A_485 = arith.constant 0 : index
    %swap3A_486 = tpu.vector_load %arg9[%swap3A_484, %swap3A_485] {strides = array<i32>} : memref<128x128xf32, #tpu.memory_space<vmem>>, vector<1x16xf32>,
    %swap3A_487 = vector.shape_cast %swap3A_486 : vector<1x16xf32> to vector<16xf32>
    %swap3A_488 = vector.shape_cast %broadcast_in_dim3A_1 : vector<16xf32> to vector<1x16xf32>
    tpu.vector_store %arg9[%swap3A_484, %swap3A_485], %swap3A_488 {strides = array<i32>} : memref<128x128xf32, #tpu.memory_space<vmem>>, vector<1x16xf32>,
    %swap3A_489 = arith.constant 10 : i32
    %swap3A_490 = arith.index_cast %swap3A_489 : i32 to index
    %swap3A_491 = arith.constant 16 : index
    %swap3A_492 = tpu.vector_load %arg9[%swap3A_490, %swap3A_491] {strides = array<i32>} : memref<128x128xf32, #tpu.memory_space<vmem>>, vector<1x16xf32>,
    %swap3A_493 = vector.shape_cast %swap3A_492 : vector<1x16xf32> to vector<16xf32>
    %swap3A_494 = vector.shape_cast %broadcast_in_dim3A_1 : vector<16xf32> to vector<1x16xf32>
    tpu.vector_store %arg9[%swap3A_490, %swap3A_491], %swap3A_494 {strides = array<i32>} : memref<128x128xf32, #tpu.memory_space<vmem>>, vector<1x16xf32>,
    %swap3A_495 = arith.constant 10 : i32
    %swap3A_496 = arith.index_cast %swap3A_495 : i32 to index
    %swap3A_497 = arith.constant 32 : index
    %swap3A_498 = tpu.vector_load %arg9[%swap3A_496, %swap3A_497] {strides = array<i32>} : memref<128x128xf32, #tpu.memory_space<vmem>>, vector<1x16xf32>,
    %swap3A_499 = vector.shape_cast %swap3A_498 : vector<1x16xf32> to vector<16xf32>
    %swap3A_500 = vector.shape_cast %broadcast_in_dim3A_1 : vector<16xf32> to vector<1x16xf32>
    tpu.vector_store %arg9[%swap3A_496, %swap3A_497], %swap3A_500 {strides = array<i32>} : memref<128x128xf32, #tpu.memory_space<vmem>>, vector<1x16xf32>,
    %swap3A_501 = arith.constant 10 : i32
    %swap3A_502 = arith.index_cast %swap3A_501 : i32 to index
    %swap3A_503 = arith.constant 48 : index
    %swap3A_504 = tpu.vector_load %arg9[%swap3A_502, %swap3A_503] {strides = array<i32>} : memref<128x128xf32, #tpu.memory_space<vmem>>, vector<1x16xf32>,
    %swap3A_505 = vector.shape_cast %swap3A_504 : vector<1x16xf32> to vector<16xf32>
    %swap3A_506 = vector.shape_cast %broadcast_in_dim3A_1 : vector<16xf32> to vector<1x16xf32>
    tpu.vector_store %arg9[%swap3A_502, %swap3A_503], %swap3A_506 {strides = array<i32>} : memref<128x128xf32, #tpu.memory_space<vmem>>, vector<1x16xf32>,
    %swap3A_507 = arith.constant 10 : i32
    %swap3A_508 = arith.index_cast %swap3A_507 : i32 to index
    %swap3A_509 = arith.constant 64 : index
    %swap3A_510 = tpu.vector_load %arg9[%swap3A_508, %swap3A_509] {strides = array<i32>} : memref<128x128xf32, #tpu.memory_space<vmem>>, vector<1x16xf32>,
    %swap3A_511 = vector.shape_cast %swap3A_510 : vector<1x16xf32> to vector<16xf32>
    %swap3A_512 = vector.shape_cast %broadcast_in_dim3A_1 : vector<16xf32> to vector<1x16xf32>
    tpu.vector_store %arg9[%swap3A_508, %swap3A_509], %swap3A_512 {strides = array<i32>} : memref<128x128xf32, #tpu.memory_space<vmem>>, vector<1x16xf32>,
    %swap3A_513 = arith.constant 10 : i32
    %swap3A_514 = arith.index_cast %swap3A_513 : i32 to index
    %swap3A_515 = arith.constant 80 : index
    %swap3A_516 = tpu.vector_load %arg9[%swap3A_514, %swap3A_515] {strides = array<i32>} : memref<128x128xf32, #tpu.memory_space<vmem>>, vector<1x16xf32>,
    %swap3A_517 = vector.shape_cast %swap3A_516 : vector<1x16xf32> to vector<16xf32>
    %swap3A_518 = vector.shape_cast %broadcast_in_dim3A_1 : vector<16xf32> to vector<1x16xf32>
    tpu.vector_store %arg9[%swap3A_514, %swap3A_515], %swap3A_518 {strides = array<i32>} : memref<128x128xf32, #tpu.memory_space<vmem>>, vector<1x16xf32>,
    %swap3A_519 = arith.constant 10 : i32
    %swap3A_520 = arith.index_cast %swap3A_519 : i32 to index
    %swap3A_521 = arith.constant 96 : index
    %swap3A_522 = tpu.vector_load %arg9[%swap3A_520, %swap3A_521] {strides = array<i32>} : memref<128x128xf32, #tpu.memory_space<vmem>>, vector<1x16xf32>,
    %swap3A_523 = vector.shape_cast %swap3A_522 : vector<1x16xf32> to vector<16xf32>
    %swap3A_524 = vector.shape_cast %broadcast_in_dim3A_1 : vector<16xf32> to vector<1x16xf32>
    tpu.vector_store %arg9[%swap3A_520, %swap3A_521], %swap3A_524 {strides = array<i32>} : memref<128x128xf32, #tpu.memory_space<vmem>>, vector<1x16xf32>,
    %swap3A_525 = arith.constant 10 : i32
    %swap3A_526 = arith.index_cast %swap3A_525 : i32 to index
    %swap3A_527 = arith.constant 112 : index
    %swap3A_528 = tpu.vector_load %arg9[%swap3A_526, %swap3A_527] {strides = array<i32>} : memref<128x128xf32, #tpu.memory_space<vmem>>, vector<1x16xf32>,
    %swap3A_529 = vector.shape_cast %swap3A_528 : vector<1x16xf32> to vector<16xf32>
    %swap3A_530 = vector.shape_cast %broadcast_in_dim3A_1 : vector<16xf32> to vector<1x16xf32>
    tpu.vector_store %arg9[%swap3A_526, %swap3A_527], %swap3A_530 {strides = array<i32>} : memref<128x128xf32, #tpu.memory_space<vmem>>, vector<1x16xf32>,
    %swap3A_531 = arith.constant 11 : i32
    %swap3A_532 = arith.index_cast %swap3A_531 : i32 to index
    %swap3A_533 = arith.constant 0 : index
    %swap3A_534 = tpu.vector_load %arg9[%swap3A_532, %swap3A_533] {strides = array<i32>} : memref<128x128xf32, #tpu.memory_space<vmem>>, vector<1x16xf32>,
    %swap3A_535 = vector.shape_cast %swap3A_534 : vector<1x16xf32> to vector<16xf32>
    %swap3A_536 = vector.shape_cast %broadcast_in_dim3A_1 : vector<16xf32> to vector<1x16xf32>
    tpu.vector_store %arg9[%swap3A_532, %swap3A_533], %swap3A_536 {strides = array<i32>} : memref<128x128xf32, #tpu.memory_space<vmem>>, vector<1x16xf32>,
    %swap3A_537 = arith.constant 11 : i32
    %swap3A_538 = arith.index_cast %swap3A_537 : i32 to index
    %swap3A_539 = arith.constant 16 : index
    %swap3A_540 = tpu.vector_load %arg9[%swap3A_538, %swap3A_539] {strides = array<i32>} : memref<128x128xf32, #tpu.memory_space<vmem>>, vector<1x16xf32>,
    %swap3A_541 = vector.shape_cast %swap3A_540 : vector<1x16xf32> to vector<16xf32>
    %swap3A_542 = vector.shape_cast %broadcast_in_dim3A_1 : vector<16xf32> to vector<1x16xf32>
    tpu.vector_store %arg9[%swap3A_538, %swap3A_539], %swap3A_542 {strides = array<i32>} : memref<128x128xf32, #tpu.memory_space<vmem>>, vector<1x16xf32>,
    %swap3A_543 = arith.constant 11 : i32
    %swap3A_544 = arith.index_cast %swap3A_543 : i32 to index
    %swap3A_545 = arith.constant 32 : index
    %swap3A_546 = tpu.vector_load %arg9[%swap3A_544, %swap3A_545] {strides = array<i32>} : memref<128x128xf32, #tpu.memory_space<vmem>>, vector<1x16xf32>,
    %swap3A_547 = vector.shape_cast %swap3A_546 : vector<1x16xf32> to vector<16xf32>
    %swap3A_548 = vector.shape_cast %broadcast_in_dim3A_1 : vector<16xf32> to vector<1x16xf32>
    tpu.vector_store %arg9[%swap3A_544, %swap3A_545], %swap3A_548 {strides = array<i32>} : memref<128x128xf32, #tpu.memory_space<vmem>>, vector<1x16xf32>,
    %swap3A_549 = arith.constant 11 : i32
    %swap3A_550 = arith.index_cast %swap3A_549 : i32 to index
    %swap3A_551 = arith.constant 48 : index
    %swap3A_552 = tpu.vector_load %arg9[%swap3A_550, %swap3A_551] {strides = array<i32>} : memref<128x128xf32, #tpu.memory_space<vmem>>, vector<1x16xf32>,
    %swap3A_553 = vector.shape_cast %swap3A_552 : vector<1x16xf32> to vector<16xf32>
    %swap3A_554 = vector.shape_cast %broadcast_in_dim3A_1 : vector<16xf32> to vector<1x16xf32>
    tpu.vector_store %arg9[%swap3A_550, %swap3A_551], %swap3A_554 {strides = array<i32>} : memref<128x128xf32, #tpu.memory_space<vmem>>, vector<1x16xf32>,
    %swap3A_555 = arith.constant 11 : i32
    %swap3A_556 = arith.index_cast %swap3A_555 : i32 to index
    %swap3A_557 = arith.constant 64 : index
    %swap3A_558 = tpu.vector_load %arg9[%swap3A_556, %swap3A_557] {strides = array<i32>} : memref<128x128xf32, #tpu.memory_space<vmem>>, vector<1x16xf32>,
    %swap3A_559 = vector.shape_cast %swap3A_558 : vector<1x16xf32> to vector<16xf32>
    %swap3A_560 = vector.shape_cast %broadcast_in_dim3A_1 : vector<16xf32> to vector<1x16xf32>
    tpu.vector_store %arg9[%swap3A_556, %swap3A_557], %swap3A_560 {strides = array<i32>} : memref<128x128xf32, #tpu.memory_space<vmem>>, vector<1x16xf32>,
    %swap3A_561 = arith.constant 11 : i32
    %swap3A_562 = arith.index_cast %swap3A_561 : i32 to index
    %swap3A_563 = arith.constant 80 : index
    %swap3A_564 = tpu.vector_load %arg9[%swap3A_562, %swap3A_563] {strides = array<i32>} : memref<128x128xf32, #tpu.memory_space<vmem>>, vector<1x16xf32>,
    %swap3A_565 = vector.shape_cast %swap3A_564 : vector<1x16xf32> to vector<16xf32>
    %swap3A_566 = vector.shape_cast %broadcast_in_dim3A_1 : vector<16xf32> to vector<1x16xf32>
    tpu.vector_store %arg9[%swap3A_562, %swap3A_563], %swap3A_566 {strides = array<i32>} : memref<128x128xf32, #tpu.memory_space<vmem>>, vector<1x16xf32>,
    %swap3A_567 = arith.constant 11 : i32
    %swap3A_568 = arith.index_cast %swap3A_567 : i32 to index
    %swap3A_569 = arith.constant 96 : index
    %swap3A_570 = tpu.vector_load %arg9[%swap3A_568, %swap3A_569] {strides = array<i32>} : memref<128x128xf32, #tpu.memory_space<vmem>>, vector<1x16xf32>,
    %swap3A_571 = vector.shape_cast %swap3A_570 : vector<1x16xf32> to vector<16xf32>
    %swap3A_572 = vector.shape_cast %broadcast_in_dim3A_1 : vector<16xf32> to vector<1x16xf32>
    tpu.vector_store %arg9[%swap3A_568, %swap3A_569], %swap3A_572 {strides = array<i32>} : memref<128x128xf32, #tpu.memory_space<vmem>>, vector<1x16xf32>,
    %swap3A_573 = arith.constant 11 : i32
    %swap3A_574 = arith.index_cast %swap3A_573 : i32 to index
    %swap3A_575 = arith.constant 112 : index
    %swap3A_576 = tpu.vector_load %arg9[%swap3A_574, %swap3A_575] {strides = array<i32>} : memref<128x128xf32, #tpu.memory_space<vmem>>, vector<1x16xf32>,
    %swap3A_577 = vector.shape_cast %swap3A_576 : vector<1x16xf32> to vector<16xf32>
    %swap3A_578 = vector.shape_cast %broadcast_in_dim3A_1 : vector<16xf32> to vector<1x16xf32>
    tpu.vector_store %arg9[%swap3A_574, %swap3A_575], %swap3A_578 {strides = array<i32>} : memref<128x128xf32, #tpu.memory_space<vmem>>, vector<1x16xf32>,
    %swap3A_579 = arith.constant 12 : i32
    %swap3A_580 = arith.index_cast %swap3A_579 : i32 to index
    %swap3A_581 = arith.constant 0 : index
    %swap3A_582 = tpu.vector_load %arg9[%swap3A_580, %swap3A_581] {strides = array<i32>} : memref<128x128xf32, #tpu.memory_space<vmem>>, vector<1x16xf32>,
    %swap3A_583 = vector.shape_cast %swap3A_582 : vector<1x16xf32> to vector<16xf32>
    %swap3A_584 = vector.shape_cast %broadcast_in_dim3A_1 : vector<16xf32> to vector<1x16xf32>
    tpu.vector_store %arg9[%swap3A_580, %swap3A_581], %swap3A_584 {strides = array<i32>} : memref<128x128xf32, #tpu.memory_space<vmem>>, vector<1x16xf32>,
    %swap3A_585 = arith.constant 12 : i32
    %swap3A_586 = arith.index_cast %swap3A_585 : i32 to index
    %swap3A_587 = arith.constant 16 : index
    %swap3A_588 = tpu.vector_load %arg9[%swap3A_586, %swap3A_587] {strides = array<i32>} : memref<128x128xf32, #tpu.memory_space<vmem>>, vector<1x16xf32>,
    %swap3A_589 = vector.shape_cast %swap3A_588 : vector<1x16xf32> to vector<16xf32>
    %swap3A_590 = vector.shape_cast %broadcast_in_dim3A_1 : vector<16xf32> to vector<1x16xf32>
    tpu.vector_store %arg9[%swap3A_586, %swap3A_587], %swap3A_590 {strides = array<i32>} : memref<128x128xf32, #tpu.memory_space<vmem>>, vector<1x16xf32>,
    %swap3A_591 = arith.constant 12 : i32
    %swap3A_592 = arith.index_cast %swap3A_591 : i32 to index
    %swap3A_593 = arith.constant 32 : index
    %swap3A_594 = tpu.vector_load %arg9[%swap3A_592, %swap3A_593] {strides = array<i32>} : memref<128x128xf32, #tpu.memory_space<vmem>>, vector<1x16xf32>,
    %swap3A_595 = vector.shape_cast %swap3A_594 : vector<1x16xf32> to vector<16xf32>
    %swap3A_596 = vector.shape_cast %broadcast_in_dim3A_1 : vector<16xf32> to vector<1x16xf32>
    tpu.vector_store %arg9[%swap3A_592, %swap3A_593], %swap3A_596 {strides = array<i32>} : memref<128x128xf32, #tpu.memory_space<vmem>>, vector<1x16xf32>,
    %swap3A_597 = arith.constant 12 : i32
    %swap3A_598 = arith.index_cast %swap3A_597 : i32 to index
    %swap3A_599 = arith.constant 48 : index
    %swap3A_600 = tpu.vector_load %arg9[%swap3A_598, %swap3A_599] {strides = array<i32>} : memref<128x128xf32, #tpu.memory_space<vmem>>, vector<1x16xf32>,
    %swap3A_601 = vector.shape_cast %swap3A_600 : vector<1x16xf32> to vector<16xf32>
    %swap3A_602 = vector.shape_cast %broadcast_in_dim3A_1 : vector<16xf32> to vector<1x16xf32>
    tpu.vector_store %arg9[%swap3A_598, %swap3A_599], %swap3A_602 {strides = array<i32>} : memref<128x128xf32, #tpu.memory_space<vmem>>, vector<1x16xf32>,
    %swap3A_603 = arith.constant 12 : i32
    %swap3A_604 = arith.index_cast %swap3A_603 : i32 to index
    %swap3A_605 = arith.constant 64 : index
    %swap3A_606 = tpu.vector_load %arg9[%swap3A_604, %swap3A_605] {strides = array<i32>} : memref<128x128xf32, #tpu.memory_space<vmem>>, vector<1x16xf32>,
    %swap3A_607 = vector.shape_cast %swap3A_606 : vector<1x16xf32> to vector<16xf32>
    %swap3A_608 = vector.shape_cast %broadcast_in_dim3A_1 : vector<16xf32> to vector<1x16xf32>
    tpu.vector_store %arg9[%swap3A_604, %swap3A_605], %swap3A_608 {strides = array<i32>} : memref<128x128xf32, #tpu.memory_space<vmem>>, vector<1x16xf32>,
    %swap3A_609 = arith.constant 12 : i32
    %swap3A_610 = arith.index_cast %swap3A_609 : i32 to index
    %swap3A_611 = arith.constant 80 : index
    %swap3A_612 = tpu.vector_load %arg9[%swap3A_610, %swap3A_611] {strides = array<i32>} : memref<128x128xf32, #tpu.memory_space<vmem>>, vector<1x16xf32>,
    %swap3A_613 = vector.shape_cast %swap3A_612 : vector<1x16xf32> to vector<16xf32>
    %swap3A_614 = vector.shape_cast %broadcast_in_dim3A_1 : vector<16xf32> to vector<1x16xf32>
    tpu.vector_store %arg9[%swap3A_610, %swap3A_611], %swap3A_614 {strides = array<i32>} : memref<128x128xf32, #tpu.memory_space<vmem>>, vector<1x16xf32>,
    %swap3A_615 = arith.constant 12 : i32
    %swap3A_616 = arith.index_cast %swap3A_615 : i32 to index
    %swap3A_617 = arith.constant 96 : index
    %swap3A_618 = tpu.vector_load %arg9[%swap3A_616, %swap3A_617] {strides = array<i32>} : memref<128x128xf32, #tpu.memory_space<vmem>>, vector<1x16xf32>,
    %swap3A_619 = vector.shape_cast %swap3A_618 : vector<1x16xf32> to vector<16xf32>
    %swap3A_620 = vector.shape_cast %broadcast_in_dim3A_1 : vector<16xf32> to vector<1x16xf32>
    tpu.vector_store %arg9[%swap3A_616, %swap3A_617], %swap3A_620 {strides = array<i32>} : memref<128x128xf32, #tpu.memory_space<vmem>>, vector<1x16xf32>,
    %swap3A_621 = arith.constant 12 : i32
    %swap3A_622 = arith.index_cast %swap3A_621 : i32 to index
    %swap3A_623 = arith.constant 112 : index
    %swap3A_624 = tpu.vector_load %arg9[%swap3A_622, %swap3A_623] {strides = array<i32>} : memref<128x128xf32, #tpu.memory_space<vmem>>, vector<1x16xf32>,
    %swap3A_625 = vector.shape_cast %swap3A_624 : vector<1x16xf32> to vector<16xf32>
    %swap3A_626 = vector.shape_cast %broadcast_in_dim3A_1 : vector<16xf32> to vector<1x16xf32>
    tpu.vector_store %arg9[%swap3A_622, %swap3A_623], %swap3A_626 {strides = array<i32>} : memref<128x128xf32, #tpu.memory_space<vmem>>, vector<1x16xf32>,
    %swap3A_627 = arith.constant 13 : i32
    %swap3A_628 = arith.index_cast %swap3A_627 : i32 to index
    %swap3A_629 = arith.constant 0 : index
    %swap3A_630 = tpu.vector_load %arg9[%swap3A_628, %swap3A_629] {strides = array<i32>} : memref<128x128xf32, #tpu.memory_space<vmem>>, vector<1x16xf32>,
    %swap3A_631 = vector.shape_cast %swap3A_630 : vector<1x16xf32> to vector<16xf32>
    %swap3A_632 = vector.shape_cast %broadcast_in_dim3A_1 : vector<16xf32> to vector<1x16xf32>
    tpu.vector_store %arg9[%swap3A_628, %swap3A_629], %swap3A_632 {strides = array<i32>} : memref<128x128xf32, #tpu.memory_space<vmem>>, vector<1x16xf32>,
    %swap3A_633 = arith.constant 13 : i32
    %swap3A_634 = arith.index_cast %swap3A_633 : i32 to index
    %swap3A_635 = arith.constant 16 : index
    %swap3A_636 = tpu.vector_load %arg9[%swap3A_634, %swap3A_635] {strides = array<i32>} : memref<128x128xf32, #tpu.memory_space<vmem>>, vector<1x16xf32>,
    %swap3A_637 = vector.shape_cast %swap3A_636 : vector<1x16xf32> to vector<16xf32>
    %swap3A_638 = vector.shape_cast %broadcast_in_dim3A_1 : vector<16xf32> to vector<1x16xf32>
    tpu.vector_store %arg9[%swap3A_634, %swap3A_635], %swap3A_638 {strides = array<i32>} : memref<128x128xf32, #tpu.memory_space<vmem>>, vector<1x16xf32>,
    %swap3A_639 = arith.constant 13 : i32
    %swap3A_640 = arith.index_cast %swap3A_639 : i32 to index
    %swap3A_641 = arith.constant 32 : index
    %swap3A_642 = tpu.vector_load %arg9[%swap3A_640, %swap3A_641] {strides = array<i32>} : memref<128x128xf32, #tpu.memory_space<vmem>>, vector<1x16xf32>,
    %swap3A_643 = vector.shape_cast %swap3A_642 : vector<1x16xf32> to vector<16xf32>
    %swap3A_644 = vector.shape_cast %broadcast_in_dim3A_1 : vector<16xf32> to vector<1x16xf32>
    tpu.vector_store %arg9[%swap3A_640, %swap3A_641], %swap3A_644 {strides = array<i32>} : memref<128x128xf32, #tpu.memory_space<vmem>>, vector<1x16xf32>,
    %swap3A_645 = arith.constant 13 : i32
    %swap3A_646 = arith.index_cast %swap3A_645 : i32 to index
    %swap3A_647 = arith.constant 48 : index
    %swap3A_648 = tpu.vector_load %arg9[%swap3A_646, %swap3A_647] {strides = array<i32>} : memref<128x128xf32, #tpu.memory_space<vmem>>, vector<1x16xf32>,
    %swap3A_649 = vector.shape_cast %swap3A_648 : vector<1x16xf32> to vector<16xf32>
    %swap3A_650 = vector.shape_cast %broadcast_in_dim3A_1 : vector<16xf32> to vector<1x16xf32>
    tpu.vector_store %arg9[%swap3A_646, %swap3A_647], %swap3A_650 {strides = array<i32>} : memref<128x128xf32, #tpu.memory_space<vmem>>, vector<1x16xf32>,
    %swap3A_651 = arith.constant 13 : i32
    %swap3A_652 = arith.index_cast %swap3A_651 : i32 to index
    %swap3A_653 = arith.constant 64 : index
    %swap3A_654 = tpu.vector_load %arg9[%swap3A_652, %swap3A_653] {strides = array<i32>} : memref<128x128xf32, #tpu.memory_space<vmem>>, vector<1x16xf32>,
    %swap3A_655 = vector.shape_cast %swap3A_654 : vector<1x16xf32> to vector<16xf32>
    %swap3A_656 = vector.shape_cast %broadcast_in_dim3A_1 : vector<16xf32> to vector<1x16xf32>
    tpu.vector_store %arg9[%swap3A_652, %swap3A_653], %swap3A_656 {strides = array<i32>} : memref<128x128xf32, #tpu.memory_space<vmem>>, vector<1x16xf32>,
    %swap3A_657 = arith.constant 13 : i32
    %swap3A_658 = arith.index_cast %swap3A_657 : i32 to index
    %swap3A_659 = arith.constant 80 : index
    %swap3A_660 = tpu.vector_load %arg9[%swap3A_658, %swap3A_659] {strides = array<i32>} : memref<128x128xf32, #tpu.memory_space<vmem>>, vector<1x16xf32>,
    %swap3A_661 = vector.shape_cast %swap3A_660 : vector<1x16xf32> to vector<16xf32>
    %swap3A_662 = vector.shape_cast %broadcast_in_dim3A_1 : vector<16xf32> to vector<1x16xf32>
    tpu.vector_store %arg9[%swap3A_658, %swap3A_659], %swap3A_662 {strides = array<i32>} : memref<128x128xf32, #tpu.memory_space<vmem>>, vector<1x16xf32>,
    %swap3A_663 = arith.constant 13 : i32
    %swap3A_664 = arith.index_cast %swap3A_663 : i32 to index
    %swap3A_665 = arith.constant 96 : index
    %swap3A_666 = tpu.vector_load %arg9[%swap3A_664, %swap3A_665] {strides = array<i32>} : memref<128x128xf32, #tpu.memory_space<vmem>>, vector<1x16xf32>,
    %swap3A_667 = vector.shape_cast %swap3A_666 : vector<1x16xf32> to vector<16xf32>
    %swap3A_668 = vector.shape_cast %broadcast_in_dim3A_1 : vector<16xf32> to vector<1x16xf32>
    tpu.vector_store %arg9[%swap3A_664, %swap3A_665], %swap3A_668 {strides = array<i32>} : memref<128x128xf32, #tpu.memory_space<vmem>>, vector<1x16xf32>,
    %swap3A_669 = arith.constant 13 : i32
    %swap3A_670 = arith.index_cast %swap3A_669 : i32 to index
    %swap3A_671 = arith.constant 112 : index
    %swap3A_672 = tpu.vector_load %arg9[%swap3A_670, %swap3A_671] {strides = array<i32>} : memref<128x128xf32, #tpu.memory_space<vmem>>, vector<1x16xf32>,
    %swap3A_673 = vector.shape_cast %swap3A_672 : vector<1x16xf32> to vector<16xf32>
    %swap3A_674 = vector.shape_cast %broadcast_in_dim3A_1 : vector<16xf32> to vector<1x16xf32>
    tpu.vector_store %arg9[%swap3A_670, %swap3A_671], %swap3A_674 {strides = array<i32>} : memref<128x128xf32, #tpu.memory_space<vmem>>, vector<1x16xf32>,
    %swap3A_675 = arith.constant 14 : i32
    %swap3A_676 = arith.index_cast %swap3A_675 : i32 to index
    %swap3A_677 = arith.constant 0 : index
    %swap3A_678 = tpu.vector_load %arg9[%swap3A_676, %swap3A_677] {strides = array<i32>} : memref<128x128xf32, #tpu.memory_space<vmem>>, vector<1x16xf32>,
    %swap3A_679 = vector.shape_cast %swap3A_678 : vector<1x16xf32> to vector<16xf32>
    %swap3A_680 = vector.shape_cast %broadcast_in_dim3A_1 : vector<16xf32> to vector<1x16xf32>
    tpu.vector_store %arg9[%swap3A_676, %swap3A_677], %swap3A_680 {strides = array<i32>} : memref<128x128xf32, #tpu.memory_space<vmem>>, vector<1x16xf32>,
    %swap3A_681 = arith.constant 14 : i32
    %swap3A_682 = arith.index_cast %swap3A_681 : i32 to index
    %swap3A_683 = arith.constant 16 : index
    %swap3A_684 = tpu.vector_load %arg9[%swap3A_682, %swap3A_683] {strides = array<i32>} : memref<128x128xf32, #tpu.memory_space<vmem>>, vector<1x16xf32>,
    %swap3A_685 = vector.shape_cast %swap3A_684 : vector<1x16xf32> to vector<16xf32>
    %swap3A_686 = vector.shape_cast %broadcast_in_dim3A_1 : vector<16xf32> to vector<1x16xf32>
    tpu.vector_store %arg9[%swap3A_682, %swap3A_683], %swap3A_686 {strides = array<i32>} : memref<128x128xf32, #tpu.memory_space<vmem>>, vector<1x16xf32>,
    %swap3A_687 = arith.constant 14 : i32
    %swap3A_688 = arith.index_cast %swap3A_687 : i32 to index
    %swap3A_689 = arith.constant 32 : index
    %swap3A_690 = tpu.vector_load %arg9[%swap3A_688, %swap3A_689] {strides = array<i32>} : memref<128x128xf32, #tpu.memory_space<vmem>>, vector<1x16xf32>,
    %swap3A_691 = vector.shape_cast %swap3A_690 : vector<1x16xf32> to vector<16xf32>
    %swap3A_692 = vector.shape_cast %broadcast_in_dim3A_1 : vector<16xf32> to vector<1x16xf32>
    tpu.vector_store %arg9[%swap3A_688, %swap3A_689], %swap3A_692 {strides = array<i32>} : memref<128x128xf32, #tpu.memory_space<vmem>>, vector<1x16xf32>,
    %swap3A_693 = arith.constant 14 : i32
    %swap3A_694 = arith.index_cast %swap3A_693 : i32 to index
    %swap3A_695 = arith.constant 48 : index
    %swap3A_696 = tpu.vector_load %arg9[%swap3A_694, %swap3A_695] {strides = array<i32>} : memref<128x128xf32, #tpu.memory_space<vmem>>, vector<1x16xf32>,
    %swap3A_697 = vector.shape_cast %swap3A_696 : vector<1x16xf32> to vector<16xf32>
    %swap3A_698 = vector.shape_cast %broadcast_in_dim3A_1 : vector<16xf32> to vector<1x16xf32>
    tpu.vector_store %arg9[%swap3A_694, %swap3A_695], %swap3A_698 {strides = array<i32>} : memref<128x128xf32, #tpu.memory_space<vmem>>, vector<1x16xf32>,
    %swap3A_699 = arith.constant 14 : i32
    %swap3A_700 = arith.index_cast %swap3A_699 : i32 to index
    %swap3A_701 = arith.constant 64 : index
    %swap3A_702 = tpu.vector_load %arg9[%swap3A_700, %swap3A_701] {strides = array<i32>} : memref<128x128xf32, #tpu.memory_space<vmem>>, vector<1x16xf32>,
    %swap3A_703 = vector.shape_cast %swap3A_702 : vector<1x16xf32> to vector<16xf32>
    %swap3A_704 = vector.shape_cast %broadcast_in_dim3A_1 : vector<16xf32> to vector<1x16xf32>
    tpu.vector_store %arg9[%swap3A_700, %swap3A_701], %swap3A_704 {strides = array<i32>} : memref<128x128xf32, #tpu.memory_space<vmem>>, vector<1x16xf32>,
    %swap3A_705 = arith.constant 14 : i32
    %swap3A_706 = arith.index_cast %swap3A_705 : i32 to index
    %swap3A_707 = arith.constant 80 : index
    %swap3A_708 = tpu.vector_load %arg9[%swap3A_706, %swap3A_707] {strides = array<i32>} : memref<128x128xf32, #tpu.memory_space<vmem>>, vector<1x16xf32>,
    %swap3A_709 = vector.shape_cast %swap3A_708 : vector<1x16xf32> to vector<16xf32>
    %swap3A_710 = vector.shape_cast %broadcast_in_dim3A_1 : vector<16xf32> to vector<1x16xf32>
    tpu.vector_store %arg9[%swap3A_706, %swap3A_707], %swap3A_710 {strides = array<i32>} : memref<128x128xf32, #tpu.memory_space<vmem>>, vector<1x16xf32>,
    %swap3A_711 = arith.constant 14 : i32
    %swap3A_712 = arith.index_cast %swap3A_711 : i32 to index
    %swap3A_713 = arith.constant 96 : index
    %swap3A_714 = tpu.vector_load %arg9[%swap3A_712, %swap3A_713] {strides = array<i32>} : memref<128x128xf32, #tpu.memory_space<vmem>>, vector<1x16xf32>,
    %swap3A_715 = vector.shape_cast %swap3A_714 : vector<1x16xf32> to vector<16xf32>
    %swap3A_716 = vector.shape_cast %broadcast_in_dim3A_1 : vector<16xf32> to vector<1x16xf32>
    tpu.vector_store %arg9[%swap3A_712, %swap3A_713], %swap3A_716 {strides = array<i32>} : memref<128x128xf32, #tpu.memory_space<vmem>>, vector<1x16xf32>,
    %swap3A_717 = arith.constant 14 : i32
    %swap3A_718 = arith.index_cast %swap3A_717 : i32 to index
    %swap3A_719 = arith.constant 112 : index
    %swap3A_720 = tpu.vector_load %arg9[%swap3A_718, %swap3A_719] {strides = array<i32>} : memref<128x128xf32, #tpu.memory_space<vmem>>, vector<1x16xf32>,
    %swap3A_721 = vector.shape_cast %swap3A_720 : vector<1x16xf32> to vector<16xf32>
    %swap3A_722 = vector.shape_cast %broadcast_in_dim3A_1 : vector<16xf32> to vector<1x16xf32>
    tpu.vector_store %arg9[%swap3A_718, %swap3A_719], %swap3A_722 {strides = array<i32>} : memref<128x128xf32, #tpu.memory_space<vmem>>, vector<1x16xf32>,
    %swap3A_723 = arith.constant 15 : i32
    %swap3A_724 = arith.index_cast %swap3A_723 : i32 to index
    %swap3A_725 = arith.constant 0 : index
    %swap3A_726 = tpu.vector_load %arg9[%swap3A_724, %swap3A_725] {strides = array<i32>} : memref<128x128xf32, #tpu.memory_space<vmem>>, vector<1x16xf32>,
    %swap3A_727 = vector.shape_cast %swap3A_726 : vector<1x16xf32> to vector<16xf32>
    %swap3A_728 = vector.shape_cast %broadcast_in_dim3A_1 : vector<16xf32> to vector<1x16xf32>
    tpu.vector_store %arg9[%swap3A_724, %swap3A_725], %swap3A_728 {strides = array<i32>} : memref<128x128xf32, #tpu.memory_space<vmem>>, vector<1x16xf32>,
    %swap3A_729 = arith.constant 15 : i32
    %swap3A_730 = arith.index_cast %swap3A_729 : i32 to index
    %swap3A_731 = arith.constant 16 : index
    %swap3A_732 = tpu.vector_load %arg9[%swap3A_730, %swap3A_731] {strides = array<i32>} : memref<128x128xf32, #tpu.memory_space<vmem>>, vector<1x16xf32>,
    %swap3A_733 = vector.shape_cast %swap3A_732 : vector<1x16xf32> to vector<16xf32>
    %swap3A_734 = vector.shape_cast %broadcast_in_dim3A_1 : vector<16xf32> to vector<1x16xf32>
    tpu.vector_store %arg9[%swap3A_730, %swap3A_731], %swap3A_734 {strides = array<i32>} : memref<128x128xf32, #tpu.memory_space<vmem>>, vector<1x16xf32>,
    %swap3A_735 = arith.constant 15 : i32
    %swap3A_736 = arith.index_cast %swap3A_735 : i32 to index
    %swap3A_737 = arith.constant 32 : index
    %swap3A_738 = tpu.vector_load %arg9[%swap3A_736, %swap3A_737] {strides = array<i32>} : memref<128x128xf32, #tpu.memory_space<vmem>>, vector<1x16xf32>,
    %swap3A_739 = vector.shape_cast %swap3A_738 : vector<1x16xf32> to vector<16xf32>
    %swap3A_740 = vector.shape_cast %broadcast_in_dim3A_1 : vector<16xf32> to vector<1x16xf32>
    tpu.vector_store %arg9[%swap3A_736, %swap3A_737], %swap3A_740 {strides = array<i32>} : memref<128x128xf32, #tpu.memory_space<vmem>>, vector<1x16xf32>,
    %swap3A_741 = arith.constant 15 : i32
    %swap3A_742 = arith.index_cast %swap3A_741 : i32 to index
    %swap3A_743 = arith.constant 48 : index
    %swap3A_744 = tpu.vector_load %arg9[%swap3A_742, %swap3A_743] {strides = array<i32>} : memref<128x128xf32, #tpu.memory_space<vmem>>, vector<1x16xf32>,
    %swap3A_745 = vector.shape_cast %swap3A_744 : vector<1x16xf32> to vector<16xf32>
    %swap3A_746 = vector.shape_cast %broadcast_in_dim3A_1 : vector<16xf32> to vector<1x16xf32>
    tpu.vector_store %arg9[%swap3A_742, %swap3A_743], %swap3A_746 {strides = array<i32>} : memref<128x128xf32, #tpu.memory_space<vmem>>, vector<1x16xf32>,
    %swap3A_747 = arith.constant 15 : i32
    %swap3A_748 = arith.index_cast %swap3A_747 : i32 to index
    %swap3A_749 = arith.constant 64 : index
    %swap3A_750 = tpu.vector_load %arg9[%swap3A_748, %swap3A_749] {strides = array<i32>} : memref<128x128xf32, #tpu.memory_space<vmem>>, vector<1x16xf32>,
    %swap3A_751 = vector.shape_cast %swap3A_750 : vector<1x16xf32> to vector<16xf32>
    %swap3A_752 = vector.shape_cast %broadcast_in_dim3A_1 : vector<16xf32> to vector<1x16xf32>
    tpu.vector_store %arg9[%swap3A_748, %swap3A_749], %swap3A_752 {strides = array<i32>} : memref<128x128xf32, #tpu.memory_space<vmem>>, vector<1x16xf32>,
    %swap3A_753 = arith.constant 15 : i32
    %swap3A_754 = arith.index_cast %swap3A_753 : i32 to index
    %swap3A_755 = arith.constant 80 : index
    %swap3A_756 = tpu.vector_load %arg9[%swap3A_754, %swap3A_755] {strides = array<i32>} : memref<128x128xf32, #tpu.memory_space<vmem>>, vector<1x16xf32>,
    %swap3A_757 = vector.shape_cast %swap3A_756 : vector<1x16xf32> to vector<16xf32>
    %swap3A_758 = vector.shape_cast %broadcast_in_dim3A_1 : vector<16xf32> to vector<1x16xf32>
    tpu.vector_store %arg9[%swap3A_754, %swap3A_755], %swap3A_758 {strides = array<i32>} : memref<128x128xf32, #tpu.memory_space<vmem>>, vector<1x16xf32>,
    %swap3A_759 = arith.constant 15 : i32
    %swap3A_760 = arith.index_cast %swap3A_759 : i32 to index
    %swap3A_761 = arith.constant 96 : index
    %swap3A_762 = tpu.vector_load %arg9[%swap3A_760, %swap3A_761] {strides = array<i32>} : memref<128x128xf32, #tpu.memory_space<vmem>>, vector<1x16xf32>,
    %swap3A_763 = vector.shape_cast %swap3A_762 : vector<1x16xf32> to vector<16xf32>
    %swap3A_764 = vector.shape_cast %broadcast_in_dim3A_1 : vector<16xf32> to vector<1x16xf32>
    tpu.vector_store %arg9[%swap3A_760, %swap3A_761], %swap3A_764 {strides = array<i32>} : memref<128x128xf32, #tpu.memory_space<vmem>>, vector<1x16xf32>,
    %swap3A_765 = arith.constant 15 : i32
    %swap3A_766 = arith.index_cast %swap3A_765 : i32 to index
    %swap3A_767 = arith.constant 112 : index
    %swap3A_768 = tpu.vector_load %arg9[%swap3A_766, %swap3A_767] {strides = array<i32>} : memref<128x128xf32, #tpu.memory_space<vmem>>, vector<1x16xf32>,
    %swap3A_769 = vector.shape_cast %swap3A_768 : vector<1x16xf32> to vector<16xf32>
    %swap3A_770 = vector.shape_cast %broadcast_in_dim3A_1 : vector<16xf32> to vector<1x16xf32>
    tpu.vector_store %arg9[%swap3A_766, %swap3A_767], %swap3A_770 {strides = array<i32>} : memref<128x128xf32, #tpu.memory_space<vmem>>, vector<1x16xf32>,
    %swap3A_771 = arith.constant 16 : i32
    %swap3A_772 = arith.index_cast %swap3A_771 : i32 to index
    %swap3A_773 = arith.constant 0 : index
    %swap3A_774 = tpu.vector_load %arg9[%swap3A_772, %swap3A_773] {strides = array<i32>} : memref<128x128xf32, #tpu.memory_space<vmem>>, vector<1x16xf32>,
    %swap3A_775 = vector.shape_cast %swap3A_774 : vector<1x16xf32> to vector<16xf32>
    %swap3A_776 = vector.shape_cast %broadcast_in_dim3A_1 : vector<16xf32> to vector<1x16xf32>
    tpu.vector_store %arg9[%swap3A_772, %swap3A_773], %swap3A_776 {strides = array<i32>} : memref<128x128xf32, #tpu.memory_space<vmem>>, vector<1x16xf32>,
    %swap3A_777 = arith.constant 16 : i32
    %swap3A_778 = arith.index_cast %swap3A_777 : i32 to index
    %swap3A_779 = arith.constant 16 : index
    %swap3A_780 = tpu.vector_load %arg9[%swap3A_778, %swap3A_779] {strides = array<i32>} : memref<128x128xf32, #tpu.memory_space<vmem>>, vector<1x16xf32>,
    %swap3A_781 = vector.shape_cast %swap3A_780 : vector<1x16xf32> to vector<16xf32>
    %swap3A_782 = vector.shape_cast %broadcast_in_dim3A_1 : vector<16xf32> to vector<1x16xf32>
    tpu.vector_store %arg9[%swap3A_778, %swap3A_779], %swap3A_782 {strides = array<i32>} : memref<128x128xf32, #tpu.memory_space<vmem>>, vector<1x16xf32>,
    %swap3A_783 = arith.constant 16 : i32
    %swap3A_784 = arith.index_cast %swap3A_783 : i32 to index
    %swap3A_785 = arith.constant 32 : index
    %swap3A_786 = tpu.vector_load %arg9[%swap3A_784, %swap3A_785] {strides = array<i32>} : memref<128x128xf32, #tpu.memory_space<vmem>>, vector<1x16xf32>,
    %swap3A_787 = vector.shape_cast %swap3A_786 : vector<1x16xf32> to vector<16xf32>
    %swap3A_788 = vector.shape_cast %broadcast_in_dim3A_1 : vector<16xf32> to vector<1x16xf32>
    tpu.vector_store %arg9[%swap3A_784, %swap3A_785], %swap3A_788 {strides = array<i32>} : memref<128x128xf32, #tpu.memory_space<vmem>>, vector<1x16xf32>,
    %swap3A_789 = arith.constant 16 : i32
    %swap3A_790 = arith.index_cast %swap3A_789 : i32 to index
    %swap3A_791 = arith.constant 48 : index
    %swap3A_792 = tpu.vector_load %arg9[%swap3A_790, %swap3A_791] {strides = array<i32>} : memref<128x128xf32, #tpu.memory_space<vmem>>, vector<1x16xf32>,
    %swap3A_793 = vector.shape_cast %swap3A_792 : vector<1x16xf32> to vector<16xf32>
    %swap3A_794 = vector.shape_cast %broadcast_in_dim3A_1 : vector<16xf32> to vector<1x16xf32>
    tpu.vector_store %arg9[%swap3A_790, %swap3A_791], %swap3A_794 {strides = array<i32>} : memref<128x128xf32, #tpu.memory_space<vmem>>, vector<1x16xf32>,
    %swap3A_795 = arith.constant 16 : i32
    %swap3A_796 = arith.index_cast %swap3A_795 : i32 to index
    %swap3A_797 = arith.constant 64 : index
    %swap3A_798 = tpu.vector_load %arg9[%swap3A_796, %swap3A_797] {strides = array<i32>} : memref<128x128xf32, #tpu.memory_space<vmem>>, vector<1x16xf32>,
    %swap3A_799 = vector.shape_cast %swap3A_798 : vector<1x16xf32> to vector<16xf32>
    %swap3A_800 = vector.shape_cast %broadcast_in_dim3A_1 : vector<16xf32> to vector<1x16xf32>
    tpu.vector_store %arg9[%swap3A_796, %swap3A_797], %swap3A_800 {strides = array<i32>} : memref<128x128xf32, #tpu.memory_space<vmem>>, vector<1x16xf32>,
    %swap3A_801 = arith.constant 16 : i32
    %swap3A_802 = arith.index_cast %swap3A_801 : i32 to index
    %swap3A_803 = arith.constant 80 : index
    %swap3A_804 = tpu.vector_load %arg9[%swap3A_802, %swap3A_803] {strides = array<i32>} : memref<128x128xf32, #tpu.memory_space<vmem>>, vector<1x16xf32>,
    %swap3A_805 = vector.shape_cast %swap3A_804 : vector<1x16xf32> to vector<16xf32>
    %swap3A_806 = vector.shape_cast %broadcast_in_dim3A_1 : vector<16xf32> to vector<1x16xf32>
    tpu.vector_store %arg9[%swap3A_802, %swap3A_803], %swap3A_806 {strides = array<i32>} : memref<128x128xf32, #tpu.memory_space<vmem>>, vector<1x16xf32>,
    %swap3A_807 = arith.constant 16 : i32
    %swap3A_808 = arith.index_cast %swap3A_807 : i32 to index
    %swap3A_809 = arith.constant 96 : index
    %swap3A_810 = tpu.vector_load %arg9[%swap3A_808, %swap3A_809] {strides = array<i32>} : memref<128x128xf32, #tpu.memory_space<vmem>>, vector<1x16xf32>,
    %swap3A_811 = vector.shape_cast %swap3A_810 : vector<1x16xf32> to vector<16xf32>
    %swap3A_812 = vector.shape_cast %broadcast_in_dim3A_1 : vector<16xf32> to vector<1x16xf32>
    tpu.vector_store %arg9[%swap3A_808, %swap3A_809], %swap3A_812 {strides = array<i32>} : memref<128x128xf32, #tpu.memory_space<vmem>>, vector<1x16xf32>,
    %swap3A_813 = arith.constant 16 : i32
    %swap3A_814 = arith.index_cast %swap3A_813 : i32 to index
    %swap3A_815 = arith.constant 112 : index
    %swap3A_816 = tpu.vector_load %arg9[%swap3A_814, %swap3A_815] {strides = array<i32>} : memref<128x128xf32, #tpu.memory_space<vmem>>, vector<1x16xf32>,
    %swap3A_817 = vector.shape_cast %swap3A_816 : vector<1x16xf32> to vector<16xf32>
    %swap3A_818 = vector.shape_cast %broadcast_in_dim3A_1 : vector<16xf32> to vector<1x16xf32>
    tpu.vector_store %arg9[%swap3A_814, %swap3A_815], %swap3A_818 {strides = array<i32>} : memref<128x128xf32, #tpu.memory_space<vmem>>, vector<1x16xf32>,
    %swap3A_819 = arith.constant 17 : i32
    %swap3A_820 = arith.index_cast %swap3A_819 : i32 to index
    %swap3A_821 = arith.constant 0 : index
    %swap3A_822 = tpu.vector_load %arg9[%swap3A_820, %swap3A_821] {strides = array<i32>} : memref<128x128xf32, #tpu.memory_space<vmem>>, vector<1x16xf32>,
    %swap3A_823 = vector.shape_cast %swap3A_822 : vector<1x16xf32> to vector<16xf32>
    %swap3A_824 = vector.shape_cast %broadcast_in_dim3A_1 : vector<16xf32> to vector<1x16xf32>
    tpu.vector_store %arg9[%swap3A_820, %swap3A_821], %swap3A_824 {strides = array<i32>} : memref<128x128xf32, #tpu.memory_space<vmem>>, vector<1x16xf32>,
    %swap3A_825 = arith.constant 17 : i32
    %swap3A_826 = arith.index_cast %swap3A_825 : i32 to index
    %swap3A_827 = arith.constant 16 : index
    %swap3A_828 = tpu.vector_load %arg9[%swap3A_826, %swap3A_827] {strides = array<i32>} : memref<128x128xf32, #tpu.memory_space<vmem>>, vector<1x16xf32>,
    %swap3A_829 = vector.shape_cast %swap3A_828 : vector<1x16xf32> to vector<16xf32>
    %swap3A_830 = vector.shape_cast %broadcast_in_dim3A_1 : vector<16xf32> to vector<1x16xf32>
    tpu.vector_store %arg9[%swap3A_826, %swap3A_827], %swap3A_830 {strides = array<i32>} : memref<128x128xf32, #tpu.memory_space<vmem>>, vector<1x16xf32>,
    %swap3A_831 = arith.constant 17 : i32
    %swap3A_832 = arith.index_cast %swap3A_831 : i32 to index
    %swap3A_833 = arith.constant 32 : index
    %swap3A_834 = tpu.vector_load %arg9[%swap3A_832, %swap3A_833] {strides = array<i32>} : memref<128x128xf32, #tpu.memory_space<vmem>>, vector<1x16xf32>,
    %swap3A_835 = vector.shape_cast %swap3A_834 : vector<1x16xf32> to vector<16xf32>
    %swap3A_836 = vector.shape_cast %broadcast_in_dim3A_1 : vector<16xf32> to vector<1x16xf32>
    tpu.vector_store %arg9[%swap3A_832, %swap3A_833], %swap3A_836 {strides = array<i32>} : memref<128x128xf32, #tpu.memory_space<vmem>>, vector<1x16xf32>,
    %swap3A_837 = arith.constant 17 : i32
    %swap3A_838 = arith.index_cast %swap3A_837 : i32 to index
    %swap3A_839 = arith.constant 48 : index
    %swap3A_840 = tpu.vector_load %arg9[%swap3A_838, %swap3A_839] {strides = array<i32>} : memref<128x128xf32, #tpu.memory_space<vmem>>, vector<1x16xf32>,
    %swap3A_841 = vector.shape_cast %swap3A_840 : vector<1x16xf32> to vector<16xf32>
    %swap3A_842 = vector.shape_cast %broadcast_in_dim3A_1 : vector<16xf32> to vector<1x16xf32>
    tpu.vector_store %arg9[%swap3A_838, %swap3A_839], %swap3A_842 {strides = array<i32>} : memref<128x128xf32, #tpu.memory_space<vmem>>, vector<1x16xf32>,
    %swap3A_843 = arith.constant 17 : i32
    %swap3A_844 = arith.index_cast %swap3A_843 : i32 to index
    %swap3A_845 = arith.constant 64 : index
    %swap3A_846 = tpu.vector_load %arg9[%swap3A_844, %swap3A_845] {strides = array<i32>} : memref<128x128xf32, #tpu.memory_space<vmem>>, vector<1x16xf32>,
    %swap3A_847 = vector.shape_cast %swap3A_846 : vector<1x16xf32> to vector<16xf32>
    %swap3A_848 = vector.shape_cast %broadcast_in_dim3A_1 : vector<16xf32> to vector<1x16xf32>
    tpu.vector_store %arg9[%swap3A_844, %swap3A_845], %swap3A_848 {strides = array<i32>} : memref<128x128xf32, #tpu.memory_space<vmem>>, vector<1x16xf32>,
    %swap3A_849 = arith.constant 17 : i32
    %swap3A_850 = arith.index_cast %swap3A_849 : i32 to index
    %swap3A_851 = arith.constant 80 : index
    %swap3A_852 = tpu.vector_load %arg9[%swap3A_850, %swap3A_851] {strides = array<i32>} : memref<128x128xf32, #tpu.memory_space<vmem>>, vector<1x16xf32>,
    %swap3A_853 = vector.shape_cast %swap3A_852 : vector<1x16xf32> to vector<16xf32>
    %swap3A_854 = vector.shape_cast %broadcast_in_dim3A_1 : vector<16xf32> to vector<1x16xf32>
    tpu.vector_store %arg9[%swap3A_850, %swap3A_851], %swap3A_854 {strides = array<i32>} : memref<128x128xf32, #tpu.memory_space<vmem>>, vector<1x16xf32>,
    %swap3A_855 = arith.constant 17 : i32
    %swap3A_856 = arith.index_cast %swap3A_855 : i32 to index
    %swap3A_857 = arith.constant 96 : index
    %swap3A_858 = tpu.vector_load %arg9[%swap3A_856, %swap3A_857] {strides = array<i32>} : memref<128x128xf32, #tpu.memory_space<vmem>>, vector<1x16xf32>,
    %swap3A_859 = vector.shape_cast %swap3A_858 : vector<1x16xf32> to vector<16xf32>
    %swap3A_860 = vector.shape_cast %broadcast_in_dim3A_1 : vector<16xf32> to vector<1x16xf32>
    tpu.vector_store %arg9[%swap3A_856, %swap3A_857], %swap3A_860 {strides = array<i32>} : memref<128x128xf32, #tpu.memory_space<vmem>>, vector<1x16xf32>,
    %swap3A_861 = arith.constant 17 : i32
    %swap3A_862 = arith.index_cast %swap3A_861 : i32 to index
    %swap3A_863 = arith.constant 112 : index
    %swap3A_864 = tpu.vector_load %arg9[%swap3A_862, %swap3A_863] {strides = array<i32>} : memref<128x128xf32, #tpu.memory_space<vmem>>, vector<1x16xf32>,
    %swap3A_865 = vector.shape_cast %swap3A_864 : vector<1x16xf32> to vector<16xf32>
    %swap3A_866 = vector.shape_cast %broadcast_in_dim3A_1 : vector<16xf32> to vector<1x16xf32>
    tpu.vector_store %arg9[%swap3A_862, %swap3A_863], %swap3A_866 {strides = array<i32>} : memref<128x128xf32, #tpu.memory_space<vmem>>, vector<1x16xf32>,
    %swap3A_867 = arith.constant 18 : i32
    %swap3A_868 = arith.index_cast %swap3A_867 : i32 to index
    %swap3A_869 = arith.constant 0 : index
    %swap3A_870 = tpu.vector_load %arg9[%swap3A_868, %swap3A_869] {strides = array<i32>} : memref<128x128xf32, #tpu.memory_space<vmem>>, vector<1x16xf32>,
    %swap3A_871 = vector.shape_cast %swap3A_870 : vector<1x16xf32> to vector<16xf32>
    %swap3A_872 = vector.shape_cast %broadcast_in_dim3A_1 : vector<16xf32> to vector<1x16xf32>
    tpu.vector_store %arg9[%swap3A_868, %swap3A_869], %swap3A_872 {strides = array<i32>} : memref<128x128xf32, #tpu.memory_space<vmem>>, vector<1x16xf32>,
    %swap3A_873 = arith.constant 18 : i32
    %swap3A_874 = arith.index_cast %swap3A_873 : i32 to index
    %swap3A_875 = arith.constant 16 : index
    %swap3A_876 = tpu.vector_load %arg9[%swap3A_874, %swap3A_875] {strides = array<i32>} : memref<128x128xf32, #tpu.memory_space<vmem>>, vector<1x16xf32>,
    %swap3A_877 = vector.shape_cast %swap3A_876 : vector<1x16xf32> to vector<16xf32>
    %swap3A_878 = vector.shape_cast %broadcast_in_dim3A_1 : vector<16xf32> to vector<1x16xf32>
    tpu.vector_store %arg9[%swap3A_874, %swap3A_875], %swap3A_878 {strides = array<i32>} : memref<128x128xf32, #tpu.memory_space<vmem>>, vector<1x16xf32>,
    %swap3A_879 = arith.constant 18 : i32
    %swap3A_880 = arith.index_cast %swap3A_879 : i32 to index
    %swap3A_881 = arith.constant 32 : index
    %swap3A_882 = tpu.vector_load %arg9[%swap3A_880, %swap3A_881] {strides = array<i32>} : memref<128x128xf32, #tpu.memory_space<vmem>>, vector<1x16xf32>,
    %swap3A_883 = vector.shape_cast %swap3A_882 : vector<1x16xf32> to vector<16xf32>
    %swap3A_884 = vector.shape_cast %broadcast_in_dim3A_1 : vector<16xf32> to vector<1x16xf32>
    tpu.vector_store %arg9[%swap3A_880, %swap3A_881], %swap3A_884 {strides = array<i32>} : memref<128x128xf32, #tpu.memory_space<vmem>>, vector<1x16xf32>,
    %swap3A_885 = arith.constant 18 : i32
    %swap3A_886 = arith.index_cast %swap3A_885 : i32 to index
    %swap3A_887 = arith.constant 48 : index
    %swap3A_888 = tpu.vector_load %arg9[%swap3A_886, %swap3A_887] {strides = array<i32>} : memref<128x128xf32, #tpu.memory_space<vmem>>, vector<1x16xf32>,
    %swap3A_889 = vector.shape_cast %swap3A_888 : vector<1x16xf32> to vector<16xf32>
    %swap3A_890 = vector.shape_cast %broadcast_in_dim3A_1 : vector<16xf32> to vector<1x16xf32>
    tpu.vector_store %arg9[%swap3A_886, %swap3A_887], %swap3A_890 {strides = array<i32>} : memref<128x128xf32, #tpu.memory_space<vmem>>, vector<1x16xf32>,
    %swap3A_891 = arith.constant 18 : i32
    %swap3A_892 = arith.index_cast %swap3A_891 : i32 to index
    %swap3A_893 = arith.constant 64 : index
    %swap3A_894 = tpu.vector_load %arg9[%swap3A_892, %swap3A_893] {strides = array<i32>} : memref<128x128xf32, #tpu.memory_space<vmem>>, vector<1x16xf32>,
    %swap3A_895 = vector.shape_cast %swap3A_894 : vector<1x16xf32> to vector<16xf32>
    %swap3A_896 = vector.shape_cast %broadcast_in_dim3A_1 : vector<16xf32> to vector<1x16xf32>
    tpu.vector_store %arg9[%swap3A_892, %swap3A_893], %swap3A_896 {strides = array<i32>} : memref<128x128xf32, #tpu.memory_space<vmem>>, vector<1x16xf32>,
    %swap3A_897 = arith.constant 18 : i32
    %swap3A_898 = arith.index_cast %swap3A_897 : i32 to index
    %swap3A_899 = arith.constant 80 : index
    %swap3A_900 = tpu.vector_load %arg9[%swap3A_898, %swap3A_899] {strides = array<i32>} : memref<128x128xf32, #tpu.memory_space<vmem>>, vector<1x16xf32>,
    %swap3A_901 = vector.shape_cast %swap3A_900 : vector<1x16xf32> to vector<16xf32>
    %swap3A_902 = vector.shape_cast %broadcast_in_dim3A_1 : vector<16xf32> to vector<1x16xf32>
    tpu.vector_store %arg9[%swap3A_898, %swap3A_899], %swap3A_902 {strides = array<i32>} : memref<128x128xf32, #tpu.memory_space<vmem>>, vector<1x16xf32>,
    %swap3A_903 = arith.constant 18 : i32
    %swap3A_904 = arith.index_cast %swap3A_903 : i32 to index
    %swap3A_905 = arith.constant 96 : index
    %swap3A_906 = tpu.vector_load %arg9[%swap3A_904, %swap3A_905] {strides = array<i32>} : memref<128x128xf32, #tpu.memory_space<vmem>>, vector<1x16xf32>,
    %swap3A_907 = vector.shape_cast %swap3A_906 : vector<1x16xf32> to vector<16xf32>
    %swap3A_908 = vector.shape_cast %broadcast_in_dim3A_1 : vector<16xf32> to vector<1x16xf32>
    tpu.vector_store %arg9[%swap3A_904, %swap3A_905], %swap3A_908 {strides = array<i32>} : memref<128x128xf32, #tpu.memory_space<vmem>>, vector<1x16xf32>,
    %swap3A_909 = arith.constant 18 : i32
    %swap3A_910 = arith.index_cast %swap3A_909 : i32 to index
    %swap3A_911 = arith.constant 112 : index
    %swap3A_912 = tpu.vector_load %arg9[%swap3A_910, %swap3A_911] {strides = array<i32>} : memref<128x128xf32, #tpu.memory_space<vmem>>, vector<1x16xf32>,
    %swap3A_913 = vector.shape_cast %swap3A_912 : vector<1x16xf32> to vector<16xf32>
    %swap3A_914 = vector.shape_cast %broadcast_in_dim3A_1 : vector<16xf32> to vector<1x16xf32>
    tpu.vector_store %arg9[%swap3A_910, %swap3A_911], %swap3A_914 {strides = array<i32>} : memref<128x128xf32, #tpu.memory_space<vmem>>, vector<1x16xf32>,
    %swap3A_915 = arith.constant 19 : i32
    %swap3A_916 = arith.index_cast %swap3A_915 : i32 to index
    %swap3A_917 = arith.constant 0 : index
    %swap3A_918 = tpu.vector_load %arg9[%swap3A_916, %swap3A_917] {strides = array<i32>} : memref<128x128xf32, #tpu.memory_space<vmem>>, vector<1x16xf32>,
    %swap3A_919 = vector.shape_cast %swap3A_918 : vector<1x16xf32> to vector<16xf32>
    %swap3A_920 = vector.shape_cast %broadcast_in_dim3A_1 : vector<16xf32> to vector<1x16xf32>
    tpu.vector_store %arg9[%swap3A_916, %swap3A_917], %swap3A_920 {strides = array<i32>} : memref<128x128xf32, #tpu.memory_space<vmem>>, vector<1x16xf32>,
    %swap3A_921 = arith.constant 19 : i32
    %swap3A_922 = arith.index_cast %swap3A_921 : i32 to index
    %swap3A_923 = arith.constant 16 : index
    %swap3A_924 = tpu.vector_load %arg9[%swap3A_922, %swap3A_923] {strides = array<i32>} : memref<128x128xf32, #tpu.memory_space<vmem>>, vector<1x16xf32>,
    %swap3A_925 = vector.shape_cast %swap3A_924 : vector<1x16xf32> to vector<16xf32>
    %swap3A_926 = vector.shape_cast %broadcast_in_dim3A_1 : vector<16xf32> to vector<1x16xf32>
    tpu.vector_store %arg9[%swap3A_922, %swap3A_923], %swap3A_926 {strides = array<i32>} : memref<128x128xf32, #tpu.memory_space<vmem>>, vector<1x16xf32>,
    %swap3A_927 = arith.constant 19 : i32
    %swap3A_928 = arith.index_cast %swap3A_927 : i32 to index
    %swap3A_929 = arith.constant 32 : index
    %swap3A_930 = tpu.vector_load %arg9[%swap3A_928, %swap3A_929] {strides = array<i32>} : memref<128x128xf32, #tpu.memory_space<vmem>>, vector<1x16xf32>,
    %swap3A_931 = vector.shape_cast %swap3A_930 : vector<1x16xf32> to vector<16xf32>
    %swap3A_932 = vector.shape_cast %broadcast_in_dim3A_1 : vector<16xf32> to vector<1x16xf32>
    tpu.vector_store %arg9[%swap3A_928, %swap3A_929], %swap3A_932 {strides = array<i32>} : memref<128x128xf32, #tpu.memory_space<vmem>>, vector<1x16xf32>,
    %swap3A_933 = arith.constant 19 : i32
    %swap3A_934 = arith.index_cast %swap3A_933 : i32 to index
    %swap3A_935 = arith.constant 48 : index
    %swap3A_936 = tpu.vector_load %arg9[%swap3A_934, %swap3A_935] {strides = array<i32>} : memref<128x128xf32, #tpu.memory_space<vmem>>, vector<1x16xf32>,
    %swap3A_937 = vector.shape_cast %swap3A_936 : vector<1x16xf32> to vector<16xf32>
    %swap3A_938 = vector.shape_cast %broadcast_in_dim3A_1 : vector<16xf32> to vector<1x16xf32>
    tpu.vector_store %arg9[%swap3A_934, %swap3A_935], %swap3A_938 {strides = array<i32>} : memref<128x128xf32, #tpu.memory_space<vmem>>, vector<1x16xf32>,
    %swap3A_939 = arith.constant 19 : i32
    %swap3A_940 = arith.index_cast %swap3A_939 : i32 to index
    %swap3A_941 = arith.constant 64 : index
    %swap3A_942 = tpu.vector_load %arg9[%swap3A_940, %swap3A_941] {strides = array<i32>} : memref<128x128xf32, #tpu.memory_space<vmem>>, vector<1x16xf32>,
    %swap3A_943 = vector.shape_cast %swap3A_942 : vector<1x16xf32> to vector<16xf32>
    %swap3A_944 = vector.shape_cast %broadcast_in_dim3A_1 : vector<16xf32> to vector<1x16xf32>
    tpu.vector_store %arg9[%swap3A_940, %swap3A_941], %swap3A_944 {strides = array<i32>} : memref<128x128xf32, #tpu.memory_space<vmem>>, vector<1x16xf32>,
    %swap3A_945 = arith.constant 19 : i32
    %swap3A_946 = arith.index_cast %swap3A_945 : i32 to index
    %swap3A_947 = arith.constant 80 : index
    %swap3A_948 = tpu.vector_load %arg9[%swap3A_946, %swap3A_947] {strides = array<i32>} : memref<128x128xf32, #tpu.memory_space<vmem>>, vector<1x16xf32>,
    %swap3A_949 = vector.shape_cast %swap3A_948 : vector<1x16xf32> to vector<16xf32>
    %swap3A_950 = vector.shape_cast %broadcast_in_dim3A_1 : vector<16xf32> to vector<1x16xf32>
    tpu.vector_store %arg9[%swap3A_946, %swap3A_947], %swap3A_950 {strides = array<i32>} : memref<128x128xf32, #tpu.memory_space<vmem>>, vector<1x16xf32>,
    %swap3A_951 = arith.constant 19 : i32
    %swap3A_952 = arith.index_cast %swap3A_951 : i32 to index
    %swap3A_953 = arith.constant 96 : index
    %swap3A_954 = tpu.vector_load %arg9[%swap3A_952, %swap3A_953] {strides = array<i32>} : memref<128x128xf32, #tpu.memory_space<vmem>>, vector<1x16xf32>,
    %swap3A_955 = vector.shape_cast %swap3A_954 : vector<1x16xf32> to vector<16xf32>
    %swap3A_956 = vector.shape_cast %broadcast_in_dim3A_1 : vector<16xf32> to vector<1x16xf32>
    tpu.vector_store %arg9[%swap3A_952, %swap3A_953], %swap3A_956 {strides = array<i32>} : memref<128x128xf32, #tpu.memory_space<vmem>>, vector<1x16xf32>,
    %swap3A_957 = arith.constant 19 : i32
    %swap3A_958 = arith.index_cast %swap3A_957 : i32 to index
    %swap3A_959 = arith.constant 112 : index
    %swap3A_960 = tpu.vector_load %arg9[%swap3A_958, %swap3A_959] {strides = array<i32>} : memref<128x128xf32, #tpu.memory_space<vmem>>, vector<1x16xf32>,
    %swap3A_961 = vector.shape_cast %swap3A_960 : vector<1x16xf32> to vector<16xf32>
    %swap3A_962 = vector.shape_cast %broadcast_in_dim3A_1 : vector<16xf32> to vector<1x16xf32>
    tpu.vector_store %arg9[%swap3A_958, %swap3A_959], %swap3A_962 {strides = array<i32>} : memref<128x128xf32, #tpu.memory_space<vmem>>, vector<1x16xf32>,
    %swap3A_963 = arith.constant 20 : i32
    %swap3A_964 = arith.index_cast %swap3A_963 : i32 to index
    %swap3A_965 = arith.constant 0 : index
    %swap3A_966 = tpu.vector_load %arg9[%swap3A_964, %swap3A_965] {strides = array<i32>} : memref<128x128xf32, #tpu.memory_space<vmem>>, vector<1x16xf32>,
    %swap3A_967 = vector.shape_cast %swap3A_966 : vector<1x16xf32> to vector<16xf32>
    %swap3A_968 = vector.shape_cast %broadcast_in_dim3A_1 : vector<16xf32> to vector<1x16xf32>
    tpu.vector_store %arg9[%swap3A_964, %swap3A_965], %swap3A_968 {strides = array<i32>} : memref<128x128xf32, #tpu.memory_space<vmem>>, vector<1x16xf32>,
    %swap3A_969 = arith.constant 20 : i32
    %swap3A_970 = arith.index_cast %swap3A_969 : i32 to index
    %swap3A_971 = arith.constant 16 : index
    %swap3A_972 = tpu.vector_load %arg9[%swap3A_970, %swap3A_971] {strides = array<i32>} : memref<128x128xf32, #tpu.memory_space<vmem>>, vector<1x16xf32>,
    %swap3A_973 = vector.shape_cast %swap3A_972 : vector<1x16xf32> to vector<16xf32>
    %swap3A_974 = vector.shape_cast %broadcast_in_dim3A_1 : vector<16xf32> to vector<1x16xf32>
    tpu.vector_store %arg9[%swap3A_970, %swap3A_971], %swap3A_974 {strides = array<i32>} : memref<128x128xf32, #tpu.memory_space<vmem>>, vector<1x16xf32>,
    %swap3A_975 = arith.constant 20 : i32
    %swap3A_976 = arith.index_cast %swap3A_975 : i32 to index
    %swap3A_977 = arith.constant 32 : index
    %swap3A_978 = tpu.vector_load %arg9[%swap3A_976, %swap3A_977] {strides = array<i32>} : memref<128x128xf32, #tpu.memory_space<vmem>>, vector<1x16xf32>,
    %swap3A_979 = vector.shape_cast %swap3A_978 : vector<1x16xf32> to vector<16xf32>
    %swap3A_980 = vector.shape_cast %broadcast_in_dim3A_1 : vector<16xf32> to vector<1x16xf32>
    tpu.vector_store %arg9[%swap3A_976, %swap3A_977], %swap3A_980 {strides = array<i32>} : memref<128x128xf32, #tpu.memory_space<vmem>>, vector<1x16xf32>,
    %swap3A_981 = arith.constant 20 : i32
    %swap3A_982 = arith.index_cast %swap3A_981 : i32 to index
    %swap3A_983 = arith.constant 48 : index
    %swap3A_984 = tpu.vector_load %arg9[%swap3A_982, %swap3A_983] {strides = array<i32>} : memref<128x128xf32, #tpu.memory_space<vmem>>, vector<1x16xf32>,
    %swap3A_985 = vector.shape_cast %swap3A_984 : vector<1x16xf32> to vector<16xf32>
    %swap3A_986 = vector.shape_cast %broadcast_in_dim3A_1 : vector<16xf32> to vector<1x16xf32>
    tpu.vector_store %arg9[%swap3A_982, %swap3A_983], %swap3A_986 {strides = array<i32>} : memref<128x128xf32, #tpu.memory_space<vmem>>, vector<1x16xf32>,
    %swap3A_987 = arith.constant 20 : i32
    %swap3A_988 = arith.index_cast %swap3A_987 : i32 to index
    %swap3A_989 = arith.constant 64 : index
    %swap3A_990 = tpu.vector_load %arg9[%swap3A_988, %swap3A_989] {strides = array<i32>} : memref<128x128xf32, #tpu.memory_space<vmem>>, vector<1x16xf32>,
    %swap3A_991 = vector.shape_cast %swap3A_990 : vector<1x16xf32> to vector<16xf32>
    %swap3A_992 = vector.shape_cast %broadcast_in_dim3A_1 : vector<16xf32> to vector<1x16xf32>
    tpu.vector_store %arg9[%swap3A_988, %swap3A_989], %swap3A_992 {strides = array<i32>} : memref<128x128xf32, #tpu.memory_space<vmem>>, vector<1x16xf32>,
    %swap3A_993 = arith.constant 20 : i32
    %swap3A_994 = arith.index_cast %swap3A_993 : i32 to index
    %swap3A_995 = arith.constant 80 : index
    %swap3A_996 = tpu.vector_load %arg9[%swap3A_994, %swap3A_995] {strides = array<i32>} : memref<128x128xf32, #tpu.memory_space<vmem>>, vector<1x16xf32>,
    %swap3A_997 = vector.shape_cast %swap3A_996 : vector<1x16xf32> to vector<16xf32>
    %swap3A_998 = vector.shape_cast %broadcast_in_dim3A_1 : vector<16xf32> to vector<1x16xf32>
    tpu.vector_store %arg9[%swap3A_994, %swap3A_995], %swap3A_998 {strides = array<i32>} : memref<128x128xf32, #tpu.memory_space<vmem>>, vector<1x16xf32>,
    %swap3A_999 = arith.constant 20 : i32
    %swap3A_1000 = arith.index_cast %swap3A_999 : i32 to index
    %swap3A_1001 = arith.constant 96 : index
    %swap3A_1002 = tpu.vector_load %arg9[%swap3A_1000, %swap3A_1001] {strides = array<i32>} : memref<128x128xf32, #tpu.memory_space<vmem>>, vector<1x16xf32>,
    %swap3A_1003 = vector.shape_cast %swap3A_1002 : vector<1x16xf32> to vector<16xf32>
    %swap3A_1004 = vector.shape_cast %broadcast_in_dim3A_1 : vector<16xf32> to vector<1x16xf32>
    tpu.vector_store %arg9[%swap3A_1000, %swap3A_1001], %swap3A_1004 {strides = array<i32>} : memref<128x128xf32, #tpu.memory_space<vmem>>, vector<1x16xf32>,
    %swap3A_1005 = arith.constant 20 : i32
    %swap3A_1006 = arith.index_cast %swap3A_1005 : i32 to index
    %swap3A_1007 = arith.constant 112 : index
    %swap3A_1008 = tpu.vector_load %arg9[%swap3A_1006, %swap3A_1007] {strides = array<i32>} : memref<128x128xf32, #tpu.memory_space<vmem>>, vector<1x16xf32>,
    %swap3A_1009 = vector.shape_cast %swap3A_1008 : vector<1x16xf32> to vector<16xf32>
    %swap3A_1010 = vector.shape_cast %broadcast_in_dim3A_1 : vector<16xf32> to vector<1x16xf32>
    tpu.vector_store %arg9[%swap3A_1006, %swap3A_1007], %swap3A_1010 {strides = array<i32>} : memref<128x128xf32, #tpu.memory_space<vmem>>, vector<1x16xf32>,
    %swap3A_1011 = arith.constant 21 : i32
    %swap3A_1012 = arith.index_cast %swap3A_1011 : i32 to index
    %swap3A_1013 = arith.constant 0 : index
    %swap3A_1014 = tpu.vector_load %arg9[%swap3A_1012, %swap3A_1013] {strides = array<i32>} : memref<128x128xf32, #tpu.memory_space<vmem>>, vector<1x16xf32>,
    %swap3A_1015 = vector.shape_cast %swap3A_1014 : vector<1x16xf32> to vector<16xf32>
    %swap3A_1016 = vector.shape_cast %broadcast_in_dim3A_1 : vector<16xf32> to vector<1x16xf32>
    tpu.vector_store %arg9[%swap3A_1012, %swap3A_1013], %swap3A_1016 {strides = array<i32>} : memref<128x128xf32, #tpu.memory_space<vmem>>, vector<1x16xf32>,
    %swap3A_1017 = arith.constant 21 : i32
    %swap3A_1018 = arith.index_cast %swap3A_1017 : i32 to index
    %swap3A_1019 = arith.constant 16 : index
    %swap3A_1020 = tpu.vector_load %arg9[%swap3A_1018, %swap3A_1019] {strides = array<i32>} : memref<128x128xf32, #tpu.memory_space<vmem>>, vector<1x16xf32>,
    %swap3A_1021 = vector.shape_cast %swap3A_1020 : vector<1x16xf32> to vector<16xf32>
    %swap3A_1022 = vector.shape_cast %broadcast_in_dim3A_1 : vector<16xf32> to vector<1x16xf32>
    tpu.vector_store %arg9[%swap3A_1018, %swap3A_1019], %swap3A_1022 {strides = array<i32>} : memref<128x128xf32, #tpu.memory_space<vmem>>, vector<1x16xf32>,
    %swap3A_1023 = arith.constant 21 : i32
    %swap3A_1024 = arith.index_cast %swap3A_1023 : i32 to index
    %swap3A_1025 = arith.constant 32 : index
    %swap3A_1026 = tpu.vector_load %arg9[%swap3A_1024, %swap3A_1025] {strides = array<i32>} : memref<128x128xf32, #tpu.memory_space<vmem>>, vector<1x16xf32>,
    %swap3A_1027 = vector.shape_cast %swap3A_1026 : vector<1x16xf32> to vector<16xf32>
    %swap3A_1028 = vector.shape_cast %broadcast_in_dim3A_1 : vector<16xf32> to vector<1x16xf32>
    tpu.vector_store %arg9[%swap3A_1024, %swap3A_1025], %swap3A_1028 {strides = array<i32>} : memref<128x128xf32, #tpu.memory_space<vmem>>, vector<1x16xf32>,
    %swap3A_1029 = arith.constant 21 : i32
    %swap3A_1030 = arith.index_cast %swap3A_1029 : i32 to index
    %swap3A_1031 = arith.constant 48 : index
    %swap3A_1032 = tpu.vector_load %arg9[%swap3A_1030, %swap3A_1031] {strides = array<i32>} : memref<128x128xf32, #tpu.memory_space<vmem>>, vector<1x16xf32>,
    %swap3A_1033 = vector.shape_cast %swap3A_1032 : vector<1x16xf32> to vector<16xf32>
    %swap3A_1034 = vector.shape_cast %broadcast_in_dim3A_1 : vector<16xf32> to vector<1x16xf32>
    tpu.vector_store %arg9[%swap3A_1030, %swap3A_1031], %swap3A_1034 {strides = array<i32>} : memref<128x128xf32, #tpu.memory_space<vmem>>, vector<1x16xf32>,
    %swap3A_1035 = arith.constant 21 : i32
    %swap3A_1036 = arith.index_cast %swap3A_1035 : i32 to index
    %swap3A_1037 = arith.constant 64 : index
    %swap3A_1038 = tpu.vector_load %arg9[%swap3A_1036, %swap3A_1037] {strides = array<i32>} : memref<128x128xf32, #tpu.memory_space<vmem>>, vector<1x16xf32>,
    %swap3A_1039 = vector.shape_cast %swap3A_1038 : vector<1x16xf32> to vector<16xf32>
    %swap3A_1040 = vector.shape_cast %broadcast_in_dim3A_1 : vector<16xf32> to vector<1x16xf32>
    tpu.vector_store %arg9[%swap3A_1036, %swap3A_1037], %swap3A_1040 {strides = array<i32>} : memref<128x128xf32, #tpu.memory_space<vmem>>, vector<1x16xf32>,
    %swap3A_1041 = arith.constant 21 : i32
    %swap3A_1042 = arith.index_cast %swap3A_1041 : i32 to index
    %swap3A_1043 = arith.constant 80 : index
    %swap3A_1044 = tpu.vector_load %arg9[%swap3A_1042, %swap3A_1043] {strides = array<i32>} : memref<128x128xf32, #tpu.memory_space<vmem>>, vector<1x16xf32>,
    %swap3A_1045 = vector.shape_cast %swap3A_1044 : vector<1x16xf32> to vector<16xf32>
    %swap3A_1046 = vector.shape_cast %broadcast_in_dim3A_1 : vector<16xf32> to vector<1x16xf32>
    tpu.vector_store %arg9[%swap3A_1042, %swap3A_1043], %swap3A_1046 {strides = array<i32>} : memref<128x128xf32, #tpu.memory_space<vmem>>, vector<1x16xf32>,
    %swap3A_1047 = arith.constant 21 : i32
    %swap3A_1048 = arith.index_cast %swap3A_1047 : i32 to index
    %swap3A_1049 = arith.constant 96 : index
    %swap3A_1050 = tpu.vector_load %arg9[%swap3A_1048, %swap3A_1049] {strides = array<i32>} : memref<128x128xf32, #tpu.memory_space<vmem>>, vector<1x16xf32>,
    %swap3A_1051 = vector.shape_cast %swap3A_1050 : vector<1x16xf32> to vector<16xf32>
    %swap3A_1052 = vector.shape_cast %broadcast_in_dim3A_1 : vector<16xf32> to vector<1x16xf32>
    tpu.vector_store %arg9[%swap3A_1048, %swap3A_1049], %swap3A_1052 {strides = array<i32>} : memref<128x128xf32, #tpu.memory_space<vmem>>, vector<1x16xf32>,
    %swap3A_1053 = arith.constant 21 : i32
    %swap3A_1054 = arith.index_cast %swap3A_1053 : i32 to index
    %swap3A_1055 = arith.constant 112 : index
    %swap3A_1056 = tpu.vector_load %arg9[%swap3A_1054, %swap3A_1055] {strides = array<i32>} : memref<128x128xf32, #tpu.memory_space<vmem>>, vector<1x16xf32>,
    %swap3A_1057 = vector.shape_cast %swap3A_1056 : vector<1x16xf32> to vector<16xf32>
    %swap3A_1058 = vector.shape_cast %broadcast_in_dim3A_1 : vector<16xf32> to vector<1x16xf32>
    tpu.vector_store %arg9[%swap3A_1054, %swap3A_1055], %swap3A_1058 {strides = array<i32>} : memref<128x128xf32, #tpu.memory_space<vmem>>, vector<1x16xf32>,
    %swap3A_1059 = arith.constant 22 : i32
    %swap3A_1060 = arith.index_cast %swap3A_1059 : i32 to index
    %swap3A_1061 = arith.constant 0 : index
    %swap3A_1062 = tpu.vector_load %arg9[%swap3A_1060, %swap3A_1061] {strides = array<i32>} : memref<128x128xf32, #tpu.memory_space<vmem>>, vector<1x16xf32>,
    %swap3A_1063 = vector.shape_cast %swap3A_1062 : vector<1x16xf32> to vector<16xf32>
    %swap3A_1064 = vector.shape_cast %broadcast_in_dim3A_1 : vector<16xf32> to vector<1x16xf32>
    tpu.vector_store %arg9[%swap3A_1060, %swap3A_1061], %swap3A_1064 {strides = array<i32>} : memref<128x128xf32, #tpu.memory_space<vmem>>, vector<1x16xf32>,
    %swap3A_1065 = arith.constant 22 : i32
    %swap3A_1066 = arith.index_cast %swap3A_1065 : i32 to index
    %swap3A_1067 = arith.constant 16 : index
    %swap3A_1068 = tpu.vector_load %arg9[%swap3A_1066, %swap3A_1067] {strides = array<i32>} : memref<128x128xf32, #tpu.memory_space<vmem>>, vector<1x16xf32>,
    %swap3A_1069 = vector.shape_cast %swap3A_1068 : vector<1x16xf32> to vector<16xf32>
    %swap3A_1070 = vector.shape_cast %broadcast_in_dim3A_1 : vector<16xf32> to vector<1x16xf32>
    tpu.vector_store %arg9[%swap3A_1066, %swap3A_1067], %swap3A_1070 {strides = array<i32>} : memref<128x128xf32, #tpu.memory_space<vmem>>, vector<1x16xf32>,
    %swap3A_1071 = arith.constant 22 : i32
    %swap3A_1072 = arith.index_cast %swap3A_1071 : i32 to index
    %swap3A_1073 = arith.constant 32 : index
    %swap3A_1074 = tpu.vector_load %arg9[%swap3A_1072, %swap3A_1073] {strides = array<i32>} : memref<128x128xf32, #tpu.memory_space<vmem>>, vector<1x16xf32>,
    %swap3A_1075 = vector.shape_cast %swap3A_1074 : vector<1x16xf32> to vector<16xf32>
    %swap3A_1076 = vector.shape_cast %broadcast_in_dim3A_1 : vector<16xf32> to vector<1x16xf32>
    tpu.vector_store %arg9[%swap3A_1072, %swap3A_1073], %swap3A_1076 {strides = array<i32>} : memref<128x128xf32, #tpu.memory_space<vmem>>, vector<1x16xf32>,
    %swap3A_1077 = arith.constant 22 : i32
    %swap3A_1078 = arith.index_cast %swap3A_1077 : i32 to index
    %swap3A_1079 = arith.constant 48 : index
    %swap3A_1080 = tpu.vector_load %arg9[%swap3A_1078, %swap3A_1079] {strides = array<i32>} : memref<128x128xf32, #tpu.memory_space<vmem>>, vector<1x16xf32>,
    %swap3A_1081 = vector.shape_cast %swap3A_1080 : vector<1x16xf32> to vector<16xf32>
    %swap3A_1082 = vector.shape_cast %broadcast_in_dim3A_1 : vector<16xf32> to vector<1x16xf32>
    tpu.vector_store %arg9[%swap3A_1078, %swap3A_1079], %swap3A_1082 {strides = array<i32>} : memref<128x128xf32, #tpu.memory_space<vmem>>, vector<1x16xf32>,
    %swap3A_1083 = arith.constant 22 : i32
    %swap3A_1084 = arith.index_cast %swap3A_1083 : i32 to index
    %swap3A_1085 = arith.constant 64 : index
    %swap3A_1086 = tpu.vector_load %arg9[%swap3A_1084, %swap3A_1085] {strides = array<i32>} : memref<128x128xf32, #tpu.memory_space<vmem>>, vector<1x16xf32>,
    %swap3A_1087 = vector.shape_cast %swap3A_1086 : vector<1x16xf32> to vector<16xf32>
    %swap3A_1088 = vector.shape_cast %broadcast_in_dim3A_1 : vector<16xf32> to vector<1x16xf32>
    tpu.vector_store %arg9[%swap3A_1084, %swap3A_1085], %swap3A_1088 {strides = array<i32>} : memref<128x128xf32, #tpu.memory_space<vmem>>, vector<1x16xf32>,
    %swap3A_1089 = arith.constant 22 : i32
    %swap3A_1090 = arith.index_cast %swap3A_1089 : i32 to index
    %swap3A_1091 = arith.constant 80 : index
    %swap3A_1092 = tpu.vector_load %arg9[%swap3A_1090, %swap3A_1091] {strides = array<i32>} : memref<128x128xf32, #tpu.memory_space<vmem>>, vector<1x16xf32>,
    %swap3A_1093 = vector.shape_cast %swap3A_1092 : vector<1x16xf32> to vector<16xf32>
    %swap3A_1094 = vector.shape_cast %broadcast_in_dim3A_1 : vector<16xf32> to vector<1x16xf32>
    tpu.vector_store %arg9[%swap3A_1090, %swap3A_1091], %swap3A_1094 {strides = array<i32>} : memref<128x128xf32, #tpu.memory_space<vmem>>, vector<1x16xf32>,
    %swap3A_1095 = arith.constant 22 : i32
    %swap3A_1096 = arith.index_cast %swap3A_1095 : i32 to index
    %swap3A_1097 = arith.constant 96 : index
    %swap3A_1098 = tpu.vector_load %arg9[%swap3A_1096, %swap3A_1097] {strides = array<i32>} : memref<128x128xf32, #tpu.memory_space<vmem>>, vector<1x16xf32>,
    %swap3A_1099 = vector.shape_cast %swap3A_1098 : vector<1x16xf32> to vector<16xf32>
    %swap3A_1100 = vector.shape_cast %broadcast_in_dim3A_1 : vector<16xf32> to vector<1x16xf32>
    tpu.vector_store %arg9[%swap3A_1096, %swap3A_1097], %swap3A_1100 {strides = array<i32>} : memref<128x128xf32, #tpu.memory_space<vmem>>, vector<1x16xf32>,
    %swap3A_1101 = arith.constant 22 : i32
    %swap3A_1102 = arith.index_cast %swap3A_1101 : i32 to index
    %swap3A_1103 = arith.constant 112 : index
    %swap3A_1104 = tpu.vector_load %arg9[%swap3A_1102, %swap3A_1103] {strides = array<i32>} : memref<128x128xf32, #tpu.memory_space<vmem>>, vector<1x16xf32>,
    %swap3A_1105 = vector.shape_cast %swap3A_1104 : vector<1x16xf32> to vector<16xf32>
    %swap3A_1106 = vector.shape_cast %broadcast_in_dim3A_1 : vector<16xf32> to vector<1x16xf32>
    tpu.vector_store %arg9[%swap3A_1102, %swap3A_1103], %swap3A_1106 {strides = array<i32>} : memref<128x128xf32, #tpu.memory_space<vmem>>, vector<1x16xf32>,
    %swap3A_1107 = arith.constant 23 : i32
    %swap3A_1108 = arith.index_cast %swap3A_1107 : i32 to index
    %swap3A_1109 = arith.constant 0 : index
    %swap3A_1110 = tpu.vector_load %arg9[%swap3A_1108, %swap3A_1109] {strides = array<i32>} : memref<128x128xf32, #tpu.memory_space<vmem>>, vector<1x16xf32>,
    %swap3A_1111 = vector.shape_cast %swap3A_1110 : vector<1x16xf32> to vector<16xf32>
    %swap3A_1112 = vector.shape_cast %broadcast_in_dim3A_1 : vector<16xf32> to vector<1x16xf32>
    tpu.vector_store %arg9[%swap3A_1108, %swap3A_1109], %swap3A_1112 {strides = array<i32>} : memref<128x128xf32, #tpu.memory_space<vmem>>, vector<1x16xf32>,
    %swap3A_1113 = arith.constant 23 : i32
    %swap3A_1114 = arith.index_cast %swap3A_1113 : i32 to index
    %swap3A_1115 = arith.constant 16 : index
    %swap3A_1116 = tpu.vector_load %arg9[%swap3A_1114, %swap3A_1115] {strides = array<i32>} : memref<128x128xf32, #tpu.memory_space<vmem>>, vector<1x16xf32>,
    %swap3A_1117 = vector.shape_cast %swap3A_1116 : vector<1x16xf32> to vector<16xf32>
    %swap3A_1118 = vector.shape_cast %broadcast_in_dim3A_1 : vector<16xf32> to vector<1x16xf32>
    tpu.vector_store %arg9[%swap3A_1114, %swap3A_1115], %swap3A_1118 {strides = array<i32>} : memref<128x128xf32, #tpu.memory_space<vmem>>, vector<1x16xf32>,
    %swap3A_1119 = arith.constant 23 : i32
    %swap3A_1120 = arith.index_cast %swap3A_1119 : i32 to index
    %swap3A_1121 = arith.constant 32 : index
    %swap3A_1122 = tpu.vector_load %arg9[%swap3A_1120, %swap3A_1121] {strides = array<i32>} : memref<128x128xf32, #tpu.memory_space<vmem>>, vector<1x16xf32>,
    %swap3A_1123 = vector.shape_cast %swap3A_1122 : vector<1x16xf32> to vector<16xf32>
    %swap3A_1124 = vector.shape_cast %broadcast_in_dim3A_1 : vector<16xf32> to vector<1x16xf32>
    tpu.vector_store %arg9[%swap3A_1120, %swap3A_1121], %swap3A_1124 {strides = array<i32>} : memref<128x128xf32, #tpu.memory_space<vmem>>, vector<1x16xf32>,
    %swap3A_1125 = arith.constant 23 : i32
    %swap3A_1126 = arith.index_cast %swap3A_1125 : i32 to index
    %swap3A_1127 = arith.constant 48 : index
    %swap3A_1128 = tpu.vector_load %arg9[%swap3A_1126, %swap3A_1127] {strides = array<i32>} : memref<128x128xf32, #tpu.memory_space<vmem>>, vector<1x16xf32>,
    %swap3A_1129 = vector.shape_cast %swap3A_1128 : vector<1x16xf32> to vector<16xf32>
    %swap3A_1130 = vector.shape_cast %broadcast_in_dim3A_1 : vector<16xf32> to vector<1x16xf32>
    tpu.vector_store %arg9[%swap3A_1126, %swap3A_1127], %swap3A_1130 {strides = array<i32>} : memref<128x128xf32, #tpu.memory_space<vmem>>, vector<1x16xf32>,
    %swap3A_1131 = arith.constant 23 : i32
    %swap3A_1132 = arith.index_cast %swap3A_1131 : i32 to index
    %swap3A_1133 = arith.constant 64 : index
    %swap3A_1134 = tpu.vector_load %arg9[%swap3A_1132, %swap3A_1133] {strides = array<i32>} : memref<128x128xf32, #tpu.memory_space<vmem>>, vector<1x16xf32>,
    %swap3A_1135 = vector.shape_cast %swap3A_1134 : vector<1x16xf32> to vector<16xf32>
    %swap3A_1136 = vector.shape_cast %broadcast_in_dim3A_1 : vector<16xf32> to vector<1x16xf32>
    tpu.vector_store %arg9[%swap3A_1132, %swap3A_1133], %swap3A_1136 {strides = array<i32>} : memref<128x128xf32, #tpu.memory_space<vmem>>, vector<1x16xf32>,
    %swap3A_1137 = arith.constant 23 : i32
    %swap3A_1138 = arith.index_cast %swap3A_1137 : i32 to index
    %swap3A_1139 = arith.constant 80 : index
    %swap3A_1140 = tpu.vector_load %arg9[%swap3A_1138, %swap3A_1139] {strides = array<i32>} : memref<128x128xf32, #tpu.memory_space<vmem>>, vector<1x16xf32>,
    %swap3A_1141 = vector.shape_cast %swap3A_1140 : vector<1x16xf32> to vector<16xf32>
    %swap3A_1142 = vector.shape_cast %broadcast_in_dim3A_1 : vector<16xf32> to vector<1x16xf32>
    tpu.vector_store %arg9[%swap3A_1138, %swap3A_1139], %swap3A_1142 {strides = array<i32>} : memref<128x128xf32, #tpu.memory_space<vmem>>, vector<1x16xf32>,
    %swap3A_1143 = arith.constant 23 : i32
    %swap3A_1144 = arith.index_cast %swap3A_1143 : i32 to index
    %swap3A_1145 = arith.constant 96 : index
    %swap3A_1146 = tpu.vector_load %arg9[%swap3A_1144, %swap3A_1145] {strides = array<i32>} : memref<128x128xf32, #tpu.memory_space<vmem>>, vector<1x16xf32>,
    %swap3A_1147 = vector.shape_cast %swap3A_1146 : vector<1x16xf32> to vector<16xf32>
    %swap3A_1148 = vector.shape_cast %broadcast_in_dim3A_1 : vector<16xf32> to vector<1x16xf32>
    tpu.vector_store %arg9[%swap3A_1144, %swap3A_1145], %swap3A_1148 {strides = array<i32>} : memref<128x128xf32, #tpu.memory_space<vmem>>, vector<1x16xf32>,
    %swap3A_1149 = arith.constant 23 : i32
    %swap3A_1150 = arith.index_cast %swap3A_1149 : i32 to index
    %swap3A_1151 = arith.constant 112 : index
    %swap3A_1152 = tpu.vector_load %arg9[%swap3A_1150, %swap3A_1151] {strides = array<i32>} : memref<128x128xf32, #tpu.memory_space<vmem>>, vector<1x16xf32>,
    %swap3A_1153 = vector.shape_cast %swap3A_1152 : vector<1x16xf32> to vector<16xf32>
    %swap3A_1154 = vector.shape_cast %broadcast_in_dim3A_1 : vector<16xf32> to vector<1x16xf32>
    tpu.vector_store %arg9[%swap3A_1150, %swap3A_1151], %swap3A_1154 {strides = array<i32>} : memref<128x128xf32, #tpu.memory_space<vmem>>, vector<1x16xf32>,
    %swap3A_1155 = arith.constant 24 : i32
    %swap3A_1156 = arith.index_cast %swap3A_1155 : i32 to index
    %swap3A_1157 = arith.constant 0 : index
    %swap3A_1158 = tpu.vector_load %arg9[%swap3A_1156, %swap3A_1157] {strides = array<i32>} : memref<128x128xf32, #tpu.memory_space<vmem>>, vector<1x16xf32>,
    %swap3A_1159 = vector.shape_cast %swap3A_1158 : vector<1x16xf32> to vector<16xf32>
    %swap3A_1160 = vector.shape_cast %broadcast_in_dim3A_1 : vector<16xf32> to vector<1x16xf32>
    tpu.vector_store %arg9[%swap3A_1156, %swap3A_1157], %swap3A_1160 {strides = array<i32>} : memref<128x128xf32, #tpu.memory_space<vmem>>, vector<1x16xf32>,
    %swap3A_1161 = arith.constant 24 : i32
    %swap3A_1162 = arith.index_cast %swap3A_1161 : i32 to index
    %swap3A_1163 = arith.constant 16 : index
    %swap3A_1164 = tpu.vector_load %arg9[%swap3A_1162, %swap3A_1163] {strides = array<i32>} : memref<128x128xf32, #tpu.memory_space<vmem>>, vector<1x16xf32>,
    %swap3A_1165 = vector.shape_cast %swap3A_1164 : vector<1x16xf32> to vector<16xf32>
    %swap3A_1166 = vector.shape_cast %broadcast_in_dim3A_1 : vector<16xf32> to vector<1x16xf32>
    tpu.vector_store %arg9[%swap3A_1162, %swap3A_1163], %swap3A_1166 {strides = array<i32>} : memref<128x128xf32, #tpu.memory_space<vmem>>, vector<1x16xf32>,
    %swap3A_1167 = arith.constant 24 : i32
    %swap3A_1168 = arith.index_cast %swap3A_1167 : i32 to index
    %swap3A_1169 = arith.constant 32 : index
    %swap3A_1170 = tpu.vector_load %arg9[%swap3A_1168, %swap3A_1169] {strides = array<i32>} : memref<128x128xf32, #tpu.memory_space<vmem>>, vector<1x16xf32>,
    %swap3A_1171 = vector.shape_cast %swap3A_1170 : vector<1x16xf32> to vector<16xf32>
    %swap3A_1172 = vector.shape_cast %broadcast_in_dim3A_1 : vector<16xf32> to vector<1x16xf32>
    tpu.vector_store %arg9[%swap3A_1168, %swap3A_1169], %swap3A_1172 {strides = array<i32>} : memref<128x128xf32, #tpu.memory_space<vmem>>, vector<1x16xf32>,
    %swap3A_1173 = arith.constant 24 : i32
    %swap3A_1174 = arith.index_cast %swap3A_1173 : i32 to index
    %swap3A_1175 = arith.constant 48 : index
    %swap3A_1176 = tpu.vector_load %arg9[%swap3A_1174, %swap3A_1175] {strides = array<i32>} : memref<128x128xf32, #tpu.memory_space<vmem>>, vector<1x16xf32>,
    %swap3A_1177 = vector.shape_cast %swap3A_1176 : vector<1x16xf32> to vector<16xf32>
    %swap3A_1178 = vector.shape_cast %broadcast_in_dim3A_1 : vector<16xf32> to vector<1x16xf32>
    tpu.vector_store %arg9[%swap3A_1174, %swap3A_1175], %swap3A_1178 {strides = array<i32>} : memref<128x128xf32, #tpu.memory_space<vmem>>, vector<1x16xf32>,
    %swap3A_1179 = arith.constant 24 : i32
    %swap3A_1180 = arith.index_cast %swap3A_1179 : i32 to index
    %swap3A_1181 = arith.constant 64 : index
    %swap3A_1182 = tpu.vector_load %arg9[%swap3A_1180, %swap3A_1181] {strides = array<i32>} : memref<128x128xf32, #tpu.memory_space<vmem>>, vector<1x16xf32>,
    %swap3A_1183 = vector.shape_cast %swap3A_1182 : vector<1x16xf32> to vector<16xf32>
    %swap3A_1184 = vector.shape_cast %broadcast_in_dim3A_1 : vector<16xf32> to vector<1x16xf32>
    tpu.vector_store %arg9[%swap3A_1180, %swap3A_1181], %swap3A_1184 {strides = array<i32>} : memref<128x128xf32, #tpu.memory_space<vmem>>, vector<1x16xf32>,
    %swap3A_1185 = arith.constant 24 : i32
    %swap3A_1186 = arith.index_cast %swap3A_1185 : i32 to index
    %swap3A_1187 = arith.constant 80 : index
    %swap3A_1188 = tpu.vector_load %arg9[%swap3A_1186, %swap3A_1187] {strides = array<i32>} : memref<128x128xf32, #tpu.memory_space<vmem>>, vector<1x16xf32>,
    %swap3A_1189 = vector.shape_cast %swap3A_1188 : vector<1x16xf32> to vector<16xf32>
    %swap3A_1190 = vector.shape_cast %broadcast_in_dim3A_1 : vector<16xf32> to vector<1x16xf32>
    tpu.vector_store %arg9[%swap3A_1186, %swap3A_1187], %swap3A_1190 {strides = array<i32>} : memref<128x128xf32, #tpu.memory_space<vmem>>, vector<1x16xf32>,
    %swap3A_1191 = arith.constant 24 : i32
    %swap3A_1192 = arith.index_cast %swap3A_1191 : i32 to index
    %swap3A_1193 = arith.constant 96 : index
    %swap3A_1194 = tpu.vector_load %arg9[%swap3A_1192, %swap3A_1193] {strides = array<i32>} : memref<128x128xf32, #tpu.memory_space<vmem>>, vector<1x16xf32>,
    %swap3A_1195 = vector.shape_cast %swap3A_1194 : vector<1x16xf32> to vector<16xf32>
    %swap3A_1196 = vector.shape_cast %broadcast_in_dim3A_1 : vector<16xf32> to vector<1x16xf32>
    tpu.vector_store %arg9[%swap3A_1192, %swap3A_1193], %swap3A_1196 {strides = array<i32>} : memref<128x128xf32, #tpu.memory_space<vmem>>, vector<1x16xf32>,
    %swap3A_1197 = arith.constant 24 : i32
    %swap3A_1198 = arith.index_cast %swap3A_1197 : i32 to index
    %swap3A_1199 = arith.constant 112 : index
    %swap3A_1200 = tpu.vector_load %arg9[%swap3A_1198, %swap3A_1199] {strides = array<i32>} : memref<128x128xf32, #tpu.memory_space<vmem>>, vector<1x16xf32>,
    %swap3A_1201 = vector.shape_cast %swap3A_1200 : vector<1x16xf32> to vector<16xf32>
    %swap3A_1202 = vector.shape_cast %broadcast_in_dim3A_1 : vector<16xf32> to vector<1x16xf32>
    tpu.vector_store %arg9[%swap3A_1198, %swap3A_1199], %swap3A_1202 {strides = array<i32>} : memref<128x128xf32, #tpu.memory_space<vmem>>, vector<1x16xf32>,
    %swap3A_1203 = arith.constant 25 : i32
    %swap3A_1204 = arith.index_cast %swap3A_1203 : i32 to index
    %swap3A_1205 = arith.constant 0 : index
    %swap3A_1206 = tpu.vector_load %arg9[%swap3A_1204, %swap3A_1205] {strides = array<i32>} : memref<128x128xf32, #tpu.memory_space<vmem>>, vector<1x16xf32>,
    %swap3A_1207 = vector.shape_cast %swap3A_1206 : vector<1x16xf32> to vector<16xf32>
    %swap3A_1208 = vector.shape_cast %broadcast_in_dim3A_1 : vector<16xf32> to vector<1x16xf32>
    tpu.vector_store %arg9[%swap3A_1204, %swap3A_1205], %swap3A_1208 {strides = array<i32>} : memref<128x128xf32, #tpu.memory_space<vmem>>, vector<1x16xf32>,
    %swap3A_1209 = arith.constant 25 : i32
    %swap3A_1210 = arith.index_cast %swap3A_1209 : i32 to index
    %swap3A_1211 = arith.constant 16 : index
    %swap3A_1212 = tpu.vector_load %arg9[%swap3A_1210, %swap3A_1211] {strides = array<i32>} : memref<128x128xf32, #tpu.memory_space<vmem>>, vector<1x16xf32>,
    %swap3A_1213 = vector.shape_cast %swap3A_1212 : vector<1x16xf32> to vector<16xf32>
    %swap3A_1214 = vector.shape_cast %broadcast_in_dim3A_1 : vector<16xf32> to vector<1x16xf32>
    tpu.vector_store %arg9[%swap3A_1210, %swap3A_1211], %swap3A_1214 {strides = array<i32>} : memref<128x128xf32, #tpu.memory_space<vmem>>, vector<1x16xf32>,
    %swap3A_1215 = arith.constant 25 : i32
    %swap3A_1216 = arith.index_cast %swap3A_1215 : i32 to index
    %swap3A_1217 = arith.constant 32 : index
    %swap3A_1218 = tpu.vector_load %arg9[%swap3A_1216, %swap3A_1217] {strides = array<i32>} : memref<128x128xf32, #tpu.memory_space<vmem>>, vector<1x16xf32>,
    %swap3A_1219 = vector.shape_cast %swap3A_1218 : vector<1x16xf32> to vector<16xf32>
    %swap3A_1220 = vector.shape_cast %broadcast_in_dim3A_1 : vector<16xf32> to vector<1x16xf32>
    tpu.vector_store %arg9[%swap3A_1216, %swap3A_1217], %swap3A_1220 {strides = array<i32>} : memref<128x128xf32, #tpu.memory_space<vmem>>, vector<1x16xf32>,
    %swap3A_1221 = arith.constant 25 : i32
    %swap3A_1222 = arith.index_cast %swap3A_1221 : i32 to index
    %swap3A_1223 = arith.constant 48 : index
    %swap3A_1224 = tpu.vector_load %arg9[%swap3A_1222, %swap3A_1223] {strides = array<i32>} : memref<128x128xf32, #tpu.memory_space<vmem>>, vector<1x16xf32>,
    %swap3A_1225 = vector.shape_cast %swap3A_1224 : vector<1x16xf32> to vector<16xf32>
    %swap3A_1226 = vector.shape_cast %broadcast_in_dim3A_1 : vector<16xf32> to vector<1x16xf32>
    tpu.vector_store %arg9[%swap3A_1222, %swap3A_1223], %swap3A_1226 {strides = array<i32>} : memref<128x128xf32, #tpu.memory_space<vmem>>, vector<1x16xf32>,
    %swap3A_1227 = arith.constant 25 : i32
    %swap3A_1228 = arith.index_cast %swap3A_1227 : i32 to index
    %swap3A_1229 = arith.constant 64 : index
    %swap3A_1230 = tpu.vector_load %arg9[%swap3A_1228, %swap3A_1229] {strides = array<i32>} : memref<128x128xf32, #tpu.memory_space<vmem>>, vector<1x16xf32>,
    %swap3A_1231 = vector.shape_cast %swap3A_1230 : vector<1x16xf32> to vector<16xf32>
    %swap3A_1232 = vector.shape_cast %broadcast_in_dim3A_1 : vector<16xf32> to vector<1x16xf32>
    tpu.vector_store %arg9[%swap3A_1228, %swap3A_1229], %swap3A_1232 {strides = array<i32>} : memref<128x128xf32, #tpu.memory_space<vmem>>, vector<1x16xf32>,
    %swap3A_1233 = arith.constant 25 : i32
    %swap3A_1234 = arith.index_cast %swap3A_1233 : i32 to index
    %swap3A_1235 = arith.constant 80 : index
    %swap3A_1236 = tpu.vector_load %arg9[%swap3A_1234, %swap3A_1235] {strides = array<i32>} : memref<128x128xf32, #tpu.memory_space<vmem>>, vector<1x16xf32>,
    %swap3A_1237 = vector.shape_cast %swap3A_1236 : vector<1x16xf32> to vector<16xf32>
    %swap3A_1238 = vector.shape_cast %broadcast_in_dim3A_1 : vector<16xf32> to vector<1x16xf32>
    tpu.vector_store %arg9[%swap3A_1234, %swap3A_1235], %swap3A_1238 {strides = array<i32>} : memref<128x128xf32, #tpu.memory_space<vmem>>, vector<1x16xf32>,
    %swap3A_1239 = arith.constant 25 : i32
    %swap3A_1240 = arith.index_cast %swap3A_1239 : i32 to index
    %swap3A_1241 = arith.constant 96 : index
    %swap3A_1242 = tpu.vector_load %arg9[%swap3A_1240, %swap3A_1241] {strides = array<i32>} : memref<128x128xf32, #tpu.memory_space<vmem>>, vector<1x16xf32>,
    %swap3A_1243 = vector.shape_cast %swap3A_1242 : vector<1x16xf32> to vector<16xf32>
    %swap3A_1244 = vector.shape_cast %broadcast_in_dim3A_1 : vector<16xf32> to vector<1x16xf32>
    tpu.vector_store %arg9[%swap3A_1240, %swap3A_1241], %swap3A_1244 {strides = array<i32>} : memref<128x128xf32, #tpu.memory_space<vmem>>, vector<1x16xf32>,
    %swap3A_1245 = arith.constant 25 : i32
    %swap3A_1246 = arith.index_cast %swap3A_1245 : i32 to index
    %swap3A_1247 = arith.constant 112 : index
    %swap3A_1248 = tpu.vector_load %arg9[%swap3A_1246, %swap3A_1247] {strides = array<i32>} : memref<128x128xf32, #tpu.memory_space<vmem>>, vector<1x16xf32>,
    %swap3A_1249 = vector.shape_cast %swap3A_1248 : vector<1x16xf32> to vector<16xf32>
    %swap3A_1250 = vector.shape_cast %broadcast_in_dim3A_1 : vector<16xf32> to vector<1x16xf32>
    tpu.vector_store %arg9[%swap3A_1246, %swap3A_1247], %swap3A_1250 {strides = array<i32>} : memref<128x128xf32, #tpu.memory_space<vmem>>, vector<1x16xf32>,
    %swap3A_1251 = arith.constant 26 : i32
    %swap3A_1252 = arith.index_cast %swap3A_1251 : i32 to index
    %swap3A_1253 = arith.constant 0 : index
    %swap3A_1254 = tpu.vector_load %arg9[%swap3A_1252, %swap3A_1253] {strides = array<i32>} : memref<128x128xf32, #tpu.memory_space<vmem>>, vector<1x16xf32>,
    %swap3A_1255 = vector.shape_cast %swap3A_1254 : vector<1x16xf32> to vector<16xf32>
    %swap3A_1256 = vector.shape_cast %broadcast_in_dim3A_1 : vector<16xf32> to vector<1x16xf32>
    tpu.vector_store %arg9[%swap3A_1252, %swap3A_1253], %swap3A_1256 {strides = array<i32>} : memref<128x128xf32, #tpu.memory_space<vmem>>, vector<1x16xf32>,
    %swap3A_1257 = arith.constant 26 : i32
    %swap3A_1258 = arith.index_cast %swap3A_1257 : i32 to index
    %swap3A_1259 = arith.constant 16 : index
    %swap3A_1260 = tpu.vector_load %arg9[%swap3A_1258, %swap3A_1259] {strides = array<i32>} : memref<128x128xf32, #tpu.memory_space<vmem>>, vector<1x16xf32>,
    %swap3A_1261 = vector.shape_cast %swap3A_1260 : vector<1x16xf32> to vector<16xf32>
    %swap3A_1262 = vector.shape_cast %broadcast_in_dim3A_1 : vector<16xf32> to vector<1x16xf32>
    tpu.vector_store %arg9[%swap3A_1258, %swap3A_1259], %swap3A_1262 {strides = array<i32>} : memref<128x128xf32, #tpu.memory_space<vmem>>, vector<1x16xf32>,
    %swap3A_1263 = arith.constant 26 : i32
    %swap3A_1264 = arith.index_cast %swap3A_1263 : i32 to index
    %swap3A_1265 = arith.constant 32 : index
    %swap3A_1266 = tpu.vector_load %arg9[%swap3A_1264, %swap3A_1265] {strides = array<i32>} : memref<128x128xf32, #tpu.memory_space<vmem>>, vector<1x16xf32>,
    %swap3A_1267 = vector.shape_cast %swap3A_1266 : vector<1x16xf32> to vector<16xf32>
    %swap3A_1268 = vector.shape_cast %broadcast_in_dim3A_1 : vector<16xf32> to vector<1x16xf32>
    tpu.vector_store %arg9[%swap3A_1264, %swap3A_1265], %swap3A_1268 {strides = array<i32>} : memref<128x128xf32, #tpu.memory_space<vmem>>, vector<1x16xf32>,
    %swap3A_1269 = arith.constant 26 : i32
    %swap3A_1270 = arith.index_cast %swap3A_1269 : i32 to index
    %swap3A_1271 = arith.constant 48 : index
    %swap3A_1272 = tpu.vector_load %arg9[%swap3A_1270, %swap3A_1271] {strides = array<i32>} : memref<128x128xf32, #tpu.memory_space<vmem>>, vector<1x16xf32>,
    %swap3A_1273 = vector.shape_cast %swap3A_1272 : vector<1x16xf32> to vector<16xf32>
    %swap3A_1274 = vector.shape_cast %broadcast_in_dim3A_1 : vector<16xf32> to vector<1x16xf32>
    tpu.vector_store %arg9[%swap3A_1270, %swap3A_1271], %swap3A_1274 {strides = array<i32>} : memref<128x128xf32, #tpu.memory_space<vmem>>, vector<1x16xf32>,
    %swap3A_1275 = arith.constant 26 : i32
    %swap3A_1276 = arith.index_cast %swap3A_1275 : i32 to index
    %swap3A_1277 = arith.constant 64 : index
    %swap3A_1278 = tpu.vector_load %arg9[%swap3A_1276, %swap3A_1277] {strides = array<i32>} : memref<128x128xf32, #tpu.memory_space<vmem>>, vector<1x16xf32>,
    %swap3A_1279 = vector.shape_cast %swap3A_1278 : vector<1x16xf32> to vector<16xf32>
    %swap3A_1280 = vector.shape_cast %broadcast_in_dim3A_1 : vector<16xf32> to vector<1x16xf32>
    tpu.vector_store %arg9[%swap3A_1276, %swap3A_1277], %swap3A_1280 {strides = array<i32>} : memref<128x128xf32, #tpu.memory_space<vmem>>, vector<1x16xf32>,
    %swap3A_1281 = arith.constant 26 : i32
    %swap3A_1282 = arith.index_cast %swap3A_1281 : i32 to index
    %swap3A_1283 = arith.constant 80 : index
    %swap3A_1284 = tpu.vector_load %arg9[%swap3A_1282, %swap3A_1283] {strides = array<i32>} : memref<128x128xf32, #tpu.memory_space<vmem>>, vector<1x16xf32>,
    %swap3A_1285 = vector.shape_cast %swap3A_1284 : vector<1x16xf32> to vector<16xf32>
    %swap3A_1286 = vector.shape_cast %broadcast_in_dim3A_1 : vector<16xf32> to vector<1x16xf32>
    tpu.vector_store %arg9[%swap3A_1282, %swap3A_1283], %swap3A_1286 {strides = array<i32>} : memref<128x128xf32, #tpu.memory_space<vmem>>, vector<1x16xf32>,
    %swap3A_1287 = arith.constant 26 : i32
    %swap3A_1288 = arith.index_cast %swap3A_1287 : i32 to index
    %swap3A_1289 = arith.constant 96 : index
    %swap3A_1290 = tpu.vector_load %arg9[%swap3A_1288, %swap3A_1289] {strides = array<i32>} : memref<128x128xf32, #tpu.memory_space<vmem>>, vector<1x16xf32>,
    %swap3A_1291 = vector.shape_cast %swap3A_1290 : vector<1x16xf32> to vector<16xf32>
    %swap3A_1292 = vector.shape_cast %broadcast_in_dim3A_1 : vector<16xf32> to vector<1x16xf32>
    tpu.vector_store %arg9[%swap3A_1288, %swap3A_1289], %swap3A_1292 {strides = array<i32>} : memref<128x128xf32, #tpu.memory_space<vmem>>, vector<1x16xf32>,
    %swap3A_1293 = arith.constant 26 : i32
    %swap3A_1294 = arith.index_cast %swap3A_1293 : i32 to index
    %swap3A_1295 = arith.constant 112 : index
    %swap3A_1296 = tpu.vector_load %arg9[%swap3A_1294, %swap3A_1295] {strides = array<i32>} : memref<128x128xf32, #tpu.memory_space<vmem>>, vector<1x16xf32>,
    %swap3A_1297 = vector.shape_cast %swap3A_1296 : vector<1x16xf32> to vector<16xf32>
    %swap3A_1298 = vector.shape_cast %broadcast_in_dim3A_1 : vector<16xf32> to vector<1x16xf32>
    tpu.vector_store %arg9[%swap3A_1294, %swap3A_1295], %swap3A_1298 {strides = array<i32>} : memref<128x128xf32, #tpu.memory_space<vmem>>, vector<1x16xf32>,
    %swap3A_1299 = arith.constant 27 : i32
    %swap3A_1300 = arith.index_cast %swap3A_1299 : i32 to index
    %swap3A_1301 = arith.constant 0 : index
    %swap3A_1302 = tpu.vector_load %arg9[%swap3A_1300, %swap3A_1301] {strides = array<i32>} : memref<128x128xf32, #tpu.memory_space<vmem>>, vector<1x16xf32>,
    %swap3A_1303 = vector.shape_cast %swap3A_1302 : vector<1x16xf32> to vector<16xf32>
    %swap3A_1304 = vector.shape_cast %broadcast_in_dim3A_1 : vector<16xf32> to vector<1x16xf32>
    tpu.vector_store %arg9[%swap3A_1300, %swap3A_1301], %swap3A_1304 {strides = array<i32>} : memref<128x128xf32, #tpu.memory_space<vmem>>, vector<1x16xf32>,
    %swap3A_1305 = arith.constant 27 : i32
    %swap3A_1306 = arith.index_cast %swap3A_1305 : i32 to index
    %swap3A_1307 = arith.constant 16 : index
    %swap3A_1308 = tpu.vector_load %arg9[%swap3A_1306, %swap3A_1307] {strides = array<i32>} : memref<128x128xf32, #tpu.memory_space<vmem>>, vector<1x16xf32>,
    %swap3A_1309 = vector.shape_cast %swap3A_1308 : vector<1x16xf32> to vector<16xf32>
    %swap3A_1310 = vector.shape_cast %broadcast_in_dim3A_1 : vector<16xf32> to vector<1x16xf32>
    tpu.vector_store %arg9[%swap3A_1306, %swap3A_1307], %swap3A_1310 {strides = array<i32>} : memref<128x128xf32, #tpu.memory_space<vmem>>, vector<1x16xf32>,
    %swap3A_1311 = arith.constant 27 : i32
    %swap3A_1312 = arith.index_cast %swap3A_1311 : i32 to index
    %swap3A_1313 = arith.constant 32 : index
    %swap3A_1314 = tpu.vector_load %arg9[%swap3A_1312, %swap3A_1313] {strides = array<i32>} : memref<128x128xf32, #tpu.memory_space<vmem>>, vector<1x16xf32>,
    %swap3A_1315 = vector.shape_cast %swap3A_1314 : vector<1x16xf32> to vector<16xf32>
    %swap3A_1316 = vector.shape_cast %broadcast_in_dim3A_1 : vector<16xf32> to vector<1x16xf32>
    tpu.vector_store %arg9[%swap3A_1312, %swap3A_1313], %swap3A_1316 {strides = array<i32>} : memref<128x128xf32, #tpu.memory_space<vmem>>, vector<1x16xf32>,
    %swap3A_1317 = arith.constant 27 : i32
    %swap3A_1318 = arith.index_cast %swap3A_1317 : i32 to index
    %swap3A_1319 = arith.constant 48 : index
    %swap3A_1320 = tpu.vector_load %arg9[%swap3A_1318, %swap3A_1319] {strides = array<i32>} : memref<128x128xf32, #tpu.memory_space<vmem>>, vector<1x16xf32>,
    %swap3A_1321 = vector.shape_cast %swap3A_1320 : vector<1x16xf32> to vector<16xf32>
    %swap3A_1322 = vector.shape_cast %broadcast_in_dim3A_1 : vector<16xf32> to vector<1x16xf32>
    tpu.vector_store %arg9[%swap3A_1318, %swap3A_1319], %swap3A_1322 {strides = array<i32>} : memref<128x128xf32, #tpu.memory_space<vmem>>, vector<1x16xf32>,
    %swap3A_1323 = arith.constant 27 : i32
    %swap3A_1324 = arith.index_cast %swap3A_1323 : i32 to index
    %swap3A_1325 = arith.constant 64 : index
    %swap3A_1326 = tpu.vector_load %arg9[%swap3A_1324, %swap3A_1325] {strides = array<i32>} : memref<128x128xf32, #tpu.memory_space<vmem>>, vector<1x16xf32>,
    %swap3A_1327 = vector.shape_cast %swap3A_1326 : vector<1x16xf32> to vector<16xf32>
    %swap3A_1328 = vector.shape_cast %broadcast_in_dim3A_1 : vector<16xf32> to vector<1x16xf32>
    tpu.vector_store %arg9[%swap3A_1324, %swap3A_1325], %swap3A_1328 {strides = array<i32>} : memref<128x128xf32, #tpu.memory_space<vmem>>, vector<1x16xf32>,
    %swap3A_1329 = arith.constant 27 : i32
    %swap3A_1330 = arith.index_cast %swap3A_1329 : i32 to index
    %swap3A_1331 = arith.constant 80 : index
    %swap3A_1332 = tpu.vector_load %arg9[%swap3A_1330, %swap3A_1331] {strides = array<i32>} : memref<128x128xf32, #tpu.memory_space<vmem>>, vector<1x16xf32>,
    %swap3A_1333 = vector.shape_cast %swap3A_1332 : vector<1x16xf32> to vector<16xf32>
    %swap3A_1334 = vector.shape_cast %broadcast_in_dim3A_1 : vector<16xf32> to vector<1x16xf32>
    tpu.vector_store %arg9[%swap3A_1330, %swap3A_1331], %swap3A_1334 {strides = array<i32>} : memref<128x128xf32, #tpu.memory_space<vmem>>, vector<1x16xf32>,
    %swap3A_1335 = arith.constant 27 : i32
    %swap3A_1336 = arith.index_cast %swap3A_1335 : i32 to index
    %swap3A_1337 = arith.constant 96 : index
    %swap3A_1338 = tpu.vector_load %arg9[%swap3A_1336, %swap3A_1337] {strides = array<i32>} : memref<128x128xf32, #tpu.memory_space<vmem>>, vector<1x16xf32>,
    %swap3A_1339 = vector.shape_cast %swap3A_1338 : vector<1x16xf32> to vector<16xf32>
    %swap3A_1340 = vector.shape_cast %broadcast_in_dim3A_1 : vector<16xf32> to vector<1x16xf32>
    tpu.vector_store %arg9[%swap3A_1336, %swap3A_1337], %swap3A_1340 {strides = array<i32>} : memref<128x128xf32, #tpu.memory_space<vmem>>, vector<1x16xf32>,
    %swap3A_1341 = arith.constant 27 : i32
    %swap3A_1342 = arith.index_cast %swap3A_1341 : i32 to index
    %swap3A_1343 = arith.constant 112 : index
    %swap3A_1344 = tpu.vector_load %arg9[%swap3A_1342, %swap3A_1343] {strides = array<i32>} : memref<128x128xf32, #tpu.memory_space<vmem>>, vector<1x16xf32>,
    %swap3A_1345 = vector.shape_cast %swap3A_1344 : vector<1x16xf32> to vector<16xf32>
    %swap3A_1346 = vector.shape_cast %broadcast_in_dim3A_1 : vector<16xf32> to vector<1x16xf32>
    tpu.vector_store %arg9[%swap3A_1342, %swap3A_1343], %swap3A_1346 {strides = array<i32>} : memref<128x128xf32, #tpu.memory_space<vmem>>, vector<1x16xf32>,
    %swap3A_1347 = arith.constant 28 : i32
    %swap3A_1348 = arith.index_cast %swap3A_1347 : i32 to index
    %swap3A_1349 = arith.constant 0 : index
    %swap3A_1350 = tpu.vector_load %arg9[%swap3A_1348, %swap3A_1349] {strides = array<i32>} : memref<128x128xf32, #tpu.memory_space<vmem>>, vector<1x16xf32>,
    %swap3A_1351 = vector.shape_cast %swap3A_1350 : vector<1x16xf32> to vector<16xf32>
    %swap3A_1352 = vector.shape_cast %broadcast_in_dim3A_1 : vector<16xf32> to vector<1x16xf32>
    tpu.vector_store %arg9[%swap3A_1348, %swap3A_1349], %swap3A_1352 {strides = array<i32>} : memref<128x128xf32, #tpu.memory_space<vmem>>, vector<1x16xf32>,
    %swap3A_1353 = arith.constant 28 : i32
    %swap3A_1354 = arith.index_cast %swap3A_1353 : i32 to index
    %swap3A_1355 = arith.constant 16 : index
    %swap3A_1356 = tpu.vector_load %arg9[%swap3A_1354, %swap3A_1355] {strides = array<i32>} : memref<128x128xf32, #tpu.memory_space<vmem>>, vector<1x16xf32>,
    %swap3A_1357 = vector.shape_cast %swap3A_1356 : vector<1x16xf32> to vector<16xf32>
    %swap3A_1358 = vector.shape_cast %broadcast_in_dim3A_1 : vector<16xf32> to vector<1x16xf32>
    tpu.vector_store %arg9[%swap3A_1354, %swap3A_1355], %swap3A_1358 {strides = array<i32>} : memref<128x128xf32, #tpu.memory_space<vmem>>, vector<1x16xf32>,
    %swap3A_1359 = arith.constant 28 : i32
    %swap3A_1360 = arith.index_cast %swap3A_1359 : i32 to index
    %swap3A_1361 = arith.constant 32 : index
    %swap3A_1362 = tpu.vector_load %arg9[%swap3A_1360, %swap3A_1361] {strides = array<i32>} : memref<128x128xf32, #tpu.memory_space<vmem>>, vector<1x16xf32>,
    %swap3A_1363 = vector.shape_cast %swap3A_1362 : vector<1x16xf32> to vector<16xf32>
    %swap3A_1364 = vector.shape_cast %broadcast_in_dim3A_1 : vector<16xf32> to vector<1x16xf32>
    tpu.vector_store %arg9[%swap3A_1360, %swap3A_1361], %swap3A_1364 {strides = array<i32>} : memref<128x128xf32, #tpu.memory_space<vmem>>, vector<1x16xf32>,
    %swap3A_1365 = arith.constant 28 : i32
    %swap3A_1366 = arith.index_cast %swap3A_1365 : i32 to index
    %swap3A_1367 = arith.constant 48 : index
    %swap3A_1368 = tpu.vector_load %arg9[%swap3A_1366, %swap3A_1367] {strides = array<i32>} : memref<128x128xf32, #tpu.memory_space<vmem>>, vector<1x16xf32>,
    %swap3A_1369 = vector.shape_cast %swap3A_1368 : vector<1x16xf32> to vector<16xf32>
    %swap3A_1370 = vector.shape_cast %broadcast_in_dim3A_1 : vector<16xf32> to vector<1x16xf32>
    tpu.vector_store %arg9[%swap3A_1366, %swap3A_1367], %swap3A_1370 {strides = array<i32>} : memref<128x128xf32, #tpu.memory_space<vmem>>, vector<1x16xf32>,
    %swap3A_1371 = arith.constant 28 : i32
    %swap3A_1372 = arith.index_cast %swap3A_1371 : i32 to index
    %swap3A_1373 = arith.constant 64 : index
    %swap3A_1374 = tpu.vector_load %arg9[%swap3A_1372, %swap3A_1373] {strides = array<i32>} : memref<128x128xf32, #tpu.memory_space<vmem>>, vector<1x16xf32>,
    %swap3A_1375 = vector.shape_cast %swap3A_1374 : vector<1x16xf32> to vector<16xf32>
    %swap3A_1376 = vector.shape_cast %broadcast_in_dim3A_1 : vector<16xf32> to vector<1x16xf32>
    tpu.vector_store %arg9[%swap3A_1372, %swap3A_1373], %swap3A_1376 {strides = array<i32>} : memref<128x128xf32, #tpu.memory_space<vmem>>, vector<1x16xf32>,
    %swap3A_1377 = arith.constant 28 : i32
    %swap3A_1378 = arith.index_cast %swap3A_1377 : i32 to index
    %swap3A_1379 = arith.constant 80 : index
    %swap3A_1380 = tpu.vector_load %arg9[%swap3A_1378, %swap3A_1379] {strides = array<i32>} : memref<128x128xf32, #tpu.memory_space<vmem>>, vector<1x16xf32>,
    %swap3A_1381 = vector.shape_cast %swap3A_1380 : vector<1x16xf32> to vector<16xf32>
    %swap3A_1382 = vector.shape_cast %broadcast_in_dim3A_1 : vector<16xf32> to vector<1x16xf32>
    tpu.vector_store %arg9[%swap3A_1378, %swap3A_1379], %swap3A_1382 {strides = array<i32>} : memref<128x128xf32, #tpu.memory_space<vmem>>, vector<1x16xf32>,
    %swap3A_1383 = arith.constant 28 : i32
    %swap3A_1384 = arith.index_cast %swap3A_1383 : i32 to index
    %swap3A_1385 = arith.constant 96 : index
    %swap3A_1386 = tpu.vector_load %arg9[%swap3A_1384, %swap3A_1385] {strides = array<i32>} : memref<128x128xf32, #tpu.memory_space<vmem>>, vector<1x16xf32>,
    %swap3A_1387 = vector.shape_cast %swap3A_1386 : vector<1x16xf32> to vector<16xf32>
    %swap3A_1388 = vector.shape_cast %broadcast_in_dim3A_1 : vector<16xf32> to vector<1x16xf32>
    tpu.vector_store %arg9[%swap3A_1384, %swap3A_1385], %swap3A_1388 {strides = array<i32>} : memref<128x128xf32, #tpu.memory_space<vmem>>, vector<1x16xf32>,
    %swap3A_1389 = arith.constant 28 : i32
    %swap3A_1390 = arith.index_cast %swap3A_1389 : i32 to index
    %swap3A_1391 = arith.constant 112 : index
    %swap3A_1392 = tpu.vector_load %arg9[%swap3A_1390, %swap3A_1391] {strides = array<i32>} : memref<128x128xf32, #tpu.memory_space<vmem>>, vector<1x16xf32>,
    %swap3A_1393 = vector.shape_cast %swap3A_1392 : vector<1x16xf32> to vector<16xf32>
    %swap3A_1394 = vector.shape_cast %broadcast_in_dim3A_1 : vector<16xf32> to vector<1x16xf32>
    tpu.vector_store %arg9[%swap3A_1390, %swap3A_1391], %swap3A_1394 {strides = array<i32>} : memref<128x128xf32, #tpu.memory_space<vmem>>, vector<1x16xf32>,
    %swap3A_1395 = arith.constant 29 : i32
    %swap3A_1396 = arith.index_cast %swap3A_1395 : i32 to index
    %swap3A_1397 = arith.constant 0 : index
    %swap3A_1398 = tpu.vector_load %arg9[%swap3A_1396, %swap3A_1397] {strides = array<i32>} : memref<128x128xf32, #tpu.memory_space<vmem>>, vector<1x16xf32>,
    %swap3A_1399 = vector.shape_cast %swap3A_1398 : vector<1x16xf32> to vector<16xf32>
    %swap3A_1400 = vector.shape_cast %broadcast_in_dim3A_1 : vector<16xf32> to vector<1x16xf32>
    tpu.vector_store %arg9[%swap3A_1396, %swap3A_1397], %swap3A_1400 {strides = array<i32>} : memref<128x128xf32, #tpu.memory_space<vmem>>, vector<1x16xf32>,
    %swap3A_1401 = arith.constant 29 : i32
    %swap3A_1402 = arith.index_cast %swap3A_1401 : i32 to index
    %swap3A_1403 = arith.constant 16 : index
    %swap3A_1404 = tpu.vector_load %arg9[%swap3A_1402, %swap3A_1403] {strides = array<i32>} : memref<128x128xf32, #tpu.memory_space<vmem>>, vector<1x16xf32>,
    %swap3A_1405 = vector.shape_cast %swap3A_1404 : vector<1x16xf32> to vector<16xf32>
    %swap3A_1406 = vector.shape_cast %broadcast_in_dim3A_1 : vector<16xf32> to vector<1x16xf32>
    tpu.vector_store %arg9[%swap3A_1402, %swap3A_1403], %swap3A_1406 {strides = array<i32>} : memref<128x128xf32, #tpu.memory_space<vmem>>, vector<1x16xf32>,
    %swap3A_1407 = arith.constant 29 : i32
    %swap3A_1408 = arith.index_cast %swap3A_1407 : i32 to index
    %swap3A_1409 = arith.constant 32 : index
    %swap3A_1410 = tpu.vector_load %arg9[%swap3A_1408, %swap3A_1409] {strides = array<i32>} : memref<128x128xf32, #tpu.memory_space<vmem>>, vector<1x16xf32>,
    %swap3A_1411 = vector.shape_cast %swap3A_1410 : vector<1x16xf32> to vector<16xf32>
    %swap3A_1412 = vector.shape_cast %broadcast_in_dim3A_1 : vector<16xf32> to vector<1x16xf32>
    tpu.vector_store %arg9[%swap3A_1408, %swap3A_1409], %swap3A_1412 {strides = array<i32>} : memref<128x128xf32, #tpu.memory_space<vmem>>, vector<1x16xf32>,
    %swap3A_1413 = arith.constant 29 : i32
    %swap3A_1414 = arith.index_cast %swap3A_1413 : i32 to index
    %swap3A_1415 = arith.constant 48 : index
    %swap3A_1416 = tpu.vector_load %arg9[%swap3A_1414, %swap3A_1415] {strides = array<i32>} : memref<128x128xf32, #tpu.memory_space<vmem>>, vector<1x16xf32>,
    %swap3A_1417 = vector.shape_cast %swap3A_1416 : vector<1x16xf32> to vector<16xf32>
    %swap3A_1418 = vector.shape_cast %broadcast_in_dim3A_1 : vector<16xf32> to vector<1x16xf32>
    tpu.vector_store %arg9[%swap3A_1414, %swap3A_1415], %swap3A_1418 {strides = array<i32>} : memref<128x128xf32, #tpu.memory_space<vmem>>, vector<1x16xf32>,
    %swap3A_1419 = arith.constant 29 : i32
    %swap3A_1420 = arith.index_cast %swap3A_1419 : i32 to index
    %swap3A_1421 = arith.constant 64 : index
    %swap3A_1422 = tpu.vector_load %arg9[%swap3A_1420, %swap3A_1421] {strides = array<i32>} : memref<128x128xf32, #tpu.memory_space<vmem>>, vector<1x16xf32>,
    %swap3A_1423 = vector.shape_cast %swap3A_1422 : vector<1x16xf32> to vector<16xf32>
    %swap3A_1424 = vector.shape_cast %broadcast_in_dim3A_1 : vector<16xf32> to vector<1x16xf32>
    tpu.vector_store %arg9[%swap3A_1420, %swap3A_1421], %swap3A_1424 {strides = array<i32>} : memref<128x128xf32, #tpu.memory_space<vmem>>, vector<1x16xf32>,
    %swap3A_1425 = arith.constant 29 : i32
    %swap3A_1426 = arith.index_cast %swap3A_1425 : i32 to index
    %swap3A_1427 = arith.constant 80 : index
    %swap3A_1428 = tpu.vector_load %arg9[%swap3A_1426, %swap3A_1427] {strides = array<i32>} : memref<128x128xf32, #tpu.memory_space<vmem>>, vector<1x16xf32>,
    %swap3A_1429 = vector.shape_cast %swap3A_1428 : vector<1x16xf32> to vector<16xf32>
    %swap3A_1430 = vector.shape_cast %broadcast_in_dim3A_1 : vector<16xf32> to vector<1x16xf32>
    tpu.vector_store %arg9[%swap3A_1426, %swap3A_1427], %swap3A_1430 {strides = array<i32>} : memref<128x128xf32, #tpu.memory_space<vmem>>, vector<1x16xf32>,
    %swap3A_1431 = arith.constant 29 : i32
    %swap3A_1432 = arith.index_cast %swap3A_1431 : i32 to index
    %swap3A_1433 = arith.constant 96 : index
    %swap3A_1434 = tpu.vector_load %arg9[%swap3A_1432, %swap3A_1433] {strides = array<i32>} : memref<128x128xf32, #tpu.memory_space<vmem>>, vector<1x16xf32>,
    %swap3A_1435 = vector.shape_cast %swap3A_1434 : vector<1x16xf32> to vector<16xf32>
    %swap3A_1436 = vector.shape_cast %broadcast_in_dim3A_1 : vector<16xf32> to vector<1x16xf32>
    tpu.vector_store %arg9[%swap3A_1432, %swap3A_1433], %swap3A_1436 {strides = array<i32>} : memref<128x128xf32, #tpu.memory_space<vmem>>, vector<1x16xf32>,
    %swap3A_1437 = arith.constant 29 : i32
    %swap3A_1438 = arith.index_cast %swap3A_1437 : i32 to index
    %swap3A_1439 = arith.constant 112 : index
    %swap3A_1440 = tpu.vector_load %arg9[%swap3A_1438, %swap3A_1439] {strides = array<i32>} : memref<128x128xf32, #tpu.memory_space<vmem>>, vector<1x16xf32>,
    %swap3A_1441 = vector.shape_cast %swap3A_1440 : vector<1x16xf32> to vector<16xf32>
    %swap3A_1442 = vector.shape_cast %broadcast_in_dim3A_1 : vector<16xf32> to vector<1x16xf32>
    tpu.vector_store %arg9[%swap3A_1438, %swap3A_1439], %swap3A_1442 {strides = array<i32>} : memref<128x128xf32, #tpu.memory_space<vmem>>, vector<1x16xf32>,
    %swap3A_1443 = arith.constant 30 : i32
    %swap3A_1444 = arith.index_cast %swap3A_1443 : i32 to index
    %swap3A_1445 = arith.constant 0 : index
    %swap3A_1446 = tpu.vector_load %arg9[%swap3A_1444, %swap3A_1445] {strides = array<i32>} : memref<128x128xf32, #tpu.memory_space<vmem>>, vector<1x16xf32>,
    %swap3A_1447 = vector.shape_cast %swap3A_1446 : vector<1x16xf32> to vector<16xf32>
    %swap3A_1448 = vector.shape_cast %broadcast_in_dim3A_1 : vector<16xf32> to vector<1x16xf32>
    tpu.vector_store %arg9[%swap3A_1444, %swap3A_1445], %swap3A_1448 {strides = array<i32>} : memref<128x128xf32, #tpu.memory_space<vmem>>, vector<1x16xf32>,
    %swap3A_1449 = arith.constant 30 : i32
    %swap3A_1450 = arith.index_cast %swap3A_1449 : i32 to index
    %swap3A_1451 = arith.constant 16 : index
    %swap3A_1452 = tpu.vector_load %arg9[%swap3A_1450, %swap3A_1451] {strides = array<i32>} : memref<128x128xf32, #tpu.memory_space<vmem>>, vector<1x16xf32>,
    %swap3A_1453 = vector.shape_cast %swap3A_1452 : vector<1x16xf32> to vector<16xf32>
    %swap3A_1454 = vector.shape_cast %broadcast_in_dim3A_1 : vector<16xf32> to vector<1x16xf32>
    tpu.vector_store %arg9[%swap3A_1450, %swap3A_1451], %swap3A_1454 {strides = array<i32>} : memref<128x128xf32, #tpu.memory_space<vmem>>, vector<1x16xf32>,
    %swap3A_1455 = arith.constant 30 : i32
    %swap3A_1456 = arith.index_cast %swap3A_1455 : i32 to index
    %swap3A_1457 = arith.constant 32 : index
    %swap3A_1458 = tpu.vector_load %arg9[%swap3A_1456, %swap3A_1457] {strides = array<i32>} : memref<128x128xf32, #tpu.memory_space<vmem>>, vector<1x16xf32>,
    %swap3A_1459 = vector.shape_cast %swap3A_1458 : vector<1x16xf32> to vector<16xf32>
    %swap3A_1460 = vector.shape_cast %broadcast_in_dim3A_1 : vector<16xf32> to vector<1x16xf32>
    tpu.vector_store %arg9[%swap3A_1456, %swap3A_1457], %swap3A_1460 {strides = array<i32>} : memref<128x128xf32, #tpu.memory_space<vmem>>, vector<1x16xf32>,
    %swap3A_1461 = arith.constant 30 : i32
    %swap3A_1462 = arith.index_cast %swap3A_1461 : i32 to index
    %swap3A_1463 = arith.constant 48 : index
    %swap3A_1464 = tpu.vector_load %arg9[%swap3A_1462, %swap3A_1463] {strides = array<i32>} : memref<128x128xf32, #tpu.memory_space<vmem>>, vector<1x16xf32>,
    %swap3A_1465 = vector.shape_cast %swap3A_1464 : vector<1x16xf32> to vector<16xf32>
    %swap3A_1466 = vector.shape_cast %broadcast_in_dim3A_1 : vector<16xf32> to vector<1x16xf32>
    tpu.vector_store %arg9[%swap3A_1462, %swap3A_1463], %swap3A_1466 {strides = array<i32>} : memref<128x128xf32, #tpu.memory_space<vmem>>, vector<1x16xf32>,
    %swap3A_1467 = arith.constant 30 : i32
    %swap3A_1468 = arith.index_cast %swap3A_1467 : i32 to index
    %swap3A_1469 = arith.constant 64 : index
    %swap3A_1470 = tpu.vector_load %arg9[%swap3A_1468, %swap3A_1469] {strides = array<i32>} : memref<128x128xf32, #tpu.memory_space<vmem>>, vector<1x16xf32>,
    %swap3A_1471 = vector.shape_cast %swap3A_1470 : vector<1x16xf32> to vector<16xf32>
    %swap3A_1472 = vector.shape_cast %broadcast_in_dim3A_1 : vector<16xf32> to vector<1x16xf32>
    tpu.vector_store %arg9[%swap3A_1468, %swap3A_1469], %swap3A_1472 {strides = array<i32>} : memref<128x128xf32, #tpu.memory_space<vmem>>, vector<1x16xf32>,
    %swap3A_1473 = arith.constant 30 : i32
    %swap3A_1474 = arith.index_cast %swap3A_1473 : i32 to index
    %swap3A_1475 = arith.constant 80 : index
    %swap3A_1476 = tpu.vector_load %arg9[%swap3A_1474, %swap3A_1475] {strides = array<i32>} : memref<128x128xf32, #tpu.memory_space<vmem>>, vector<1x16xf32>,
    %swap3A_1477 = vector.shape_cast %swap3A_1476 : vector<1x16xf32> to vector<16xf32>
    %swap3A_1478 = vector.shape_cast %broadcast_in_dim3A_1 : vector<16xf32> to vector<1x16xf32>
    tpu.vector_store %arg9[%swap3A_1474, %swap3A_1475], %swap3A_1478 {strides = array<i32>} : memref<128x128xf32, #tpu.memory_space<vmem>>, vector<1x16xf32>,
    %swap3A_1479 = arith.constant 30 : i32
    %swap3A_1480 = arith.index_cast %swap3A_1479 : i32 to index
    %swap3A_1481 = arith.constant 96 : index
    %swap3A_1482 = tpu.vector_load %arg9[%swap3A_1480, %swap3A_1481] {strides = array<i32>} : memref<128x128xf32, #tpu.memory_space<vmem>>, vector<1x16xf32>,
    %swap3A_1483 = vector.shape_cast %swap3A_1482 : vector<1x16xf32> to vector<16xf32>
    %swap3A_1484 = vector.shape_cast %broadcast_in_dim3A_1 : vector<16xf32> to vector<1x16xf32>
    tpu.vector_store %arg9[%swap3A_1480, %swap3A_1481], %swap3A_1484 {strides = array<i32>} : memref<128x128xf32, #tpu.memory_space<vmem>>, vector<1x16xf32>,
    %swap3A_1485 = arith.constant 30 : i32
    %swap3A_1486 = arith.index_cast %swap3A_1485 : i32 to index
    %swap3A_1487 = arith.constant 112 : index
    %swap3A_1488 = tpu.vector_load %arg9[%swap3A_1486, %swap3A_1487] {strides = array<i32>} : memref<128x128xf32, #tpu.memory_space<vmem>>, vector<1x16xf32>,
    %swap3A_1489 = vector.shape_cast %swap3A_1488 : vector<1x16xf32> to vector<16xf32>
    %swap3A_1490 = vector.shape_cast %broadcast_in_dim3A_1 : vector<16xf32> to vector<1x16xf32>
    tpu.vector_store %arg9[%swap3A_1486, %swap3A_1487], %swap3A_1490 {strides = array<i32>} : memref<128x128xf32, #tpu.memory_space<vmem>>, vector<1x16xf32>,
    %swap3A_1491 = arith.constant 31 : i32
    %swap3A_1492 = arith.index_cast %swap3A_1491 : i32 to index
    %swap3A_1493 = arith.constant 0 : index
    %swap3A_1494 = tpu.vector_load %arg9[%swap3A_1492, %swap3A_1493] {strides = array<i32>} : memref<128x128xf32, #tpu.memory_space<vmem>>, vector<1x16xf32>,
    %swap3A_1495 = vector.shape_cast %swap3A_1494 : vector<1x16xf32> to vector<16xf32>
    %swap3A_1496 = vector.shape_cast %broadcast_in_dim3A_1 : vector<16xf32> to vector<1x16xf32>
    tpu.vector_store %arg9[%swap3A_1492, %swap3A_1493], %swap3A_1496 {strides = array<i32>} : memref<128x128xf32, #tpu.memory_space<vmem>>, vector<1x16xf32>,
    %swap3A_1497 = arith.constant 31 : i32
    %swap3A_1498 = arith.index_cast %swap3A_1497 : i32 to index
    %swap3A_1499 = arith.constant 16 : index
    %swap3A_1500 = tpu.vector_load %arg9[%swap3A_1498, %swap3A_1499] {strides = array<i32>} : memref<128x128xf32, #tpu.memory_space<vmem>>, vector<1x16xf32>,
    %swap3A_1501 = vector.shape_cast %swap3A_1500 : vector<1x16xf32> to vector<16xf32>
    %swap3A_1502 = vector.shape_cast %broadcast_in_dim3A_1 : vector<16xf32> to vector<1x16xf32>
    tpu.vector_store %arg9[%swap3A_1498, %swap3A_1499], %swap3A_1502 {strides = array<i32>} : memref<128x128xf32, #tpu.memory_space<vmem>>, vector<1x16xf32>,
    %swap3A_1503 = arith.constant 31 : i32
    %swap3A_1504 = arith.index_cast %swap3A_1503 : i32 to index
    %swap3A_1505 = arith.constant 32 : index
    %swap3A_1506 = tpu.vector_load %arg9[%swap3A_1504, %swap3A_1505] {strides = array<i32>} : memref<128x128xf32, #tpu.memory_space<vmem>>, vector<1x16xf32>,
    %swap3A_1507 = vector.shape_cast %swap3A_1506 : vector<1x16xf32> to vector<16xf32>
    %swap3A_1508 = vector.shape_cast %broadcast_in_dim3A_1 : vector<16xf32> to vector<1x16xf32>
    tpu.vector_store %arg9[%swap3A_1504, %swap3A_1505], %swap3A_1508 {strides = array<i32>} : memref<128x128xf32, #tpu.memory_space<vmem>>, vector<1x16xf32>,
    %swap3A_1509 = arith.constant 31 : i32
    %swap3A_1510 = arith.index_cast %swap3A_1509 : i32 to index
    %swap3A_1511 = arith.constant 48 : index
    %swap3A_1512 = tpu.vector_load %arg9[%swap3A_1510, %swap3A_1511] {strides = array<i32>} : memref<128x128xf32, #tpu.memory_space<vmem>>, vector<1x16xf32>,
    %swap3A_1513 = vector.shape_cast %swap3A_1512 : vector<1x16xf32> to vector<16xf32>
    %swap3A_1514 = vector.shape_cast %broadcast_in_dim3A_1 : vector<16xf32> to vector<1x16xf32>
    tpu.vector_store %arg9[%swap3A_1510, %swap3A_1511], %swap3A_1514 {strides = array<i32>} : memref<128x128xf32, #tpu.memory_space<vmem>>, vector<1x16xf32>,
    %swap3A_1515 = arith.constant 31 : i32
    %swap3A_1516 = arith.index_cast %swap3A_1515 : i32 to index
    %swap3A_1517 = arith.constant 64 : index
    %swap3A_1518 = tpu.vector_load %arg9[%swap3A_1516, %swap3A_1517] {strides = array<i32>} : memref<128x128xf32, #tpu.memory_space<vmem>>, vector<1x16xf32>,
    %swap3A_1519 = vector.shape_cast %swap3A_1518 : vector<1x16xf32> to vector<16xf32>
    %swap3A_1520 = vector.shape_cast %broadcast_in_dim3A_1 : vector<16xf32> to vector<1x16xf32>
    tpu.vector_store %arg9[%swap3A_1516, %swap3A_1517], %swap3A_1520 {strides = array<i32>} : memref<128x128xf32, #tpu.memory_space<vmem>>, vector<1x16xf32>,
    %swap3A_1521 = arith.constant 31 : i32
    %swap3A_1522 = arith.index_cast %swap3A_1521 : i32 to index
    %swap3A_1523 = arith.constant 80 : index
    %swap3A_1524 = tpu.vector_load %arg9[%swap3A_1522, %swap3A_1523] {strides = array<i32>} : memref<128x128xf32, #tpu.memory_space<vmem>>, vector<1x16xf32>,
    %swap3A_1525 = vector.shape_cast %swap3A_1524 : vector<1x16xf32> to vector<16xf32>
    %swap3A_1526 = vector.shape_cast %broadcast_in_dim3A_1 : vector<16xf32> to vector<1x16xf32>
    tpu.vector_store %arg9[%swap3A_1522, %swap3A_1523], %swap3A_1526 {strides = array<i32>} : memref<128x128xf32, #tpu.memory_space<vmem>>, vector<1x16xf32>,
    %swap3A_1527 = arith.constant 31 : i32
    %swap3A_1528 = arith.index_cast %swap3A_1527 : i32 to index
    %swap3A_1529 = arith.constant 96 : index
    %swap3A_1530 = tpu.vector_load %arg9[%swap3A_1528, %swap3A_1529] {strides = array<i32>} : memref<128x128xf32, #tpu.memory_space<vmem>>, vector<1x16xf32>,
    %swap3A_1531 = vector.shape_cast %swap3A_1530 : vector<1x16xf32> to vector<16xf32>
    %swap3A_1532 = vector.shape_cast %broadcast_in_dim3A_1 : vector<16xf32> to vector<1x16xf32>
    tpu.vector_store %arg9[%swap3A_1528, %swap3A_1529], %swap3A_1532 {strides = array<i32>} : memref<128x128xf32, #tpu.memory_space<vmem>>, vector<1x16xf32>,
    %swap3A_1533 = arith.constant 31 : i32
    %swap3A_1534 = arith.index_cast %swap3A_1533 : i32 to index
    %swap3A_1535 = arith.constant 112 : index
    %swap3A_1536 = tpu.vector_load %arg9[%swap3A_1534, %swap3A_1535] {strides = array<i32>} : memref<128x128xf32, #tpu.memory_space<vmem>>, vector<1x16xf32>,
    %swap3A_1537 = vector.shape_cast %swap3A_1536 : vector<1x16xf32> to vector<16xf32>
    %swap3A_1538 = vector.shape_cast %broadcast_in_dim3A_1 : vector<16xf32> to vector<1x16xf32>
    tpu.vector_store %arg9[%swap3A_1534, %swap3A_1535], %swap3A_1538 {strides = array<i32>} : memref<128x128xf32, #tpu.memory_space<vmem>>, vector<1x16xf32>,
    %mul3A_1539 = arith.constant 32 : i32
    %mul3A_1540 = arith.muli %arg1, %mul3A_1539 : i32
    "tpu.region"() ({
      %run_scoped3A = tpu.sem_alloc : memref<!tpu.dma_semaphore, #tpu.memory_space<semaphore_mem>>
      %dma_start3A = arith.constant 0 : i32
      %dma_start3A_2353 = arith.constant 0 : i32
      %dma_start3A_2354 = tpu.memref_slice %arg9[%dma_start3A, %dma_start3A_2353] : memref<128x128xf32, #tpu.memory_space<vmem>> -> memref<32x128xf32, #tpu.memory_space<vmem>>
      %dma_start3A_2355 = arith.constant 0 : i32
      %dma_start3A_2356 = tpu.memref_slice %arg12[%mul3A_1540, %dma_start3A_2355] : memref<512x128xf32, #tpu.memory_space<vmem_shared>> -> memref<32x128xf32, #tpu.memory_space<vmem_shared>>
      %dma_start3A_2357 = arith.constant 0 : i32
      %dma_start3A_2358 = tpu.memref_slice %arg12[%mul3A_1540, %dma_start3A_2357] : memref<512x128xf32, #tpu.memory_space<vmem_shared>> -> memref<32x128xf32, #tpu.memory_space<vmem_shared>>
      %dma_start3A_2359 = arith.constant 0 : i32
      %dma_start3A_2360 = arith.constant 0 : i32
      %dma_start3A_2361 = tpu.memref_slice %arg9[%dma_start3A_2359, %dma_start3A_2360] : memref<128x128xf32, #tpu.memory_space<vmem>> -> memref<32x128xf32, #tpu.memory_space<vmem>>
      tpu.enqueue_dma source(%dma_start3A_2361 : memref<32x128xf32, #tpu.memory_space<vmem>>) target(%dma_start3A_2358 : memref<32x128xf32, #tpu.memory_space<vmem_shared>>) target_semaphore(%run_scoped3A : memref<!tpu.dma_semaphore, #tpu.memory_space<semaphore_mem>>)
      %dma_wait3A = arith.constant 0 : i32
      %dma_wait3A_2362 = arith.constant 0 : i32
      %dma_wait3A_2363 = tpu.memref_slice %arg9[%dma_wait3A, %dma_wait3A_2362] : memref<128x128xf32, #tpu.memory_space<vmem>> -> memref<32x128xf32, #tpu.memory_space<vmem>>
      %dma_wait3A_2364 = arith.constant 0 : i32
      %dma_wait3A_2365 = tpu.memref_slice %arg12[%mul3A_1540, %dma_wait3A_2364] : memref<512x128xf32, #tpu.memory_space<vmem_shared>> -> memref<32x128xf32, #tpu.memory_space<vmem_shared>>
      %dma_wait3A_2366 = arith.constant 0 : i32
      %dma_wait3A_2367 = tpu.memref_slice %arg12[%mul3A_1540, %dma_wait3A_2366] : memref<512x128xf32, #tpu.memory_space<vmem_shared>> -> memref<32x128xf32, #tpu.memory_space<vmem_shared>>
      %dma_wait3A_2368 = arith.constant 0 : i32
      %dma_wait3A_2369 = arith.constant 0 : i32
      %dma_wait3A_2370 = tpu.memref_slice %arg9[%dma_wait3A_2368, %dma_wait3A_2369] : memref<128x128xf32, #tpu.memory_space<vmem>> -> memref<32x128xf32, #tpu.memory_space<vmem>>
      tpu.wait_dma2 semaphore(%run_scoped3A : memref<!tpu.dma_semaphore, #tpu.memory_space<semaphore_mem>>) src(%dma_wait3A_2370 : memref<32x128xf32, #tpu.memory_space<vmem>>) dst(%dma_wait3A_2367 : memref<32x128xf32, #tpu.memory_space<vmem_shared>>)
      tpu.yield
    }) : () -> ()
    %mul3A_1541 = arith.constant 32 : i32
    %mul3A_1542 = arith.muli %arg1, %mul3A_1541 : i32
    "tpu.region"() ({
      %run_scoped3A = tpu.sem_alloc : memref<!tpu.dma_semaphore, #tpu.memory_space<semaphore_mem>>
      %dma_start3A = arith.constant 0 : i32
      %dma_start3A_2353 = arith.constant 0 : i32
      %dma_start3A_2354 = tpu.memref_slice %arg9[%dma_start3A, %dma_start3A_2353] : memref<128x128xf32, #tpu.memory_space<vmem>> -> memref<32x128xf32, #tpu.memory_space<vmem>>
      %dma_start3A_2355 = arith.constant 0 : i32
      %dma_start3A_2356 = tpu.memref_slice %arg13[%mul3A_1542, %dma_start3A_2355] : memref<512x128xf32, #tpu.memory_space<vmem_shared>> -> memref<32x128xf32, #tpu.memory_space<vmem_shared>>
      %dma_start3A_2357 = arith.constant 0 : i32
      %dma_start3A_2358 = tpu.memref_slice %arg13[%mul3A_1542, %dma_start3A_2357] : memref<512x128xf32, #tpu.memory_space<vmem_shared>> -> memref<32x128xf32, #tpu.memory_space<vmem_shared>>
      %dma_start3A_2359 = arith.constant 0 : i32
      %dma_start3A_2360 = arith.constant 0 : i32
      %dma_start3A_2361 = tpu.memref_slice %arg9[%dma_start3A_2359, %dma_start3A_2360] : memref<128x128xf32, #tpu.memory_space<vmem>> -> memref<32x128xf32, #tpu.memory_space<vmem>>
      tpu.enqueue_dma source(%dma_start3A_2361 : memref<32x128xf32, #tpu.memory_space<vmem>>) target(%dma_start3A_2358 : memref<32x128xf32, #tpu.memory_space<vmem_shared>>) target_semaphore(%run_scoped3A : memref<!tpu.dma_semaphore, #tpu.memory_space<semaphore_mem>>)
      %dma_wait3A = arith.constant 0 : i32
      %dma_wait3A_2362 = arith.constant 0 : i32
      %dma_wait3A_2363 = tpu.memref_slice %arg9[%dma_wait3A, %dma_wait3A_2362] : memref<128x128xf32, #tpu.memory_space<vmem>> -> memref<32x128xf32, #tpu.memory_space<vmem>>
      %dma_wait3A_2364 = arith.constant 0 : i32
      %dma_wait3A_2365 = tpu.memref_slice %arg13[%mul3A_1542, %dma_wait3A_2364] : memref<512x128xf32, #tpu.memory_space<vmem_shared>> -> memref<32x128xf32, #tpu.memory_space<vmem_shared>>
      %dma_wait3A_2366 = arith.constant 0 : i32
      %dma_wait3A_2367 = tpu.memref_slice %arg13[%mul3A_1542, %dma_wait3A_2366] : memref<512x128xf32, #tpu.memory_space<vmem_shared>> -> memref<32x128xf32, #tpu.memory_space<vmem_shared>>
      %dma_wait3A_2368 = arith.constant 0 : i32
      %dma_wait3A_2369 = arith.constant 0 : i32
      %dma_wait3A_2370 = tpu.memref_slice %arg9[%dma_wait3A_2368, %dma_wait3A_2369] : memref<128x128xf32, #tpu.memory_space<vmem>> -> memref<32x128xf32, #tpu.memory_space<vmem>>
      tpu.wait_dma2 semaphore(%run_scoped3A : memref<!tpu.dma_semaphore, #tpu.memory_space<semaphore_mem>>) src(%dma_wait3A_2370 : memref<32x128xf32, #tpu.memory_space<vmem>>) dst(%dma_wait3A_2367 : memref<32x128xf32, #tpu.memory_space<vmem_shared>>)
      tpu.yield
    }) : () -> ()
    %swap3A_1543 = arith.constant 0 : i32
    %swap3A_1544 = arith.index_cast %swap3A_1543 : i32 to index
    %swap3A_1545 = arith.constant 0 : index
    %swap3A_1546 = tpu.vector_load %arg11[%swap3A_1544, %swap3A_1545] {strides = array<i32>} : memref<128x128xf32, #tpu.memory_space<vmem>>, vector<1x16xf32>,
    %swap3A_1547 = vector.shape_cast %swap3A_1546 : vector<1x16xf32> to vector<16xf32>
    %swap3A_1548 = vector.shape_cast %broadcast_in_dim3A_3 : vector<16xf32> to vector<1x16xf32>
    tpu.vector_store %arg11[%swap3A_1544, %swap3A_1545], %swap3A_1548 {strides = array<i32>} : memref<128x128xf32, #tpu.memory_space<vmem>>, vector<1x16xf32>,
    %swap3A_1549 = arith.constant 1 : i32
    %swap3A_1550 = arith.index_cast %swap3A_1549 : i32 to index
    %swap3A_1551 = arith.constant 0 : index
    %swap3A_1552 = tpu.vector_load %arg11[%swap3A_1550, %swap3A_1551] {strides = array<i32>} : memref<128x128xf32, #tpu.memory_space<vmem>>, vector<1x16xf32>,
    %swap3A_1553 = vector.shape_cast %swap3A_1552 : vector<1x16xf32> to vector<16xf32>
    %swap3A_1554 = vector.shape_cast %broadcast_in_dim3A_3 : vector<16xf32> to vector<1x16xf32>
    tpu.vector_store %arg11[%swap3A_1550, %swap3A_1551], %swap3A_1554 {strides = array<i32>} : memref<128x128xf32, #tpu.memory_space<vmem>>, vector<1x16xf32>,
    %swap3A_1555 = arith.constant 2 : i32
    %swap3A_1556 = arith.index_cast %swap3A_1555 : i32 to index
    %swap3A_1557 = arith.constant 0 : index
    %swap3A_1558 = tpu.vector_load %arg11[%swap3A_1556, %swap3A_1557] {strides = array<i32>} : memref<128x128xf32, #tpu.memory_space<vmem>>, vector<1x16xf32>,
    %swap3A_1559 = vector.shape_cast %swap3A_1558 : vector<1x16xf32> to vector<16xf32>
    %swap3A_1560 = vector.shape_cast %broadcast_in_dim3A_3 : vector<16xf32> to vector<1x16xf32>
    tpu.vector_store %arg11[%swap3A_1556, %swap3A_1557], %swap3A_1560 {strides = array<i32>} : memref<128x128xf32, #tpu.memory_space<vmem>>, vector<1x16xf32>,
    %swap3A_1561 = arith.constant 3 : i32
    %swap3A_1562 = arith.index_cast %swap3A_1561 : i32 to index
    %swap3A_1563 = arith.constant 0 : index
    %swap3A_1564 = tpu.vector_load %arg11[%swap3A_1562, %swap3A_1563] {strides = array<i32>} : memref<128x128xf32, #tpu.memory_space<vmem>>, vector<1x16xf32>,
    %swap3A_1565 = vector.shape_cast %swap3A_1564 : vector<1x16xf32> to vector<16xf32>
    %swap3A_1566 = vector.shape_cast %broadcast_in_dim3A_3 : vector<16xf32> to vector<1x16xf32>
    tpu.vector_store %arg11[%swap3A_1562, %swap3A_1563], %swap3A_1566 {strides = array<i32>} : memref<128x128xf32, #tpu.memory_space<vmem>>, vector<1x16xf32>,
    %swap3A_1567 = arith.constant 4 : i32
    %swap3A_1568 = arith.index_cast %swap3A_1567 : i32 to index
    %swap3A_1569 = arith.constant 0 : index
    %swap3A_1570 = tpu.vector_load %arg11[%swap3A_1568, %swap3A_1569] {strides = array<i32>} : memref<128x128xf32, #tpu.memory_space<vmem>>, vector<1x16xf32>,
    %swap3A_1571 = vector.shape_cast %swap3A_1570 : vector<1x16xf32> to vector<16xf32>
    %swap3A_1572 = vector.shape_cast %broadcast_in_dim3A_3 : vector<16xf32> to vector<1x16xf32>
    tpu.vector_store %arg11[%swap3A_1568, %swap3A_1569], %swap3A_1572 {strides = array<i32>} : memref<128x128xf32, #tpu.memory_space<vmem>>, vector<1x16xf32>,
    %swap3A_1573 = arith.constant 5 : i32
    %swap3A_1574 = arith.index_cast %swap3A_1573 : i32 to index
    %swap3A_1575 = arith.constant 0 : index
    %swap3A_1576 = tpu.vector_load %arg11[%swap3A_1574, %swap3A_1575] {strides = array<i32>} : memref<128x128xf32, #tpu.memory_space<vmem>>, vector<1x16xf32>,
    %swap3A_1577 = vector.shape_cast %swap3A_1576 : vector<1x16xf32> to vector<16xf32>
    %swap3A_1578 = vector.shape_cast %broadcast_in_dim3A_3 : vector<16xf32> to vector<1x16xf32>
    tpu.vector_store %arg11[%swap3A_1574, %swap3A_1575], %swap3A_1578 {strides = array<i32>} : memref<128x128xf32, #tpu.memory_space<vmem>>, vector<1x16xf32>,
    %swap3A_1579 = arith.constant 6 : i32
    %swap3A_1580 = arith.index_cast %swap3A_1579 : i32 to index
    %swap3A_1581 = arith.constant 0 : index
    %swap3A_1582 = tpu.vector_load %arg11[%swap3A_1580, %swap3A_1581] {strides = array<i32>} : memref<128x128xf32, #tpu.memory_space<vmem>>, vector<1x16xf32>,
    %swap3A_1583 = vector.shape_cast %swap3A_1582 : vector<1x16xf32> to vector<16xf32>
    %swap3A_1584 = vector.shape_cast %broadcast_in_dim3A_3 : vector<16xf32> to vector<1x16xf32>
    tpu.vector_store %arg11[%swap3A_1580, %swap3A_1581], %swap3A_1584 {strides = array<i32>} : memref<128x128xf32, #tpu.memory_space<vmem>>, vector<1x16xf32>,
    %swap3A_1585 = arith.constant 7 : i32
    %swap3A_1586 = arith.index_cast %swap3A_1585 : i32 to index
    %swap3A_1587 = arith.constant 0 : index
    %swap3A_1588 = tpu.vector_load %arg11[%swap3A_1586, %swap3A_1587] {strides = array<i32>} : memref<128x128xf32, #tpu.memory_space<vmem>>, vector<1x16xf32>,
    %swap3A_1589 = vector.shape_cast %swap3A_1588 : vector<1x16xf32> to vector<16xf32>
    %swap3A_1590 = vector.shape_cast %broadcast_in_dim3A_3 : vector<16xf32> to vector<1x16xf32>
    tpu.vector_store %arg11[%swap3A_1586, %swap3A_1587], %swap3A_1590 {strides = array<i32>} : memref<128x128xf32, #tpu.memory_space<vmem>>, vector<1x16xf32>,
    %swap3A_1591 = arith.constant 8 : i32
    %swap3A_1592 = arith.index_cast %swap3A_1591 : i32 to index
    %swap3A_1593 = arith.constant 0 : index
    %swap3A_1594 = tpu.vector_load %arg11[%swap3A_1592, %swap3A_1593] {strides = array<i32>} : memref<128x128xf32, #tpu.memory_space<vmem>>, vector<1x16xf32>,
    %swap3A_1595 = vector.shape_cast %swap3A_1594 : vector<1x16xf32> to vector<16xf32>
    %swap3A_1596 = vector.shape_cast %broadcast_in_dim3A_3 : vector<16xf32> to vector<1x16xf32>
    tpu.vector_store %arg11[%swap3A_1592, %swap3A_1593], %swap3A_1596 {strides = array<i32>} : memref<128x128xf32, #tpu.memory_space<vmem>>, vector<1x16xf32>,
    %swap3A_1597 = arith.constant 9 : i32
    %swap3A_1598 = arith.index_cast %swap3A_1597 : i32 to index
    %swap3A_1599 = arith.constant 0 : index
    %swap3A_1600 = tpu.vector_load %arg11[%swap3A_1598, %swap3A_1599] {strides = array<i32>} : memref<128x128xf32, #tpu.memory_space<vmem>>, vector<1x16xf32>,
    %swap3A_1601 = vector.shape_cast %swap3A_1600 : vector<1x16xf32> to vector<16xf32>
    %swap3A_1602 = vector.shape_cast %broadcast_in_dim3A_3 : vector<16xf32> to vector<1x16xf32>
    tpu.vector_store %arg11[%swap3A_1598, %swap3A_1599], %swap3A_1602 {strides = array<i32>} : memref<128x128xf32, #tpu.memory_space<vmem>>, vector<1x16xf32>,
    %swap3A_1603 = arith.constant 10 : i32
    %swap3A_1604 = arith.index_cast %swap3A_1603 : i32 to index
    %swap3A_1605 = arith.constant 0 : index
    %swap3A_1606 = tpu.vector_load %arg11[%swap3A_1604, %swap3A_1605] {strides = array<i32>} : memref<128x128xf32, #tpu.memory_space<vmem>>, vector<1x16xf32>,
    %swap3A_1607 = vector.shape_cast %swap3A_1606 : vector<1x16xf32> to vector<16xf32>
    %swap3A_1608 = vector.shape_cast %broadcast_in_dim3A_3 : vector<16xf32> to vector<1x16xf32>
    tpu.vector_store %arg11[%swap3A_1604, %swap3A_1605], %swap3A_1608 {strides = array<i32>} : memref<128x128xf32, #tpu.memory_space<vmem>>, vector<1x16xf32>,
    %swap3A_1609 = arith.constant 11 : i32
    %swap3A_1610 = arith.index_cast %swap3A_1609 : i32 to index
    %swap3A_1611 = arith.constant 0 : index
    %swap3A_1612 = tpu.vector_load %arg11[%swap3A_1610, %swap3A_1611] {strides = array<i32>} : memref<128x128xf32, #tpu.memory_space<vmem>>, vector<1x16xf32>,
    %swap3A_1613 = vector.shape_cast %swap3A_1612 : vector<1x16xf32> to vector<16xf32>
    %swap3A_1614 = vector.shape_cast %broadcast_in_dim3A_3 : vector<16xf32> to vector<1x16xf32>
    tpu.vector_store %arg11[%swap3A_1610, %swap3A_1611], %swap3A_1614 {strides = array<i32>} : memref<128x128xf32, #tpu.memory_space<vmem>>, vector<1x16xf32>,
    %swap3A_1615 = arith.constant 12 : i32
    %swap3A_1616 = arith.index_cast %swap3A_1615 : i32 to index
    %swap3A_1617 = arith.constant 0 : index
    %swap3A_1618 = tpu.vector_load %arg11[%swap3A_1616, %swap3A_1617] {strides = array<i32>} : memref<128x128xf32, #tpu.memory_space<vmem>>, vector<1x16xf32>,
    %swap3A_1619 = vector.shape_cast %swap3A_1618 : vector<1x16xf32> to vector<16xf32>
    %swap3A_1620 = vector.shape_cast %broadcast_in_dim3A_3 : vector<16xf32> to vector<1x16xf32>
    tpu.vector_store %arg11[%swap3A_1616, %swap3A_1617], %swap3A_1620 {strides = array<i32>} : memref<128x128xf32, #tpu.memory_space<vmem>>, vector<1x16xf32>,
    %swap3A_1621 = arith.constant 13 : i32
    %swap3A_1622 = arith.index_cast %swap3A_1621 : i32 to index
    %swap3A_1623 = arith.constant 0 : index
    %swap3A_1624 = tpu.vector_load %arg11[%swap3A_1622, %swap3A_1623] {strides = array<i32>} : memref<128x128xf32, #tpu.memory_space<vmem>>, vector<1x16xf32>,
    %swap3A_1625 = vector.shape_cast %swap3A_1624 : vector<1x16xf32> to vector<16xf32>
    %swap3A_1626 = vector.shape_cast %broadcast_in_dim3A_3 : vector<16xf32> to vector<1x16xf32>
    tpu.vector_store %arg11[%swap3A_1622, %swap3A_1623], %swap3A_1626 {strides = array<i32>} : memref<128x128xf32, #tpu.memory_space<vmem>>, vector<1x16xf32>,
    %swap3A_1627 = arith.constant 14 : i32
    %swap3A_1628 = arith.index_cast %swap3A_1627 : i32 to index
    %swap3A_1629 = arith.constant 0 : index
    %swap3A_1630 = tpu.vector_load %arg11[%swap3A_1628, %swap3A_1629] {strides = array<i32>} : memref<128x128xf32, #tpu.memory_space<vmem>>, vector<1x16xf32>,
    %swap3A_1631 = vector.shape_cast %swap3A_1630 : vector<1x16xf32> to vector<16xf32>
    %swap3A_1632 = vector.shape_cast %broadcast_in_dim3A_3 : vector<16xf32> to vector<1x16xf32>
    tpu.vector_store %arg11[%swap3A_1628, %swap3A_1629], %swap3A_1632 {strides = array<i32>} : memref<128x128xf32, #tpu.memory_space<vmem>>, vector<1x16xf32>,
    %swap3A_1633 = arith.constant 15 : i32
    %swap3A_1634 = arith.index_cast %swap3A_1633 : i32 to index
    %swap3A_1635 = arith.constant 0 : index
    %swap3A_1636 = tpu.vector_load %arg11[%swap3A_1634, %swap3A_1635] {strides = array<i32>} : memref<128x128xf32, #tpu.memory_space<vmem>>, vector<1x16xf32>,
    %swap3A_1637 = vector.shape_cast %swap3A_1636 : vector<1x16xf32> to vector<16xf32>
    %swap3A_1638 = vector.shape_cast %broadcast_in_dim3A_3 : vector<16xf32> to vector<1x16xf32>
    tpu.vector_store %arg11[%swap3A_1634, %swap3A_1635], %swap3A_1638 {strides = array<i32>} : memref<128x128xf32, #tpu.memory_space<vmem>>, vector<1x16xf32>,
    %swap3A_1639 = arith.constant 16 : i32
    %swap3A_1640 = arith.index_cast %swap3A_1639 : i32 to index
    %swap3A_1641 = arith.constant 0 : index
    %swap3A_1642 = tpu.vector_load %arg11[%swap3A_1640, %swap3A_1641] {strides = array<i32>} : memref<128x128xf32, #tpu.memory_space<vmem>>, vector<1x16xf32>,
    %swap3A_1643 = vector.shape_cast %swap3A_1642 : vector<1x16xf32> to vector<16xf32>
    %swap3A_1644 = vector.shape_cast %broadcast_in_dim3A_3 : vector<16xf32> to vector<1x16xf32>
    tpu.vector_store %arg11[%swap3A_1640, %swap3A_1641], %swap3A_1644 {strides = array<i32>} : memref<128x128xf32, #tpu.memory_space<vmem>>, vector<1x16xf32>,
    %swap3A_1645 = arith.constant 17 : i32
    %swap3A_1646 = arith.index_cast %swap3A_1645 : i32 to index
    %swap3A_1647 = arith.constant 0 : index
    %swap3A_1648 = tpu.vector_load %arg11[%swap3A_1646, %swap3A_1647] {strides = array<i32>} : memref<128x128xf32, #tpu.memory_space<vmem>>, vector<1x16xf32>,
    %swap3A_1649 = vector.shape_cast %swap3A_1648 : vector<1x16xf32> to vector<16xf32>
    %swap3A_1650 = vector.shape_cast %broadcast_in_dim3A_3 : vector<16xf32> to vector<1x16xf32>
    tpu.vector_store %arg11[%swap3A_1646, %swap3A_1647], %swap3A_1650 {strides = array<i32>} : memref<128x128xf32, #tpu.memory_space<vmem>>, vector<1x16xf32>,
    %swap3A_1651 = arith.constant 18 : i32
    %swap3A_1652 = arith.index_cast %swap3A_1651 : i32 to index
    %swap3A_1653 = arith.constant 0 : index
    %swap3A_1654 = tpu.vector_load %arg11[%swap3A_1652, %swap3A_1653] {strides = array<i32>} : memref<128x128xf32, #tpu.memory_space<vmem>>, vector<1x16xf32>,
    %swap3A_1655 = vector.shape_cast %swap3A_1654 : vector<1x16xf32> to vector<16xf32>
    %swap3A_1656 = vector.shape_cast %broadcast_in_dim3A_3 : vector<16xf32> to vector<1x16xf32>
    tpu.vector_store %arg11[%swap3A_1652, %swap3A_1653], %swap3A_1656 {strides = array<i32>} : memref<128x128xf32, #tpu.memory_space<vmem>>, vector<1x16xf32>,
    %swap3A_1657 = arith.constant 19 : i32
    %swap3A_1658 = arith.index_cast %swap3A_1657 : i32 to index
    %swap3A_1659 = arith.constant 0 : index
    %swap3A_1660 = tpu.vector_load %arg11[%swap3A_1658, %swap3A_1659] {strides = array<i32>} : memref<128x128xf32, #tpu.memory_space<vmem>>, vector<1x16xf32>,
    %swap3A_1661 = vector.shape_cast %swap3A_1660 : vector<1x16xf32> to vector<16xf32>
    %swap3A_1662 = vector.shape_cast %broadcast_in_dim3A_3 : vector<16xf32> to vector<1x16xf32>
    tpu.vector_store %arg11[%swap3A_1658, %swap3A_1659], %swap3A_1662 {strides = array<i32>} : memref<128x128xf32, #tpu.memory_space<vmem>>, vector<1x16xf32>,
    %swap3A_1663 = arith.constant 20 : i32
    %swap3A_1664 = arith.index_cast %swap3A_1663 : i32 to index
    %swap3A_1665 = arith.constant 0 : index
    %swap3A_1666 = tpu.vector_load %arg11[%swap3A_1664, %swap3A_1665] {strides = array<i32>} : memref<128x128xf32, #tpu.memory_space<vmem>>, vector<1x16xf32>,
    %swap3A_1667 = vector.shape_cast %swap3A_1666 : vector<1x16xf32> to vector<16xf32>
    %swap3A_1668 = vector.shape_cast %broadcast_in_dim3A_3 : vector<16xf32> to vector<1x16xf32>
    tpu.vector_store %arg11[%swap3A_1664, %swap3A_1665], %swap3A_1668 {strides = array<i32>} : memref<128x128xf32, #tpu.memory_space<vmem>>, vector<1x16xf32>,
    %swap3A_1669 = arith.constant 21 : i32
    %swap3A_1670 = arith.index_cast %swap3A_1669 : i32 to index
    %swap3A_1671 = arith.constant 0 : index
    %swap3A_1672 = tpu.vector_load %arg11[%swap3A_1670, %swap3A_1671] {strides = array<i32>} : memref<128x128xf32, #tpu.memory_space<vmem>>, vector<1x16xf32>,
    %swap3A_1673 = vector.shape_cast %swap3A_1672 : vector<1x16xf32> to vector<16xf32>
    %swap3A_1674 = vector.shape_cast %broadcast_in_dim3A_3 : vector<16xf32> to vector<1x16xf32>
    tpu.vector_store %arg11[%swap3A_1670, %swap3A_1671], %swap3A_1674 {strides = array<i32>} : memref<128x128xf32, #tpu.memory_space<vmem>>, vector<1x16xf32>,
    %swap3A_1675 = arith.constant 22 : i32
    %swap3A_1676 = arith.index_cast %swap3A_1675 : i32 to index
    %swap3A_1677 = arith.constant 0 : index
    %swap3A_1678 = tpu.vector_load %arg11[%swap3A_1676, %swap3A_1677] {strides = array<i32>} : memref<128x128xf32, #tpu.memory_space<vmem>>, vector<1x16xf32>,
    %swap3A_1679 = vector.shape_cast %swap3A_1678 : vector<1x16xf32> to vector<16xf32>
    %swap3A_1680 = vector.shape_cast %broadcast_in_dim3A_3 : vector<16xf32> to vector<1x16xf32>
    tpu.vector_store %arg11[%swap3A_1676, %swap3A_1677], %swap3A_1680 {strides = array<i32>} : memref<128x128xf32, #tpu.memory_space<vmem>>, vector<1x16xf32>,
    %swap3A_1681 = arith.constant 23 : i32
    %swap3A_1682 = arith.index_cast %swap3A_1681 : i32 to index
    %swap3A_1683 = arith.constant 0 : index
    %swap3A_1684 = tpu.vector_load %arg11[%swap3A_1682, %swap3A_1683] {strides = array<i32>} : memref<128x128xf32, #tpu.memory_space<vmem>>, vector<1x16xf32>,
    %swap3A_1685 = vector.shape_cast %swap3A_1684 : vector<1x16xf32> to vector<16xf32>
    %swap3A_1686 = vector.shape_cast %broadcast_in_dim3A_3 : vector<16xf32> to vector<1x16xf32>
    tpu.vector_store %arg11[%swap3A_1682, %swap3A_1683], %swap3A_1686 {strides = array<i32>} : memref<128x128xf32, #tpu.memory_space<vmem>>, vector<1x16xf32>,
    %swap3A_1687 = arith.constant 24 : i32
    %swap3A_1688 = arith.index_cast %swap3A_1687 : i32 to index
    %swap3A_1689 = arith.constant 0 : index
    %swap3A_1690 = tpu.vector_load %arg11[%swap3A_1688, %swap3A_1689] {strides = array<i32>} : memref<128x128xf32, #tpu.memory_space<vmem>>, vector<1x16xf32>,
    %swap3A_1691 = vector.shape_cast %swap3A_1690 : vector<1x16xf32> to vector<16xf32>
    %swap3A_1692 = vector.shape_cast %broadcast_in_dim3A_3 : vector<16xf32> to vector<1x16xf32>
    tpu.vector_store %arg11[%swap3A_1688, %swap3A_1689], %swap3A_1692 {strides = array<i32>} : memref<128x128xf32, #tpu.memory_space<vmem>>, vector<1x16xf32>,
    %swap3A_1693 = arith.constant 25 : i32
    %swap3A_1694 = arith.index_cast %swap3A_1693 : i32 to index
    %swap3A_1695 = arith.constant 0 : index
    %swap3A_1696 = tpu.vector_load %arg11[%swap3A_1694, %swap3A_1695] {strides = array<i32>} : memref<128x128xf32, #tpu.memory_space<vmem>>, vector<1x16xf32>,
    %swap3A_1697 = vector.shape_cast %swap3A_1696 : vector<1x16xf32> to vector<16xf32>
    %swap3A_1698 = vector.shape_cast %broadcast_in_dim3A_3 : vector<16xf32> to vector<1x16xf32>
    tpu.vector_store %arg11[%swap3A_1694, %swap3A_1695], %swap3A_1698 {strides = array<i32>} : memref<128x128xf32, #tpu.memory_space<vmem>>, vector<1x16xf32>,
    %swap3A_1699 = arith.constant 26 : i32
    %swap3A_1700 = arith.index_cast %swap3A_1699 : i32 to index
    %swap3A_1701 = arith.constant 0 : index
    %swap3A_1702 = tpu.vector_load %arg11[%swap3A_1700, %swap3A_1701] {strides = array<i32>} : memref<128x128xf32, #tpu.memory_space<vmem>>, vector<1x16xf32>,
    %swap3A_1703 = vector.shape_cast %swap3A_1702 : vector<1x16xf32> to vector<16xf32>
    %swap3A_1704 = vector.shape_cast %broadcast_in_dim3A_3 : vector<16xf32> to vector<1x16xf32>
    tpu.vector_store %arg11[%swap3A_1700, %swap3A_1701], %swap3A_1704 {strides = array<i32>} : memref<128x128xf32, #tpu.memory_space<vmem>>, vector<1x16xf32>,
    %swap3A_1705 = arith.constant 27 : i32
    %swap3A_1706 = arith.index_cast %swap3A_1705 : i32 to index
    %swap3A_1707 = arith.constant 0 : index
    %swap3A_1708 = tpu.vector_load %arg11[%swap3A_1706, %swap3A_1707] {strides = array<i32>} : memref<128x128xf32, #tpu.memory_space<vmem>>, vector<1x16xf32>,
    %swap3A_1709 = vector.shape_cast %swap3A_1708 : vector<1x16xf32> to vector<16xf32>
    %swap3A_1710 = vector.shape_cast %broadcast_in_dim3A_3 : vector<16xf32> to vector<1x16xf32>
    tpu.vector_store %arg11[%swap3A_1706, %swap3A_1707], %swap3A_1710 {strides = array<i32>} : memref<128x128xf32, #tpu.memory_space<vmem>>, vector<1x16xf32>,
    %swap3A_1711 = arith.constant 28 : i32
    %swap3A_1712 = arith.index_cast %swap3A_1711 : i32 to index
    %swap3A_1713 = arith.constant 0 : index
    %swap3A_1714 = tpu.vector_load %arg11[%swap3A_1712, %swap3A_1713] {strides = array<i32>} : memref<128x128xf32, #tpu.memory_space<vmem>>, vector<1x16xf32>,
    %swap3A_1715 = vector.shape_cast %swap3A_1714 : vector<1x16xf32> to vector<16xf32>
    %swap3A_1716 = vector.shape_cast %broadcast_in_dim3A_3 : vector<16xf32> to vector<1x16xf32>
    tpu.vector_store %arg11[%swap3A_1712, %swap3A_1713], %swap3A_1716 {strides = array<i32>} : memref<128x128xf32, #tpu.memory_space<vmem>>, vector<1x16xf32>,
    %swap3A_1717 = arith.constant 29 : i32
    %swap3A_1718 = arith.index_cast %swap3A_1717 : i32 to index
    %swap3A_1719 = arith.constant 0 : index
    %swap3A_1720 = tpu.vector_load %arg11[%swap3A_1718, %swap3A_1719] {strides = array<i32>} : memref<128x128xf32, #tpu.memory_space<vmem>>, vector<1x16xf32>,
    %swap3A_1721 = vector.shape_cast %swap3A_1720 : vector<1x16xf32> to vector<16xf32>
    %swap3A_1722 = vector.shape_cast %broadcast_in_dim3A_3 : vector<16xf32> to vector<1x16xf32>
    tpu.vector_store %arg11[%swap3A_1718, %swap3A_1719], %swap3A_1722 {strides = array<i32>} : memref<128x128xf32, #tpu.memory_space<vmem>>, vector<1x16xf32>,
    %swap3A_1723 = arith.constant 30 : i32
    %swap3A_1724 = arith.index_cast %swap3A_1723 : i32 to index
    %swap3A_1725 = arith.constant 0 : index
    %swap3A_1726 = tpu.vector_load %arg11[%swap3A_1724, %swap3A_1725] {strides = array<i32>} : memref<128x128xf32, #tpu.memory_space<vmem>>, vector<1x16xf32>,
    %swap3A_1727 = vector.shape_cast %swap3A_1726 : vector<1x16xf32> to vector<16xf32>
    %swap3A_1728 = vector.shape_cast %broadcast_in_dim3A_3 : vector<16xf32> to vector<1x16xf32>
    tpu.vector_store %arg11[%swap3A_1724, %swap3A_1725], %swap3A_1728 {strides = array<i32>} : memref<128x128xf32, #tpu.memory_space<vmem>>, vector<1x16xf32>,
    %swap3A_1729 = arith.constant 31 : i32
    %swap3A_1730 = arith.index_cast %swap3A_1729 : i32 to index
    %swap3A_1731 = arith.constant 0 : index
    %swap3A_1732 = tpu.vector_load %arg11[%swap3A_1730, %swap3A_1731] {strides = array<i32>} : memref<128x128xf32, #tpu.memory_space<vmem>>, vector<1x16xf32>,
    %swap3A_1733 = vector.shape_cast %swap3A_1732 : vector<1x16xf32> to vector<16xf32>
    %swap3A_1734 = vector.shape_cast %broadcast_in_dim3A_3 : vector<16xf32> to vector<1x16xf32>
    tpu.vector_store %arg11[%swap3A_1730, %swap3A_1731], %swap3A_1734 {strides = array<i32>} : memref<128x128xf32, #tpu.memory_space<vmem>>, vector<1x16xf32>,
    %swap3A_1735 = arith.constant 32 : i32
    %swap3A_1736 = arith.index_cast %swap3A_1735 : i32 to index
    %swap3A_1737 = arith.constant 0 : index
    %swap3A_1738 = tpu.vector_load %arg11[%swap3A_1736, %swap3A_1737] {strides = array<i32>} : memref<128x128xf32, #tpu.memory_space<vmem>>, vector<1x16xf32>,
    %swap3A_1739 = vector.shape_cast %swap3A_1738 : vector<1x16xf32> to vector<16xf32>
    %swap3A_1740 = vector.shape_cast %broadcast_in_dim3A_3 : vector<16xf32> to vector<1x16xf32>
    tpu.vector_store %arg11[%swap3A_1736, %swap3A_1737], %swap3A_1740 {strides = array<i32>} : memref<128x128xf32, #tpu.memory_space<vmem>>, vector<1x16xf32>,
    %swap3A_1741 = arith.constant 33 : i32
    %swap3A_1742 = arith.index_cast %swap3A_1741 : i32 to index
    %swap3A_1743 = arith.constant 0 : index
    %swap3A_1744 = tpu.vector_load %arg11[%swap3A_1742, %swap3A_1743] {strides = array<i32>} : memref<128x128xf32, #tpu.memory_space<vmem>>, vector<1x16xf32>,
    %swap3A_1745 = vector.shape_cast %swap3A_1744 : vector<1x16xf32> to vector<16xf32>
    %swap3A_1746 = vector.shape_cast %broadcast_in_dim3A_3 : vector<16xf32> to vector<1x16xf32>
    tpu.vector_store %arg11[%swap3A_1742, %swap3A_1743], %swap3A_1746 {strides = array<i32>} : memref<128x128xf32, #tpu.memory_space<vmem>>, vector<1x16xf32>,
    %swap3A_1747 = arith.constant 34 : i32
    %swap3A_1748 = arith.index_cast %swap3A_1747 : i32 to index
    %swap3A_1749 = arith.constant 0 : index
    %swap3A_1750 = tpu.vector_load %arg11[%swap3A_1748, %swap3A_1749] {strides = array<i32>} : memref<128x128xf32, #tpu.memory_space<vmem>>, vector<1x16xf32>,
    %swap3A_1751 = vector.shape_cast %swap3A_1750 : vector<1x16xf32> to vector<16xf32>
    %swap3A_1752 = vector.shape_cast %broadcast_in_dim3A_3 : vector<16xf32> to vector<1x16xf32>
    tpu.vector_store %arg11[%swap3A_1748, %swap3A_1749], %swap3A_1752 {strides = array<i32>} : memref<128x128xf32, #tpu.memory_space<vmem>>, vector<1x16xf32>,
    %swap3A_1753 = arith.constant 35 : i32
    %swap3A_1754 = arith.index_cast %swap3A_1753 : i32 to index
    %swap3A_1755 = arith.constant 0 : index
    %swap3A_1756 = tpu.vector_load %arg11[%swap3A_1754, %swap3A_1755] {strides = array<i32>} : memref<128x128xf32, #tpu.memory_space<vmem>>, vector<1x16xf32>,
    %swap3A_1757 = vector.shape_cast %swap3A_1756 : vector<1x16xf32> to vector<16xf32>
    %swap3A_1758 = vector.shape_cast %broadcast_in_dim3A_3 : vector<16xf32> to vector<1x16xf32>
    tpu.vector_store %arg11[%swap3A_1754, %swap3A_1755], %swap3A_1758 {strides = array<i32>} : memref<128x128xf32, #tpu.memory_space<vmem>>, vector<1x16xf32>,
    %swap3A_1759 = arith.constant 36 : i32
    %swap3A_1760 = arith.index_cast %swap3A_1759 : i32 to index
    %swap3A_1761 = arith.constant 0 : index
    %swap3A_1762 = tpu.vector_load %arg11[%swap3A_1760, %swap3A_1761] {strides = array<i32>} : memref<128x128xf32, #tpu.memory_space<vmem>>, vector<1x16xf32>,
    %swap3A_1763 = vector.shape_cast %swap3A_1762 : vector<1x16xf32> to vector<16xf32>
    %swap3A_1764 = vector.shape_cast %broadcast_in_dim3A_3 : vector<16xf32> to vector<1x16xf32>
    tpu.vector_store %arg11[%swap3A_1760, %swap3A_1761], %swap3A_1764 {strides = array<i32>} : memref<128x128xf32, #tpu.memory_space<vmem>>, vector<1x16xf32>,
    %swap3A_1765 = arith.constant 37 : i32
    %swap3A_1766 = arith.index_cast %swap3A_1765 : i32 to index
    %swap3A_1767 = arith.constant 0 : index
    %swap3A_1768 = tpu.vector_load %arg11[%swap3A_1766, %swap3A_1767] {strides = array<i32>} : memref<128x128xf32, #tpu.memory_space<vmem>>, vector<1x16xf32>,
    %swap3A_1769 = vector.shape_cast %swap3A_1768 : vector<1x16xf32> to vector<16xf32>
    %swap3A_1770 = vector.shape_cast %broadcast_in_dim3A_3 : vector<16xf32> to vector<1x16xf32>
    tpu.vector_store %arg11[%swap3A_1766, %swap3A_1767], %swap3A_1770 {strides = array<i32>} : memref<128x128xf32, #tpu.memory_space<vmem>>, vector<1x16xf32>,
    %swap3A_1771 = arith.constant 38 : i32
    %swap3A_1772 = arith.index_cast %swap3A_1771 : i32 to index
    %swap3A_1773 = arith.constant 0 : index
    %swap3A_1774 = tpu.vector_load %arg11[%swap3A_1772, %swap3A_1773] {strides = array<i32>} : memref<128x128xf32, #tpu.memory_space<vmem>>, vector<1x16xf32>,
    %swap3A_1775 = vector.shape_cast %swap3A_1774 : vector<1x16xf32> to vector<16xf32>
    %swap3A_1776 = vector.shape_cast %broadcast_in_dim3A_3 : vector<16xf32> to vector<1x16xf32>
    tpu.vector_store %arg11[%swap3A_1772, %swap3A_1773], %swap3A_1776 {strides = array<i32>} : memref<128x128xf32, #tpu.memory_space<vmem>>, vector<1x16xf32>,
    %swap3A_1777 = arith.constant 39 : i32
    %swap3A_1778 = arith.index_cast %swap3A_1777 : i32 to index
    %swap3A_1779 = arith.constant 0 : index
    %swap3A_1780 = tpu.vector_load %arg11[%swap3A_1778, %swap3A_1779] {strides = array<i32>} : memref<128x128xf32, #tpu.memory_space<vmem>>, vector<1x16xf32>,
    %swap3A_1781 = vector.shape_cast %swap3A_1780 : vector<1x16xf32> to vector<16xf32>
    %swap3A_1782 = vector.shape_cast %broadcast_in_dim3A_3 : vector<16xf32> to vector<1x16xf32>
    tpu.vector_store %arg11[%swap3A_1778, %swap3A_1779], %swap3A_1782 {strides = array<i32>} : memref<128x128xf32, #tpu.memory_space<vmem>>, vector<1x16xf32>,
    %swap3A_1783 = arith.constant 40 : i32
    %swap3A_1784 = arith.index_cast %swap3A_1783 : i32 to index
    %swap3A_1785 = arith.constant 0 : index
    %swap3A_1786 = tpu.vector_load %arg11[%swap3A_1784, %swap3A_1785] {strides = array<i32>} : memref<128x128xf32, #tpu.memory_space<vmem>>, vector<1x16xf32>,
    %swap3A_1787 = vector.shape_cast %swap3A_1786 : vector<1x16xf32> to vector<16xf32>
    %swap3A_1788 = vector.shape_cast %broadcast_in_dim3A_3 : vector<16xf32> to vector<1x16xf32>
    tpu.vector_store %arg11[%swap3A_1784, %swap3A_1785], %swap3A_1788 {strides = array<i32>} : memref<128x128xf32, #tpu.memory_space<vmem>>, vector<1x16xf32>,
    %swap3A_1789 = arith.constant 41 : i32
    %swap3A_1790 = arith.index_cast %swap3A_1789 : i32 to index
    %swap3A_1791 = arith.constant 0 : index
    %swap3A_1792 = tpu.vector_load %arg11[%swap3A_1790, %swap3A_1791] {strides = array<i32>} : memref<128x128xf32, #tpu.memory_space<vmem>>, vector<1x16xf32>,
    %swap3A_1793 = vector.shape_cast %swap3A_1792 : vector<1x16xf32> to vector<16xf32>
    %swap3A_1794 = vector.shape_cast %broadcast_in_dim3A_3 : vector<16xf32> to vector<1x16xf32>
    tpu.vector_store %arg11[%swap3A_1790, %swap3A_1791], %swap3A_1794 {strides = array<i32>} : memref<128x128xf32, #tpu.memory_space<vmem>>, vector<1x16xf32>,
    %swap3A_1795 = arith.constant 42 : i32
    %swap3A_1796 = arith.index_cast %swap3A_1795 : i32 to index
    %swap3A_1797 = arith.constant 0 : index
    %swap3A_1798 = tpu.vector_load %arg11[%swap3A_1796, %swap3A_1797] {strides = array<i32>} : memref<128x128xf32, #tpu.memory_space<vmem>>, vector<1x16xf32>,
    %swap3A_1799 = vector.shape_cast %swap3A_1798 : vector<1x16xf32> to vector<16xf32>
    %swap3A_1800 = vector.shape_cast %broadcast_in_dim3A_3 : vector<16xf32> to vector<1x16xf32>
    tpu.vector_store %arg11[%swap3A_1796, %swap3A_1797], %swap3A_1800 {strides = array<i32>} : memref<128x128xf32, #tpu.memory_space<vmem>>, vector<1x16xf32>,
    %swap3A_1801 = arith.constant 43 : i32
    %swap3A_1802 = arith.index_cast %swap3A_1801 : i32 to index
    %swap3A_1803 = arith.constant 0 : index
    %swap3A_1804 = tpu.vector_load %arg11[%swap3A_1802, %swap3A_1803] {strides = array<i32>} : memref<128x128xf32, #tpu.memory_space<vmem>>, vector<1x16xf32>,
    %swap3A_1805 = vector.shape_cast %swap3A_1804 : vector<1x16xf32> to vector<16xf32>
    %swap3A_1806 = vector.shape_cast %broadcast_in_dim3A_3 : vector<16xf32> to vector<1x16xf32>
    tpu.vector_store %arg11[%swap3A_1802, %swap3A_1803], %swap3A_1806 {strides = array<i32>} : memref<128x128xf32, #tpu.memory_space<vmem>>, vector<1x16xf32>,
    %swap3A_1807 = arith.constant 44 : i32
    %swap3A_1808 = arith.index_cast %swap3A_1807 : i32 to index
    %swap3A_1809 = arith.constant 0 : index
    %swap3A_1810 = tpu.vector_load %arg11[%swap3A_1808, %swap3A_1809] {strides = array<i32>} : memref<128x128xf32, #tpu.memory_space<vmem>>, vector<1x16xf32>,
    %swap3A_1811 = vector.shape_cast %swap3A_1810 : vector<1x16xf32> to vector<16xf32>
    %swap3A_1812 = vector.shape_cast %broadcast_in_dim3A_3 : vector<16xf32> to vector<1x16xf32>
    tpu.vector_store %arg11[%swap3A_1808, %swap3A_1809], %swap3A_1812 {strides = array<i32>} : memref<128x128xf32, #tpu.memory_space<vmem>>, vector<1x16xf32>,
    %swap3A_1813 = arith.constant 45 : i32
    %swap3A_1814 = arith.index_cast %swap3A_1813 : i32 to index
    %swap3A_1815 = arith.constant 0 : index
    %swap3A_1816 = tpu.vector_load %arg11[%swap3A_1814, %swap3A_1815] {strides = array<i32>} : memref<128x128xf32, #tpu.memory_space<vmem>>, vector<1x16xf32>,
    %swap3A_1817 = vector.shape_cast %swap3A_1816 : vector<1x16xf32> to vector<16xf32>
    %swap3A_1818 = vector.shape_cast %broadcast_in_dim3A_3 : vector<16xf32> to vector<1x16xf32>
    tpu.vector_store %arg11[%swap3A_1814, %swap3A_1815], %swap3A_1818 {strides = array<i32>} : memref<128x128xf32, #tpu.memory_space<vmem>>, vector<1x16xf32>,
    %swap3A_1819 = arith.constant 46 : i32
    %swap3A_1820 = arith.index_cast %swap3A_1819 : i32 to index
    %swap3A_1821 = arith.constant 0 : index
    %swap3A_1822 = tpu.vector_load %arg11[%swap3A_1820, %swap3A_1821] {strides = array<i32>} : memref<128x128xf32, #tpu.memory_space<vmem>>, vector<1x16xf32>,
    %swap3A_1823 = vector.shape_cast %swap3A_1822 : vector<1x16xf32> to vector<16xf32>
    %swap3A_1824 = vector.shape_cast %broadcast_in_dim3A_3 : vector<16xf32> to vector<1x16xf32>
    tpu.vector_store %arg11[%swap3A_1820, %swap3A_1821], %swap3A_1824 {strides = array<i32>} : memref<128x128xf32, #tpu.memory_space<vmem>>, vector<1x16xf32>,
    %swap3A_1825 = arith.constant 47 : i32
    %swap3A_1826 = arith.index_cast %swap3A_1825 : i32 to index
    %swap3A_1827 = arith.constant 0 : index
    %swap3A_1828 = tpu.vector_load %arg11[%swap3A_1826, %swap3A_1827] {strides = array<i32>} : memref<128x128xf32, #tpu.memory_space<vmem>>, vector<1x16xf32>,
    %swap3A_1829 = vector.shape_cast %swap3A_1828 : vector<1x16xf32> to vector<16xf32>
    %swap3A_1830 = vector.shape_cast %broadcast_in_dim3A_3 : vector<16xf32> to vector<1x16xf32>
    tpu.vector_store %arg11[%swap3A_1826, %swap3A_1827], %swap3A_1830 {strides = array<i32>} : memref<128x128xf32, #tpu.memory_space<vmem>>, vector<1x16xf32>,
    %swap3A_1831 = arith.constant 48 : i32
    %swap3A_1832 = arith.index_cast %swap3A_1831 : i32 to index
    %swap3A_1833 = arith.constant 0 : index
    %swap3A_1834 = tpu.vector_load %arg11[%swap3A_1832, %swap3A_1833] {strides = array<i32>} : memref<128x128xf32, #tpu.memory_space<vmem>>, vector<1x16xf32>,
    %swap3A_1835 = vector.shape_cast %swap3A_1834 : vector<1x16xf32> to vector<16xf32>
    %swap3A_1836 = vector.shape_cast %broadcast_in_dim3A_3 : vector<16xf32> to vector<1x16xf32>
    tpu.vector_store %arg11[%swap3A_1832, %swap3A_1833], %swap3A_1836 {strides = array<i32>} : memref<128x128xf32, #tpu.memory_space<vmem>>, vector<1x16xf32>,
    %swap3A_1837 = arith.constant 49 : i32
    %swap3A_1838 = arith.index_cast %swap3A_1837 : i32 to index
    %swap3A_1839 = arith.constant 0 : index
    %swap3A_1840 = tpu.vector_load %arg11[%swap3A_1838, %swap3A_1839] {strides = array<i32>} : memref<128x128xf32, #tpu.memory_space<vmem>>, vector<1x16xf32>,
    %swap3A_1841 = vector.shape_cast %swap3A_1840 : vector<1x16xf32> to vector<16xf32>
    %swap3A_1842 = vector.shape_cast %broadcast_in_dim3A_3 : vector<16xf32> to vector<1x16xf32>
    tpu.vector_store %arg11[%swap3A_1838, %swap3A_1839], %swap3A_1842 {strides = array<i32>} : memref<128x128xf32, #tpu.memory_space<vmem>>, vector<1x16xf32>,
    %swap3A_1843 = arith.constant 50 : i32
    %swap3A_1844 = arith.index_cast %swap3A_1843 : i32 to index
    %swap3A_1845 = arith.constant 0 : index
    %swap3A_1846 = tpu.vector_load %arg11[%swap3A_1844, %swap3A_1845] {strides = array<i32>} : memref<128x128xf32, #tpu.memory_space<vmem>>, vector<1x16xf32>,
    %swap3A_1847 = vector.shape_cast %swap3A_1846 : vector<1x16xf32> to vector<16xf32>
    %swap3A_1848 = vector.shape_cast %broadcast_in_dim3A_3 : vector<16xf32> to vector<1x16xf32>
    tpu.vector_store %arg11[%swap3A_1844, %swap3A_1845], %swap3A_1848 {strides = array<i32>} : memref<128x128xf32, #tpu.memory_space<vmem>>, vector<1x16xf32>,
    %swap3A_1849 = arith.constant 51 : i32
    %swap3A_1850 = arith.index_cast %swap3A_1849 : i32 to index
    %swap3A_1851 = arith.constant 0 : index
    %swap3A_1852 = tpu.vector_load %arg11[%swap3A_1850, %swap3A_1851] {strides = array<i32>} : memref<128x128xf32, #tpu.memory_space<vmem>>, vector<1x16xf32>,
    %swap3A_1853 = vector.shape_cast %swap3A_1852 : vector<1x16xf32> to vector<16xf32>
    %swap3A_1854 = vector.shape_cast %broadcast_in_dim3A_3 : vector<16xf32> to vector<1x16xf32>
    tpu.vector_store %arg11[%swap3A_1850, %swap3A_1851], %swap3A_1854 {strides = array<i32>} : memref<128x128xf32, #tpu.memory_space<vmem>>, vector<1x16xf32>,
    %swap3A_1855 = arith.constant 52 : i32
    %swap3A_1856 = arith.index_cast %swap3A_1855 : i32 to index
    %swap3A_1857 = arith.constant 0 : index
    %swap3A_1858 = tpu.vector_load %arg11[%swap3A_1856, %swap3A_1857] {strides = array<i32>} : memref<128x128xf32, #tpu.memory_space<vmem>>, vector<1x16xf32>,
    %swap3A_1859 = vector.shape_cast %swap3A_1858 : vector<1x16xf32> to vector<16xf32>
    %swap3A_1860 = vector.shape_cast %broadcast_in_dim3A_3 : vector<16xf32> to vector<1x16xf32>
    tpu.vector_store %arg11[%swap3A_1856, %swap3A_1857], %swap3A_1860 {strides = array<i32>} : memref<128x128xf32, #tpu.memory_space<vmem>>, vector<1x16xf32>,
    %swap3A_1861 = arith.constant 53 : i32
    %swap3A_1862 = arith.index_cast %swap3A_1861 : i32 to index
    %swap3A_1863 = arith.constant 0 : index
    %swap3A_1864 = tpu.vector_load %arg11[%swap3A_1862, %swap3A_1863] {strides = array<i32>} : memref<128x128xf32, #tpu.memory_space<vmem>>, vector<1x16xf32>,
    %swap3A_1865 = vector.shape_cast %swap3A_1864 : vector<1x16xf32> to vector<16xf32>
    %swap3A_1866 = vector.shape_cast %broadcast_in_dim3A_3 : vector<16xf32> to vector<1x16xf32>
    tpu.vector_store %arg11[%swap3A_1862, %swap3A_1863], %swap3A_1866 {strides = array<i32>} : memref<128x128xf32, #tpu.memory_space<vmem>>, vector<1x16xf32>,
    %swap3A_1867 = arith.constant 54 : i32
    %swap3A_1868 = arith.index_cast %swap3A_1867 : i32 to index
    %swap3A_1869 = arith.constant 0 : index
    %swap3A_1870 = tpu.vector_load %arg11[%swap3A_1868, %swap3A_1869] {strides = array<i32>} : memref<128x128xf32, #tpu.memory_space<vmem>>, vector<1x16xf32>,
    %swap3A_1871 = vector.shape_cast %swap3A_1870 : vector<1x16xf32> to vector<16xf32>
    %swap3A_1872 = vector.shape_cast %broadcast_in_dim3A_3 : vector<16xf32> to vector<1x16xf32>
    tpu.vector_store %arg11[%swap3A_1868, %swap3A_1869], %swap3A_1872 {strides = array<i32>} : memref<128x128xf32, #tpu.memory_space<vmem>>, vector<1x16xf32>,
    %swap3A_1873 = arith.constant 55 : i32
    %swap3A_1874 = arith.index_cast %swap3A_1873 : i32 to index
    %swap3A_1875 = arith.constant 0 : index
    %swap3A_1876 = tpu.vector_load %arg11[%swap3A_1874, %swap3A_1875] {strides = array<i32>} : memref<128x128xf32, #tpu.memory_space<vmem>>, vector<1x16xf32>,
    %swap3A_1877 = vector.shape_cast %swap3A_1876 : vector<1x16xf32> to vector<16xf32>
    %swap3A_1878 = vector.shape_cast %broadcast_in_dim3A_3 : vector<16xf32> to vector<1x16xf32>
    tpu.vector_store %arg11[%swap3A_1874, %swap3A_1875], %swap3A_1878 {strides = array<i32>} : memref<128x128xf32, #tpu.memory_space<vmem>>, vector<1x16xf32>,
    %swap3A_1879 = arith.constant 56 : i32
    %swap3A_1880 = arith.index_cast %swap3A_1879 : i32 to index
    %swap3A_1881 = arith.constant 0 : index
    %swap3A_1882 = tpu.vector_load %arg11[%swap3A_1880, %swap3A_1881] {strides = array<i32>} : memref<128x128xf32, #tpu.memory_space<vmem>>, vector<1x16xf32>,
    %swap3A_1883 = vector.shape_cast %swap3A_1882 : vector<1x16xf32> to vector<16xf32>
    %swap3A_1884 = vector.shape_cast %broadcast_in_dim3A_3 : vector<16xf32> to vector<1x16xf32>
    tpu.vector_store %arg11[%swap3A_1880, %swap3A_1881], %swap3A_1884 {strides = array<i32>} : memref<128x128xf32, #tpu.memory_space<vmem>>, vector<1x16xf32>,
    %swap3A_1885 = arith.constant 57 : i32
    %swap3A_1886 = arith.index_cast %swap3A_1885 : i32 to index
    %swap3A_1887 = arith.constant 0 : index
    %swap3A_1888 = tpu.vector_load %arg11[%swap3A_1886, %swap3A_1887] {strides = array<i32>} : memref<128x128xf32, #tpu.memory_space<vmem>>, vector<1x16xf32>,
    %swap3A_1889 = vector.shape_cast %swap3A_1888 : vector<1x16xf32> to vector<16xf32>
    %swap3A_1890 = vector.shape_cast %broadcast_in_dim3A_3 : vector<16xf32> to vector<1x16xf32>
    tpu.vector_store %arg11[%swap3A_1886, %swap3A_1887], %swap3A_1890 {strides = array<i32>} : memref<128x128xf32, #tpu.memory_space<vmem>>, vector<1x16xf32>,
    %swap3A_1891 = arith.constant 58 : i32
    %swap3A_1892 = arith.index_cast %swap3A_1891 : i32 to index
    %swap3A_1893 = arith.constant 0 : index
    %swap3A_1894 = tpu.vector_load %arg11[%swap3A_1892, %swap3A_1893] {strides = array<i32>} : memref<128x128xf32, #tpu.memory_space<vmem>>, vector<1x16xf32>,
    %swap3A_1895 = vector.shape_cast %swap3A_1894 : vector<1x16xf32> to vector<16xf32>
    %swap3A_1896 = vector.shape_cast %broadcast_in_dim3A_3 : vector<16xf32> to vector<1x16xf32>
    tpu.vector_store %arg11[%swap3A_1892, %swap3A_1893], %swap3A_1896 {strides = array<i32>} : memref<128x128xf32, #tpu.memory_space<vmem>>, vector<1x16xf32>,
    %swap3A_1897 = arith.constant 59 : i32
    %swap3A_1898 = arith.index_cast %swap3A_1897 : i32 to index
    %swap3A_1899 = arith.constant 0 : index
    %swap3A_1900 = tpu.vector_load %arg11[%swap3A_1898, %swap3A_1899] {strides = array<i32>} : memref<128x128xf32, #tpu.memory_space<vmem>>, vector<1x16xf32>,
    %swap3A_1901 = vector.shape_cast %swap3A_1900 : vector<1x16xf32> to vector<16xf32>
    %swap3A_1902 = vector.shape_cast %broadcast_in_dim3A_3 : vector<16xf32> to vector<1x16xf32>
    tpu.vector_store %arg11[%swap3A_1898, %swap3A_1899], %swap3A_1902 {strides = array<i32>} : memref<128x128xf32, #tpu.memory_space<vmem>>, vector<1x16xf32>,
    %swap3A_1903 = arith.constant 60 : i32
    %swap3A_1904 = arith.index_cast %swap3A_1903 : i32 to index
    %swap3A_1905 = arith.constant 0 : index
    %swap3A_1906 = tpu.vector_load %arg11[%swap3A_1904, %swap3A_1905] {strides = array<i32>} : memref<128x128xf32, #tpu.memory_space<vmem>>, vector<1x16xf32>,
    %swap3A_1907 = vector.shape_cast %swap3A_1906 : vector<1x16xf32> to vector<16xf32>
    %swap3A_1908 = vector.shape_cast %broadcast_in_dim3A_3 : vector<16xf32> to vector<1x16xf32>
    tpu.vector_store %arg11[%swap3A_1904, %swap3A_1905], %swap3A_1908 {strides = array<i32>} : memref<128x128xf32, #tpu.memory_space<vmem>>, vector<1x16xf32>,
    %swap3A_1909 = arith.constant 61 : i32
    %swap3A_1910 = arith.index_cast %swap3A_1909 : i32 to index
    %swap3A_1911 = arith.constant 0 : index
    %swap3A_1912 = tpu.vector_load %arg11[%swap3A_1910, %swap3A_1911] {strides = array<i32>} : memref<128x128xf32, #tpu.memory_space<vmem>>, vector<1x16xf32>,
    %swap3A_1913 = vector.shape_cast %swap3A_1912 : vector<1x16xf32> to vector<16xf32>
    %swap3A_1914 = vector.shape_cast %broadcast_in_dim3A_3 : vector<16xf32> to vector<1x16xf32>
    tpu.vector_store %arg11[%swap3A_1910, %swap3A_1911], %swap3A_1914 {strides = array<i32>} : memref<128x128xf32, #tpu.memory_space<vmem>>, vector<1x16xf32>,
    %swap3A_1915 = arith.constant 62 : i32
    %swap3A_1916 = arith.index_cast %swap3A_1915 : i32 to index
    %swap3A_1917 = arith.constant 0 : index
    %swap3A_1918 = tpu.vector_load %arg11[%swap3A_1916, %swap3A_1917] {strides = array<i32>} : memref<128x128xf32, #tpu.memory_space<vmem>>, vector<1x16xf32>,
    %swap3A_1919 = vector.shape_cast %swap3A_1918 : vector<1x16xf32> to vector<16xf32>
    %swap3A_1920 = vector.shape_cast %broadcast_in_dim3A_3 : vector<16xf32> to vector<1x16xf32>
    tpu.vector_store %arg11[%swap3A_1916, %swap3A_1917], %swap3A_1920 {strides = array<i32>} : memref<128x128xf32, #tpu.memory_space<vmem>>, vector<1x16xf32>,
    %swap3A_1921 = arith.constant 63 : i32
    %swap3A_1922 = arith.index_cast %swap3A_1921 : i32 to index
    %swap3A_1923 = arith.constant 0 : index
    %swap3A_1924 = tpu.vector_load %arg11[%swap3A_1922, %swap3A_1923] {strides = array<i32>} : memref<128x128xf32, #tpu.memory_space<vmem>>, vector<1x16xf32>,
    %swap3A_1925 = vector.shape_cast %swap3A_1924 : vector<1x16xf32> to vector<16xf32>
    %swap3A_1926 = vector.shape_cast %broadcast_in_dim3A_3 : vector<16xf32> to vector<1x16xf32>
    tpu.vector_store %arg11[%swap3A_1922, %swap3A_1923], %swap3A_1926 {strides = array<i32>} : memref<128x128xf32, #tpu.memory_space<vmem>>, vector<1x16xf32>,
    %swap3A_1927 = arith.constant 64 : i32
    %swap3A_1928 = arith.index_cast %swap3A_1927 : i32 to index
    %swap3A_1929 = arith.constant 0 : index
    %swap3A_1930 = tpu.vector_load %arg11[%swap3A_1928, %swap3A_1929] {strides = array<i32>} : memref<128x128xf32, #tpu.memory_space<vmem>>, vector<1x16xf32>,
    %swap3A_1931 = vector.shape_cast %swap3A_1930 : vector<1x16xf32> to vector<16xf32>
    %swap3A_1932 = vector.shape_cast %broadcast_in_dim3A_3 : vector<16xf32> to vector<1x16xf32>
    tpu.vector_store %arg11[%swap3A_1928, %swap3A_1929], %swap3A_1932 {strides = array<i32>} : memref<128x128xf32, #tpu.memory_space<vmem>>, vector<1x16xf32>,
    %swap3A_1933 = arith.constant 65 : i32
    %swap3A_1934 = arith.index_cast %swap3A_1933 : i32 to index
    %swap3A_1935 = arith.constant 0 : index
    %swap3A_1936 = tpu.vector_load %arg11[%swap3A_1934, %swap3A_1935] {strides = array<i32>} : memref<128x128xf32, #tpu.memory_space<vmem>>, vector<1x16xf32>,
    %swap3A_1937 = vector.shape_cast %swap3A_1936 : vector<1x16xf32> to vector<16xf32>
    %swap3A_1938 = vector.shape_cast %broadcast_in_dim3A_3 : vector<16xf32> to vector<1x16xf32>
    tpu.vector_store %arg11[%swap3A_1934, %swap3A_1935], %swap3A_1938 {strides = array<i32>} : memref<128x128xf32, #tpu.memory_space<vmem>>, vector<1x16xf32>,
    %swap3A_1939 = arith.constant 66 : i32
    %swap3A_1940 = arith.index_cast %swap3A_1939 : i32 to index
    %swap3A_1941 = arith.constant 0 : index
    %swap3A_1942 = tpu.vector_load %arg11[%swap3A_1940, %swap3A_1941] {strides = array<i32>} : memref<128x128xf32, #tpu.memory_space<vmem>>, vector<1x16xf32>,
    %swap3A_1943 = vector.shape_cast %swap3A_1942 : vector<1x16xf32> to vector<16xf32>
    %swap3A_1944 = vector.shape_cast %broadcast_in_dim3A_3 : vector<16xf32> to vector<1x16xf32>
    tpu.vector_store %arg11[%swap3A_1940, %swap3A_1941], %swap3A_1944 {strides = array<i32>} : memref<128x128xf32, #tpu.memory_space<vmem>>, vector<1x16xf32>,
    %swap3A_1945 = arith.constant 67 : i32
    %swap3A_1946 = arith.index_cast %swap3A_1945 : i32 to index
    %swap3A_1947 = arith.constant 0 : index
    %swap3A_1948 = tpu.vector_load %arg11[%swap3A_1946, %swap3A_1947] {strides = array<i32>} : memref<128x128xf32, #tpu.memory_space<vmem>>, vector<1x16xf32>,
    %swap3A_1949 = vector.shape_cast %swap3A_1948 : vector<1x16xf32> to vector<16xf32>
    %swap3A_1950 = vector.shape_cast %broadcast_in_dim3A_3 : vector<16xf32> to vector<1x16xf32>
    tpu.vector_store %arg11[%swap3A_1946, %swap3A_1947], %swap3A_1950 {strides = array<i32>} : memref<128x128xf32, #tpu.memory_space<vmem>>, vector<1x16xf32>,
    %swap3A_1951 = arith.constant 68 : i32
    %swap3A_1952 = arith.index_cast %swap3A_1951 : i32 to index
    %swap3A_1953 = arith.constant 0 : index
    %swap3A_1954 = tpu.vector_load %arg11[%swap3A_1952, %swap3A_1953] {strides = array<i32>} : memref<128x128xf32, #tpu.memory_space<vmem>>, vector<1x16xf32>,
    %swap3A_1955 = vector.shape_cast %swap3A_1954 : vector<1x16xf32> to vector<16xf32>
    %swap3A_1956 = vector.shape_cast %broadcast_in_dim3A_3 : vector<16xf32> to vector<1x16xf32>
    tpu.vector_store %arg11[%swap3A_1952, %swap3A_1953], %swap3A_1956 {strides = array<i32>} : memref<128x128xf32, #tpu.memory_space<vmem>>, vector<1x16xf32>,
    %swap3A_1957 = arith.constant 69 : i32
    %swap3A_1958 = arith.index_cast %swap3A_1957 : i32 to index
    %swap3A_1959 = arith.constant 0 : index
    %swap3A_1960 = tpu.vector_load %arg11[%swap3A_1958, %swap3A_1959] {strides = array<i32>} : memref<128x128xf32, #tpu.memory_space<vmem>>, vector<1x16xf32>,
    %swap3A_1961 = vector.shape_cast %swap3A_1960 : vector<1x16xf32> to vector<16xf32>
    %swap3A_1962 = vector.shape_cast %broadcast_in_dim3A_3 : vector<16xf32> to vector<1x16xf32>
    tpu.vector_store %arg11[%swap3A_1958, %swap3A_1959], %swap3A_1962 {strides = array<i32>} : memref<128x128xf32, #tpu.memory_space<vmem>>, vector<1x16xf32>,
    %swap3A_1963 = arith.constant 70 : i32
    %swap3A_1964 = arith.index_cast %swap3A_1963 : i32 to index
    %swap3A_1965 = arith.constant 0 : index
    %swap3A_1966 = tpu.vector_load %arg11[%swap3A_1964, %swap3A_1965] {strides = array<i32>} : memref<128x128xf32, #tpu.memory_space<vmem>>, vector<1x16xf32>,
    %swap3A_1967 = vector.shape_cast %swap3A_1966 : vector<1x16xf32> to vector<16xf32>
    %swap3A_1968 = vector.shape_cast %broadcast_in_dim3A_3 : vector<16xf32> to vector<1x16xf32>
    tpu.vector_store %arg11[%swap3A_1964, %swap3A_1965], %swap3A_1968 {strides = array<i32>} : memref<128x128xf32, #tpu.memory_space<vmem>>, vector<1x16xf32>,
    %swap3A_1969 = arith.constant 71 : i32
    %swap3A_1970 = arith.index_cast %swap3A_1969 : i32 to index
    %swap3A_1971 = arith.constant 0 : index
    %swap3A_1972 = tpu.vector_load %arg11[%swap3A_1970, %swap3A_1971] {strides = array<i32>} : memref<128x128xf32, #tpu.memory_space<vmem>>, vector<1x16xf32>,
    %swap3A_1973 = vector.shape_cast %swap3A_1972 : vector<1x16xf32> to vector<16xf32>
    %swap3A_1974 = vector.shape_cast %broadcast_in_dim3A_3 : vector<16xf32> to vector<1x16xf32>
    tpu.vector_store %arg11[%swap3A_1970, %swap3A_1971], %swap3A_1974 {strides = array<i32>} : memref<128x128xf32, #tpu.memory_space<vmem>>, vector<1x16xf32>,
    %swap3A_1975 = arith.constant 72 : i32
    %swap3A_1976 = arith.index_cast %swap3A_1975 : i32 to index
    %swap3A_1977 = arith.constant 0 : index
    %swap3A_1978 = tpu.vector_load %arg11[%swap3A_1976, %swap3A_1977] {strides = array<i32>} : memref<128x128xf32, #tpu.memory_space<vmem>>, vector<1x16xf32>,
    %swap3A_1979 = vector.shape_cast %swap3A_1978 : vector<1x16xf32> to vector<16xf32>
    %swap3A_1980 = vector.shape_cast %broadcast_in_dim3A_3 : vector<16xf32> to vector<1x16xf32>
    tpu.vector_store %arg11[%swap3A_1976, %swap3A_1977], %swap3A_1980 {strides = array<i32>} : memref<128x128xf32, #tpu.memory_space<vmem>>, vector<1x16xf32>,
    %swap3A_1981 = arith.constant 73 : i32
    %swap3A_1982 = arith.index_cast %swap3A_1981 : i32 to index
    %swap3A_1983 = arith.constant 0 : index
    %swap3A_1984 = tpu.vector_load %arg11[%swap3A_1982, %swap3A_1983] {strides = array<i32>} : memref<128x128xf32, #tpu.memory_space<vmem>>, vector<1x16xf32>,
    %swap3A_1985 = vector.shape_cast %swap3A_1984 : vector<1x16xf32> to vector<16xf32>
    %swap3A_1986 = vector.shape_cast %broadcast_in_dim3A_3 : vector<16xf32> to vector<1x16xf32>
    tpu.vector_store %arg11[%swap3A_1982, %swap3A_1983], %swap3A_1986 {strides = array<i32>} : memref<128x128xf32, #tpu.memory_space<vmem>>, vector<1x16xf32>,
    %swap3A_1987 = arith.constant 74 : i32
    %swap3A_1988 = arith.index_cast %swap3A_1987 : i32 to index
    %swap3A_1989 = arith.constant 0 : index
    %swap3A_1990 = tpu.vector_load %arg11[%swap3A_1988, %swap3A_1989] {strides = array<i32>} : memref<128x128xf32, #tpu.memory_space<vmem>>, vector<1x16xf32>,
    %swap3A_1991 = vector.shape_cast %swap3A_1990 : vector<1x16xf32> to vector<16xf32>
    %swap3A_1992 = vector.shape_cast %broadcast_in_dim3A_3 : vector<16xf32> to vector<1x16xf32>
    tpu.vector_store %arg11[%swap3A_1988, %swap3A_1989], %swap3A_1992 {strides = array<i32>} : memref<128x128xf32, #tpu.memory_space<vmem>>, vector<1x16xf32>,
    %swap3A_1993 = arith.constant 75 : i32
    %swap3A_1994 = arith.index_cast %swap3A_1993 : i32 to index
    %swap3A_1995 = arith.constant 0 : index
    %swap3A_1996 = tpu.vector_load %arg11[%swap3A_1994, %swap3A_1995] {strides = array<i32>} : memref<128x128xf32, #tpu.memory_space<vmem>>, vector<1x16xf32>,
    %swap3A_1997 = vector.shape_cast %swap3A_1996 : vector<1x16xf32> to vector<16xf32>
    %swap3A_1998 = vector.shape_cast %broadcast_in_dim3A_3 : vector<16xf32> to vector<1x16xf32>
    tpu.vector_store %arg11[%swap3A_1994, %swap3A_1995], %swap3A_1998 {strides = array<i32>} : memref<128x128xf32, #tpu.memory_space<vmem>>, vector<1x16xf32>,
    %swap3A_1999 = arith.constant 76 : i32
    %swap3A_2000 = arith.index_cast %swap3A_1999 : i32 to index
    %swap3A_2001 = arith.constant 0 : index
    %swap3A_2002 = tpu.vector_load %arg11[%swap3A_2000, %swap3A_2001] {strides = array<i32>} : memref<128x128xf32, #tpu.memory_space<vmem>>, vector<1x16xf32>,
    %swap3A_2003 = vector.shape_cast %swap3A_2002 : vector<1x16xf32> to vector<16xf32>
    %swap3A_2004 = vector.shape_cast %broadcast_in_dim3A_3 : vector<16xf32> to vector<1x16xf32>
    tpu.vector_store %arg11[%swap3A_2000, %swap3A_2001], %swap3A_2004 {strides = array<i32>} : memref<128x128xf32, #tpu.memory_space<vmem>>, vector<1x16xf32>,
    %swap3A_2005 = arith.constant 77 : i32
    %swap3A_2006 = arith.index_cast %swap3A_2005 : i32 to index
    %swap3A_2007 = arith.constant 0 : index
    %swap3A_2008 = tpu.vector_load %arg11[%swap3A_2006, %swap3A_2007] {strides = array<i32>} : memref<128x128xf32, #tpu.memory_space<vmem>>, vector<1x16xf32>,
    %swap3A_2009 = vector.shape_cast %swap3A_2008 : vector<1x16xf32> to vector<16xf32>
    %swap3A_2010 = vector.shape_cast %broadcast_in_dim3A_3 : vector<16xf32> to vector<1x16xf32>
    tpu.vector_store %arg11[%swap3A_2006, %swap3A_2007], %swap3A_2010 {strides = array<i32>} : memref<128x128xf32, #tpu.memory_space<vmem>>, vector<1x16xf32>,
    %swap3A_2011 = arith.constant 78 : i32
    %swap3A_2012 = arith.index_cast %swap3A_2011 : i32 to index
    %swap3A_2013 = arith.constant 0 : index
    %swap3A_2014 = tpu.vector_load %arg11[%swap3A_2012, %swap3A_2013] {strides = array<i32>} : memref<128x128xf32, #tpu.memory_space<vmem>>, vector<1x16xf32>,
    %swap3A_2015 = vector.shape_cast %swap3A_2014 : vector<1x16xf32> to vector<16xf32>
    %swap3A_2016 = vector.shape_cast %broadcast_in_dim3A_3 : vector<16xf32> to vector<1x16xf32>
    tpu.vector_store %arg11[%swap3A_2012, %swap3A_2013], %swap3A_2016 {strides = array<i32>} : memref<128x128xf32, #tpu.memory_space<vmem>>, vector<1x16xf32>,
    %swap3A_2017 = arith.constant 79 : i32
    %swap3A_2018 = arith.index_cast %swap3A_2017 : i32 to index
    %swap3A_2019 = arith.constant 0 : index
    %swap3A_2020 = tpu.vector_load %arg11[%swap3A_2018, %swap3A_2019] {strides = array<i32>} : memref<128x128xf32, #tpu.memory_space<vmem>>, vector<1x16xf32>,
    %swap3A_2021 = vector.shape_cast %swap3A_2020 : vector<1x16xf32> to vector<16xf32>
    %swap3A_2022 = vector.shape_cast %broadcast_in_dim3A_3 : vector<16xf32> to vector<1x16xf32>
    tpu.vector_store %arg11[%swap3A_2018, %swap3A_2019], %swap3A_2022 {strides = array<i32>} : memref<128x128xf32, #tpu.memory_space<vmem>>, vector<1x16xf32>,
    %swap3A_2023 = arith.constant 80 : i32
    %swap3A_2024 = arith.index_cast %swap3A_2023 : i32 to index
    %swap3A_2025 = arith.constant 0 : index
    %swap3A_2026 = tpu.vector_load %arg11[%swap3A_2024, %swap3A_2025] {strides = array<i32>} : memref<128x128xf32, #tpu.memory_space<vmem>>, vector<1x16xf32>,
    %swap3A_2027 = vector.shape_cast %swap3A_2026 : vector<1x16xf32> to vector<16xf32>
    %swap3A_2028 = vector.shape_cast %broadcast_in_dim3A_3 : vector<16xf32> to vector<1x16xf32>
    tpu.vector_store %arg11[%swap3A_2024, %swap3A_2025], %swap3A_2028 {strides = array<i32>} : memref<128x128xf32, #tpu.memory_space<vmem>>, vector<1x16xf32>,
    %swap3A_2029 = arith.constant 81 : i32
    %swap3A_2030 = arith.index_cast %swap3A_2029 : i32 to index
    %swap3A_2031 = arith.constant 0 : index
    %swap3A_2032 = tpu.vector_load %arg11[%swap3A_2030, %swap3A_2031] {strides = array<i32>} : memref<128x128xf32, #tpu.memory_space<vmem>>, vector<1x16xf32>,
    %swap3A_2033 = vector.shape_cast %swap3A_2032 : vector<1x16xf32> to vector<16xf32>
    %swap3A_2034 = vector.shape_cast %broadcast_in_dim3A_3 : vector<16xf32> to vector<1x16xf32>
    tpu.vector_store %arg11[%swap3A_2030, %swap3A_2031], %swap3A_2034 {strides = array<i32>} : memref<128x128xf32, #tpu.memory_space<vmem>>, vector<1x16xf32>,
    %swap3A_2035 = arith.constant 82 : i32
    %swap3A_2036 = arith.index_cast %swap3A_2035 : i32 to index
    %swap3A_2037 = arith.constant 0 : index
    %swap3A_2038 = tpu.vector_load %arg11[%swap3A_2036, %swap3A_2037] {strides = array<i32>} : memref<128x128xf32, #tpu.memory_space<vmem>>, vector<1x16xf32>,
    %swap3A_2039 = vector.shape_cast %swap3A_2038 : vector<1x16xf32> to vector<16xf32>
    %swap3A_2040 = vector.shape_cast %broadcast_in_dim3A_3 : vector<16xf32> to vector<1x16xf32>
    tpu.vector_store %arg11[%swap3A_2036, %swap3A_2037], %swap3A_2040 {strides = array<i32>} : memref<128x128xf32, #tpu.memory_space<vmem>>, vector<1x16xf32>,
    %swap3A_2041 = arith.constant 83 : i32
    %swap3A_2042 = arith.index_cast %swap3A_2041 : i32 to index
    %swap3A_2043 = arith.constant 0 : index
    %swap3A_2044 = tpu.vector_load %arg11[%swap3A_2042, %swap3A_2043] {strides = array<i32>} : memref<128x128xf32, #tpu.memory_space<vmem>>, vector<1x16xf32>,
    %swap3A_2045 = vector.shape_cast %swap3A_2044 : vector<1x16xf32> to vector<16xf32>
    %swap3A_2046 = vector.shape_cast %broadcast_in_dim3A_3 : vector<16xf32> to vector<1x16xf32>
    tpu.vector_store %arg11[%swap3A_2042, %swap3A_2043], %swap3A_2046 {strides = array<i32>} : memref<128x128xf32, #tpu.memory_space<vmem>>, vector<1x16xf32>,
    %swap3A_2047 = arith.constant 84 : i32
    %swap3A_2048 = arith.index_cast %swap3A_2047 : i32 to index
    %swap3A_2049 = arith.constant 0 : index
    %swap3A_2050 = tpu.vector_load %arg11[%swap3A_2048, %swap3A_2049] {strides = array<i32>} : memref<128x128xf32, #tpu.memory_space<vmem>>, vector<1x16xf32>,
    %swap3A_2051 = vector.shape_cast %swap3A_2050 : vector<1x16xf32> to vector<16xf32>
    %swap3A_2052 = vector.shape_cast %broadcast_in_dim3A_3 : vector<16xf32> to vector<1x16xf32>
    tpu.vector_store %arg11[%swap3A_2048, %swap3A_2049], %swap3A_2052 {strides = array<i32>} : memref<128x128xf32, #tpu.memory_space<vmem>>, vector<1x16xf32>,
    %swap3A_2053 = arith.constant 85 : i32
    %swap3A_2054 = arith.index_cast %swap3A_2053 : i32 to index
    %swap3A_2055 = arith.constant 0 : index
    %swap3A_2056 = tpu.vector_load %arg11[%swap3A_2054, %swap3A_2055] {strides = array<i32>} : memref<128x128xf32, #tpu.memory_space<vmem>>, vector<1x16xf32>,
    %swap3A_2057 = vector.shape_cast %swap3A_2056 : vector<1x16xf32> to vector<16xf32>
    %swap3A_2058 = vector.shape_cast %broadcast_in_dim3A_3 : vector<16xf32> to vector<1x16xf32>
    tpu.vector_store %arg11[%swap3A_2054, %swap3A_2055], %swap3A_2058 {strides = array<i32>} : memref<128x128xf32, #tpu.memory_space<vmem>>, vector<1x16xf32>,
    %swap3A_2059 = arith.constant 86 : i32
    %swap3A_2060 = arith.index_cast %swap3A_2059 : i32 to index
    %swap3A_2061 = arith.constant 0 : index
    %swap3A_2062 = tpu.vector_load %arg11[%swap3A_2060, %swap3A_2061] {strides = array<i32>} : memref<128x128xf32, #tpu.memory_space<vmem>>, vector<1x16xf32>,
    %swap3A_2063 = vector.shape_cast %swap3A_2062 : vector<1x16xf32> to vector<16xf32>
    %swap3A_2064 = vector.shape_cast %broadcast_in_dim3A_3 : vector<16xf32> to vector<1x16xf32>
    tpu.vector_store %arg11[%swap3A_2060, %swap3A_2061], %swap3A_2064 {strides = array<i32>} : memref<128x128xf32, #tpu.memory_space<vmem>>, vector<1x16xf32>,
    %swap3A_2065 = arith.constant 87 : i32
    %swap3A_2066 = arith.index_cast %swap3A_2065 : i32 to index
    %swap3A_2067 = arith.constant 0 : index
    %swap3A_2068 = tpu.vector_load %arg11[%swap3A_2066, %swap3A_2067] {strides = array<i32>} : memref<128x128xf32, #tpu.memory_space<vmem>>, vector<1x16xf32>,
    %swap3A_2069 = vector.shape_cast %swap3A_2068 : vector<1x16xf32> to vector<16xf32>
    %swap3A_2070 = vector.shape_cast %broadcast_in_dim3A_3 : vector<16xf32> to vector<1x16xf32>
    tpu.vector_store %arg11[%swap3A_2066, %swap3A_2067], %swap3A_2070 {strides = array<i32>} : memref<128x128xf32, #tpu.memory_space<vmem>>, vector<1x16xf32>,
    %swap3A_2071 = arith.constant 88 : i32
    %swap3A_2072 = arith.index_cast %swap3A_2071 : i32 to index
    %swap3A_2073 = arith.constant 0 : index
    %swap3A_2074 = tpu.vector_load %arg11[%swap3A_2072, %swap3A_2073] {strides = array<i32>} : memref<128x128xf32, #tpu.memory_space<vmem>>, vector<1x16xf32>,
    %swap3A_2075 = vector.shape_cast %swap3A_2074 : vector<1x16xf32> to vector<16xf32>
    %swap3A_2076 = vector.shape_cast %broadcast_in_dim3A_3 : vector<16xf32> to vector<1x16xf32>
    tpu.vector_store %arg11[%swap3A_2072, %swap3A_2073], %swap3A_2076 {strides = array<i32>} : memref<128x128xf32, #tpu.memory_space<vmem>>, vector<1x16xf32>,
    %swap3A_2077 = arith.constant 89 : i32
    %swap3A_2078 = arith.index_cast %swap3A_2077 : i32 to index
    %swap3A_2079 = arith.constant 0 : index
    %swap3A_2080 = tpu.vector_load %arg11[%swap3A_2078, %swap3A_2079] {strides = array<i32>} : memref<128x128xf32, #tpu.memory_space<vmem>>, vector<1x16xf32>,
    %swap3A_2081 = vector.shape_cast %swap3A_2080 : vector<1x16xf32> to vector<16xf32>
    %swap3A_2082 = vector.shape_cast %broadcast_in_dim3A_3 : vector<16xf32> to vector<1x16xf32>
    tpu.vector_store %arg11[%swap3A_2078, %swap3A_2079], %swap3A_2082 {strides = array<i32>} : memref<128x128xf32, #tpu.memory_space<vmem>>, vector<1x16xf32>,
    %swap3A_2083 = arith.constant 90 : i32
    %swap3A_2084 = arith.index_cast %swap3A_2083 : i32 to index
    %swap3A_2085 = arith.constant 0 : index
    %swap3A_2086 = tpu.vector_load %arg11[%swap3A_2084, %swap3A_2085] {strides = array<i32>} : memref<128x128xf32, #tpu.memory_space<vmem>>, vector<1x16xf32>,
    %swap3A_2087 = vector.shape_cast %swap3A_2086 : vector<1x16xf32> to vector<16xf32>
    %swap3A_2088 = vector.shape_cast %broadcast_in_dim3A_3 : vector<16xf32> to vector<1x16xf32>
    tpu.vector_store %arg11[%swap3A_2084, %swap3A_2085], %swap3A_2088 {strides = array<i32>} : memref<128x128xf32, #tpu.memory_space<vmem>>, vector<1x16xf32>,
    %swap3A_2089 = arith.constant 91 : i32
    %swap3A_2090 = arith.index_cast %swap3A_2089 : i32 to index
    %swap3A_2091 = arith.constant 0 : index
    %swap3A_2092 = tpu.vector_load %arg11[%swap3A_2090, %swap3A_2091] {strides = array<i32>} : memref<128x128xf32, #tpu.memory_space<vmem>>, vector<1x16xf32>,
    %swap3A_2093 = vector.shape_cast %swap3A_2092 : vector<1x16xf32> to vector<16xf32>
    %swap3A_2094 = vector.shape_cast %broadcast_in_dim3A_3 : vector<16xf32> to vector<1x16xf32>
    tpu.vector_store %arg11[%swap3A_2090, %swap3A_2091], %swap3A_2094 {strides = array<i32>} : memref<128x128xf32, #tpu.memory_space<vmem>>, vector<1x16xf32>,
    %swap3A_2095 = arith.constant 92 : i32
    %swap3A_2096 = arith.index_cast %swap3A_2095 : i32 to index
    %swap3A_2097 = arith.constant 0 : index
    %swap3A_2098 = tpu.vector_load %arg11[%swap3A_2096, %swap3A_2097] {strides = array<i32>} : memref<128x128xf32, #tpu.memory_space<vmem>>, vector<1x16xf32>,
    %swap3A_2099 = vector.shape_cast %swap3A_2098 : vector<1x16xf32> to vector<16xf32>
    %swap3A_2100 = vector.shape_cast %broadcast_in_dim3A_3 : vector<16xf32> to vector<1x16xf32>
    tpu.vector_store %arg11[%swap3A_2096, %swap3A_2097], %swap3A_2100 {strides = array<i32>} : memref<128x128xf32, #tpu.memory_space<vmem>>, vector<1x16xf32>,
    %swap3A_2101 = arith.constant 93 : i32
    %swap3A_2102 = arith.index_cast %swap3A_2101 : i32 to index
    %swap3A_2103 = arith.constant 0 : index
    %swap3A_2104 = tpu.vector_load %arg11[%swap3A_2102, %swap3A_2103] {strides = array<i32>} : memref<128x128xf32, #tpu.memory_space<vmem>>, vector<1x16xf32>,
    %swap3A_2105 = vector.shape_cast %swap3A_2104 : vector<1x16xf32> to vector<16xf32>
    %swap3A_2106 = vector.shape_cast %broadcast_in_dim3A_3 : vector<16xf32> to vector<1x16xf32>
    tpu.vector_store %arg11[%swap3A_2102, %swap3A_2103], %swap3A_2106 {strides = array<i32>} : memref<128x128xf32, #tpu.memory_space<vmem>>, vector<1x16xf32>,
    %swap3A_2107 = arith.constant 94 : i32
    %swap3A_2108 = arith.index_cast %swap3A_2107 : i32 to index
    %swap3A_2109 = arith.constant 0 : index
    %swap3A_2110 = tpu.vector_load %arg11[%swap3A_2108, %swap3A_2109] {strides = array<i32>} : memref<128x128xf32, #tpu.memory_space<vmem>>, vector<1x16xf32>,
    %swap3A_2111 = vector.shape_cast %swap3A_2110 : vector<1x16xf32> to vector<16xf32>
    %swap3A_2112 = vector.shape_cast %broadcast_in_dim3A_3 : vector<16xf32> to vector<1x16xf32>
    tpu.vector_store %arg11[%swap3A_2108, %swap3A_2109], %swap3A_2112 {strides = array<i32>} : memref<128x128xf32, #tpu.memory_space<vmem>>, vector<1x16xf32>,
    %swap3A_2113 = arith.constant 95 : i32
    %swap3A_2114 = arith.index_cast %swap3A_2113 : i32 to index
    %swap3A_2115 = arith.constant 0 : index
    %swap3A_2116 = tpu.vector_load %arg11[%swap3A_2114, %swap3A_2115] {strides = array<i32>} : memref<128x128xf32, #tpu.memory_space<vmem>>, vector<1x16xf32>,
    %swap3A_2117 = vector.shape_cast %swap3A_2116 : vector<1x16xf32> to vector<16xf32>
    %swap3A_2118 = vector.shape_cast %broadcast_in_dim3A_3 : vector<16xf32> to vector<1x16xf32>
    tpu.vector_store %arg11[%swap3A_2114, %swap3A_2115], %swap3A_2118 {strides = array<i32>} : memref<128x128xf32, #tpu.memory_space<vmem>>, vector<1x16xf32>,
    %swap3A_2119 = arith.constant 96 : i32
    %swap3A_2120 = arith.index_cast %swap3A_2119 : i32 to index
    %swap3A_2121 = arith.constant 0 : index
    %swap3A_2122 = tpu.vector_load %arg11[%swap3A_2120, %swap3A_2121] {strides = array<i32>} : memref<128x128xf32, #tpu.memory_space<vmem>>, vector<1x16xf32>,
    %swap3A_2123 = vector.shape_cast %swap3A_2122 : vector<1x16xf32> to vector<16xf32>
    %swap3A_2124 = vector.shape_cast %broadcast_in_dim3A_3 : vector<16xf32> to vector<1x16xf32>
    tpu.vector_store %arg11[%swap3A_2120, %swap3A_2121], %swap3A_2124 {strides = array<i32>} : memref<128x128xf32, #tpu.memory_space<vmem>>, vector<1x16xf32>,
    %swap3A_2125 = arith.constant 97 : i32
    %swap3A_2126 = arith.index_cast %swap3A_2125 : i32 to index
    %swap3A_2127 = arith.constant 0 : index
    %swap3A_2128 = tpu.vector_load %arg11[%swap3A_2126, %swap3A_2127] {strides = array<i32>} : memref<128x128xf32, #tpu.memory_space<vmem>>, vector<1x16xf32>,
    %swap3A_2129 = vector.shape_cast %swap3A_2128 : vector<1x16xf32> to vector<16xf32>
    %swap3A_2130 = vector.shape_cast %broadcast_in_dim3A_3 : vector<16xf32> to vector<1x16xf32>
    tpu.vector_store %arg11[%swap3A_2126, %swap3A_2127], %swap3A_2130 {strides = array<i32>} : memref<128x128xf32, #tpu.memory_space<vmem>>, vector<1x16xf32>,
    %swap3A_2131 = arith.constant 98 : i32
    %swap3A_2132 = arith.index_cast %swap3A_2131 : i32 to index
    %swap3A_2133 = arith.constant 0 : index
    %swap3A_2134 = tpu.vector_load %arg11[%swap3A_2132, %swap3A_2133] {strides = array<i32>} : memref<128x128xf32, #tpu.memory_space<vmem>>, vector<1x16xf32>,
    %swap3A_2135 = vector.shape_cast %swap3A_2134 : vector<1x16xf32> to vector<16xf32>
    %swap3A_2136 = vector.shape_cast %broadcast_in_dim3A_3 : vector<16xf32> to vector<1x16xf32>
    tpu.vector_store %arg11[%swap3A_2132, %swap3A_2133], %swap3A_2136 {strides = array<i32>} : memref<128x128xf32, #tpu.memory_space<vmem>>, vector<1x16xf32>,
    %swap3A_2137 = arith.constant 99 : i32
    %swap3A_2138 = arith.index_cast %swap3A_2137 : i32 to index
    %swap3A_2139 = arith.constant 0 : index
    %swap3A_2140 = tpu.vector_load %arg11[%swap3A_2138, %swap3A_2139] {strides = array<i32>} : memref<128x128xf32, #tpu.memory_space<vmem>>, vector<1x16xf32>,
    %swap3A_2141 = vector.shape_cast %swap3A_2140 : vector<1x16xf32> to vector<16xf32>
    %swap3A_2142 = vector.shape_cast %broadcast_in_dim3A_3 : vector<16xf32> to vector<1x16xf32>
    tpu.vector_store %arg11[%swap3A_2138, %swap3A_2139], %swap3A_2142 {strides = array<i32>} : memref<128x128xf32, #tpu.memory_space<vmem>>, vector<1x16xf32>,
    %swap3A_2143 = arith.constant 100 : i32
    %swap3A_2144 = arith.index_cast %swap3A_2143 : i32 to index
    %swap3A_2145 = arith.constant 0 : index
    %swap3A_2146 = tpu.vector_load %arg11[%swap3A_2144, %swap3A_2145] {strides = array<i32>} : memref<128x128xf32, #tpu.memory_space<vmem>>, vector<1x16xf32>,
    %swap3A_2147 = vector.shape_cast %swap3A_2146 : vector<1x16xf32> to vector<16xf32>
    %swap3A_2148 = vector.shape_cast %broadcast_in_dim3A_3 : vector<16xf32> to vector<1x16xf32>
    tpu.vector_store %arg11[%swap3A_2144, %swap3A_2145], %swap3A_2148 {strides = array<i32>} : memref<128x128xf32, #tpu.memory_space<vmem>>, vector<1x16xf32>,
    %swap3A_2149 = arith.constant 101 : i32
    %swap3A_2150 = arith.index_cast %swap3A_2149 : i32 to index
    %swap3A_2151 = arith.constant 0 : index
    %swap3A_2152 = tpu.vector_load %arg11[%swap3A_2150, %swap3A_2151] {strides = array<i32>} : memref<128x128xf32, #tpu.memory_space<vmem>>, vector<1x16xf32>,
    %swap3A_2153 = vector.shape_cast %swap3A_2152 : vector<1x16xf32> to vector<16xf32>
    %swap3A_2154 = vector.shape_cast %broadcast_in_dim3A_3 : vector<16xf32> to vector<1x16xf32>
    tpu.vector_store %arg11[%swap3A_2150, %swap3A_2151], %swap3A_2154 {strides = array<i32>} : memref<128x128xf32, #tpu.memory_space<vmem>>, vector<1x16xf32>,
    %swap3A_2155 = arith.constant 102 : i32
    %swap3A_2156 = arith.index_cast %swap3A_2155 : i32 to index
    %swap3A_2157 = arith.constant 0 : index
    %swap3A_2158 = tpu.vector_load %arg11[%swap3A_2156, %swap3A_2157] {strides = array<i32>} : memref<128x128xf32, #tpu.memory_space<vmem>>, vector<1x16xf32>,
    %swap3A_2159 = vector.shape_cast %swap3A_2158 : vector<1x16xf32> to vector<16xf32>
    %swap3A_2160 = vector.shape_cast %broadcast_in_dim3A_3 : vector<16xf32> to vector<1x16xf32>
    tpu.vector_store %arg11[%swap3A_2156, %swap3A_2157], %swap3A_2160 {strides = array<i32>} : memref<128x128xf32, #tpu.memory_space<vmem>>, vector<1x16xf32>,
    %swap3A_2161 = arith.constant 103 : i32
    %swap3A_2162 = arith.index_cast %swap3A_2161 : i32 to index
    %swap3A_2163 = arith.constant 0 : index
    %swap3A_2164 = tpu.vector_load %arg11[%swap3A_2162, %swap3A_2163] {strides = array<i32>} : memref<128x128xf32, #tpu.memory_space<vmem>>, vector<1x16xf32>,
    %swap3A_2165 = vector.shape_cast %swap3A_2164 : vector<1x16xf32> to vector<16xf32>
    %swap3A_2166 = vector.shape_cast %broadcast_in_dim3A_3 : vector<16xf32> to vector<1x16xf32>
    tpu.vector_store %arg11[%swap3A_2162, %swap3A_2163], %swap3A_2166 {strides = array<i32>} : memref<128x128xf32, #tpu.memory_space<vmem>>, vector<1x16xf32>,
    %swap3A_2167 = arith.constant 104 : i32
    %swap3A_2168 = arith.index_cast %swap3A_2167 : i32 to index
    %swap3A_2169 = arith.constant 0 : index
    %swap3A_2170 = tpu.vector_load %arg11[%swap3A_2168, %swap3A_2169] {strides = array<i32>} : memref<128x128xf32, #tpu.memory_space<vmem>>, vector<1x16xf32>,
    %swap3A_2171 = vector.shape_cast %swap3A_2170 : vector<1x16xf32> to vector<16xf32>
    %swap3A_2172 = vector.shape_cast %broadcast_in_dim3A_3 : vector<16xf32> to vector<1x16xf32>
    tpu.vector_store %arg11[%swap3A_2168, %swap3A_2169], %swap3A_2172 {strides = array<i32>} : memref<128x128xf32, #tpu.memory_space<vmem>>, vector<1x16xf32>,
    %swap3A_2173 = arith.constant 105 : i32
    %swap3A_2174 = arith.index_cast %swap3A_2173 : i32 to index
    %swap3A_2175 = arith.constant 0 : index
    %swap3A_2176 = tpu.vector_load %arg11[%swap3A_2174, %swap3A_2175] {strides = array<i32>} : memref<128x128xf32, #tpu.memory_space<vmem>>, vector<1x16xf32>,
    %swap3A_2177 = vector.shape_cast %swap3A_2176 : vector<1x16xf32> to vector<16xf32>
    %swap3A_2178 = vector.shape_cast %broadcast_in_dim3A_3 : vector<16xf32> to vector<1x16xf32>
    tpu.vector_store %arg11[%swap3A_2174, %swap3A_2175], %swap3A_2178 {strides = array<i32>} : memref<128x128xf32, #tpu.memory_space<vmem>>, vector<1x16xf32>,
    %swap3A_2179 = arith.constant 106 : i32
    %swap3A_2180 = arith.index_cast %swap3A_2179 : i32 to index
    %swap3A_2181 = arith.constant 0 : index
    %swap3A_2182 = tpu.vector_load %arg11[%swap3A_2180, %swap3A_2181] {strides = array<i32>} : memref<128x128xf32, #tpu.memory_space<vmem>>, vector<1x16xf32>,
    %swap3A_2183 = vector.shape_cast %swap3A_2182 : vector<1x16xf32> to vector<16xf32>
    %swap3A_2184 = vector.shape_cast %broadcast_in_dim3A_3 : vector<16xf32> to vector<1x16xf32>
    tpu.vector_store %arg11[%swap3A_2180, %swap3A_2181], %swap3A_2184 {strides = array<i32>} : memref<128x128xf32, #tpu.memory_space<vmem>>, vector<1x16xf32>,
    %swap3A_2185 = arith.constant 107 : i32
    %swap3A_2186 = arith.index_cast %swap3A_2185 : i32 to index
    %swap3A_2187 = arith.constant 0 : index
    %swap3A_2188 = tpu.vector_load %arg11[%swap3A_2186, %swap3A_2187] {strides = array<i32>} : memref<128x128xf32, #tpu.memory_space<vmem>>, vector<1x16xf32>,
    %swap3A_2189 = vector.shape_cast %swap3A_2188 : vector<1x16xf32> to vector<16xf32>
    %swap3A_2190 = vector.shape_cast %broadcast_in_dim3A_3 : vector<16xf32> to vector<1x16xf32>
    tpu.vector_store %arg11[%swap3A_2186, %swap3A_2187], %swap3A_2190 {strides = array<i32>} : memref<128x128xf32, #tpu.memory_space<vmem>>, vector<1x16xf32>,
    %swap3A_2191 = arith.constant 108 : i32
    %swap3A_2192 = arith.index_cast %swap3A_2191 : i32 to index
    %swap3A_2193 = arith.constant 0 : index
    %swap3A_2194 = tpu.vector_load %arg11[%swap3A_2192, %swap3A_2193] {strides = array<i32>} : memref<128x128xf32, #tpu.memory_space<vmem>>, vector<1x16xf32>,
    %swap3A_2195 = vector.shape_cast %swap3A_2194 : vector<1x16xf32> to vector<16xf32>
    %swap3A_2196 = vector.shape_cast %broadcast_in_dim3A_3 : vector<16xf32> to vector<1x16xf32>
    tpu.vector_store %arg11[%swap3A_2192, %swap3A_2193], %swap3A_2196 {strides = array<i32>} : memref<128x128xf32, #tpu.memory_space<vmem>>, vector<1x16xf32>,
    %swap3A_2197 = arith.constant 109 : i32
    %swap3A_2198 = arith.index_cast %swap3A_2197 : i32 to index
    %swap3A_2199 = arith.constant 0 : index
    %swap3A_2200 = tpu.vector_load %arg11[%swap3A_2198, %swap3A_2199] {strides = array<i32>} : memref<128x128xf32, #tpu.memory_space<vmem>>, vector<1x16xf32>,
    %swap3A_2201 = vector.shape_cast %swap3A_2200 : vector<1x16xf32> to vector<16xf32>
    %swap3A_2202 = vector.shape_cast %broadcast_in_dim3A_3 : vector<16xf32> to vector<1x16xf32>
    tpu.vector_store %arg11[%swap3A_2198, %swap3A_2199], %swap3A_2202 {strides = array<i32>} : memref<128x128xf32, #tpu.memory_space<vmem>>, vector<1x16xf32>,
    %swap3A_2203 = arith.constant 110 : i32
    %swap3A_2204 = arith.index_cast %swap3A_2203 : i32 to index
    %swap3A_2205 = arith.constant 0 : index
    %swap3A_2206 = tpu.vector_load %arg11[%swap3A_2204, %swap3A_2205] {strides = array<i32>} : memref<128x128xf32, #tpu.memory_space<vmem>>, vector<1x16xf32>,
    %swap3A_2207 = vector.shape_cast %swap3A_2206 : vector<1x16xf32> to vector<16xf32>
    %swap3A_2208 = vector.shape_cast %broadcast_in_dim3A_3 : vector<16xf32> to vector<1x16xf32>
    tpu.vector_store %arg11[%swap3A_2204, %swap3A_2205], %swap3A_2208 {strides = array<i32>} : memref<128x128xf32, #tpu.memory_space<vmem>>, vector<1x16xf32>,
    %swap3A_2209 = arith.constant 111 : i32
    %swap3A_2210 = arith.index_cast %swap3A_2209 : i32 to index
    %swap3A_2211 = arith.constant 0 : index
    %swap3A_2212 = tpu.vector_load %arg11[%swap3A_2210, %swap3A_2211] {strides = array<i32>} : memref<128x128xf32, #tpu.memory_space<vmem>>, vector<1x16xf32>,
    %swap3A_2213 = vector.shape_cast %swap3A_2212 : vector<1x16xf32> to vector<16xf32>
    %swap3A_2214 = vector.shape_cast %broadcast_in_dim3A_3 : vector<16xf32> to vector<1x16xf32>
    tpu.vector_store %arg11[%swap3A_2210, %swap3A_2211], %swap3A_2214 {strides = array<i32>} : memref<128x128xf32, #tpu.memory_space<vmem>>, vector<1x16xf32>,
    %swap3A_2215 = arith.constant 112 : i32
    %swap3A_2216 = arith.index_cast %swap3A_2215 : i32 to index
    %swap3A_2217 = arith.constant 0 : index
    %swap3A_2218 = tpu.vector_load %arg11[%swap3A_2216, %swap3A_2217] {strides = array<i32>} : memref<128x128xf32, #tpu.memory_space<vmem>>, vector<1x16xf32>,
    %swap3A_2219 = vector.shape_cast %swap3A_2218 : vector<1x16xf32> to vector<16xf32>
    %swap3A_2220 = vector.shape_cast %broadcast_in_dim3A_3 : vector<16xf32> to vector<1x16xf32>
    tpu.vector_store %arg11[%swap3A_2216, %swap3A_2217], %swap3A_2220 {strides = array<i32>} : memref<128x128xf32, #tpu.memory_space<vmem>>, vector<1x16xf32>,
    %swap3A_2221 = arith.constant 113 : i32
    %swap3A_2222 = arith.index_cast %swap3A_2221 : i32 to index
    %swap3A_2223 = arith.constant 0 : index
    %swap3A_2224 = tpu.vector_load %arg11[%swap3A_2222, %swap3A_2223] {strides = array<i32>} : memref<128x128xf32, #tpu.memory_space<vmem>>, vector<1x16xf32>,
    %swap3A_2225 = vector.shape_cast %swap3A_2224 : vector<1x16xf32> to vector<16xf32>
    %swap3A_2226 = vector.shape_cast %broadcast_in_dim3A_3 : vector<16xf32> to vector<1x16xf32>
    tpu.vector_store %arg11[%swap3A_2222, %swap3A_2223], %swap3A_2226 {strides = array<i32>} : memref<128x128xf32, #tpu.memory_space<vmem>>, vector<1x16xf32>,
    %swap3A_2227 = arith.constant 114 : i32
    %swap3A_2228 = arith.index_cast %swap3A_2227 : i32 to index
    %swap3A_2229 = arith.constant 0 : index
    %swap3A_2230 = tpu.vector_load %arg11[%swap3A_2228, %swap3A_2229] {strides = array<i32>} : memref<128x128xf32, #tpu.memory_space<vmem>>, vector<1x16xf32>,
    %swap3A_2231 = vector.shape_cast %swap3A_2230 : vector<1x16xf32> to vector<16xf32>
    %swap3A_2232 = vector.shape_cast %broadcast_in_dim3A_3 : vector<16xf32> to vector<1x16xf32>
    tpu.vector_store %arg11[%swap3A_2228, %swap3A_2229], %swap3A_2232 {strides = array<i32>} : memref<128x128xf32, #tpu.memory_space<vmem>>, vector<1x16xf32>,
    %swap3A_2233 = arith.constant 115 : i32
    %swap3A_2234 = arith.index_cast %swap3A_2233 : i32 to index
    %swap3A_2235 = arith.constant 0 : index
    %swap3A_2236 = tpu.vector_load %arg11[%swap3A_2234, %swap3A_2235] {strides = array<i32>} : memref<128x128xf32, #tpu.memory_space<vmem>>, vector<1x16xf32>,
    %swap3A_2237 = vector.shape_cast %swap3A_2236 : vector<1x16xf32> to vector<16xf32>
    %swap3A_2238 = vector.shape_cast %broadcast_in_dim3A_3 : vector<16xf32> to vector<1x16xf32>
    tpu.vector_store %arg11[%swap3A_2234, %swap3A_2235], %swap3A_2238 {strides = array<i32>} : memref<128x128xf32, #tpu.memory_space<vmem>>, vector<1x16xf32>,
    %swap3A_2239 = arith.constant 116 : i32
    %swap3A_2240 = arith.index_cast %swap3A_2239 : i32 to index
    %swap3A_2241 = arith.constant 0 : index
    %swap3A_2242 = tpu.vector_load %arg11[%swap3A_2240, %swap3A_2241] {strides = array<i32>} : memref<128x128xf32, #tpu.memory_space<vmem>>, vector<1x16xf32>,
    %swap3A_2243 = vector.shape_cast %swap3A_2242 : vector<1x16xf32> to vector<16xf32>
    %swap3A_2244 = vector.shape_cast %broadcast_in_dim3A_3 : vector<16xf32> to vector<1x16xf32>
    tpu.vector_store %arg11[%swap3A_2240, %swap3A_2241], %swap3A_2244 {strides = array<i32>} : memref<128x128xf32, #tpu.memory_space<vmem>>, vector<1x16xf32>,
    %swap3A_2245 = arith.constant 117 : i32
    %swap3A_2246 = arith.index_cast %swap3A_2245 : i32 to index
    %swap3A_2247 = arith.constant 0 : index
    %swap3A_2248 = tpu.vector_load %arg11[%swap3A_2246, %swap3A_2247] {strides = array<i32>} : memref<128x128xf32, #tpu.memory_space<vmem>>, vector<1x16xf32>,
    %swap3A_2249 = vector.shape_cast %swap3A_2248 : vector<1x16xf32> to vector<16xf32>
    %swap3A_2250 = vector.shape_cast %broadcast_in_dim3A_3 : vector<16xf32> to vector<1x16xf32>
    tpu.vector_store %arg11[%swap3A_2246, %swap3A_2247], %swap3A_2250 {strides = array<i32>} : memref<128x128xf32, #tpu.memory_space<vmem>>, vector<1x16xf32>,
    %swap3A_2251 = arith.constant 118 : i32
    %swap3A_2252 = arith.index_cast %swap3A_2251 : i32 to index
    %swap3A_2253 = arith.constant 0 : index
    %swap3A_2254 = tpu.vector_load %arg11[%swap3A_2252, %swap3A_2253] {strides = array<i32>} : memref<128x128xf32, #tpu.memory_space<vmem>>, vector<1x16xf32>,
    %swap3A_2255 = vector.shape_cast %swap3A_2254 : vector<1x16xf32> to vector<16xf32>
    %swap3A_2256 = vector.shape_cast %broadcast_in_dim3A_3 : vector<16xf32> to vector<1x16xf32>
    tpu.vector_store %arg11[%swap3A_2252, %swap3A_2253], %swap3A_2256 {strides = array<i32>} : memref<128x128xf32, #tpu.memory_space<vmem>>, vector<1x16xf32>,
    %swap3A_2257 = arith.constant 119 : i32
    %swap3A_2258 = arith.index_cast %swap3A_2257 : i32 to index
    %swap3A_2259 = arith.constant 0 : index
    %swap3A_2260 = tpu.vector_load %arg11[%swap3A_2258, %swap3A_2259] {strides = array<i32>} : memref<128x128xf32, #tpu.memory_space<vmem>>, vector<1x16xf32>,
    %swap3A_2261 = vector.shape_cast %swap3A_2260 : vector<1x16xf32> to vector<16xf32>
    %swap3A_2262 = vector.shape_cast %broadcast_in_dim3A_3 : vector<16xf32> to vector<1x16xf32>
    tpu.vector_store %arg11[%swap3A_2258, %swap3A_2259], %swap3A_2262 {strides = array<i32>} : memref<128x128xf32, #tpu.memory_space<vmem>>, vector<1x16xf32>,
    %swap3A_2263 = arith.constant 120 : i32
    %swap3A_2264 = arith.index_cast %swap3A_2263 : i32 to index
    %swap3A_2265 = arith.constant 0 : index
    %swap3A_2266 = tpu.vector_load %arg11[%swap3A_2264, %swap3A_2265] {strides = array<i32>} : memref<128x128xf32, #tpu.memory_space<vmem>>, vector<1x16xf32>,
    %swap3A_2267 = vector.shape_cast %swap3A_2266 : vector<1x16xf32> to vector<16xf32>
    %swap3A_2268 = vector.shape_cast %broadcast_in_dim3A_3 : vector<16xf32> to vector<1x16xf32>
    tpu.vector_store %arg11[%swap3A_2264, %swap3A_2265], %swap3A_2268 {strides = array<i32>} : memref<128x128xf32, #tpu.memory_space<vmem>>, vector<1x16xf32>,
    %swap3A_2269 = arith.constant 121 : i32
    %swap3A_2270 = arith.index_cast %swap3A_2269 : i32 to index
    %swap3A_2271 = arith.constant 0 : index
    %swap3A_2272 = tpu.vector_load %arg11[%swap3A_2270, %swap3A_2271] {strides = array<i32>} : memref<128x128xf32, #tpu.memory_space<vmem>>, vector<1x16xf32>,
    %swap3A_2273 = vector.shape_cast %swap3A_2272 : vector<1x16xf32> to vector<16xf32>
    %swap3A_2274 = vector.shape_cast %broadcast_in_dim3A_3 : vector<16xf32> to vector<1x16xf32>
    tpu.vector_store %arg11[%swap3A_2270, %swap3A_2271], %swap3A_2274 {strides = array<i32>} : memref<128x128xf32, #tpu.memory_space<vmem>>, vector<1x16xf32>,
    %swap3A_2275 = arith.constant 122 : i32
    %swap3A_2276 = arith.index_cast %swap3A_2275 : i32 to index
    %swap3A_2277 = arith.constant 0 : index
    %swap3A_2278 = tpu.vector_load %arg11[%swap3A_2276, %swap3A_2277] {strides = array<i32>} : memref<128x128xf32, #tpu.memory_space<vmem>>, vector<1x16xf32>,
    %swap3A_2279 = vector.shape_cast %swap3A_2278 : vector<1x16xf32> to vector<16xf32>
    %swap3A_2280 = vector.shape_cast %broadcast_in_dim3A_3 : vector<16xf32> to vector<1x16xf32>
    tpu.vector_store %arg11[%swap3A_2276, %swap3A_2277], %swap3A_2280 {strides = array<i32>} : memref<128x128xf32, #tpu.memory_space<vmem>>, vector<1x16xf32>,
    %swap3A_2281 = arith.constant 123 : i32
    %swap3A_2282 = arith.index_cast %swap3A_2281 : i32 to index
    %swap3A_2283 = arith.constant 0 : index
    %swap3A_2284 = tpu.vector_load %arg11[%swap3A_2282, %swap3A_2283] {strides = array<i32>} : memref<128x128xf32, #tpu.memory_space<vmem>>, vector<1x16xf32>,
    %swap3A_2285 = vector.shape_cast %swap3A_2284 : vector<1x16xf32> to vector<16xf32>
    %swap3A_2286 = vector.shape_cast %broadcast_in_dim3A_3 : vector<16xf32> to vector<1x16xf32>
    tpu.vector_store %arg11[%swap3A_2282, %swap3A_2283], %swap3A_2286 {strides = array<i32>} : memref<128x128xf32, #tpu.memory_space<vmem>>, vector<1x16xf32>,
    %swap3A_2287 = arith.constant 124 : i32
    %swap3A_2288 = arith.index_cast %swap3A_2287 : i32 to index
    %swap3A_2289 = arith.constant 0 : index
    %swap3A_2290 = tpu.vector_load %arg11[%swap3A_2288, %swap3A_2289] {strides = array<i32>} : memref<128x128xf32, #tpu.memory_space<vmem>>, vector<1x16xf32>,
    %swap3A_2291 = vector.shape_cast %swap3A_2290 : vector<1x16xf32> to vector<16xf32>
    %swap3A_2292 = vector.shape_cast %broadcast_in_dim3A_3 : vector<16xf32> to vector<1x16xf32>
    tpu.vector_store %arg11[%swap3A_2288, %swap3A_2289], %swap3A_2292 {strides = array<i32>} : memref<128x128xf32, #tpu.memory_space<vmem>>, vector<1x16xf32>,
    %swap3A_2293 = arith.constant 125 : i32
    %swap3A_2294 = arith.index_cast %swap3A_2293 : i32 to index
    %swap3A_2295 = arith.constant 0 : index
    %swap3A_2296 = tpu.vector_load %arg11[%swap3A_2294, %swap3A_2295] {strides = array<i32>} : memref<128x128xf32, #tpu.memory_space<vmem>>, vector<1x16xf32>,
    %swap3A_2297 = vector.shape_cast %swap3A_2296 : vector<1x16xf32> to vector<16xf32>
    %swap3A_2298 = vector.shape_cast %broadcast_in_dim3A_3 : vector<16xf32> to vector<1x16xf32>
    tpu.vector_store %arg11[%swap3A_2294, %swap3A_2295], %swap3A_2298 {strides = array<i32>} : memref<128x128xf32, #tpu.memory_space<vmem>>, vector<1x16xf32>,
    %swap3A_2299 = arith.constant 126 : i32
    %swap3A_2300 = arith.index_cast %swap3A_2299 : i32 to index
    %swap3A_2301 = arith.constant 0 : index
    %swap3A_2302 = tpu.vector_load %arg11[%swap3A_2300, %swap3A_2301] {strides = array<i32>} : memref<128x128xf32, #tpu.memory_space<vmem>>, vector<1x16xf32>,
    %swap3A_2303 = vector.shape_cast %swap3A_2302 : vector<1x16xf32> to vector<16xf32>
    %swap3A_2304 = vector.shape_cast %broadcast_in_dim3A_3 : vector<16xf32> to vector<1x16xf32>
    tpu.vector_store %arg11[%swap3A_2300, %swap3A_2301], %swap3A_2304 {strides = array<i32>} : memref<128x128xf32, #tpu.memory_space<vmem>>, vector<1x16xf32>,
    %swap3A_2305 = arith.constant 127 : i32
    %swap3A_2306 = arith.index_cast %swap3A_2305 : i32 to index
    %swap3A_2307 = arith.constant 0 : index
    %swap3A_2308 = tpu.vector_load %arg11[%swap3A_2306, %swap3A_2307] {strides = array<i32>} : memref<128x128xf32, #tpu.memory_space<vmem>>, vector<1x16xf32>,
    %swap3A_2309 = vector.shape_cast %swap3A_2308 : vector<1x16xf32> to vector<16xf32>
    %swap3A_2310 = vector.shape_cast %broadcast_in_dim3A_3 : vector<16xf32> to vector<1x16xf32>
    tpu.vector_store %arg11[%swap3A_2306, %swap3A_2307], %swap3A_2310 {strides = array<i32>} : memref<128x128xf32, #tpu.memory_space<vmem>>, vector<1x16xf32>,
    %barrier3A = arith.constant 0 : index
    tpu.barrier barrier_id(%barrier3A)
    %mul3A_2311 = arith.constant 25 : i32
    %mul3A_2312 = arith.muli %add3A, %mul3A_2311 : i32
    %add3A_2313 = arith.constant 0 : i32
    %add3A_2314 = arith.addi %mul3A_2312, %add3A_2313 : i32
    %lt3A = arith.constant 781 : i32
    %lt3A_2315 = arith.cmpi slt, %add3A_2314, %lt3A : i32
    %convert_element_type3A = arith.extui %lt3A_2315 : i1 to i32
    %cond3A = arith.constant 0 : i32
    %cond3A_2316 = arith.cmpi ne, %convert_element_type3A, %cond3A : i32
    scf.if %cond3A_2316 {
      %mul3A_2353 = arith.constant 128 : i32
      %mul3A_2354 = arith.muli %add3A_2314, %mul3A_2353 : i32
      %dma_start3A = tpu.memref_slice %arg3[%mul3A_2354] : memref<100000xi32, #tpu.memory_space<hbm>> -> memref<128xi32, #tpu.memory_space<hbm>>
      %dma_start3A_2355 = tpu.memref_slice %arg3[%mul3A_2354] : memref<100000xi32, #tpu.memory_space<hbm>> -> memref<128xi32, #tpu.memory_space<hbm>>
      tpu.enqueue_dma source(%dma_start3A_2355 : memref<128xi32, #tpu.memory_space<hbm>>) target(%arg6 : memref<128xi32, #tpu.memory_space<vmem>>) target_semaphore(%arg14 : memref<!tpu.dma_semaphore, #tpu.memory_space<semaphore_mem>>)
      %dma_start3A_2356 = arith.constant 0 : i32
      %dma_start3A_2357 = tpu.memref_slice %arg2[%mul3A_2354, %dma_start3A_2356] : memref<100000x128xf32, #tpu.memory_space<hbm>> -> memref<128x128xf32, #tpu.memory_space<hbm>>
      %dma_start3A_2358 = arith.constant 0 : i32
      %dma_start3A_2359 = tpu.memref_slice %arg2[%mul3A_2354, %dma_start3A_2358] : memref<100000x128xf32, #tpu.memory_space<hbm>> -> memref<128x128xf32, #tpu.memory_space<hbm>>
      tpu.enqueue_dma source(%dma_start3A_2359 : memref<128x128xf32, #tpu.memory_space<hbm>>) target(%arg9 : memref<128x128xf32, #tpu.memory_space<vmem>>) target_semaphore(%arg14 : memref<!tpu.dma_semaphore, #tpu.memory_space<semaphore_mem>>)
    } else {
    }
    %scan3A = arith.constant 0 : i32
    %scan3A_2317 = arith.constant 0 : i32
    %scan3A_2318 = arith.constant 12 : i32
    %scan3A_2319 = arith.addi %scan3A_2317, %scan3A_2318 : i32
    %scan3A_2320 = arith.constant 1 : i32
    scf.for %scan3A_2353 = %scan3A_2317 to %scan3A_2319 step %scan3A_2320  : i32 {
      %mul3A_2354 = arith.constant 2 : i32
      %mul3A_2355 = arith.muli %scan3A_2353, %mul3A_2354 : i32
      %mul3A_2356 = arith.constant 25 : i32
      %mul3A_2357 = arith.muli %add3A, %mul3A_2356 : i32
      %add3A_2358 = arith.addi %mul3A_2357, %mul3A_2355 : i32
      %lt3A_2359 = arith.constant 781 : i32
      %lt3A_2360 = arith.cmpi slt, %add3A_2358, %lt3A_2359 : i32
      %convert_element_type3A_2361 = arith.extui %lt3A_2360 : i1 to i32
      %cond3A_2362 = arith.constant 0 : i32
      %cond3A_2363 = arith.cmpi ne, %convert_element_type3A_2361, %cond3A_2362 : i32
      scf.if %cond3A_2363 {
        %mul3A_2412 = arith.constant 128 : i32
        %mul3A_2413 = arith.muli %add3A_2358, %mul3A_2412 : i32
        %dma_wait3A = tpu.memref_slice %arg3[%mul3A_2413] : memref<100000xi32, #tpu.memory_space<hbm>> -> memref<128xi32, #tpu.memory_space<hbm>>
        %dma_wait3A_2414 = tpu.memref_slice %arg3[%mul3A_2413] : memref<100000xi32, #tpu.memory_space<hbm>> -> memref<128xi32, #tpu.memory_space<hbm>>
        tpu.wait_dma2 semaphore(%arg14 : memref<!tpu.dma_semaphore, #tpu.memory_space<semaphore_mem>>) src(%dma_wait3A_2414 : memref<128xi32, #tpu.memory_space<hbm>>) dst(%arg6 : memref<128xi32, #tpu.memory_space<vmem>>)
        %dma_wait3A_2415 = arith.constant 0 : i32
        %dma_wait3A_2416 = tpu.memref_slice %arg2[%mul3A_2413, %dma_wait3A_2415] : memref<100000x128xf32, #tpu.memory_space<hbm>> -> memref<128x128xf32, #tpu.memory_space<hbm>>
        %dma_wait3A_2417 = arith.constant 0 : i32
        %dma_wait3A_2418 = tpu.memref_slice %arg2[%mul3A_2413, %dma_wait3A_2417] : memref<100000x128xf32, #tpu.memory_space<hbm>> -> memref<128x128xf32, #tpu.memory_space<hbm>>
        tpu.wait_dma2 semaphore(%arg14 : memref<!tpu.dma_semaphore, #tpu.memory_space<semaphore_mem>>) src(%dma_wait3A_2418 : memref<128x128xf32, #tpu.memory_space<hbm>>) dst(%arg9 : memref<128x128xf32, #tpu.memory_space<vmem>>)
      } else {
      }
      %add3A_2364 = arith.constant 1 : i32
      %add3A_2365 = arith.addi %mul3A_2355, %add3A_2364 : i32
      %mul3A_2366 = arith.constant 25 : i32
      %mul3A_2367 = arith.muli %add3A, %mul3A_2366 : i32
      %add3A_2368 = arith.addi %mul3A_2367, %add3A_2365 : i32
      %lt3A_2369 = arith.constant 781 : i32
      %lt3A_2370 = arith.cmpi slt, %add3A_2368, %lt3A_2369 : i32
      %convert_element_type3A_2371 = arith.extui %lt3A_2370 : i1 to i32
      %cond3A_2372 = arith.constant 0 : i32
      %cond3A_2373 = arith.cmpi ne, %convert_element_type3A_2371, %cond3A_2372 : i32
      scf.if %cond3A_2373 {
        %mul3A_2412 = arith.constant 128 : i32
        %mul3A_2413 = arith.muli %add3A_2368, %mul3A_2412 : i32
        %dma_start3A = tpu.memref_slice %arg3[%mul3A_2413] : memref<100000xi32, #tpu.memory_space<hbm>> -> memref<128xi32, #tpu.memory_space<hbm>>
        %dma_start3A_2414 = tpu.memref_slice %arg3[%mul3A_2413] : memref<100000xi32, #tpu.memory_space<hbm>> -> memref<128xi32, #tpu.memory_space<hbm>>
        tpu.enqueue_dma source(%dma_start3A_2414 : memref<128xi32, #tpu.memory_space<hbm>>) target(%arg7 : memref<128xi32, #tpu.memory_space<vmem>>) target_semaphore(%arg15 : memref<!tpu.dma_semaphore, #tpu.memory_space<semaphore_mem>>)
        %dma_start3A_2415 = arith.constant 0 : i32
        %dma_start3A_2416 = tpu.memref_slice %arg2[%mul3A_2413, %dma_start3A_2415] : memref<100000x128xf32, #tpu.memory_space<hbm>> -> memref<128x128xf32, #tpu.memory_space<hbm>>
        %dma_start3A_2417 = arith.constant 0 : i32
        %dma_start3A_2418 = tpu.memref_slice %arg2[%mul3A_2413, %dma_start3A_2417] : memref<100000x128xf32, #tpu.memory_space<hbm>> -> memref<128x128xf32, #tpu.memory_space<hbm>>
        tpu.enqueue_dma source(%dma_start3A_2418 : memref<128x128xf32, #tpu.memory_space<hbm>>) target(%arg10 : memref<128x128xf32, #tpu.memory_space<vmem>>) target_semaphore(%arg15 : memref<!tpu.dma_semaphore, #tpu.memory_space<semaphore_mem>>)
      } else {
      }
      %mul3A_2374 = arith.constant 25 : i32
      %mul3A_2375 = arith.muli %add3A, %mul3A_2374 : i32
      %add3A_2376 = arith.addi %mul3A_2375, %mul3A_2355 : i32
      %lt3A_2377 = arith.constant 781 : i32
      %lt3A_2378 = arith.cmpi slt, %add3A_2376, %lt3A_2377 : i32
      %convert_element_type3A_2379 = arith.extui %lt3A_2378 : i1 to i32
      %cond3A_2380 = arith.constant 0 : i32
      %cond3A_2381 = arith.cmpi ne, %convert_element_type3A_2379, %cond3A_2380 : i32
      scf.if %cond3A_2381 {
        %dma_start3A = arith.constant 0 : i32
        %dma_start3A_2412 = arith.constant 0 : i32
        %dma_start3A_2413 = tpu.memref_slice %arg12[%dma_start3A, %dma_start3A_2412] : memref<512x128xf32, #tpu.memory_space<vmem_shared>> -> memref<512x128xf32, #tpu.memory_space<vmem_shared>>
        tpu.enqueue_indirect_dma source(%arg9 : memref<128x128xf32, #tpu.memory_space<vmem>>) target(%dma_start3A_2413 : memref<512x128xf32, #tpu.memory_space<vmem_shared>>) offsets(%arg6 : memref<128xi32, #tpu.memory_space<vmem>>) semaphore(%arg16 : memref<!tpu.dma_semaphore, #tpu.memory_space<semaphore_mem>>) {add = true}
        %dma_start3A_2414 = arith.constant 0 : i32
        %dma_start3A_2415 = arith.constant 0 : i32
        %dma_start3A_2416 = tpu.memref_slice %arg13[%dma_start3A_2414, %dma_start3A_2415] : memref<512x128xf32, #tpu.memory_space<vmem_shared>> -> memref<512x128xf32, #tpu.memory_space<vmem_shared>>
        tpu.enqueue_indirect_dma source(%arg11 : memref<128x128xf32, #tpu.memory_space<vmem>>) target(%dma_start3A_2416 : memref<512x128xf32, #tpu.memory_space<vmem_shared>>) offsets(%arg6 : memref<128xi32, #tpu.memory_space<vmem>>) semaphore(%arg16 : memref<!tpu.dma_semaphore, #tpu.memory_space<semaphore_mem>>) {add = true}
        %dma_wait3A = arith.constant 0 : i32
        %dma_wait3A_2417 = arith.constant 0 : i32
        %dma_wait3A_2418 = tpu.memref_slice %arg12[%dma_wait3A, %dma_wait3A_2417] : memref<512x128xf32, #tpu.memory_space<vmem_shared>> -> memref<512x128xf32, #tpu.memory_space<vmem_shared>>
        tpu.wait_indirect_dma semaphore(%arg16 : memref<!tpu.dma_semaphore, #tpu.memory_space<semaphore_mem>>) src(%arg9 : memref<128x128xf32, #tpu.memory_space<vmem>>) dst(%dma_wait3A_2418 : memref<512x128xf32, #tpu.memory_space<vmem_shared>>)
        %dma_wait3A_2419 = arith.constant 0 : i32
        %dma_wait3A_2420 = arith.constant 0 : i32
        %dma_wait3A_2421 = tpu.memref_slice %arg13[%dma_wait3A_2419, %dma_wait3A_2420] : memref<512x128xf32, #tpu.memory_space<vmem_shared>> -> memref<512x128xf32, #tpu.memory_space<vmem_shared>>
        tpu.wait_indirect_dma semaphore(%arg16 : memref<!tpu.dma_semaphore, #tpu.memory_space<semaphore_mem>>) src(%arg11 : memref<128x128xf32, #tpu.memory_space<vmem>>) dst(%dma_wait3A_2421 : memref<512x128xf32, #tpu.memory_space<vmem_shared>>)
      } else {
      }
      %add3A_2382 = arith.constant 1 : i32
      %add3A_2383 = arith.addi %mul3A_2355, %add3A_2382 : i32
      %mul3A_2384 = arith.constant 25 : i32
      %mul3A_2385 = arith.muli %add3A, %mul3A_2384 : i32
      %add3A_2386 = arith.addi %mul3A_2385, %add3A_2383 : i32
      %lt3A_2387 = arith.constant 781 : i32
      %lt3A_2388 = arith.cmpi slt, %add3A_2386, %lt3A_2387 : i32
      %convert_element_type3A_2389 = arith.extui %lt3A_2388 : i1 to i32
      %cond3A_2390 = arith.constant 0 : i32
      %cond3A_2391 = arith.cmpi ne, %convert_element_type3A_2389, %cond3A_2390 : i32
      scf.if %cond3A_2391 {
        %mul3A_2412 = arith.constant 128 : i32
        %mul3A_2413 = arith.muli %add3A_2386, %mul3A_2412 : i32
        %dma_wait3A = tpu.memref_slice %arg3[%mul3A_2413] : memref<100000xi32, #tpu.memory_space<hbm>> -> memref<128xi32, #tpu.memory_space<hbm>>
        %dma_wait3A_2414 = tpu.memref_slice %arg3[%mul3A_2413] : memref<100000xi32, #tpu.memory_space<hbm>> -> memref<128xi32, #tpu.memory_space<hbm>>
        tpu.wait_dma2 semaphore(%arg15 : memref<!tpu.dma_semaphore, #tpu.memory_space<semaphore_mem>>) src(%dma_wait3A_2414 : memref<128xi32, #tpu.memory_space<hbm>>) dst(%arg7 : memref<128xi32, #tpu.memory_space<vmem>>)
        %dma_wait3A_2415 = arith.constant 0 : i32
        %dma_wait3A_2416 = tpu.memref_slice %arg2[%mul3A_2413, %dma_wait3A_2415] : memref<100000x128xf32, #tpu.memory_space<hbm>> -> memref<128x128xf32, #tpu.memory_space<hbm>>
        %dma_wait3A_2417 = arith.constant 0 : i32
        %dma_wait3A_2418 = tpu.memref_slice %arg2[%mul3A_2413, %dma_wait3A_2417] : memref<100000x128xf32, #tpu.memory_space<hbm>> -> memref<128x128xf32, #tpu.memory_space<hbm>>
        tpu.wait_dma2 semaphore(%arg15 : memref<!tpu.dma_semaphore, #tpu.memory_space<semaphore_mem>>) src(%dma_wait3A_2418 : memref<128x128xf32, #tpu.memory_space<hbm>>) dst(%arg10 : memref<128x128xf32, #tpu.memory_space<vmem>>)
      } else {
      }
      %add3A_2392 = arith.constant 2 : i32
      %add3A_2393 = arith.addi %mul3A_2355, %add3A_2392 : i32
      %mul3A_2394 = arith.constant 25 : i32
      %mul3A_2395 = arith.muli %add3A, %mul3A_2394 : i32
      %add3A_2396 = arith.addi %mul3A_2395, %add3A_2393 : i32
      %lt3A_2397 = arith.constant 781 : i32
      %lt3A_2398 = arith.cmpi slt, %add3A_2396, %lt3A_2397 : i32
      %convert_element_type3A_2399 = arith.extui %lt3A_2398 : i1 to i32
      %cond3A_2400 = arith.constant 0 : i32
      %cond3A_2401 = arith.cmpi ne, %convert_element_type3A_2399, %cond3A_2400 : i32
      scf.if %cond3A_2401 {
        %mul3A_2412 = arith.constant 128 : i32
        %mul3A_2413 = arith.muli %add3A_2396, %mul3A_2412 : i32
        %dma_start3A = tpu.memref_slice %arg3[%mul3A_2413] : memref<100000xi32, #tpu.memory_space<hbm>> -> memref<128xi32, #tpu.memory_space<hbm>>
        %dma_start3A_2414 = tpu.memref_slice %arg3[%mul3A_2413] : memref<100000xi32, #tpu.memory_space<hbm>> -> memref<128xi32, #tpu.memory_space<hbm>>
        tpu.enqueue_dma source(%dma_start3A_2414 : memref<128xi32, #tpu.memory_space<hbm>>) target(%arg6 : memref<128xi32, #tpu.memory_space<vmem>>) target_semaphore(%arg14 : memref<!tpu.dma_semaphore, #tpu.memory_space<semaphore_mem>>)
        %dma_start3A_2415 = arith.constant 0 : i32
        %dma_start3A_2416 = tpu.memref_slice %arg2[%mul3A_2413, %dma_start3A_2415] : memref<100000x128xf32, #tpu.memory_space<hbm>> -> memref<128x128xf32, #tpu.memory_space<hbm>>
        %dma_start3A_2417 = arith.constant 0 : i32
        %dma_start3A_2418 = tpu.memref_slice %arg2[%mul3A_2413, %dma_start3A_2417] : memref<100000x128xf32, #tpu.memory_space<hbm>> -> memref<128x128xf32, #tpu.memory_space<hbm>>
        tpu.enqueue_dma source(%dma_start3A_2418 : memref<128x128xf32, #tpu.memory_space<hbm>>) target(%arg9 : memref<128x128xf32, #tpu.memory_space<vmem>>) target_semaphore(%arg14 : memref<!tpu.dma_semaphore, #tpu.memory_space<semaphore_mem>>)
      } else {
      }
      %add3A_2402 = arith.constant 1 : i32
      %add3A_2403 = arith.addi %mul3A_2355, %add3A_2402 : i32
      %mul3A_2404 = arith.constant 25 : i32
      %mul3A_2405 = arith.muli %add3A, %mul3A_2404 : i32
      %add3A_2406 = arith.addi %mul3A_2405, %add3A_2403 : i32
      %lt3A_2407 = arith.constant 781 : i32
      %lt3A_2408 = arith.cmpi slt, %add3A_2406, %lt3A_2407 : i32
      %convert_element_type3A_2409 = arith.extui %lt3A_2408 : i1 to i32
      %cond3A_2410 = arith.constant 0 : i32
      %cond3A_2411 = arith.cmpi ne, %convert_element_type3A_2409, %cond3A_2410 : i32
      scf.if %cond3A_2411 {
        %dma_start3A = arith.constant 0 : i32
        %dma_start3A_2412 = arith.constant 0 : i32
        %dma_start3A_2413 = tpu.memref_slice %arg12[%dma_start3A, %dma_start3A_2412] : memref<512x128xf32, #tpu.memory_space<vmem_shared>> -> memref<512x128xf32, #tpu.memory_space<vmem_shared>>
        tpu.enqueue_indirect_dma source(%arg10 : memref<128x128xf32, #tpu.memory_space<vmem>>) target(%dma_start3A_2413 : memref<512x128xf32, #tpu.memory_space<vmem_shared>>) offsets(%arg7 : memref<128xi32, #tpu.memory_space<vmem>>) semaphore(%arg16 : memref<!tpu.dma_semaphore, #tpu.memory_space<semaphore_mem>>) {add = true}
        %dma_start3A_2414 = arith.constant 0 : i32
        %dma_start3A_2415 = arith.constant 0 : i32
        %dma_start3A_2416 = tpu.memref_slice %arg13[%dma_start3A_2414, %dma_start3A_2415] : memref<512x128xf32, #tpu.memory_space<vmem_shared>> -> memref<512x128xf32, #tpu.memory_space<vmem_shared>>
        tpu.enqueue_indirect_dma source(%arg11 : memref<128x128xf32, #tpu.memory_space<vmem>>) target(%dma_start3A_2416 : memref<512x128xf32, #tpu.memory_space<vmem_shared>>) offsets(%arg7 : memref<128xi32, #tpu.memory_space<vmem>>) semaphore(%arg16 : memref<!tpu.dma_semaphore, #tpu.memory_space<semaphore_mem>>) {add = true}
        %dma_wait3A = arith.constant 0 : i32
        %dma_wait3A_2417 = arith.constant 0 : i32
        %dma_wait3A_2418 = tpu.memref_slice %arg12[%dma_wait3A, %dma_wait3A_2417] : memref<512x128xf32, #tpu.memory_space<vmem_shared>> -> memref<512x128xf32, #tpu.memory_space<vmem_shared>>
        tpu.wait_indirect_dma semaphore(%arg16 : memref<!tpu.dma_semaphore, #tpu.memory_space<semaphore_mem>>) src(%arg10 : memref<128x128xf32, #tpu.memory_space<vmem>>) dst(%dma_wait3A_2418 : memref<512x128xf32, #tpu.memory_space<vmem_shared>>)
        %dma_wait3A_2419 = arith.constant 0 : i32
        %dma_wait3A_2420 = arith.constant 0 : i32
        %dma_wait3A_2421 = tpu.memref_slice %arg13[%dma_wait3A_2419, %dma_wait3A_2420] : memref<512x128xf32, #tpu.memory_space<vmem_shared>> -> memref<512x128xf32, #tpu.memory_space<vmem_shared>>
        tpu.wait_indirect_dma semaphore(%arg16 : memref<!tpu.dma_semaphore, #tpu.memory_space<semaphore_mem>>) src(%arg11 : memref<128x128xf32, #tpu.memory_space<vmem>>) dst(%dma_wait3A_2421 : memref<512x128xf32, #tpu.memory_space<vmem_shared>>)
      } else {
      }
    }
    %scan3A_2321 = arith.constant 12 : i32
    %mul3A_2322 = arith.constant 25 : i32
    %mul3A_2323 = arith.muli %add3A, %mul3A_2322 : i32
    %add3A_2324 = arith.constant 24 : i32
    %add3A_2325 = arith.addi %mul3A_2323, %add3A_2324 : i32
    %lt3A_2326 = arith.constant 781 : i32
    %lt3A_2327 = arith.cmpi slt, %add3A_2325, %lt3A_2326 : i32
    %convert_element_type3A_2328 = arith.extui %lt3A_2327 : i1 to i32
    %cond3A_2329 = arith.constant 0 : i32
    %cond3A_2330 = arith.cmpi ne, %convert_element_type3A_2328, %cond3A_2329 : i32
    scf.if %cond3A_2330 {
      %mul3A_2353 = arith.constant 128 : i32
      %mul3A_2354 = arith.muli %add3A_2325, %mul3A_2353 : i32
      %dma_wait3A = tpu.memref_slice %arg3[%mul3A_2354] : memref<100000xi32, #tpu.memory_space<hbm>> -> memref<128xi32, #tpu.memory_space<hbm>>
      %dma_wait3A_2355 = tpu.memref_slice %arg3[%mul3A_2354] : memref<100000xi32, #tpu.memory_space<hbm>> -> memref<128xi32, #tpu.memory_space<hbm>>
      tpu.wait_dma2 semaphore(%arg14 : memref<!tpu.dma_semaphore, #tpu.memory_space<semaphore_mem>>) src(%dma_wait3A_2355 : memref<128xi32, #tpu.memory_space<hbm>>) dst(%arg6 : memref<128xi32, #tpu.memory_space<vmem>>)
      %dma_wait3A_2356 = arith.constant 0 : i32
      %dma_wait3A_2357 = tpu.memref_slice %arg2[%mul3A_2354, %dma_wait3A_2356] : memref<100000x128xf32, #tpu.memory_space<hbm>> -> memref<128x128xf32, #tpu.memory_space<hbm>>
      %dma_wait3A_2358 = arith.constant 0 : i32
      %dma_wait3A_2359 = tpu.memref_slice %arg2[%mul3A_2354, %dma_wait3A_2358] : memref<100000x128xf32, #tpu.memory_space<hbm>> -> memref<128x128xf32, #tpu.memory_space<hbm>>
      tpu.wait_dma2 semaphore(%arg14 : memref<!tpu.dma_semaphore, #tpu.memory_space<semaphore_mem>>) src(%dma_wait3A_2359 : memref<128x128xf32, #tpu.memory_space<hbm>>) dst(%arg9 : memref<128x128xf32, #tpu.memory_space<vmem>>)
    } else {
    }
    %mul3A_2331 = arith.constant 25 : i32
    %mul3A_2332 = arith.muli %add3A, %mul3A_2331 : i32
    %add3A_2333 = arith.constant 24 : i32
    %add3A_2334 = arith.addi %mul3A_2332, %add3A_2333 : i32
    %lt3A_2335 = arith.constant 781 : i32
    %lt3A_2336 = arith.cmpi slt, %add3A_2334, %lt3A_2335 : i32
    %convert_element_type3A_2337 = arith.extui %lt3A_2336 : i1 to i32
    %cond3A_2338 = arith.constant 0 : i32
    %cond3A_2339 = arith.cmpi ne, %convert_element_type3A_2337, %cond3A_2338 : i32
    scf.if %cond3A_2339 {
      %dma_start3A = arith.constant 0 : i32
      %dma_start3A_2353 = arith.constant 0 : i32
      %dma_start3A_2354 = tpu.memref_slice %arg12[%dma_start3A, %dma_start3A_2353] : memref<512x128xf32, #tpu.memory_space<vmem_shared>> -> memref<512x128xf32, #tpu.memory_space<vmem_shared>>
      tpu.enqueue_indirect_dma source(%arg9 : memref<128x128xf32, #tpu.memory_space<vmem>>) target(%dma_start3A_2354 : memref<512x128xf32, #tpu.memory_space<vmem_shared>>) offsets(%arg6 : memref<128xi32, #tpu.memory_space<vmem>>) semaphore(%arg16 : memref<!tpu.dma_semaphore, #tpu.memory_space<semaphore_mem>>) {add = true}
      %dma_start3A_2355 = arith.constant 0 : i32
      %dma_start3A_2356 = arith.constant 0 : i32
      %dma_start3A_2357 = tpu.memref_slice %arg13[%dma_start3A_2355, %dma_start3A_2356] : memref<512x128xf32, #tpu.memory_space<vmem_shared>> -> memref<512x128xf32, #tpu.memory_space<vmem_shared>>
      tpu.enqueue_indirect_dma source(%arg11 : memref<128x128xf32, #tpu.memory_space<vmem>>) target(%dma_start3A_2357 : memref<512x128xf32, #tpu.memory_space<vmem_shared>>) offsets(%arg6 : memref<128xi32, #tpu.memory_space<vmem>>) semaphore(%arg16 : memref<!tpu.dma_semaphore, #tpu.memory_space<semaphore_mem>>) {add = true}
      %dma_wait3A = arith.constant 0 : i32
      %dma_wait3A_2358 = arith.constant 0 : i32
      %dma_wait3A_2359 = tpu.memref_slice %arg12[%dma_wait3A, %dma_wait3A_2358] : memref<512x128xf32, #tpu.memory_space<vmem_shared>> -> memref<512x128xf32, #tpu.memory_space<vmem_shared>>
      tpu.wait_indirect_dma semaphore(%arg16 : memref<!tpu.dma_semaphore, #tpu.memory_space<semaphore_mem>>) src(%arg9 : memref<128x128xf32, #tpu.memory_space<vmem>>) dst(%dma_wait3A_2359 : memref<512x128xf32, #tpu.memory_space<vmem_shared>>)
      %dma_wait3A_2360 = arith.constant 0 : i32
      %dma_wait3A_2361 = arith.constant 0 : i32
      %dma_wait3A_2362 = tpu.memref_slice %arg13[%dma_wait3A_2360, %dma_wait3A_2361] : memref<512x128xf32, #tpu.memory_space<vmem_shared>> -> memref<512x128xf32, #tpu.memory_space<vmem_shared>>
      tpu.wait_indirect_dma semaphore(%arg16 : memref<!tpu.dma_semaphore, #tpu.memory_space<semaphore_mem>>) src(%arg11 : memref<128x128xf32, #tpu.memory_space<vmem>>) dst(%dma_wait3A_2362 : memref<512x128xf32, #tpu.memory_space<vmem_shared>>)
    } else {
    }
    %eq3A = arith.constant 31 : i32
    %eq3A_2340 = arith.cmpi eq, %add3A, %eq3A : i32
    %convert_element_type3A_2341 = arith.extui %eq3A_2340 : i1 to i32
    %cond3A_2342 = arith.constant 0 : i32
    %cond3A_2343 = arith.cmpi ne, %convert_element_type3A_2341, %cond3A_2342 : i32
    scf.if %cond3A_2343 {
      "tpu.region"() ({
        %run_scoped3A = tpu.sem_alloc : memref<!tpu.dma_semaphore, #tpu.memory_space<semaphore_mem>>
        %dma_start3A = arith.constant 99968 : i32
        %dma_start3A_2353 = tpu.memref_slice %arg3[%dma_start3A] : memref<100000xi32, #tpu.memory_space<hbm>> -> memref<32xi32, #tpu.memory_space<hbm>>
        %dma_start3A_2354 = arith.constant 99968 : i32
        %dma_start3A_2355 = tpu.memref_slice %arg3[%dma_start3A_2354] : memref<100000xi32, #tpu.memory_space<hbm>> -> memref<32xi32, #tpu.memory_space<hbm>>
        tpu.enqueue_dma source(%dma_start3A_2355 : memref<32xi32, #tpu.memory_space<hbm>>) target(%arg8 : memref<32xi32, #tpu.memory_space<vmem>>) target_semaphore(%run_scoped3A : memref<!tpu.dma_semaphore, #tpu.memory_space<semaphore_mem>>)
        %dma_wait3A = arith.constant 99968 : i32
        %dma_wait3A_2356 = tpu.memref_slice %arg3[%dma_wait3A] : memref<100000xi32, #tpu.memory_space<hbm>> -> memref<32xi32, #tpu.memory_space<hbm>>
        %dma_wait3A_2357 = arith.constant 99968 : i32
        %dma_wait3A_2358 = tpu.memref_slice %arg3[%dma_wait3A_2357] : memref<100000xi32, #tpu.memory_space<hbm>> -> memref<32xi32, #tpu.memory_space<hbm>>
        tpu.wait_dma2 semaphore(%run_scoped3A : memref<!tpu.dma_semaphore, #tpu.memory_space<semaphore_mem>>) src(%dma_wait3A_2358 : memref<32xi32, #tpu.memory_space<hbm>>) dst(%arg8 : memref<32xi32, #tpu.memory_space<vmem>>)
        tpu.yield
      }) : () -> ()
      "tpu.region"() ({
        %run_scoped3A = tpu.sem_alloc : memref<!tpu.dma_semaphore, #tpu.memory_space<semaphore_mem>>
        %dma_start3A = arith.constant 0 : i32
        %dma_start3A_2353 = arith.constant 0 : i32
        %dma_start3A_2354 = tpu.memref_slice %arg9[%dma_start3A, %dma_start3A_2353] : memref<128x128xf32, #tpu.memory_space<vmem>> -> memref<32x128xf32, #tpu.memory_space<vmem>>
        %dma_start3A_2355 = arith.constant 99968 : i32
        %dma_start3A_2356 = arith.constant 0 : i32
        %dma_start3A_2357 = tpu.memref_slice %arg2[%dma_start3A_2355, %dma_start3A_2356] : memref<100000x128xf32, #tpu.memory_space<hbm>> -> memref<32x128xf32, #tpu.memory_space<hbm>>
        %dma_start3A_2358 = arith.constant 0 : i32
        %dma_start3A_2359 = arith.constant 0 : i32
        %dma_start3A_2360 = tpu.memref_slice %arg9[%dma_start3A_2358, %dma_start3A_2359] : memref<128x128xf32, #tpu.memory_space<vmem>> -> memref<32x128xf32, #tpu.memory_space<vmem>>
        %dma_start3A_2361 = arith.constant 99968 : i32
        %dma_start3A_2362 = arith.constant 0 : i32
        %dma_start3A_2363 = tpu.memref_slice %arg2[%dma_start3A_2361, %dma_start3A_2362] : memref<100000x128xf32, #tpu.memory_space<hbm>> -> memref<32x128xf32, #tpu.memory_space<hbm>>
        tpu.enqueue_dma source(%dma_start3A_2363 : memref<32x128xf32, #tpu.memory_space<hbm>>) target(%dma_start3A_2360 : memref<32x128xf32, #tpu.memory_space<vmem>>) target_semaphore(%run_scoped3A : memref<!tpu.dma_semaphore, #tpu.memory_space<semaphore_mem>>)
        %dma_wait3A = arith.constant 0 : i32
        %dma_wait3A_2364 = arith.constant 0 : i32
        %dma_wait3A_2365 = tpu.memref_slice %arg9[%dma_wait3A, %dma_wait3A_2364] : memref<128x128xf32, #tpu.memory_space<vmem>> -> memref<32x128xf32, #tpu.memory_space<vmem>>
        %dma_wait3A_2366 = arith.constant 99968 : i32
        %dma_wait3A_2367 = arith.constant 0 : i32
        %dma_wait3A_2368 = tpu.memref_slice %arg2[%dma_wait3A_2366, %dma_wait3A_2367] : memref<100000x128xf32, #tpu.memory_space<hbm>> -> memref<32x128xf32, #tpu.memory_space<hbm>>
        %dma_wait3A_2369 = arith.constant 0 : i32
        %dma_wait3A_2370 = arith.constant 0 : i32
        %dma_wait3A_2371 = tpu.memref_slice %arg9[%dma_wait3A_2369, %dma_wait3A_2370] : memref<128x128xf32, #tpu.memory_space<vmem>> -> memref<32x128xf32, #tpu.memory_space<vmem>>
        %dma_wait3A_2372 = arith.constant 99968 : i32
        %dma_wait3A_2373 = arith.constant 0 : i32
        %dma_wait3A_2374 = tpu.memref_slice %arg2[%dma_wait3A_2372, %dma_wait3A_2373] : memref<100000x128xf32, #tpu.memory_space<hbm>> -> memref<32x128xf32, #tpu.memory_space<hbm>>
        tpu.wait_dma2 semaphore(%run_scoped3A : memref<!tpu.dma_semaphore, #tpu.memory_space<semaphore_mem>>) src(%dma_wait3A_2374 : memref<32x128xf32, #tpu.memory_space<hbm>>) dst(%dma_wait3A_2371 : memref<32x128xf32, #tpu.memory_space<vmem>>)
        tpu.yield
      }) : () -> ()
      "tpu.region"() ({
        %run_scoped3A = tpu.sem_alloc : memref<!tpu.dma_semaphore, #tpu.memory_space<semaphore_mem>>
        %dma_start3A = arith.constant 0 : i32
        %dma_start3A_2353 = arith.constant 0 : i32
        %dma_start3A_2354 = tpu.memref_slice %arg9[%dma_start3A, %dma_start3A_2353] : memref<128x128xf32, #tpu.memory_space<vmem>> -> memref<32x128xf32, #tpu.memory_space<vmem>>
        %dma_start3A_2355 = arith.constant 0 : i32
        %dma_start3A_2356 = arith.constant 0 : i32
        %dma_start3A_2357 = tpu.memref_slice %arg12[%dma_start3A_2355, %dma_start3A_2356] : memref<512x128xf32, #tpu.memory_space<vmem_shared>> -> memref<512x128xf32, #tpu.memory_space<vmem_shared>>
        tpu.enqueue_indirect_dma source(%dma_start3A_2354 : memref<32x128xf32, #tpu.memory_space<vmem>>) target(%dma_start3A_2357 : memref<512x128xf32, #tpu.memory_space<vmem_shared>>) offsets(%arg8 : memref<32xi32, #tpu.memory_space<vmem>>) semaphore(%run_scoped3A : memref<!tpu.dma_semaphore, #tpu.memory_space<semaphore_mem>>) {add = true}
        %dma_wait3A = arith.constant 0 : i32
        %dma_wait3A_2358 = arith.constant 0 : i32
        %dma_wait3A_2359 = tpu.memref_slice %arg9[%dma_wait3A, %dma_wait3A_2358] : memref<128x128xf32, #tpu.memory_space<vmem>> -> memref<32x128xf32, #tpu.memory_space<vmem>>
        %dma_wait3A_2360 = arith.constant 0 : i32
        %dma_wait3A_2361 = arith.constant 0 : i32
        %dma_wait3A_2362 = tpu.memref_slice %arg12[%dma_wait3A_2360, %dma_wait3A_2361] : memref<512x128xf32, #tpu.memory_space<vmem_shared>> -> memref<512x128xf32, #tpu.memory_space<vmem_shared>>
        tpu.wait_indirect_dma semaphore(%run_scoped3A : memref<!tpu.dma_semaphore, #tpu.memory_space<semaphore_mem>>) src(%dma_wait3A_2359 : memref<32x128xf32, #tpu.memory_space<vmem>>) dst(%dma_wait3A_2362 : memref<512x128xf32, #tpu.memory_space<vmem_shared>>)
        tpu.yield
      }) : () -> ()
      "tpu.region"() ({
        %run_scoped3A = tpu.sem_alloc : memref<!tpu.dma_semaphore, #tpu.memory_space<semaphore_mem>>
        %dma_start3A = arith.constant 0 : i32
        %dma_start3A_2353 = arith.constant 0 : i32
        %dma_start3A_2354 = tpu.memref_slice %arg11[%dma_start3A, %dma_start3A_2353] : memref<128x128xf32, #tpu.memory_space<vmem>> -> memref<32x128xf32, #tpu.memory_space<vmem>>
        %dma_start3A_2355 = arith.constant 0 : i32
        %dma_start3A_2356 = arith.constant 0 : i32
        %dma_start3A_2357 = tpu.memref_slice %arg13[%dma_start3A_2355, %dma_start3A_2356] : memref<512x128xf32, #tpu.memory_space<vmem_shared>> -> memref<512x128xf32, #tpu.memory_space<vmem_shared>>
        tpu.enqueue_indirect_dma source(%dma_start3A_2354 : memref<32x128xf32, #tpu.memory_space<vmem>>) target(%dma_start3A_2357 : memref<512x128xf32, #tpu.memory_space<vmem_shared>>) offsets(%arg8 : memref<32xi32, #tpu.memory_space<vmem>>) semaphore(%run_scoped3A : memref<!tpu.dma_semaphore, #tpu.memory_space<semaphore_mem>>) {add = true}
        %dma_wait3A = arith.constant 0 : i32
        %dma_wait3A_2358 = arith.constant 0 : i32
        %dma_wait3A_2359 = tpu.memref_slice %arg11[%dma_wait3A, %dma_wait3A_2358] : memref<128x128xf32, #tpu.memory_space<vmem>> -> memref<32x128xf32, #tpu.memory_space<vmem>>
        %dma_wait3A_2360 = arith.constant 0 : i32
        %dma_wait3A_2361 = arith.constant 0 : i32
        %dma_wait3A_2362 = tpu.memref_slice %arg13[%dma_wait3A_2360, %dma_wait3A_2361] : memref<512x128xf32, #tpu.memory_space<vmem_shared>> -> memref<512x128xf32, #tpu.memory_space<vmem_shared>>
        tpu.wait_indirect_dma semaphore(%run_scoped3A : memref<!tpu.dma_semaphore, #tpu.memory_space<semaphore_mem>>) src(%dma_wait3A_2359 : memref<32x128xf32, #tpu.memory_space<vmem>>) dst(%dma_wait3A_2362 : memref<512x128xf32, #tpu.memory_space<vmem_shared>>)
        tpu.yield
      }) : () -> ()
    } else {
    }
    %barrier3A_2344 = arith.constant 0 : index
    tpu.barrier barrier_id(%barrier3A_2344)
    %mul3A_2345 = arith.constant 32 : i32
    %mul3A_2346 = arith.muli %arg1, %mul3A_2345 : i32
    %mul3A_2347 = arith.constant 512 : i32
    %mul3A_2348 = arith.muli %arg0, %mul3A_2347 : i32
    %add3A_2349 = arith.addi %mul3A_2348, %mul3A_2346 : i32
    "tpu.region"() ({
      %run_scoped3A = tpu.sem_alloc : memref<!tpu.dma_semaphore, #tpu.memory_space<semaphore_mem>>
      %dma_start3A = arith.constant 0 : i32
      %dma_start3A_2353 = tpu.memref_slice %arg4[%add3A_2349, %dma_start3A] : memref<1024x128xf32, #tpu.memory_space<hbm>> -> memref<32x128xf32, #tpu.memory_space<hbm>>
      %dma_start3A_2354 = arith.constant 0 : i32
      %dma_start3A_2355 = tpu.memref_slice %arg12[%mul3A_2346, %dma_start3A_2354] : memref<512x128xf32, #tpu.memory_space<vmem_shared>> -> memref<32x128xf32, #tpu.memory_space<vmem_shared>>
      tpu.enqueue_dma source(%dma_start3A_2355 : memref<32x128xf32, #tpu.memory_space<vmem_shared>>) target(%dma_start3A_2353 : memref<32x128xf32, #tpu.memory_space<hbm>>) target_semaphore(%run_scoped3A : memref<!tpu.dma_semaphore, #tpu.memory_space<semaphore_mem>>)
      %dma_wait3A = arith.constant 0 : i32
      %dma_wait3A_2356 = tpu.memref_slice %arg4[%add3A_2349, %dma_wait3A] : memref<1024x128xf32, #tpu.memory_space<hbm>> -> memref<32x128xf32, #tpu.memory_space<hbm>>
      %dma_wait3A_2357 = arith.constant 0 : i32
      %dma_wait3A_2358 = tpu.memref_slice %arg12[%mul3A_2346, %dma_wait3A_2357] : memref<512x128xf32, #tpu.memory_space<vmem_shared>> -> memref<32x128xf32, #tpu.memory_space<vmem_shared>>
      tpu.wait_dma2 semaphore(%run_scoped3A : memref<!tpu.dma_semaphore, #tpu.memory_space<semaphore_mem>>) src(%dma_wait3A_2358 : memref<32x128xf32, #tpu.memory_space<vmem_shared>>) dst(%dma_wait3A_2356 : memref<32x128xf32, #tpu.memory_space<hbm>>)
      tpu.yield
    }) : () -> ()
    %mul3A_2350 = arith.constant 512 : i32
    %mul3A_2351 = arith.muli %arg0, %mul3A_2350 : i32
    %add3A_2352 = arith.addi %mul3A_2351, %mul3A_2346 : i32
    "tpu.region"() ({
      %run_scoped3A = tpu.sem_alloc : memref<!tpu.dma_semaphore, #tpu.memory_space<semaphore_mem>>
      %dma_start3A = arith.constant 0 : i32
      %dma_start3A_2353 = tpu.memref_slice %arg5[%add3A_2352, %dma_start3A] : memref<1024x128xf32, #tpu.memory_space<hbm>> -> memref<32x128xf32, #tpu.memory_space<hbm>>
      %dma_start3A_2354 = arith.constant 0 : i32
      %dma_start3A_2355 = tpu.memref_slice %arg13[%mul3A_2346, %dma_start3A_2354] : memref<512x128xf32, #tpu.memory_space<vmem_shared>> -> memref<32x128xf32, #tpu.memory_space<vmem_shared>>
      tpu.enqueue_dma source(%dma_start3A_2355 : memref<32x128xf32, #tpu.memory_space<vmem_shared>>) target(%dma_start3A_2353 : memref<32x128xf32, #tpu.memory_space<hbm>>) target_semaphore(%run_scoped3A : memref<!tpu.dma_semaphore, #tpu.memory_space<semaphore_mem>>)
      %dma_wait3A = arith.constant 0 : i32
      %dma_wait3A_2356 = tpu.memref_slice %arg5[%add3A_2352, %dma_wait3A] : memref<1024x128xf32, #tpu.memory_space<hbm>> -> memref<32x128xf32, #tpu.memory_space<hbm>>
      %dma_wait3A_2357 = arith.constant 0 : i32
      %dma_wait3A_2358 = tpu.memref_slice %arg13[%mul3A_2346, %dma_wait3A_2357] : memref<512x128xf32, #tpu.memory_space<vmem_shared>> -> memref<32x128xf32, #tpu.memory_space<vmem_shared>>
      tpu.wait_dma2 semaphore(%run_scoped3A : memref<!tpu.dma_semaphore, #tpu.memory_space<semaphore_mem>>) src(%dma_wait3A_2358 : memref<32x128xf32, #tpu.memory_space<vmem_shared>>) dst(%dma_wait3A_2356 : memref<32x128xf32, #tpu.memory_space<hbm>>)
      tpu.yield
    }) : () -> ()
    return
  }
}

module attributes {stable_mosaic.version = 14 : i64} {
  func.func @_combine(%arg0: memref<1024x128xf32, #tpu.memory_space<vmem>>, %arg1: memref<1024x128xf32, #tpu.memory_space<vmem>>, %arg2: memref<512x128xf32, #tpu.memory_space<vmem>>) attributes {dimension_semantics = [], scalar_prefetch = 0 : i64, scratch_operands = 0 : i64, tpu.core_type = #tpu.core_type<tc>} {
    %get3A = arith.constant 0 : index
    %get3A_0 = arith.constant 0 : index
    %get3A_1 = vector.load %arg0[%get3A, %get3A_0] : memref<1024x128xf32, #tpu.memory_space<vmem>>, vector<512x128xf32>
    %get3A_2 = arith.constant 512 : index
    %get3A_3 = arith.constant 0 : index
    %get3A_4 = vector.load %arg0[%get3A_2, %get3A_3] : memref<1024x128xf32, #tpu.memory_space<vmem>>, vector<512x128xf32>
    %add3A = arith.addf %get3A_1, %get3A_4 : vector<512x128xf32>
    %get3A_5 = arith.constant 0 : index
    %get3A_6 = arith.constant 0 : index
    %get3A_7 = vector.load %arg1[%get3A_5, %get3A_6] : memref<1024x128xf32, #tpu.memory_space<vmem>>, vector<512x1xf32>
    %get3A_8 = arith.constant 512 : index
    %get3A_9 = arith.constant 0 : index
    %get3A_10 = vector.load %arg1[%get3A_8, %get3A_9] : memref<1024x128xf32, #tpu.memory_space<vmem>>, vector<512x1xf32>
    %add3A_11 = arith.addf %get3A_7, %get3A_10 : vector<512x1xf32>
    %max3A = arith.constant 1.000000e+00 : f32
    %max3A_12 = vector.broadcast %max3A : f32 to vector<512x1xf32>
    %max3A_13 = arith.maximumf %add3A_11, %max3A_12 : vector<512x1xf32>
    %div3A = vector.broadcast %max3A_13 : vector<512x1xf32> to vector<512x128xf32>
    %div3A_14 = arith.divf %add3A, %div3A : vector<512x128xf32>
    %swap3A = arith.constant 0 : index
    %swap3A_15 = arith.constant 0 : index
    %swap3A_16 = vector.load %arg2[%swap3A, %swap3A_15] : memref<512x128xf32, #tpu.memory_space<vmem>>, vector<512x128xf32>
    tpu.vector_store %arg2[%swap3A, %swap3A_15], %div3A_14 {strides = array<i32>} : memref<512x128xf32, #tpu.memory_space<vmem>>, vector<512x128xf32>,
    return
  }
}

</mosaic_0001>

<sc_bundles>
// kernel: kernel.4.cloned.1.call-start
scs
__scs_entry_jumppad:
0x0: {  	(pc) =	sbr.rel $0x88, $3  }
0x1: {  	(tag) =	ssettag $0x0;
	lr =	simm.s32 $0x1  }
0x2: {  	[smem:$0x3F9F] =	sst lr;
	_ =	strace $0xD0000000  }
0x3: {  	_ = 	snop  }
0x4: {  	_ = 	snop  }
0x5: {  	_ = 	snop  }
0x6: {  	_ = 	snop  }
0x7: {  	_ = 	snop  }
__scs_overlays_trampoline_lowered:
0x8: {  	[smem:$0x3FAE] =	sst s0  }
0x9: {  	[smem:$0x3FAF] =	sst s1  }
0xa: {  	[smem:$0x3FB0] =	sst s2  }
0xb: {  	[smem:$0x3FB1] =	sst s3  }
0xc: {  	[smem:$0x3FB2] =	sst s4  }
0xd: {  	[smem:$0x3FB3] =	sst s5  }
0xe: {  	[smem:$0x3FB4] =	sst s6  }
0xf: {  	[smem:$0x3FB5] =	sst s7  }
0x10: {  	[smem:$0x3FB6] =	sst s8  }
0x11: {  	[smem:$0x3FB7] =	sst s9;
	s0 =	simm.s32 @!p0 $0x0  }
0x12: {  	s1 =	sld [smem:$0x3F9D];
	s0 =	simm.s32 @p0 $0x1  }
0x13: {  	[smem:$0x3FB8] =	sst s0;
	s0 =	simm.s32 @!p1 $0x0  }
0x14: {  	s2 =	sld [smem:$0x3F9C];
	s0 =	simm.s32 @p1 $0x1  }
0x15: {  	[smem:$0x3FB9] =	sst s0;
	s0 =	simm.s32 @!p2 $0x0  }
0x16: {  	s3 =	sld [smem:$0x3FDB];
	s0 =	simm.s32 @p2 $0x1  }
0x17: {  	s4 =	simm.s32 $0x1BF5;
	[smem:$0x3FBB] =	sst s0  }
0x18: {  	s0 =	sld [smem:$0x3F9E];
	_ =	swait.ge [sflag:s4], $0x0  }
0x19: {  	s7 =	sld [smem:$0x3F9F]  }
0x1a: {  	s8 =	sadd.s32 $0xFFFFE003, lr  }
0x1b: {  	s9 =	sadd.s32 $0xFFFFFEF7, lr;
	s5 =	simm.s32 $0xFFFFFFFF;
	p2 =	slt.u32 s8, $0xFFFFF086  }
0x1c: {  	p1 =	slt.u32 s9, $0xF7A;
	s5 =	simm.s32 @!p2 $0x0  }
0x1d: {  	s5 =	simm.s32 @p1 $0x1;
	p0 =	seq.s32 s7, s2  }
0x1e: {  	s7 =	smul.u32 @!p0 $0xF7A, s2;
	p2 =	seq.s32 @!p0 s5, $0x0  }
0x1f: {  	s9 =	smul.u32 $0xF7A, s1;
	s8 =	simm.s32 @!p0 $0x1BF5;
	p2 =	por !p2, p0  }
0x20: {  	[sflag:s8] =	ssyncset.s32 @!p0 $0xFFFFF086;
	s6 =	sadd.s32 @!p0 s3, s7;
	s7 =	simm.s32 @!p0 $0x108  }
0x21: {  	s3 =	sadd.s32 s3, s9;
	s6 =	sadd.s32 @!p0 $0x88, s6;
	s7 =	simm.s32 @p2 $0x1082  }
0x22: {  	[simem:s7], [sflag:s8] =	dma.local @!p0 [hbm:s6], $0xF7A  }
0x23: {  	s9 =	sor.u32 $0xD0000000, s2;
	s6 =	simm.s32 $0x108;
	_ =	swait.ge @!p0 [sflag:s8], $0x0  }
0x24: {  	s3 =	sadd.s32 $0x88, s3;
	s6 =	simm.s32 @!p1 $0x1082;
	[sflag:s4] =	ssyncset.s32 $0xFFFFF086  }
0x25: {  	[simem:s6], [sflag:s4] =	dma.local [hbm:s3], $0xF7A  }
0x26: {  	[smem:$0x3F9F] =	sst s1;
	(tag) =	ssettag s2;
	_ =	strace s9  }
0x27: {  	s1 =	sld [smem:$0x3FAF]  }
0x28: {  	s2 =	sld [smem:$0x3FB0]  }
0x29: {  	s4 =	sld [smem:$0x3FB2]  }
0x2a: {  	p0 =	seq.s32 s5, $0x0;
	s5 =	sld [smem:$0x3FB3]  }
0x2b: {  	s6 =	sld [smem:$0x3FB4]  }
0x2c: {  	s7 =	sld [smem:$0x3FB5]  }
0x2d: {  	s3 =	simm.s32 $0x108;
	s8 =	sld [smem:$0x3FB6]  }
0x2e: {  	s3 =	simm.s32 @!p0 $0x1082;
	s9 =	sld [smem:$0x3FB7]  }
0x2f: {  	lr =	sadd.s32 s0, s3;
	s0 =	sld [smem:$0x3FAE]  }
0x30: {  	s3 =	sld [smem:$0x3FB1]  }
0x31: {  	[smem:$0x3FBA] =	sst s10  }
0x32: {  	s10 =	sld [smem:$0x3FB8];
	_ =	sdelay $0x3  }
0x33: {  	p0 =	seq.s32 s10, $0x1;
	s10 =	sld [smem:$0x3FBA];
	_ =	sdelay $0x3  }
0x34: {  	[smem:$0x3FBA] =	sst s10  }
0x35: {  	s10 =	sld [smem:$0x3FB9];
	_ =	sdelay $0x3  }
0x36: {  	p1 =	seq.s32 s10, $0x1;
	s10 =	sld [smem:$0x3FBA];
	_ =	sdelay $0x3  }
0x37: {  	[smem:$0x3FBA] =	sst s10  }
0x38: {  	s10 =	sld [smem:$0x3FBB]  }
0x39: {  	_ = 	snop;
	(pc) =	sbr.ind lr, $3  }
0x3a: {  	_ = 	snop  }
0x3b: {  	_ = 	snop  }
0x3c: {  	p2 =	seq.s32 s10, $0x1;
	s10 =	sld [smem:$0x3FBA]  }
0x3d: {  	_ =	shalt  }
0x3e: {  	_ =	shalt  }
0x3f: {  	_ =	shalt  }
0x40: {  	_ =	shalt  }
0x41: {  	_ =	shalt  }
0x42: {  	_ =	shalt  }
0x43: {  	_ =	shalt  }
0x44: {  	_ =	shalt  }
0x45: {  	_ =	shalt  }
0x46: {  	_ =	shalt  }
0x47: {  	_ =	shalt  }
0x48: {  	_ =	shalt  }
0x49: {  	_ =	shalt  }
0x4a: {  	_ =	shalt  }
0x4b: {  	_ =	shalt  }
0x4c: {  	_ =	shalt  }
0x4d: {  	_ =	shalt  }
0x4e: {  	_ =	shalt  }
0x4f: {  	_ =	shalt  }
0x50: {  	_ =	shalt  }
0x51: {  	_ =	shalt  }
0x52: {  	_ =	shalt  }
0x53: {  	_ =	shalt  }
0x54: {  	_ =	shalt  }
0x55: {  	_ =	shalt  }
0x56: {  	_ =	shalt  }
0x57: {  	_ =	shalt  }
0x58: {  	_ =	shalt  }
0x59: {  	_ =	shalt  }
0x5a: {  	_ =	shalt  }
0x5b: {  	_ =	shalt  }
0x5c: {  	_ =	shalt  }
0x5d: {  	_ =	shalt  }
0x5e: {  	_ =	shalt  }
0x5f: {  	_ =	shalt  }
0x60: {  	_ =	shalt  }
0x61: {  	_ =	shalt  }
0x62: {  	_ =	shalt  }
0x63: {  	_ =	shalt  }
0x64: {  	_ =	shalt  }
0x65: {  	_ =	shalt  }
0x66: {  	_ =	shalt  }
0x67: {  	_ =	shalt  }
0x68: {  	_ =	shalt  }
0x69: {  	_ =	shalt  }
0x6a: {  	_ =	shalt  }
0x6b: {  	_ =	shalt  }
0x6c: {  	_ =	shalt  }
0x6d: {  	_ =	shalt  }
0x6e: {  	_ =	shalt  }
0x6f: {  	_ =	shalt  }
0x70: {  	_ =	shalt  }
0x71: {  	_ =	shalt  }
0x72: {  	_ =	shalt  }
0x73: {  	_ =	shalt  }
0x74: {  	_ =	shalt  }
0x75: {  	_ =	shalt  }
0x76: {  	_ =	shalt  }
0x77: {  	_ =	shalt  }
0x78: {  	_ =	shalt  }
0x79: {  	_ =	shalt  }
0x7a: {  	_ =	shalt  }
0x7b: {  	_ =	shalt  }
0x7c: {  	_ =	shalt  }
0x7d: {  	_ =	shalt  }
0x7e: {  	_ =	shalt  }
0x7f: {  	_ =	shalt  }
0x80: {  	_ =	shalt  }
0x81: {  	_ =	shalt  }
0x82: {  	_ =	shalt  }
0x83: {  	_ =	shalt  }
0x84: {  	_ =	shalt  }
0x85: {  	_ =	shalt  }
0x86: {  	_ =	shalt  }
0x87: {  	_ =	shalt  }
.Lfunc_end0:
.L_simem_size_0:
called_computation_lowered:
.L_overlay_start_0:
0x88: {  	s2 =	sld [smem:$0x3FD9]  }
0x89: {  	s3 =	sld [smem:$0x3FFE];
	_ =	sdelay $0x1  }
0x8a: {  	s1 =	srdreg.scid  }
0x8b: {  	s0 =	sand.u32 $0x1, s1  }
0x8c: {  	s17 =	sshll.u32 s0, $0xA;
	s2 =	sadd.s32 s3, s2  }
0x8d: {  	s2 =	sadd.s32 s2, s17  }
0x8e: {  	[smem:$0x3FC6] =	sst s2  }
0x8f: {  	_ = 	snop  }
0x90: {  	s2 =	sld [smem:$0x3FC9]  }
0x91: {  	s18 =	sld [smem:$0x3FC8];
	(tm) =	ssettm $0x1  }
0x92: {  	s4 =	sld [smem:$0x3FFB];
	_ =	sdelay $0x3  }
0x93: {  	_ =	strace s4  }
0x94: {  	s4 =	sld [smem:$0x3FFC];
	_ =	sdelay $0x3  }
0x95: {  	_ =	strace s4  }
0x96: {  	s4 =	sld [smem:$0x3FFD];
	_ =	sdelay $0x3  }
0x97: {  	_ =	strace s4  }
0x98: {  	_ =	strace $0x8FFFFFFF  }
0x99: {  	s19 =	sld [smem:$0x3FDB];
	_ =	sdelay $0x1  }
0x9a: {  	s5 =	simm.s32 $_scs_section_size  }
0x9b: {  	s6 =	simm.s32 $_size__tile_overlayer_lowered;
	s7 =	simm.s32 $_tile_overlayer_lowered  }
0x9c: {  	s22 =	simm.s32 $0x1BFF;
	s21 =	sshll.u32 s7, $0x1;
	s4 =	sadd.s32 s5, s19  }
0x9d: {  	s8 =	simm.s32 $0x0;
	s20 =	sshll.u32 s6, $0x1;
	s6 =	sadd.s32 s21, s4  }
0x9e: {  	[timem:s8], [sflag:s22] =	dma.local [hbm:s6], s20  }
0x9f: {  	_ =	swait.ge [sflag:s22], s20  }
0xa0: {  	s5 =	ssub.s32 $0x0, s20;
	[sflag:s22] =	ssyncset.done $0x0  }
0xa1: {  	[sflag:s22] =	ssyncadd.s32 s5;
	_ =	sdelay $0x1  }
0xa2: {  	s23 =	simm.s32 $0x1B8B  }
0xa3: {  	_ =	swait.ge [sflag:s23], $0x1  }
0xa4: {  	[sflag:s23] =	ssyncset.done $0x0  }
0xa5: {  	s25 =	simm.s32 $0x1B8E;
	s24 =	sld [smem:$0x3FFE];
	[sflag:s23] =	ssyncadd.s32 $0xFFFFFFFF  }
0xa6: {  	s26 =	simm.s32 $execute0_lowered;
	[smem:$0x3FD2] =	sst s25  }
0xa7: {  	s6 =	sshll.u32 s26, $0x1;
	_ =	strace $0x80000046;
	[dreg:$0x1] =	wrdreg $0xFFFFFFFF  }
0xa8: {  	s28 =	simm.s32 $_size_execute0_lowered;
	s4 =	sadd.s32 s4, s6;
	[dreg:$0x0] =	wrdreg $0x0  }
0xa9: {  	s6 =	sshll.u32 s28, $0x1;
	[dreg:$0x2] =	wrdreg s4  }
0xaa: {  	[dreg:$0x3] =	wrdreg s6  }
0xab: {  	[dreg:$0x4] =	wrdreg $0xC0  }
0xac: {  	_ =	task [dreg:s8], $0x5FFFF  }
0xad: {  	[dreg:$0x1] =	wrdreg $0xFFFFFFFF  }
0xae: {  	[dreg:$0x0] =	wrdreg $0x60  }
0xaf: {  	[dreg:$0x2] =	wrdreg s2  }
0xb0: {  	[dreg:$0x3] =	wrdreg s18  }
0xb1: {  	[dreg:$0x4] =	wrdreg s24  }
0xb2: {  	[dreg:$0x5] =	wrdreg $0xC1800  }
0xb3: {  	[dreg:$0x6] =	wrdreg $0xD1800  }
0xb4: {  	[dreg:$0x7] =	wrdreg $0x9  }
0xb5: {  	_ =	task.clear_ibuf [dreg:s8], $0x8FFFF;
	_ =	strace $0x90000046  }
0xb6: {  	s29 =	simm.s32 $0x9;
	_ =	strace $0x80000048  }
0xb7: {  	_ =	swait.ge [sflag:s29], $0x1  }
0xb8: {  	[sflag:s29] =	ssyncadd.s32 $0xFFFFFFFF  }
0xb9: {  	_ =	strace $0x90000048  }
0xba: {  	_ =	sfence  }
0xbb: {  	s30 =	sld [smem:$0x0];
	_ =	sdelay $0x2  }
0xbc: {  	s31 =	sshll.u32 s1, $0xD;
	s1 =	sshrl.u32 s1, $0x2  }
0xbd: {  	s3 =	sand.u32 $0x4000, s31;
	s1 =	sadd.s32 s1, s30  }
0xbe: {  	s0 =	sor.u32 s3, s0;
	s1 =	sshll.u32 s1, $0x11  }
0xbf: {  	s0 =	sor.u32 s1, s0  }
0xc0: {  	s0 =	sadd.s32 $0x8F2B, s0  }
0xc1: {  	[sflag:s0] =	ssyncadd.remote.s32 $0x1  }
0xc2: {  	_ =	sfence.sel $0xFFFF  }
0xc3: {  	[dreg:$0x0] =	wrdreg $0xFFFFFFFF;
	(pc) =	sbr.abs _section_cstart, $3  }
0xc4: {  	[dreg:$0x1] =	wrdreg $0xFFFFFFFF  }
0xc5: {  	_ =	task.clear_ibuf [dreg:s8], $0x2FFFF;
	_ =	strace $0x9FFFFFFF  }
0xc6: {  	(tm) =	ssettm $0x7FFFFFFF  }
0xc7: {  	_ =	shalt  }
tec
execute0_lowered:
.L_overlay_start_1:
0x0: {  	(tag) =	ssettag $0x1  }
0x1: {  	s11 =	rddreg [dreg:$0x0]  }
0x2: {  	s12 =	rddreg [dreg:$0x1]  }
0x3: {  	s5 =	rddreg [dreg:$0x2]  }
0x4: {  	s1 =	rddreg [dreg:$0x3];
	s3 =	stileid.u32  }
0x5: {  	s2 =	rddreg [dreg:$0x4];
	s16 =	smul.u32 $0x320, s3  }
0x6: {  	s4 =	simm.s32 $0x0;
	s6 =	srdreg.scid;
	s18 =	smul.u32 $0x19000, s3  }
0x7: {  	[smem:$0x7FF] =	sst s4;
	s13 =	sand.u32 $0x1, s6;
	s20 =	smul.u32 $0x32, s3  }
0x8: {  	s26 =	sshll.u32 s3, $0xC;
	s8 =	sshll.u32 s3, $0x1;
	s17 =	smul.u32 $0x190, s13  }
0x9: {  	s7 =	sshll.u32 s13, $0x10;
	_ =	strace $0x80000047;
	s30 =	smul.u32 $0xC800, s13  }
0xa: {  	s19 =	sor.u32 s13, s8;
	s28 =	ssub.s32 $0x2, s13;
	s21 =	smul.u32 $0x19, s13  }
0xb: {  	s6 =	sadd.s32 s26, s2;
	s7 =	sor.u32 s26, s7;
	s9 =	smul.u32 $0x190, s19  }
0xc: {  	s29 =	sshrl.u32 s28, $0x1;
	s10 =	smul.u32 $0xC800, s19;
	s18 =	sadd.s32 s18, s11  }
0xd: {  	p0 =	seq.s32 s19, $0x1F;
	s19 =	simm.s32 $0x0;
	s7 =	sshrl.u32 s7, $0x3  }
0xe: {  	s15 =	ssub.s32 s28, s29;
	s31 =	sadd.s32 s30, s18;
	s18 =	simm.s32 $0x4  }
0xf: {  	s14 =	sadd.s32 s7, s5;
	s5 =	sadd.s32 s26, s1;
	s7 =	sadd.s32 s12, s9  }
0x10: {  	s8 =	sadd.s32 s11, s10;
	s9 =	sadd.s32 $0x30D0, s12;
	s10 =	sadd.s32 $0x186800, s11  }
0x11: {  	s12 =	sadd.s32 s16, s12;
	s13 =	smax.u32 s15, $0x1;
	s15 =	sadd.s32 $0x1000, s31  }
0x12: {  	s16 =	sadd.s32 s21, s20;
	s17 =	sadd.s32 s17, s12;
	s11 =	sadd.s32 $0xC00, s14  }
0x13: {  	v0 =	vimm.f32 $0.0e+00;
	v1 =	vimm.f32 $1.000000000e+00;
	s12 =	sadd.s32 $0x4C00, s14;
	s14 =	sadd.s32 $0x20, s17;
	s17 =	simm.s32 $0x180  }
.LBB2_1:
0x14: {  	[tilespmem:$0x180] =	vst v0  }
0x15: {  	[tilespmem:$0x190] =	vst v0  }
0x16: {  	[tilespmem:$0x1A0] =	vst v0  }
0x17: {  	[tilespmem:$0x1B0] =	vst v0  }
0x18: {  	[tilespmem:$0x1C0] =	vst v0  }
0x19: {  	[tilespmem:$0x1D0] =	vst v0  }
0x1a: {  	[tilespmem:$0x1E0] =	vst v0  }
0x1b: {  	[tilespmem:$0x1F0] =	vst v0  }
0x1c: {  	[tilespmem:$0x200] =	vst v0  }
0x1d: {  	[tilespmem:$0x210] =	vst v0  }
0x1e: {  	[tilespmem:$0x220] =	vst v0  }
0x1f: {  	[tilespmem:$0x230] =	vst v0  }
0x20: {  	[tilespmem:$0x240] =	vst v0  }
0x21: {  	[tilespmem:$0x250] =	vst v0  }
0x22: {  	[tilespmem:$0x260] =	vst v0  }
0x23: {  	[tilespmem:$0x270] =	vst v0  }
0x24: {  	[tilespmem:$0x280] =	vst v0  }
0x25: {  	[tilespmem:$0x290] =	vst v0  }
0x26: {  	[tilespmem:$0x2A0] =	vst v0  }
0x27: {  	[tilespmem:$0x2B0] =	vst v0  }
0x28: {  	[tilespmem:$0x2C0] =	vst v0  }
0x29: {  	[tilespmem:$0x2D0] =	vst v0  }
0x2a: {  	[tilespmem:$0x2E0] =	vst v0  }
0x2b: {  	[tilespmem:$0x2F0] =	vst v0  }
0x2c: {  	[tilespmem:$0x300] =	vst v0  }
0x2d: {  	[tilespmem:$0x310] =	vst v0  }
0x2e: {  	[tilespmem:$0x320] =	vst v0  }
0x2f: {  	[tilespmem:$0x330] =	vst v0  }
0x30: {  	[tilespmem:$0x340] =	vst v0  }
0x31: {  	[tilespmem:$0x350] =	vst v0  }
0x32: {  	[tilespmem:$0x360] =	vst v0  }
0x33: {  	[tilespmem:$0x370] =	vst v0  }
0x34: {  	[tilespmem:$0x380] =	vst v0  }
0x35: {  	[tilespmem:$0x390] =	vst v0  }
0x36: {  	[tilespmem:$0x3A0] =	vst v0  }
0x37: {  	[tilespmem:$0x3B0] =	vst v0  }
0x38: {  	[tilespmem:$0x3C0] =	vst v0  }
0x39: {  	[tilespmem:$0x3D0] =	vst v0  }
0x3a: {  	[tilespmem:$0x3E0] =	vst v0  }
0x3b: {  	[tilespmem:$0x3F0] =	vst v0  }
0x3c: {  	[tilespmem:$0x400] =	vst v0  }
0x3d: {  	[tilespmem:$0x410] =	vst v0  }
0x3e: {  	[tilespmem:$0x420] =	vst v0  }
0x3f: {  	[tilespmem:$0x430] =	vst v0  }
0x40: {  	[tilespmem:$0x440] =	vst v0  }
0x41: {  	[tilespmem:$0x450] =	vst v0  }
0x42: {  	[tilespmem:$0x460] =	vst v0  }
0x43: {  	[tilespmem:$0x470] =	vst v0  }
0x44: {  	[tilespmem:$0x480] =	vst v0  }
0x45: {  	[tilespmem:$0x490] =	vst v0  }
0x46: {  	[tilespmem:$0x4A0] =	vst v0  }
0x47: {  	[tilespmem:$0x4B0] =	vst v0  }
0x48: {  	[tilespmem:$0x4C0] =	vst v0  }
0x49: {  	[tilespmem:$0x4D0] =	vst v0  }
0x4a: {  	[tilespmem:$0x4E0] =	vst v0  }
0x4b: {  	[tilespmem:$0x4F0] =	vst v0  }
0x4c: {  	[tilespmem:$0x500] =	vst v0  }
0x4d: {  	[tilespmem:$0x510] =	vst v0  }
0x4e: {  	[tilespmem:$0x520] =	vst v0  }
0x4f: {  	[tilespmem:$0x530] =	vst v0  }
0x50: {  	[tilespmem:$0x540] =	vst v0  }
0x51: {  	[tilespmem:$0x550] =	vst v0  }
0x52: {  	[tilespmem:$0x560] =	vst v0  }
0x53: {  	[tilespmem:$0x570] =	vst v0  }
0x54: {  	[tilespmem:$0x580] =	vst v0  }
0x55: {  	[tilespmem:$0x590] =	vst v0  }
0x56: {  	[tilespmem:$0x5A0] =	vst v0  }
0x57: {  	[tilespmem:$0x5B0] =	vst v0  }
0x58: {  	[tilespmem:$0x5C0] =	vst v0  }
0x59: {  	[tilespmem:$0x5D0] =	vst v0  }
0x5a: {  	[tilespmem:$0x5E0] =	vst v0  }
0x5b: {  	[tilespmem:$0x5F0] =	vst v0  }
0x5c: {  	[tilespmem:$0x600] =	vst v0  }
0x5d: {  	[tilespmem:$0x610] =	vst v0  }
0x5e: {  	[tilespmem:$0x620] =	vst v0  }
0x5f: {  	[tilespmem:$0x630] =	vst v0  }
0x60: {  	[tilespmem:$0x640] =	vst v0  }
0x61: {  	[tilespmem:$0x650] =	vst v0  }
0x62: {  	[tilespmem:$0x660] =	vst v0  }
0x63: {  	[tilespmem:$0x670] =	vst v0  }
0x64: {  	[tilespmem:$0x680] =	vst v0  }
0x65: {  	[tilespmem:$0x690] =	vst v0  }
0x66: {  	[tilespmem:$0x6A0] =	vst v0  }
0x67: {  	[tilespmem:$0x6B0] =	vst v0  }
0x68: {  	[tilespmem:$0x6C0] =	vst v0  }
0x69: {  	[tilespmem:$0x6D0] =	vst v0  }
0x6a: {  	[tilespmem:$0x6E0] =	vst v0  }
0x6b: {  	[tilespmem:$0x6F0] =	vst v0  }
0x6c: {  	[tilespmem:$0x700] =	vst v0  }
0x6d: {  	[tilespmem:$0x710] =	vst v0  }
0x6e: {  	[tilespmem:$0x720] =	vst v0  }
0x6f: {  	[tilespmem:$0x730] =	vst v0  }
0x70: {  	[tilespmem:$0x740] =	vst v0  }
0x71: {  	[tilespmem:$0x750] =	vst v0  }
0x72: {  	[tilespmem:$0x760] =	vst v0  }
0x73: {  	[tilespmem:$0x770] =	vst v0  }
0x74: {  	[tilespmem:$0x780] =	vst v0  }
0x75: {  	[tilespmem:$0x790] =	vst v0  }
0x76: {  	[tilespmem:$0x7A0] =	vst v0  }
0x77: {  	[tilespmem:$0x7B0] =	vst v0  }
0x78: {  	[tilespmem:$0x7C0] =	vst v0  }
0x79: {  	[tilespmem:$0x7D0] =	vst v0  }
0x7a: {  	[tilespmem:$0x7E0] =	vst v0  }
0x7b: {  	[tilespmem:$0x7F0] =	vst v0  }
0x7c: {  	[tilespmem:$0x800] =	vst v0  }
0x7d: {  	[tilespmem:$0x810] =	vst v0  }
0x7e: {  	[tilespmem:$0x820] =	vst v0  }
0x7f: {  	[tilespmem:$0x830] =	vst v0  }
0x80: {  	[tilespmem:$0x840] =	vst v0  }
0x81: {  	[tilespmem:$0x850] =	vst v0  }
0x82: {  	[tilespmem:$0x860] =	vst v0  }
0x83: {  	[tilespmem:$0x870] =	vst v0  }
0x84: {  	[tilespmem:$0x880] =	vst v0  }
0x85: {  	[tilespmem:$0x890] =	vst v0  }
0x86: {  	[tilespmem:$0x8A0] =	vst v0  }
0x87: {  	[tilespmem:$0x8B0] =	vst v0  }
0x88: {  	[tilespmem:$0x8C0] =	vst v0  }
0x89: {  	[tilespmem:$0x8D0] =	vst v0  }
0x8a: {  	[tilespmem:$0x8E0] =	vst v0  }
0x8b: {  	[tilespmem:$0x8F0] =	vst v0  }
0x8c: {  	[tilespmem:$0x900] =	vst v0  }
0x8d: {  	[tilespmem:$0x910] =	vst v0  }
0x8e: {  	[tilespmem:$0x920] =	vst v0  }
0x8f: {  	[tilespmem:$0x930] =	vst v0  }
0x90: {  	[tilespmem:$0x940] =	vst v0  }
0x91: {  	[tilespmem:$0x950] =	vst v0  }
0x92: {  	[tilespmem:$0x960] =	vst v0  }
0x93: {  	[tilespmem:$0x970] =	vst v0  }
0x94: {  	[tilespmem:$0x980] =	vst v0  }
0x95: {  	[tilespmem:$0x990] =	vst v0  }
0x96: {  	[tilespmem:$0x9A0] =	vst v0  }
0x97: {  	[tilespmem:$0x9B0] =	vst v0  }
0x98: {  	[tilespmem:$0x9C0] =	vst v0  }
0x99: {  	[tilespmem:$0x9D0] =	vst v0  }
0x9a: {  	[tilespmem:$0x9E0] =	vst v0  }
0x9b: {  	[tilespmem:$0x9F0] =	vst v0  }
0x9c: {  	[tilespmem:$0xA00] =	vst v0  }
0x9d: {  	[tilespmem:$0xA10] =	vst v0  }
0x9e: {  	[tilespmem:$0xA20] =	vst v0  }
0x9f: {  	[tilespmem:$0xA30] =	vst v0  }
0xa0: {  	[tilespmem:$0xA40] =	vst v0  }
0xa1: {  	[tilespmem:$0xA50] =	vst v0  }
0xa2: {  	[tilespmem:$0xA60] =	vst v0  }
0xa3: {  	[tilespmem:$0xA70] =	vst v0  }
0xa4: {  	[tilespmem:$0xA80] =	vst v0  }
0xa5: {  	[tilespmem:$0xA90] =	vst v0  }
0xa6: {  	[tilespmem:$0xAA0] =	vst v0  }
0xa7: {  	[tilespmem:$0xAB0] =	vst v0  }
0xa8: {  	[tilespmem:$0xAC0] =	vst v0  }
0xa9: {  	[tilespmem:$0xAD0] =	vst v0  }
0xaa: {  	[tilespmem:$0xAE0] =	vst v0  }
0xab: {  	[tilespmem:$0xAF0] =	vst v0  }
0xac: {  	[tilespmem:$0xB00] =	vst v0  }
0xad: {  	[tilespmem:$0xB10] =	vst v0  }
0xae: {  	[tilespmem:$0xB20] =	vst v0  }
0xaf: {  	[tilespmem:$0xB30] =	vst v0  }
0xb0: {  	[tilespmem:$0xB40] =	vst v0  }
0xb1: {  	[tilespmem:$0xB50] =	vst v0  }
0xb2: {  	[tilespmem:$0xB60] =	vst v0  }
0xb3: {  	[tilespmem:$0xB70] =	vst v0  }
0xb4: {  	[tilespmem:$0xB80] =	vst v0  }
0xb5: {  	[tilespmem:$0xB90] =	vst v0  }
0xb6: {  	[tilespmem:$0xBA0] =	vst v0  }
0xb7: {  	[tilespmem:$0xBB0] =	vst v0  }
0xb8: {  	[tilespmem:$0xBC0] =	vst v0  }
0xb9: {  	[tilespmem:$0xBD0] =	vst v0  }
0xba: {  	[tilespmem:$0xBE0] =	vst v0  }
0xbb: {  	[tilespmem:$0xBF0] =	vst v0  }
0xbc: {  	[tilespmem:$0xC00] =	vst v0  }
0xbd: {  	[tilespmem:$0xC10] =	vst v0  }
0xbe: {  	[tilespmem:$0xC20] =	vst v0  }
0xbf: {  	[tilespmem:$0xC30] =	vst v0  }
0xc0: {  	[tilespmem:$0xC40] =	vst v0  }
0xc1: {  	[tilespmem:$0xC50] =	vst v0  }
0xc2: {  	[tilespmem:$0xC60] =	vst v0  }
0xc3: {  	[tilespmem:$0xC70] =	vst v0  }
0xc4: {  	[tilespmem:$0xC80] =	vst v0  }
0xc5: {  	[tilespmem:$0xC90] =	vst v0  }
0xc6: {  	[tilespmem:$0xCA0] =	vst v0  }
0xc7: {  	[tilespmem:$0xCB0] =	vst v0  }
0xc8: {  	[tilespmem:$0xCC0] =	vst v0  }
0xc9: {  	[tilespmem:$0xCD0] =	vst v0  }
0xca: {  	[tilespmem:$0xCE0] =	vst v0  }
0xcb: {  	[tilespmem:$0xCF0] =	vst v0  }
0xcc: {  	[tilespmem:$0xD00] =	vst v0  }
0xcd: {  	[tilespmem:$0xD10] =	vst v0  }
0xce: {  	[tilespmem:$0xD20] =	vst v0  }
0xcf: {  	[tilespmem:$0xD30] =	vst v0  }
0xd0: {  	[tilespmem:$0xD40] =	vst v0  }
0xd1: {  	[tilespmem:$0xD50] =	vst v0  }
0xd2: {  	[tilespmem:$0xD60] =	vst v0  }
0xd3: {  	[tilespmem:$0xD70] =	vst v0  }
0xd4: {  	[tilespmem:$0xD80] =	vst v0  }
0xd5: {  	[tilespmem:$0xD90] =	vst v0  }
0xd6: {  	[tilespmem:$0xDA0] =	vst v0  }
0xd7: {  	[tilespmem:$0xDB0] =	vst v0  }
0xd8: {  	[tilespmem:$0xDC0] =	vst v0  }
0xd9: {  	[tilespmem:$0xDD0] =	vst v0  }
0xda: {  	[tilespmem:$0xDE0] =	vst v0  }
0xdb: {  	[tilespmem:$0xDF0] =	vst v0  }
0xdc: {  	[tilespmem:$0xE00] =	vst v0  }
0xdd: {  	[tilespmem:$0xE10] =	vst v0  }
0xde: {  	[tilespmem:$0xE20] =	vst v0  }
0xdf: {  	[tilespmem:$0xE30] =	vst v0  }
0xe0: {  	[tilespmem:$0xE40] =	vst v0  }
0xe1: {  	[tilespmem:$0xE50] =	vst v0  }
0xe2: {  	[tilespmem:$0xE60] =	vst v0  }
0xe3: {  	[tilespmem:$0xE70] =	vst v0  }
0xe4: {  	[tilespmem:$0xE80] =	vst v0  }
0xe5: {  	[tilespmem:$0xE90] =	vst v0  }
0xe6: {  	[tilespmem:$0xEA0] =	vst v0  }
0xe7: {  	[tilespmem:$0xEB0] =	vst v0  }
0xe8: {  	[tilespmem:$0xEC0] =	vst v0  }
0xe9: {  	[tilespmem:$0xED0] =	vst v0  }
0xea: {  	[tilespmem:$0xEE0] =	vst v0  }
0xeb: {  	[tilespmem:$0xEF0] =	vst v0  }
0xec: {  	[tilespmem:$0xF00] =	vst v0  }
0xed: {  	[tilespmem:$0xF10] =	vst v0  }
0xee: {  	[tilespmem:$0xF20] =	vst v0  }
0xef: {  	[tilespmem:$0xF30] =	vst v0  }
0xf0: {  	[tilespmem:$0xF40] =	vst v0  }
0xf1: {  	[tilespmem:$0xF50] =	vst v0  }
0xf2: {  	[tilespmem:$0xF60] =	vst v0  }
0xf3: {  	[tilespmem:$0xF70] =	vst v0  }
0xf4: {  	[tilespmem:$0xF80] =	vst v0  }
0xf5: {  	[tilespmem:$0xF90] =	vst v0  }
0xf6: {  	[tilespmem:$0xFA0] =	vst v0  }
0xf7: {  	[tilespmem:$0xFB0] =	vst v0  }
0xf8: {  	[tilespmem:$0xFC0] =	vst v0  }
0xf9: {  	[tilespmem:$0xFD0] =	vst v0  }
0xfa: {  	[tilespmem:$0xFE0] =	vst v0  }
0xfb: {  	[tilespmem:$0xFF0] =	vst v0  }
0xfc: {  	[tilespmem:$0x1000] =	vst v0  }
0xfd: {  	[tilespmem:$0x1010] =	vst v0  }
0xfe: {  	[tilespmem:$0x1020] =	vst v0  }
0xff: {  	[tilespmem:$0x1030] =	vst v0  }
0x100: {  	[tilespmem:$0x1040] =	vst v0  }
0x101: {  	[tilespmem:$0x1050] =	vst v0  }
0x102: {  	[tilespmem:$0x1060] =	vst v0  }
0x103: {  	[tilespmem:$0x1070] =	vst v0  }
0x104: {  	[tilespmem:$0x1080] =	vst v0  }
0x105: {  	[tilespmem:$0x1090] =	vst v0  }
0x106: {  	[tilespmem:$0x10A0] =	vst v0  }
0x107: {  	[tilespmem:$0x10B0] =	vst v0  }
0x108: {  	[tilespmem:$0x10C0] =	vst v0  }
0x109: {  	[tilespmem:$0x10D0] =	vst v0  }
0x10a: {  	[tilespmem:$0x10E0] =	vst v0  }
0x10b: {  	[tilespmem:$0x10F0] =	vst v0  }
0x10c: {  	[tilespmem:$0x1100] =	vst v0  }
0x10d: {  	[tilespmem:$0x1110] =	vst v0  }
0x10e: {  	[tilespmem:$0x1120] =	vst v0  }
0x10f: {  	[tilespmem:$0x1130] =	vst v0  }
0x110: {  	[tilespmem:$0x1140] =	vst v0  }
0x111: {  	[tilespmem:$0x1150] =	vst v0  }
0x112: {  	[tilespmem:$0x1160] =	vst v0  }
0x113: {  	[tilespmem:$0x1170] =	vst v0  }
0x114: {  	[spmem:s5] =	stream.linear.scatter [tilespmem:s17], [sflag:$0x4], $0x1000, $0x38;
	[tilespmem:$0xE180] =	vst v63  }
0x115: {  	_ =	swait.ge [sflag:s18], $0x1000  }
0x116: {  	[sflag:s18] =	ssyncset.done $0x0  }
0x117: {  	[sflag:s18] =	ssyncadd.s32 $0xFFFFF000  }
0x118: {  	[spmem:s6] =	stream.linear.scatter [tilespmem:s17], [sflag:$0x4], $0x1000, $0x38;
	[tilespmem:$0xE180] =	vst v63  }
0x119: {  	_ =	swait.ge [sflag:s18], $0x1000  }
0x11a: {  	[sflag:s18] =	ssyncset.done $0x0  }
0x11b: {  	[sflag:s18] =	ssyncadd.s32 $0xFFFFF000  }
0x11c: {  	[tilespmem:$0x8180] =	vst v1  }
0x11d: {  	[tilespmem:$0x8200] =	vst v1  }
0x11e: {  	[tilespmem:$0x8280] =	vst v1  }
0x11f: {  	[tilespmem:$0x8300] =	vst v1  }
0x120: {  	[tilespmem:$0x8380] =	vst v1  }
0x121: {  	[tilespmem:$0x8400] =	vst v1  }
0x122: {  	[tilespmem:$0x8480] =	vst v1  }
0x123: {  	[tilespmem:$0x8500] =	vst v1  }
0x124: {  	[tilespmem:$0x8580] =	vst v1  }
0x125: {  	[tilespmem:$0x8600] =	vst v1  }
0x126: {  	[tilespmem:$0x8680] =	vst v1  }
0x127: {  	[tilespmem:$0x8700] =	vst v1  }
0x128: {  	[tilespmem:$0x8780] =	vst v1  }
0x129: {  	[tilespmem:$0x8800] =	vst v1  }
0x12a: {  	[tilespmem:$0x8880] =	vst v1  }
0x12b: {  	[tilespmem:$0x8900] =	vst v1  }
0x12c: {  	[tilespmem:$0x8980] =	vst v1  }
0x12d: {  	[tilespmem:$0x8A00] =	vst v1  }
0x12e: {  	[tilespmem:$0x8A80] =	vst v1  }
0x12f: {  	[tilespmem:$0x8B00] =	vst v1  }
0x130: {  	[tilespmem:$0x8B80] =	vst v1  }
0x131: {  	[tilespmem:$0x8C00] =	vst v1  }
0x132: {  	[tilespmem:$0x8C80] =	vst v1  }
0x133: {  	[tilespmem:$0x8D00] =	vst v1  }
0x134: {  	[tilespmem:$0x8D80] =	vst v1  }
0x135: {  	[tilespmem:$0x8E00] =	vst v1  }
0x136: {  	[tilespmem:$0x8E80] =	vst v1  }
0x137: {  	[tilespmem:$0x8F00] =	vst v1  }
0x138: {  	[tilespmem:$0x8F80] =	vst v1  }
0x139: {  	[tilespmem:$0x9000] =	vst v1  }
0x13a: {  	[tilespmem:$0x9080] =	vst v1  }
0x13b: {  	[tilespmem:$0x9100] =	vst v1  }
0x13c: {  	[tilespmem:$0x9180] =	vst v1  }
0x13d: {  	[tilespmem:$0x9200] =	vst v1  }
0x13e: {  	[tilespmem:$0x9280] =	vst v1  }
0x13f: {  	[tilespmem:$0x9300] =	vst v1  }
0x140: {  	[tilespmem:$0x9380] =	vst v1  }
0x141: {  	[tilespmem:$0x9400] =	vst v1  }
0x142: {  	[tilespmem:$0x9480] =	vst v1  }
0x143: {  	[tilespmem:$0x9500] =	vst v1  }
0x144: {  	[tilespmem:$0x9580] =	vst v1  }
0x145: {  	[tilespmem:$0x9600] =	vst v1  }
0x146: {  	[tilespmem:$0x9680] =	vst v1  }
0x147: {  	[tilespmem:$0x9700] =	vst v1  }
0x148: {  	[tilespmem:$0x9780] =	vst v1  }
0x149: {  	[tilespmem:$0x9800] =	vst v1  }
0x14a: {  	[tilespmem:$0x9880] =	vst v1  }
0x14b: {  	[tilespmem:$0x9900] =	vst v1  }
0x14c: {  	[tilespmem:$0x9980] =	vst v1  }
0x14d: {  	[tilespmem:$0x9A00] =	vst v1  }
0x14e: {  	[tilespmem:$0x9A80] =	vst v1  }
0x14f: {  	[tilespmem:$0x9B00] =	vst v1  }
0x150: {  	[tilespmem:$0x9B80] =	vst v1  }
0x151: {  	[tilespmem:$0x9C00] =	vst v1  }
0x152: {  	[tilespmem:$0x9C80] =	vst v1  }
0x153: {  	[tilespmem:$0x9D00] =	vst v1  }
0x154: {  	[tilespmem:$0x9D80] =	vst v1  }
0x155: {  	[tilespmem:$0x9E00] =	vst v1  }
0x156: {  	[tilespmem:$0x9E80] =	vst v1  }
0x157: {  	[tilespmem:$0x9F00] =	vst v1  }
0x158: {  	[tilespmem:$0x9F80] =	vst v1  }
0x159: {  	[tilespmem:$0xA000] =	vst v1  }
0x15a: {  	[tilespmem:$0xA080] =	vst v1  }
0x15b: {  	[tilespmem:$0xA100] =	vst v1  }
0x15c: {  	[tilespmem:$0xA180] =	vst v1  }
0x15d: {  	[tilespmem:$0xA200] =	vst v1  }
0x15e: {  	[tilespmem:$0xA280] =	vst v1  }
0x15f: {  	[tilespmem:$0xA300] =	vst v1  }
0x160: {  	[tilespmem:$0xA380] =	vst v1  }
0x161: {  	[tilespmem:$0xA400] =	vst v1  }
0x162: {  	[tilespmem:$0xA480] =	vst v1  }
0x163: {  	[tilespmem:$0xA500] =	vst v1  }
0x164: {  	[tilespmem:$0xA580] =	vst v1  }
0x165: {  	[tilespmem:$0xA600] =	vst v1  }
0x166: {  	[tilespmem:$0xA680] =	vst v1  }
0x167: {  	[tilespmem:$0xA700] =	vst v1  }
0x168: {  	[tilespmem:$0xA780] =	vst v1  }
0x169: {  	[tilespmem:$0xA800] =	vst v1  }
0x16a: {  	[tilespmem:$0xA880] =	vst v1  }
0x16b: {  	[tilespmem:$0xA900] =	vst v1  }
0x16c: {  	[tilespmem:$0xA980] =	vst v1  }
0x16d: {  	[tilespmem:$0xAA00] =	vst v1  }
0x16e: {  	[tilespmem:$0xAA80] =	vst v1  }
0x16f: {  	[tilespmem:$0xAB00] =	vst v1  }
0x170: {  	[tilespmem:$0xAB80] =	vst v1  }
0x171: {  	[tilespmem:$0xAC00] =	vst v1  }
0x172: {  	[tilespmem:$0xAC80] =	vst v1  }
0x173: {  	[tilespmem:$0xAD00] =	vst v1  }
0x174: {  	[tilespmem:$0xAD80] =	vst v1  }
0x175: {  	[tilespmem:$0xAE00] =	vst v1  }
0x176: {  	[tilespmem:$0xAE80] =	vst v1  }
0x177: {  	[tilespmem:$0xAF00] =	vst v1  }
0x178: {  	[tilespmem:$0xAF80] =	vst v1  }
0x179: {  	[tilespmem:$0xB000] =	vst v1  }
0x17a: {  	[tilespmem:$0xB080] =	vst v1  }
0x17b: {  	[tilespmem:$0xB100] =	vst v1  }
0x17c: {  	[tilespmem:$0xB180] =	vst v1  }
0x17d: {  	[tilespmem:$0xB200] =	vst v1  }
0x17e: {  	[tilespmem:$0xB280] =	vst v1  }
0x17f: {  	[tilespmem:$0xB300] =	vst v1  }
0x180: {  	[tilespmem:$0xB380] =	vst v1  }
0x181: {  	[tilespmem:$0xB400] =	vst v1  }
0x182: {  	[tilespmem:$0xB480] =	vst v1  }
0x183: {  	[tilespmem:$0xB500] =	vst v1  }
0x184: {  	[tilespmem:$0xB580] =	vst v1  }
0x185: {  	[tilespmem:$0xB600] =	vst v1  }
0x186: {  	[tilespmem:$0xB680] =	vst v1  }
0x187: {  	[tilespmem:$0xB700] =	vst v1  }
0x188: {  	[tilespmem:$0xB780] =	vst v1  }
0x189: {  	[tilespmem:$0xB800] =	vst v1  }
0x18a: {  	[tilespmem:$0xB880] =	vst v1  }
0x18b: {  	[tilespmem:$0xB900] =	vst v1  }
0x18c: {  	[tilespmem:$0xB980] =	vst v1  }
0x18d: {  	[tilespmem:$0xBA00] =	vst v1  }
0x18e: {  	[tilespmem:$0xBA80] =	vst v1  }
0x18f: {  	[tilespmem:$0xBB00] =	vst v1  }
0x190: {  	[tilespmem:$0xBB80] =	vst v1  }
0x191: {  	[tilespmem:$0xBC00] =	vst v1  }
0x192: {  	[tilespmem:$0xBC80] =	vst v1  }
0x193: {  	[tilespmem:$0xBD00] =	vst v1  }
0x194: {  	[tilespmem:$0xBD80] =	vst v1  }
0x195: {  	[tilespmem:$0xBE00] =	vst v1  }
0x196: {  	[tilespmem:$0xBE80] =	vst v1  }
0x197: {  	[tilespmem:$0xBF00] =	vst v1  }
0x198: {  	[tilespmem:$0xBF80] =	vst v1  }
0x199: {  	[tilespmem:$0xC000] =	vst v1  }
0x19a: {  	[tilespmem:$0xC080] =	vst v1  }
0x19b: {  	s20 =	sadd.s32 $0x0, s16;
	[tilespmem:$0xC100] =	vst v1  }
0x19c: {  	p2 =	sgt.u32 s20, $0x30C;
	[bflag:$0x0] =	sbarrier.arrive $0xFFFF  }
0x19d: {  	[tilespmem:s4], [sflag:$0x1] =	stream.linear.gather [hbm4b:s7+s4], $0x80, $0x38;
	[tilespmem:$0xE180] =	vst v63  }
0x19e: {  	s21 =	simm.s32 @!p2 $0x1  }
0x19f: {  	[tilespmem:s17], [sflag:$0x1] =	stream.linear.gather [hbm4b:s8+s4], $0x4000, $0x38;
	[tilespmem:$0xE180] =	vst v63  }
0x1a0: {  	_ =	swait.ge @!p2 [sflag:s21], $0x80  }
0x1a1: {  	[sflag:s21] =	ssyncset.done @!p2 $0x0  }
0x1a2: {  	s22 =	sadd.s32 $0x1, s20;
	[sflag:s21] =	ssyncadd.s32 @!p2 $0xFFFFFF80  }
0x1a3: {  	p1 =	sgt.u32 s22, $0x30C;
	_ =	swait.ge @!p2 [sflag:s21], $0x4000  }
0x1a4: {  	s22 =	simm.s32 @!p1 $0x0;
	[sflag:s21] =	ssyncset.done @!p2 $0x0  }
0x1a5: {  	s23 =	simm.s32 @!p1 $0x80;
	[sflag:s21] =	ssyncadd.s32 @!p2 $0xFFFFC000;
	s21 =	sadd.s32 @!p1 $0xFFFFFFF0, s14  }
0x1a6: {  	[tilespmem:s23], [sflag:$0x2] =	stream.linear.gather @!p1 [hbm4b:s21+s22], $0x80, $0x38;
	[tilespmem:$0xE180] =	vst v63  }
0x1a7: {  	s24 =	simm.s32 @!p1 $0x4180;
	s21 =	sadd.s32 @!p1 $0xFFFFF800, s15  }
0x1a8: {  	[tilespmem:s24], [sflag:$0x2] =	stream.linear.gather @!p1 [hbm4b:s21+s22], $0x4000, $0x38;
	[tilespmem:$0xE180] =	vst v63  }
0x1a9: {  	s25 =	simm.s32 @!p2 $0x180;
	s21 =	simm.s32 @!p2 $0x80;
	s22 =	simm.s32 @!p2 $0x0  }
0x1aa: {  	[spmem:s1] =	stream.indirect.scatter.add.f32 @!p2 [tilespmem:s25], [sflag:$0x3], $0x80, s22, s21, $0xb8;
	[tilespmem:$0xE180] =	vst v63  }
0x1ab: {  	s26 =	simm.s32 @!p2 $0x3;
	s25 =	simm.s32 @!p2 $0x8180  }
0x1ac: {  	[spmem:s2] =	stream.indirect.scatter.add.f32 @!p2 [tilespmem:s25], [sflag:$0x3], $0x80, s22, s21, $0xb8;
	[tilespmem:$0xE180] =	vst v63  }
0x1ad: {  	_ =	swait.ge @!p2 [sflag:s26], $0x4000  }
0x1ae: {  	[sflag:s26] =	ssyncset.done @!p2 $0x0  }
0x1af: {  	[sflag:s26] =	ssyncadd.s32 @!p2 $0xFFFFC000  }
0x1b0: {  	_ =	swait.ge @!p2 [sflag:s26], $0x4000  }
0x1b1: {  	[sflag:s26] =	ssyncset.done @!p2 $0x0  }
0x1b2: {  	s21 =	simm.s32 @!p1 $0x2;
	[sflag:s26] =	ssyncadd.s32 @!p2 $0xFFFFC000  }
0x1b3: {  	_ =	swait.ge @!p1 [sflag:s21], $0x80  }
0x1b4: {  	[sflag:s21] =	ssyncset.done @!p1 $0x0  }
0x1b5: {  	[sflag:s21] =	ssyncadd.s32 @!p1 $0xFFFFFF80  }
0x1b6: {  	s20 =	sadd.s32 $0x2, s20;
	_ =	swait.ge @!p1 [sflag:s21], $0x4000  }
0x1b7: {  	p2 =	sgt.u32 s20, $0x30C;
	[sflag:s21] =	ssyncset.done @!p1 $0x0  }
0x1b8: {  	s20 =	simm.s32 @!p2 $0x0;
	[sflag:s21] =	ssyncadd.s32 @!p1 $0xFFFFC000  }
0x1b9: {  	[tilespmem:s20], [sflag:$0x1] =	stream.linear.gather @!p2 [hbm4b:s14+s20], $0x80, $0x38;
	[tilespmem:$0xE180] =	vst v63  }
0x1ba: {  	s21 =	simm.s32 @!p2 $0x180  }
0x1bb: {  	[tilespmem:s21], [sflag:$0x1] =	stream.linear.gather @!p2 [hbm4b:s15+s20], $0x4000, $0x38;
	[tilespmem:$0xE180] =	vst v63  }
0x1bc: {  	_ = 	snop  }
0x1bd: {  	[spmem:s1] =	stream.indirect.scatter.add.f32 @!p1 [tilespmem:s24], [sflag:$0x3], $0x80, s23, s23, $0xb8;
	[tilespmem:$0xE180] =	vst v63  }
0x1be: {  	s25 =	simm.s32 @!p1 $0x3;
	s20 =	simm.s32 @!p1 $0x8180  }
0x1bf: {  	[spmem:s2] =	stream.indirect.scatter.add.f32 @!p1 [tilespmem:s20], [sflag:$0x3], $0x80, s23, s23, $0xb8;
	[tilespmem:$0xE180] =	vst v63  }
0x1c0: {  	_ =	swait.ge @!p1 [sflag:s25], $0x4000  }
0x1c1: {  	[sflag:s25] =	ssyncset.done @!p1 $0x0  }
0x1c2: {  	s22 =	sadd.s32 $0x2, s16;
	s21 =	sadd.s32 $0x20, s14;
	[sflag:s25] =	ssyncadd.s32 @!p1 $0xFFFFC000  }
0x1c3: {  	s23 =	simm.s32 $0x4;
	s20 =	sadd.s32 $0x1000, s15;
	_ =	swait.ge @!p1 [sflag:s25], $0x4000  }
.LBB2_2:
0x1c4: {  	p3 =	sgt.u32 s22, $0x30C  }
0x1c5: {  	[sflag:s25] =	ssyncset.done @!p1 $0x0;
	s24 =	smov.u32 s23;
	s23 =	sadd.s32 $0x2, s23  }
0x1c6: {  	p2 =	sne.s32 s23, $0x18;
	s26 =	simm.s32 @!p3 $0x1;
	[sflag:s25] =	ssyncadd.s32 @!p1 $0xFFFFC000  }
0x1c7: {  	_ =	swait.ge @!p3 [sflag:s26], $0x80  }
0x1c8: {  	[sflag:s26] =	ssyncset.done @!p3 $0x0  }
0x1c9: {  	[sflag:s26] =	ssyncadd.s32 @!p3 $0xFFFFFF80  }
0x1ca: {  	s25 =	sadd.s32 $0x1, s22;
	_ =	swait.ge @!p3 [sflag:s26], $0x4000  }
0x1cb: {  	p1 =	sgt.u32 s25, $0x30C;
	[sflag:s26] =	ssyncset.done @!p3 $0x0  }
0x1cc: {  	s25 =	sadd.s32 @!p1 $0xFFFFFFF0, s21;
	[sflag:s26] =	ssyncadd.s32 @!p3 $0xFFFFC000;
	s26 =	simm.s32 @!p1 $0x0  }
0x1cd: {  	s28 =	simm.s32 @!p1 $0x80;
	s29 =	sadd.s32 @!p1 $0xFFFFF800, s20;
	s30 =	simm.s32 @!p1 $0x4180  }
0x1ce: {  	[tilespmem:s28], [sflag:$0x2] =	stream.linear.gather @!p1 [hbm4b:s25+s26], $0x80, $0x38;
	[tilespmem:$0xE180] =	vst v63  }
0x1cf: {  	s31 =	simm.s32 @!p3 $0x0;
	s0 =	simm.s32 @!p3 $0x180;
	s25 =	simm.s32 @!p3 $0x80  }
0x1d0: {  	[tilespmem:s30], [sflag:$0x2] =	stream.linear.gather @!p1 [hbm4b:s29+s26], $0x4000, $0x38;
	[tilespmem:$0xE180] =	vst v63  }
0x1d1: {  	s26 =	simm.s32 @!p3 $0x8180  }
0x1d2: {  	[spmem:s1] =	stream.indirect.scatter.add.f32 @!p3 [tilespmem:s0], [sflag:$0x3], $0x80, s31, s25, $0xb8;
	[tilespmem:$0xE180] =	vst v63  }
0x1d3: {  	s0 =	simm.s32 @!p3 $0x3  }
0x1d4: {  	[spmem:s2] =	stream.indirect.scatter.add.f32 @!p3 [tilespmem:s26], [sflag:$0x3], $0x80, s31, s25, $0xb8;
	[tilespmem:$0xE180] =	vst v63  }
0x1d5: {  	_ =	swait.ge @!p3 [sflag:s0], $0x4000  }
0x1d6: {  	[sflag:s0] =	ssyncset.done @!p3 $0x0  }
0x1d7: {  	[sflag:s0] =	ssyncadd.s32 @!p3 $0xFFFFC000  }
0x1d8: {  	_ =	swait.ge @!p3 [sflag:s0], $0x4000  }
0x1d9: {  	s25 =	simm.s32 @!p1 $0x2;
	[sflag:s0] =	ssyncset.done @!p3 $0x0  }
0x1da: {  	[sflag:s0] =	ssyncadd.s32 @!p3 $0xFFFFC000  }
0x1db: {  	_ =	swait.ge @!p1 [sflag:s25], $0x80  }
0x1dc: {  	[sflag:s25] =	ssyncset.done @!p1 $0x0  }
0x1dd: {  	s0 =	sadd.s32 $0x2, s22;
	[sflag:s25] =	ssyncadd.s32 @!p1 $0xFFFFFF80  }
0x1de: {  	p3 =	sgt.u32 s0, $0x30C;
	_ =	swait.ge @!p1 [sflag:s25], $0x4000  }
0x1df: {  	s0 =	simm.s32 @!p3 $0x0;
	[sflag:s25] =	ssyncset.done @!p1 $0x0  }
0x1e0: {  	s22 =	simm.s32 @!p3 $0x180;
	[sflag:s25] =	ssyncadd.s32 @!p1 $0xFFFFC000  }
0x1e1: {  	[tilespmem:s0], [sflag:$0x1] =	stream.linear.gather @!p3 [hbm4b:s21+s0], $0x80, $0x38;
	[tilespmem:$0xE180] =	vst v63  }
0x1e2: {  	_ = 	snop  }
0x1e3: {  	[tilespmem:s22], [sflag:$0x1] =	stream.linear.gather @!p3 [hbm4b:s20+s0], $0x4000, $0x38;
	[tilespmem:$0xE180] =	vst v63  }
0x1e4: {  	s0 =	simm.s32 @!p1 $0x8180  }
0x1e5: {  	[spmem:s1] =	stream.indirect.scatter.add.f32 @!p1 [tilespmem:s30], [sflag:$0x3], $0x80, s28, s28, $0xb8;
	[tilespmem:$0xE180] =	vst v63  }
0x1e6: {  	s25 =	simm.s32 @!p1 $0x3  }
0x1e7: {  	[spmem:s2] =	stream.indirect.scatter.add.f32 @!p1 [tilespmem:s0], [sflag:$0x3], $0x80, s28, s28, $0xb8;
	[tilespmem:$0xE180] =	vst v63  }
.Ltmp0:
0x1e8: {  	_ = 	snop;
	(pc) =	sbr.rel @p2 .LBB2_2-.Ltmp0, $4  }
0x1e9: {  	_ =	swait.ge @!p1 [sflag:s25], $0x4000  }
0x1ea: {  	[sflag:s25] =	ssyncset.done @!p1 $0x0  }
0x1eb: {  	s20 =	sadd.s32 $0x1000, s20;
	[sflag:s25] =	ssyncadd.s32 @!p1 $0xFFFFC000  }
0x1ec: {  	s21 =	sadd.s32 $0x20, s21;
	s22 =	sadd.s32 s24, s16;
	_ =	swait.ge @!p1 [sflag:s25], $0x4000  }
0x1ed: {  	p2 =	sgt.u32 s22, $0x30C;
	[sflag:s25] =	ssyncset.done @!p1 $0x0  }
0x1ee: {  	s0 =	simm.s32 @!p2 $0x1;
	[sflag:s25] =	ssyncadd.s32 @!p1 $0xFFFFC000  }
0x1ef: {  	_ =	swait.ge @!p2 [sflag:s0], $0x80  }
0x1f0: {  	[sflag:s0] =	ssyncset.done @!p2 $0x0  }
0x1f1: {  	s23 =	sadd.s32 $0x1, s22;
	[sflag:s0] =	ssyncadd.s32 @!p2 $0xFFFFFF80  }
0x1f2: {  	p1 =	sgt.u32 s23, $0x30C;
	_ =	swait.ge @!p2 [sflag:s0], $0x4000  }
0x1f3: {  	s23 =	simm.s32 @!p1 $0x0;
	[sflag:s0] =	ssyncset.done @!p2 $0x0  }
0x1f4: {  	s24 =	simm.s32 @!p1 $0x80;
	[sflag:s0] =	ssyncadd.s32 @!p2 $0xFFFFC000;
	s0 =	sadd.s32 @!p1 $0xFFFFFFF0, s21  }
0x1f5: {  	[tilespmem:s24], [sflag:$0x2] =	stream.linear.gather @!p1 [hbm4b:s0+s23], $0x80, $0x38;
	[tilespmem:$0xE180] =	vst v63  }
0x1f6: {  	s25 =	simm.s32 @!p1 $0x4180;
	s0 =	sadd.s32 @!p1 $0xFFFFF800, s20  }
0x1f7: {  	[tilespmem:s25], [sflag:$0x2] =	stream.linear.gather @!p1 [hbm4b:s0+s23], $0x4000, $0x38;
	[tilespmem:$0xE180] =	vst v63  }
0x1f8: {  	s26 =	simm.s32 @!p2 $0x180;
	s0 =	simm.s32 @!p2 $0x80;
	s23 =	simm.s32 @!p2 $0x0  }
0x1f9: {  	[spmem:s1] =	stream.indirect.scatter.add.f32 @!p2 [tilespmem:s26], [sflag:$0x3], $0x80, s23, s0, $0xb8;
	[tilespmem:$0xE180] =	vst v63  }
0x1fa: {  	s28 =	simm.s32 @!p2 $0x3;
	s26 =	simm.s32 @!p2 $0x8180  }
0x1fb: {  	[spmem:s2] =	stream.indirect.scatter.add.f32 @!p2 [tilespmem:s26], [sflag:$0x3], $0x80, s23, s0, $0xb8;
	[tilespmem:$0xE180] =	vst v63  }
0x1fc: {  	_ =	swait.ge @!p2 [sflag:s28], $0x4000  }
0x1fd: {  	[sflag:s28] =	ssyncset.done @!p2 $0x0  }
0x1fe: {  	[sflag:s28] =	ssyncadd.s32 @!p2 $0xFFFFC000  }
0x1ff: {  	_ =	swait.ge @!p2 [sflag:s28], $0x4000  }
0x200: {  	[sflag:s28] =	ssyncset.done @!p2 $0x0  }
0x201: {  	s0 =	simm.s32 @!p1 $0x2;
	[sflag:s28] =	ssyncadd.s32 @!p2 $0xFFFFC000  }
0x202: {  	_ =	swait.ge @!p1 [sflag:s0], $0x80  }
0x203: {  	[sflag:s0] =	ssyncset.done @!p1 $0x0  }
0x204: {  	[sflag:s0] =	ssyncadd.s32 @!p1 $0xFFFFFF80  }
0x205: {  	s28 =	sadd.s32 $0x2, s22;
	_ =	swait.ge @!p1 [sflag:s0], $0x4000  }
0x206: {  	p2 =	sgt.u32 s28, $0x30C;
	[sflag:s0] =	ssyncset.done @!p1 $0x0  }
0x207: {  	s22 =	simm.s32 @!p2 $0x0;
	[sflag:s0] =	ssyncadd.s32 @!p1 $0xFFFFC000  }
0x208: {  	[tilespmem:s22], [sflag:$0x1] =	stream.linear.gather @!p2 [hbm4b:s21+s22], $0x80, $0x38;
	[tilespmem:$0xE180] =	vst v63  }
0x209: {  	s0 =	simm.s32 @!p2 $0x180  }
0x20a: {  	[tilespmem:s0], [sflag:$0x1] =	stream.linear.gather @!p2 [hbm4b:s20+s22], $0x4000, $0x38;
	[tilespmem:$0xE180] =	vst v63  }
0x20b: {  	_ = 	snop  }
0x20c: {  	[spmem:s1] =	stream.indirect.scatter.add.f32 @!p1 [tilespmem:s25], [sflag:$0x3], $0x80, s24, s24, $0xb8;
	[tilespmem:$0xE180] =	vst v63  }
0x20d: {  	s0 =	simm.s32 @!p1 $0x8180;
	s20 =	simm.s32 @!p1 $0x3  }
0x20e: {  	[spmem:s2] =	stream.indirect.scatter.add.f32 @!p1 [tilespmem:s0], [sflag:$0x3], $0x80, s24, s24, $0xb8;
	[tilespmem:$0xE180] =	vst v63  }
0x20f: {  	_ =	swait.ge @!p1 [sflag:s20], $0x4000  }
0x210: {  	[sflag:s20] =	ssyncset.done @!p1 $0x0  }
0x211: {  	[sflag:s20] =	ssyncadd.s32 @!p1 $0xFFFFC000  }
0x212: {  	_ =	swait.ge @!p1 [sflag:s20], $0x4000  }
0x213: {  	s21 =	simm.s32 @p0 $0x4;
	[sflag:s20] =	ssyncset.done @!p1 $0x0  }
0x214: {  	s0 =	simm.s32 @p0 $0x0;
	[sflag:s20] =	ssyncadd.s32 @!p1 $0xFFFFC000;
	s20 =	simm.s32 @p0 $0x100  }
0x215: {  	[tilespmem:s20], [sflag:$0x4] =	stream.linear.gather @p0 [hbm4b:s9+s0], $0x20, $0x38;
	[tilespmem:$0xE180] =	vst v63  }
0x216: {  	_ =	swait.ge @p0 [sflag:s21], $0x20  }
0x217: {  	[sflag:s21] =	ssyncset.done @p0 $0x0  }
0x218: {  	s22 =	simm.s32 @p0 $0x180;
	[sflag:s21] =	ssyncadd.s32 @p0 $0xFFFFFFE0  }
0x219: {  	[tilespmem:s22], [sflag:$0x4] =	stream.linear.gather @p0 [hbm4b:s10+s0], $0x1000, $0x38;
	[tilespmem:$0xE180] =	vst v63  }
0x21a: {  	_ =	swait.ge @p0 [sflag:s21], $0x1000  }
0x21b: {  	[sflag:s21] =	ssyncset.done @p0 $0x0  }
0x21c: {  	s0 =	simm.s32 @p0 $0x20;
	[sflag:s21] =	ssyncadd.s32 @p0 $0xFFFFF000  }
0x21d: {  	[spmem:s1] =	stream.indirect.scatter.add.f32 @p0 [tilespmem:s22], [sflag:$0x4], $0x80, s20, s0, $0xb8;
	[tilespmem:$0xE180] =	vst v63  }
0x21e: {  	_ =	swait.ge @p0 [sflag:s21], $0x1000  }
0x21f: {  	[sflag:s21] =	ssyncset.done @p0 $0x0  }
0x220: {  	s22 =	simm.s32 @p0 $0x8180;
	[sflag:s21] =	ssyncadd.s32 @p0 $0xFFFFF000  }
0x221: {  	[spmem:s2] =	stream.indirect.scatter.add.f32 @p0 [tilespmem:s22], [sflag:$0x4], $0x80, s20, s0, $0xb8;
	[tilespmem:$0xE180] =	vst v63  }
0x222: {  	_ =	swait.ge @p0 [sflag:s21], $0x1000  }
0x223: {  	[sflag:s21] =	ssyncset.done @p0 $0x0  }
0x224: {  	s0 =	simm.s32 @!p0 $0x1;
	[sflag:s21] =	ssyncadd.s32 @p0 $0xFFFFF000  }
0x225: {  	_ =	swait.ge @!p0 [sflag:s0], $0x80  }
0x226: {  	[sflag:s0] =	ssyncset.done @!p0 $0x0  }
0x227: {  	[sflag:s0] =	ssyncadd.s32 @!p0 $0xFFFFFF80  }
0x228: {  	_ =	swait.ge @!p0 [sflag:s0], $0x4000  }
0x229: {  	s20 =	simm.s32 @!p0 $0x0;
	[sflag:s0] =	ssyncset.done @!p0 $0x0  }
0x22a: {  	s21 =	simm.s32 @!p0 $0x180;
	[sflag:s0] =	ssyncadd.s32 @!p0 $0xFFFFC000;
	s0 =	simm.s32 @!p0 $0x80  }
0x22b: {  	[spmem:s1] =	stream.indirect.scatter.add.f32 @!p0 [tilespmem:s21], [sflag:$0x3], $0x80, s20, s0, $0xb8;
	[tilespmem:$0xE180] =	vst v63  }
0x22c: {  	s21 =	simm.s32 @!p0 $0x8180  }
0x22d: {  	[spmem:s2] =	stream.indirect.scatter.add.f32 @!p0 [tilespmem:s21], [sflag:$0x3], $0x80, s20, s0, $0xb8;
	[tilespmem:$0xE180] =	vst v63  }
0x22e: {  	s0 =	simm.s32 @!p0 $0x3  }
0x22f: {  	_ =	swait.ge @!p0 [sflag:s0], $0x4000  }
0x230: {  	[sflag:s0] =	ssyncset.done @!p0 $0x0  }
0x231: {  	[sflag:s0] =	ssyncadd.s32 @!p0 $0xFFFFC000  }
0x232: {  	_ =	swait.ge @!p0 [sflag:s0], $0x4000  }
0x233: {  	[sflag:s0] =	ssyncset.done @!p0 $0x0  }
0x234: {  	s29 =	sshll.u32 s3, $0x6;
	[sflag:s0] =	ssyncadd.s32 @!p0 $0xFFFFC000  }
0x235: {  	s30 =	sshrl.u32 s5, $0x3;
	s0 =	sor.u32 $0x1C04, s29;
	[bflag:$0x0] =	sbarrier.arrive $0xFFFF  }
0x236: {  	[hbm:s11], [sflag:s0] =	dma.local [spmem:s30], $0x200  }
0x237: {  	s19 =	sadd.s32 $0x1, s19;
	_ =	swait.ge [sflag:s18], $0x200  }
0x238: {  	p1 =	sne.s32 s19, s13;
	[sflag:s18] =	ssyncset.done $0x0  }
.Ltmp1:
0x239: {  	s31 =	sshrl.u32 s6, $0x3;
	[sflag:s18] =	ssyncadd.s32 $0xFFFFFE00;
	(pc) =	sbr.rel @p1 .LBB2_1-.Ltmp1, $4  }
0x23a: {  	[hbm:s12], [sflag:s0] =	dma.local [spmem:s31], $0x200  }
0x23b: {  	_ =	swait.ge [sflag:s18], $0x200  }
0x23c: {  	[sflag:s18] =	ssyncset.done $0x0  }
0x23d: {  	[sflag:s18] =	ssyncadd.s32 $0xFFFFFE00  }
0x23e: {  	_ =	sfence.sel $0x180000  }
0x23f: {  	[bflag:$0x0] =	sbarrier.arrive $0xFFFF  }
0x240: {  	_ =	strace $0x90000047  }
0x241: {  	[bflag:$0x2] =	sbarrier.arrive $0xFFFF  }
0x242: {  	p0 =	sne.s32 s3, $0x0;
	s0 =	rddreg [dreg:$0x5]  }
0x243: {  	s0 =	sadd.s32 @!p0 $0x100000, s0  }
0x244: {  	[sflag:s0] =	ssyncadd.tile.s32 @!p0 $0x1;
	_ =	shalt  }
.Lfunc_end2:
_tile_overlayer_lowered:
.L_overlay_start_2:
0x245: {  	(tag) =	ssettag $0x2  }
0x246: {  	s0 =	rddreg [dreg:$0x0];
	s2 =	stileid.u32  }
0x247: {  	s1 =	rddreg [dreg:$0x1];
	p0 =	sne.s32 s2, $0x0  }
0x248: {  	s3 =	rddreg [dreg:$0x2];
	[bflag:$0x3] =	sbarrier.arrive $0xFFFF;
	s2 =	simm.s32 @!p0 $0x1C04  }
0x249: {  	[timem:s3], [sflag:s2] =	dma.local @!p0 [hbm:s0], s1  }
0x24a: {  	s0 =	simm.s32 @!p0 $0x4  }
0x24b: {  	_ =	swait.ge @!p0 [sflag:s0], s1  }
0x24c: {  	s1 =	ssub.s32 @!p0 $0x0, s1;
	[sflag:s0] =	ssyncset.done @!p0 $0x0  }
0x24d: {  	[sflag:s0] =	ssyncadd.s32 @!p0 s1  }
0x24e: {  	[bflag:$0x3] =	sbarrier.arrive $0xFFFF  }
0x24f: {  	_ =	shalt  }

</sc_bundles>
